<compile_context>
chip_gen: v7x
topology: tpu7x:2x2x1
jax: 0.10.2.dev20260603
libtpu: 0.0.44.dev20260713+nightly
codegen_flags: <defaults>
</compile_context>

<pallas_src>
import dataclasses
import functools

import jax
import jax.numpy as jnp
from jax import lax
from jax.experimental import pallas as pl
from jax.experimental.pallas import tpu as pltpu
from jax.experimental.pallas import tpu_sc as plsc

N_NODES = 10000
N_EDGES = 320000
NPAD = 10240
TRASH = 10000
D = 128
BLK = 1280
_GRID = NPAD // BLK

_EB = 128
_NBLK = 80
_SB = 8
_NSB = _NBLK // _SB
_EPT = _NBLK * _EB
_EPAD = 32 * _EPT
_RPT = NPAD // 16
_DROWS = NPAD // 128



def _mm(a, w_ref):
    return lax.dot(a, w_ref[...], precision=lax.Precision.DEFAULT)


def _tc1_body(agg_ref, deg_ref, x_ref, wl_ref, wr_ref, b_ref, o_ref):
    agg = agg_ref[0] + agg_ref[1]
    deg = deg_ref[...]
    mean = agg / jnp.maximum(deg, 1.0)
    x = x_ref[...]
    h = jnp.maximum(_mm(mean, wl_ref) + _mm(x, wr_ref) + b_ref[...], 0.0)
    o_ref[...] = x + h


def _tc2_body(agg_ref, deg_ref, h1_ref, x_ref, wl_ref, wr_ref, b_ref,
              wres_ref, bres_ref, o_ref):
    agg = agg_ref[0] + agg_ref[1]
    deg = deg_ref[...]
    mean = agg / jnp.maximum(deg, 1.0)
    h1 = h1_ref[...]
    h2 = jnp.maximum(_mm(mean, wl_ref) + _mm(h1, wr_ref) + b_ref[...], 0.0)
    h2 = h2 + _mm(x_ref[...], wres_ref) + bres_ref[...]
    dinv = lax.rsqrt(deg_ref[...] + 1.0)
    o_ref[...] = h2 * dinv


def _tc3_body(agg_ref, deg_ref, hn_ref, wcat_ref, bcat_ref, mu_ref, ls_ref):
    s = agg_ref[0] + agg_ref[1] + hn_ref[...]
    dinv = lax.rsqrt(deg_ref[...] + 1.0)
    out = _mm(s * dinv, wcat_ref) + bcat_ref[...]
    mu_ref[...] = out[:, :64]
    ls_ref[...] = out[:, 64:]


def _deg_reduce_body(degp_ref, o_ref):
    o_ref[...] = jnp.sum(degp_ref[...], axis=0)


def _row_spec(width):
    return pl.BlockSpec((BLK, width), lambda i: (i, 0))


def _pair_spec(width):
    return pl.BlockSpec((2, BLK, width), lambda i: (0, i, 0))


def _full_spec(shape):
    return pl.BlockSpec(shape, lambda i: tuple(0 for _ in shape))


def _tc1(aggp, deg, x, wl, wr, b):
    return pl.pallas_call(
        _tc1_body,
        grid=(_GRID,),
        in_specs=[_pair_spec(D), _row_spec(1), _row_spec(D),
                  _full_spec((D, D)), _full_spec((D, D)), _full_spec((1, D))],
        out_specs=_row_spec(D),
        out_shape=jax.ShapeDtypeStruct((N_NODES, D), jnp.float32),
    )(aggp, deg, x, wl, wr, b)


def _tc2(aggp, deg, h1, x, wl, wr, b, wres, bres):
    return pl.pallas_call(
        _tc2_body,
        grid=(_GRID,),
        in_specs=[_pair_spec(D), _row_spec(1), _row_spec(D), _row_spec(D),
                  _full_spec((D, D)), _full_spec((D, D)), _full_spec((1, D)),
                  _full_spec((D, D)), _full_spec((1, D))],
        out_specs=_row_spec(D),
        out_shape=jax.ShapeDtypeStruct((N_NODES, D), jnp.float32),
    )(aggp, deg, h1, x, wl, wr, b, wres, bres)


def _tc3(aggp, deg, hn, wcat, bcat):
    return pl.pallas_call(
        _tc3_body,
        grid=(_GRID,),
        in_specs=[_pair_spec(D), _row_spec(1), _row_spec(D),
                  _full_spec((D, D)), _full_spec((1, D))],
        out_specs=(_row_spec(64), _row_spec(64)),
        out_shape=(jax.ShapeDtypeStruct((N_NODES, 64), jnp.float32),
                   jax.ShapeDtypeStruct((N_NODES, 64), jnp.float32)),
    )(aggp, deg, hn, wcat, bcat)


def _deg_reduce(degp):
    return pl.pallas_call(
        _deg_reduce_body,
        grid=(1,),
        in_specs=[_full_spec((32, _DROWS, 128))],
        out_specs=_full_spec((_DROWS, 128)),
        out_shape=jax.ShapeDtypeStruct((_DROWS, 128), jnp.float32),
    )(degp)



_sc_mesh = plsc.VectorSubcoreMesh(core_axis_name="c", subcore_axis_name="s")

_IDXROWS = 32 * _NBLK + 2 * _SB


def _sc_pass_body(vals_hbm, srcb_hbm, dstb_hbm, zeros_hbm, out_hbm,
                  src0, src1, dst0, dst1, row_a, row_b, acc_sh,
                  sem_i0, sem_i1, sem_a, sem_b):
    c = lax.axis_index("c")
    s = lax.axis_index("s")
    base = (c * 16 + s) * _NBLK
    nsb = _NSB

    srcs = (src0, src1)
    dsts = (dst0, dst1)
    isems = (sem_i0, sem_i1)
    rows = (row_a, row_b)
    rsems = (sem_a, sem_b)

    def idx_copies(sb, p):
        rsl = pl.ds(base + sb * _SB, _SB)
        pltpu.async_copy(srcb_hbm.at[rsl], srcs[p], isems[p])
        pltpu.async_copy(dstb_hbm.at[rsl], dsts[p], isems[p])

    def idx_wait(sb, p):
        rsl = pl.ds(base + sb * _SB, _SB)
        pltpu.make_async_copy(srcb_hbm.at[rsl], srcs[p], isems[p]).wait()
        pltpu.make_async_copy(dstb_hbm.at[rsl], dsts[p], isems[p]).wait()

    def gather(p, b):
        pltpu.async_copy(vals_hbm.at[srcs[p].at[b]], rows[b % 2],
                         rsems[b % 2])

    def gather_wait(p, b):
        pltpu.make_async_copy(vals_hbm.at[srcs[p].at[b]], rows[b % 2],
                              rsems[b % 2]).wait()

    def scatter(p, b):
        pltpu.sync_copy(rows[b % 2], acc_sh.at[dsts[p].at[b]], add=True)

    def process_sb(k, p):
        for b in range(_SB):
            if b < _SB - 1:
                gather(p, b + 1)
            else:
                idx_wait(k + 1, 1 - p)
                gather(1 - p, 0)
            gather_wait(p, b)
            if b == _SB - 1:
                idx_copies(k + 2, p)
            scatter(p, b)

    idx_copies(0, 0)
    zrows = pl.ds(s * _RPT, _RPT)
    pltpu.sync_copy(zeros_hbm.at[zrows], acc_sh.at[zrows])
    plsc.subcore_barrier()

    idx_wait(0, 0)
    idx_copies(1, 1)
    gather(0, 0)

    @pl.loop(0, nsb, step=2)
    def _(j):
        process_sb(j, 0)
        process_sb(j + 1, 1)

    gather_wait(0, 0)
    idx_wait(nsb + 1, 1)

    plsc.subcore_barrier()
    pltpu.sync_copy(acc_sh.at[zrows], out_hbm.at[c, zrows])


_sc_pass = pl.kernel(
    _sc_pass_body,
    out_type=jax.ShapeDtypeStruct((2, NPAD, D), jnp.float32),
    mesh=_sc_mesh,
    scratch_types=[
        pltpu.VMEM((_SB, _EB), jnp.int32),
        pltpu.VMEM((_SB, _EB), jnp.int32),
        pltpu.VMEM((_SB, _EB), jnp.int32),
        pltpu.VMEM((_SB, _EB), jnp.int32),
        pltpu.VMEM((_EB, D), jnp.float32),
        pltpu.VMEM((_EB, D), jnp.float32),
        pltpu.VMEM_SHARED((NPAD, D), jnp.float32),
        pltpu.SemaphoreType.DMA,
        pltpu.SemaphoreType.DMA,
        pltpu.SemaphoreType.DMA,
        pltpu.SemaphoreType.DMA,
    ],
)



def _sc_deg_body(dstb_hbm, zeros_hbm, out_hbm, dst_c, deg_tile, sem):
    c = lax.axis_index("c")
    s = lax.axis_index("s")
    wid = c * 16 + s
    base = wid * _NBLK

    pltpu.sync_copy(zeros_hbm.at[pl.ds(0, _DROWS)], deg_tile)
    ones = jnp.ones((16,), jnp.float32)

    @pl.loop(0, _NSB)
    def _(sb):
        pltpu.sync_copy(dstb_hbm.at[pl.ds(base + sb * _SB, _SB)], dst_c)
        for b in range(_SB):
            for k in range(_EB // 16):
                idx = dst_c[b, pl.ds(k * 16, 16)]
                plsc.addupdate_scatter(
                    deg_tile,
                    [lax.shift_right_logical(idx, 7),
                     lax.bitwise_and(idx, 127)],
                    ones)

    pltpu.sync_copy(deg_tile, out_hbm.at[wid])


_sc_cp = pltpu.CompilerParams()
if "needs_layout_passes" in pltpu.CompilerParams.__dataclass_fields__:
    _sc_cp = dataclasses.replace(_sc_cp, needs_layout_passes=False)

_sc_deg = pl.kernel(
    _sc_deg_body,
    out_type=jax.ShapeDtypeStruct((32, _DROWS, 128), jnp.float32),
    mesh=_sc_mesh,
    compiler_params=_sc_cp,
    scratch_types=[
        pltpu.VMEM((_SB, _EB), jnp.int32),
        pltpu.VMEM((_DROWS, 128), jnp.float32),
        pltpu.SemaphoreType.DMA,
    ],
)



def kernel(x, edge_index, W_l1, W_r1, b1, W_l2, W_r2, b2, Wres, bres,
           Wmu, bmu, Wls, bls):
    src = edge_index[0]
    dst = edge_index[1]

    b1r = b1.reshape(1, D)
    b2r = b2.reshape(1, D)
    bresr = bres.reshape(1, D)
    wcat = jnp.concatenate([Wmu, Wls], axis=1)
    bcat = jnp.concatenate([bmu, bls]).reshape(1, D)

    pad_e = _EPAD - N_EDGES
    tail = _IDXROWS - 32 * _NBLK
    pad_ids = jnp.arange(pad_e, dtype=jnp.int32)
    pad_src = pad_ids % N_NODES
    pad_dst = pad_ids % (NPAD - N_NODES) + TRASH
    srcb = jnp.concatenate([src, pad_src]).reshape(32 * _NBLK, _EB)
    srcb = jnp.concatenate([srcb, jnp.zeros((tail, _EB), jnp.int32)])
    dstb = jnp.concatenate([dst, pad_dst]).reshape(32 * _NBLK, _EB)
    dstb = jnp.concatenate([dstb, jnp.full((tail, _EB), TRASH, jnp.int32)])
    zeros_big = jnp.zeros((NPAD, D), jnp.float32)

    degp = _sc_deg(dstb, zeros_big)
    deg_col = _deg_reduce(degp).reshape(NPAD, 1)

    agg1p = _sc_pass(x, srcb, dstb, zeros_big)
    h1 = _tc1(agg1p, deg_col, x, W_l1, W_r1, b1r)

    agg2p = _sc_pass(h1, srcb, dstb, zeros_big)
    hn = _tc2(agg2p, deg_col, h1, x, W_l2, W_r2, b2r, Wres, bresr)

    agg3p = _sc_pass(hn, srcb, dstb, zeros_big)
    mu, logstd = _tc3(agg3p, deg_col, hn, wcat, bcat)
    return (mu, logstd)

# --- scband reference (transcript-rebuilt; emitter-appended) ---
"""Pipeline reference for scband-variational-graoh-auto-encoder-61194694033656 (READ-ONLY COPY).

The authoritative reference and input builder live on the scoring server;
editing this copy changes nothing except your own understanding.
"""

import jax, jax.numpy as jnp
import numpy as np

N = 10000
E = 320000
D = 128
H = 128
OUT = 64


def sage_conv(x, src, dst, W_l, W_r, b, n_nodes):
    # PyG SAGEConv: out = lin_l(mean_agg(x_j)) + lin_r(x_i)
    msgs = x[src]
    agg = jax.ops.segment_sum(msgs, dst, num_segments=n_nodes)
    deg = jax.ops.segment_sum(jnp.ones((src.shape[0],), dtype=x.dtype), dst, num_segments=n_nodes)
    mean = agg / jnp.clip(deg, 1.0)[:, None]
    return mean @ W_l + x @ W_r + b


def gcn_conv(x, src, dst, W, b, n_nodes):
    # PyG GCNConv with added self-loops and symmetric normalization
    xw = x @ W
    loop = jnp.arange(n_nodes, dtype=src.dtype)
    src2 = jnp.concatenate([src, loop])
    dst2 = jnp.concatenate([dst, loop])
    deg = jax.ops.segment_sum(jnp.ones((src2.shape[0],), dtype=x.dtype), dst2, num_segments=n_nodes)
    dinv = jax.lax.rsqrt(jnp.clip(deg, 1.0))
    norm = dinv[src2] * dinv[dst2]
    out = jax.ops.segment_sum(xw[src2] * norm[:, None], dst2, num_segments=n_nodes)
    return out + b


def setup_inputs(seed: int = 0) -> dict:
    key = jax.random.key(seed)
    ks = jax.random.split(key, 16)
    x = jax.random.normal(ks[0], (N, D), dtype=jnp.float32)
    edge_index = jax.random.randint(ks[1], (2, E), 0, N, dtype=jnp.int32)
    s = 1.0 / np.sqrt(D)
    sh = 1.0 / np.sqrt(H)
    W_l1 = jax.random.normal(ks[2], (D, H), dtype=jnp.float32) * s
    W_r1 = jax.random.normal(ks[3], (D, H), dtype=jnp.float32) * s
    b1 = jnp.zeros((H,), dtype=jnp.float32)
    W_l2 = jax.random.normal(ks[4], (H, H), dtype=jnp.float32) * sh
    W_r2 = jax.random.normal(ks[5], (H, H), dtype=jnp.float32) * sh
    b2 = jnp.zeros((H,), dtype=jnp.float32)
    Wres = jax.random.normal(ks[6], (D, H), dtype=jnp.float32) * s
    bres = jnp.zeros((H,), dtype=jnp.float32)
    Wmu = jax.random.normal(ks[7], (H, OUT), dtype=jnp.float32) * sh
    bmu = jnp.zeros((OUT,), dtype=jnp.float32)
    Wls = jax.random.normal(ks[8], (H, OUT), dtype=jnp.float32) * sh
    bls = jnp.zeros((OUT,), dtype=jnp.float32)
    return {"x": x, "edge_index": edge_index, "W_l1": W_l1, "W_r1": W_r1, "b1": b1,
            "W_l2": W_l2, "W_r2": W_r2, "b2": b2, "Wres": Wres, "bres": bres,
            "Wmu": Wmu, "bmu": bmu, "Wls": Wls, "bls": bls}


def reference(x, edge_index, W_l1, W_r1, b1, W_l2, W_r2, b2, Wres, bres, Wmu, bmu, Wls, bls):
    src = edge_index[0]
    dst = edge_index[1]
    # conv1 + relu
    h = jax.nn.relu(sage_conv(x, src, dst, W_l1, W_r1, b1, N))
    # initial_residual: in_channels == hidden, so fit_tensor_size is identity -> x + h
    h = x + h
    # conv_list loop (one layer: hidden[0] -> hidden[1])
    h = jax.nn.relu(sage_conv(h, src, dst, W_l2, W_r2, b2, N))
    x_ = x @ Wres + bres
    h = h + x_
    mu = gcn_conv(h, src, dst, Wmu, bmu, N)
    logstd = gcn_conv(h, src, dst, Wls, bls, N)
    return (mu, logstd)

if __name__ == "__main__":
    import jax
    _d = setup_inputs()
    print(jax.jit(kernel)(*tuple(_d.values())))

</pallas_src>

<mosaic_0001>
#map = affine_map<(d0, d1) -> (0, 0)>
#map1 = affine_map<(d0, d1) -> (0, 0, 0)>
module attributes {stable_mosaic.version = 14 : i64} {
  func.func @_sc_deg_body(%arg0: i32, %arg1: i32, %arg2: memref<2576x128xi32, #tpu.memory_space<hbm>>, %arg3: memref<10240x128xf32, #tpu.memory_space<hbm>>, %arg4: memref<32x80x128xf32, #tpu.memory_space<hbm>>, %arg5: memref<8x128xi32, #tpu.memory_space<vmem>>, %arg6: memref<80x128xf32, #tpu.memory_space<vmem>>, %arg7: memref<!tpu.dma_semaphore, #tpu.memory_space<semaphore_mem>>) attributes {dimension_semantics = [#tpu.dimension_semantics<core_parallel>, #tpu.dimension_semantics<subcore_parallel>], iteration_bounds = array<i64: 2, 16>, scalar_prefetch = 0 : i64, scratch_operands = 3 : i64, tpu.core_type = #tpu.core_type<sc_vector_subcore>, window_params = [{transform_indices = #map}, {transform_indices = #map}, {transform_indices = #map1}]} {
    %mul3A = arith.constant 16 : i32
    %mul3A_0 = arith.muli %arg0, %mul3A : i32
    %add3A = arith.addi %mul3A_0, %arg1 : i32
    %mul3A_1 = arith.constant 80 : i32
    %mul3A_2 = arith.muli %add3A, %mul3A_1 : i32
    "tpu.region"() ({
      %run_scoped3A = tpu.sem_alloc : memref<!tpu.dma_semaphore, #tpu.memory_space<semaphore_mem>>
      %dma_start3A = arith.constant 0 : i32
      %dma_start3A_8 = arith.constant 0 : i32
      %dma_start3A_9 = tpu.memref_slice %arg3[%dma_start3A, %dma_start3A_8] : memref<10240x128xf32, #tpu.memory_space<hbm>> -> memref<80x128xf32, #tpu.memory_space<hbm>>
      %dma_start3A_10 = arith.constant 0 : i32
      %dma_start3A_11 = arith.constant 0 : i32
      %dma_start3A_12 = tpu.memref_slice %arg3[%dma_start3A_10, %dma_start3A_11] : memref<10240x128xf32, #tpu.memory_space<hbm>> -> memref<80x128xf32, #tpu.memory_space<hbm>>
      tpu.enqueue_dma source(%dma_start3A_12 : memref<80x128xf32, #tpu.memory_space<hbm>>) target(%arg6 : memref<80x128xf32, #tpu.memory_space<vmem>>) target_semaphore(%run_scoped3A : memref<!tpu.dma_semaphore, #tpu.memory_space<semaphore_mem>>)
      %dma_wait3A = arith.constant 0 : i32
      %dma_wait3A_13 = arith.constant 0 : i32
      %dma_wait3A_14 = tpu.memref_slice %arg3[%dma_wait3A, %dma_wait3A_13] : memref<10240x128xf32, #tpu.memory_space<hbm>> -> memref<80x128xf32, #tpu.memory_space<hbm>>
      %dma_wait3A_15 = arith.constant 0 : i32
      %dma_wait3A_16 = arith.constant 0 : i32
      %dma_wait3A_17 = tpu.memref_slice %arg3[%dma_wait3A_15, %dma_wait3A_16] : memref<10240x128xf32, #tpu.memory_space<hbm>> -> memref<80x128xf32, #tpu.memory_space<hbm>>
      tpu.wait_dma2 semaphore(%run_scoped3A : memref<!tpu.dma_semaphore, #tpu.memory_space<semaphore_mem>>) src(%dma_wait3A_17 : memref<80x128xf32, #tpu.memory_space<hbm>>) dst(%arg6 : memref<80x128xf32, #tpu.memory_space<vmem>>)
      tpu.yield
    }) : () -> ()
    %broadcast_in_dim3A = arith.constant 1.000000e+00 : f32
    %broadcast_in_dim3A_3 = vector.broadcast %broadcast_in_dim3A : f32 to vector<16xf32>
    %scan3A = arith.constant 0 : i32
    %scan3A_4 = arith.constant 10 : i32
    %scan3A_5 = arith.addi %scan3A, %scan3A_4 : i32
    %scan3A_6 = arith.constant 1 : i32
    scf.for %scan3A_8 = %scan3A to %scan3A_5 step %scan3A_6  : i32 {
      %mul3A_9 = arith.constant 1 : i32
      %mul3A_10 = arith.muli %scan3A_8, %mul3A_9 : i32
      %add3A_11 = arith.constant 0 : i32
      %add3A_12 = arith.addi %add3A_11, %mul3A_10 : i32
      %mul3A_13 = arith.constant 8 : i32
      %mul3A_14 = arith.muli %add3A_12, %mul3A_13 : i32
      %add3A_15 = arith.addi %mul3A_2, %mul3A_14 : i32
      "tpu.region"() ({
        %run_scoped3A = tpu.sem_alloc : memref<!tpu.dma_semaphore, #tpu.memory_space<semaphore_mem>>
        %dma_start3A = arith.constant 0 : i32
        %dma_start3A_653 = tpu.memref_slice %arg2[%add3A_15, %dma_start3A] : memref<2576x128xi32, #tpu.memory_space<hbm>> -> memref<8x128xi32, #tpu.memory_space<hbm>>
        %dma_start3A_654 = arith.constant 0 : i32
        %dma_start3A_655 = tpu.memref_slice %arg2[%add3A_15, %dma_start3A_654] : memref<2576x128xi32, #tpu.memory_space<hbm>> -> memref<8x128xi32, #tpu.memory_space<hbm>>
        tpu.enqueue_dma source(%dma_start3A_655 : memref<8x128xi32, #tpu.memory_space<hbm>>) target(%arg5 : memref<8x128xi32, #tpu.memory_space<vmem>>) target_semaphore(%run_scoped3A : memref<!tpu.dma_semaphore, #tpu.memory_space<semaphore_mem>>)
        %dma_wait3A = arith.constant 0 : i32
        %dma_wait3A_656 = tpu.memref_slice %arg2[%add3A_15, %dma_wait3A] : memref<2576x128xi32, #tpu.memory_space<hbm>> -> memref<8x128xi32, #tpu.memory_space<hbm>>
        %dma_wait3A_657 = arith.constant 0 : i32
        %dma_wait3A_658 = tpu.memref_slice %arg2[%add3A_15, %dma_wait3A_657] : memref<2576x128xi32, #tpu.memory_space<hbm>> -> memref<8x128xi32, #tpu.memory_space<hbm>>
        tpu.wait_dma2 semaphore(%run_scoped3A : memref<!tpu.dma_semaphore, #tpu.memory_space<semaphore_mem>>) src(%dma_wait3A_658 : memref<8x128xi32, #tpu.memory_space<hbm>>) dst(%arg5 : memref<8x128xi32, #tpu.memory_space<vmem>>)
        tpu.yield
      }) : () -> ()
      %get3A = arith.constant 0 : i32
      %get3A_16 = arith.index_cast %get3A : i32 to index
      %get3A_17 = arith.constant 0 : index
      %get3A_18 = tpu.vector_load %arg5[%get3A_16, %get3A_17] {strides = array<i32>} : memref<8x128xi32, #tpu.memory_space<vmem>>, vector<16xi32>,
      %shift_right_logical3A = arith.constant 7 : i32
      %shift_right_logical3A_19 = vector.broadcast %shift_right_logical3A : i32 to vector<16xi32>
      %shift_right_logical3A_20 = arith.shrui %get3A_18, %shift_right_logical3A_19 : vector<16xi32>
      %and3A = arith.constant 127 : i32
      %and3A_21 = vector.broadcast %and3A : i32 to vector<16xi32>
      %and3A_22 = arith.andi %get3A_18, %and3A_21 : vector<16xi32>
      tpu.vector_store_idx %arg6[%shift_right_logical3A_20, %and3A_22], %broadcast_in_dim3A_3 {add = true} : memref<80x128xf32, #tpu.memory_space<vmem>>[vector<16xi32>, vector<16xi32>], vector<16xf32>,
      %get3A_23 = arith.constant 0 : i32
      %get3A_24 = arith.index_cast %get3A_23 : i32 to index
      %get3A_25 = arith.constant 16 : index
      %get3A_26 = tpu.vector_load %arg5[%get3A_24, %get3A_25] {strides = array<i32>} : memref<8x128xi32, #tpu.memory_space<vmem>>, vector<16xi32>,
      %shift_right_logical3A_27 = arith.constant 7 : i32
      %shift_right_logical3A_28 = vector.broadcast %shift_right_logical3A_27 : i32 to vector<16xi32>
      %shift_right_logical3A_29 = arith.shrui %get3A_26, %shift_right_logical3A_28 : vector<16xi32>
      %and3A_30 = arith.constant 127 : i32
      %and3A_31 = vector.broadcast %and3A_30 : i32 to vector<16xi32>
      %and3A_32 = arith.andi %get3A_26, %and3A_31 : vector<16xi32>
      tpu.vector_store_idx %arg6[%shift_right_logical3A_29, %and3A_32], %broadcast_in_dim3A_3 {add = true} : memref<80x128xf32, #tpu.memory_space<vmem>>[vector<16xi32>, vector<16xi32>], vector<16xf32>,
      %get3A_33 = arith.constant 0 : i32
      %get3A_34 = arith.index_cast %get3A_33 : i32 to index
      %get3A_35 = arith.constant 32 : index
      %get3A_36 = tpu.vector_load %arg5[%get3A_34, %get3A_35] {strides = array<i32>} : memref<8x128xi32, #tpu.memory_space<vmem>>, vector<16xi32>,
      %shift_right_logical3A_37 = arith.constant 7 : i32
      %shift_right_logical3A_38 = vector.broadcast %shift_right_logical3A_37 : i32 to vector<16xi32>
      %shift_right_logical3A_39 = arith.shrui %get3A_36, %shift_right_logical3A_38 : vector<16xi32>
      %and3A_40 = arith.constant 127 : i32
      %and3A_41 = vector.broadcast %and3A_40 : i32 to vector<16xi32>
      %and3A_42 = arith.andi %get3A_36, %and3A_41 : vector<16xi32>
      tpu.vector_store_idx %arg6[%shift_right_logical3A_39, %and3A_42], %broadcast_in_dim3A_3 {add = true} : memref<80x128xf32, #tpu.memory_space<vmem>>[vector<16xi32>, vector<16xi32>], vector<16xf32>,
      %get3A_43 = arith.constant 0 : i32
      %get3A_44 = arith.index_cast %get3A_43 : i32 to index
      %get3A_45 = arith.constant 48 : index
      %get3A_46 = tpu.vector_load %arg5[%get3A_44, %get3A_45] {strides = array<i32>} : memref<8x128xi32, #tpu.memory_space<vmem>>, vector<16xi32>,
      %shift_right_logical3A_47 = arith.constant 7 : i32
      %shift_right_logical3A_48 = vector.broadcast %shift_right_logical3A_47 : i32 to vector<16xi32>
      %shift_right_logical3A_49 = arith.shrui %get3A_46, %shift_right_logical3A_48 : vector<16xi32>
      %and3A_50 = arith.constant 127 : i32
      %and3A_51 = vector.broadcast %and3A_50 : i32 to vector<16xi32>
      %and3A_52 = arith.andi %get3A_46, %and3A_51 : vector<16xi32>
      tpu.vector_store_idx %arg6[%shift_right_logical3A_49, %and3A_52], %broadcast_in_dim3A_3 {add = true} : memref<80x128xf32, #tpu.memory_space<vmem>>[vector<16xi32>, vector<16xi32>], vector<16xf32>,
      %get3A_53 = arith.constant 0 : i32
      %get3A_54 = arith.index_cast %get3A_53 : i32 to index
      %get3A_55 = arith.constant 64 : index
      %get3A_56 = tpu.vector_load %arg5[%get3A_54, %get3A_55] {strides = array<i32>} : memref<8x128xi32, #tpu.memory_space<vmem>>, vector<16xi32>,
      %shift_right_logical3A_57 = arith.constant 7 : i32
      %shift_right_logical3A_58 = vector.broadcast %shift_right_logical3A_57 : i32 to vector<16xi32>
      %shift_right_logical3A_59 = arith.shrui %get3A_56, %shift_right_logical3A_58 : vector<16xi32>
      %and3A_60 = arith.constant 127 : i32
      %and3A_61 = vector.broadcast %and3A_60 : i32 to vector<16xi32>
      %and3A_62 = arith.andi %get3A_56, %and3A_61 : vector<16xi32>
      tpu.vector_store_idx %arg6[%shift_right_logical3A_59, %and3A_62], %broadcast_in_dim3A_3 {add = true} : memref<80x128xf32, #tpu.memory_space<vmem>>[vector<16xi32>, vector<16xi32>], vector<16xf32>,
      %get3A_63 = arith.constant 0 : i32
      %get3A_64 = arith.index_cast %get3A_63 : i32 to index
      %get3A_65 = arith.constant 80 : index
      %get3A_66 = tpu.vector_load %arg5[%get3A_64, %get3A_65] {strides = array<i32>} : memref<8x128xi32, #tpu.memory_space<vmem>>, vector<16xi32>,
      %shift_right_logical3A_67 = arith.constant 7 : i32
      %shift_right_logical3A_68 = vector.broadcast %shift_right_logical3A_67 : i32 to vector<16xi32>
      %shift_right_logical3A_69 = arith.shrui %get3A_66, %shift_right_logical3A_68 : vector<16xi32>
      %and3A_70 = arith.constant 127 : i32
      %and3A_71 = vector.broadcast %and3A_70 : i32 to vector<16xi32>
      %and3A_72 = arith.andi %get3A_66, %and3A_71 : vector<16xi32>
      tpu.vector_store_idx %arg6[%shift_right_logical3A_69, %and3A_72], %broadcast_in_dim3A_3 {add = true} : memref<80x128xf32, #tpu.memory_space<vmem>>[vector<16xi32>, vector<16xi32>], vector<16xf32>,
      %get3A_73 = arith.constant 0 : i32
      %get3A_74 = arith.index_cast %get3A_73 : i32 to index
      %get3A_75 = arith.constant 96 : index
      %get3A_76 = tpu.vector_load %arg5[%get3A_74, %get3A_75] {strides = array<i32>} : memref<8x128xi32, #tpu.memory_space<vmem>>, vector<16xi32>,
      %shift_right_logical3A_77 = arith.constant 7 : i32
      %shift_right_logical3A_78 = vector.broadcast %shift_right_logical3A_77 : i32 to vector<16xi32>
      %shift_right_logical3A_79 = arith.shrui %get3A_76, %shift_right_logical3A_78 : vector<16xi32>
      %and3A_80 = arith.constant 127 : i32
      %and3A_81 = vector.broadcast %and3A_80 : i32 to vector<16xi32>
      %and3A_82 = arith.andi %get3A_76, %and3A_81 : vector<16xi32>
      tpu.vector_store_idx %arg6[%shift_right_logical3A_79, %and3A_82], %broadcast_in_dim3A_3 {add = true} : memref<80x128xf32, #tpu.memory_space<vmem>>[vector<16xi32>, vector<16xi32>], vector<16xf32>,
      %get3A_83 = arith.constant 0 : i32
      %get3A_84 = arith.index_cast %get3A_83 : i32 to index
      %get3A_85 = arith.constant 112 : index
      %get3A_86 = tpu.vector_load %arg5[%get3A_84, %get3A_85] {strides = array<i32>} : memref<8x128xi32, #tpu.memory_space<vmem>>, vector<16xi32>,
      %shift_right_logical3A_87 = arith.constant 7 : i32
      %shift_right_logical3A_88 = vector.broadcast %shift_right_logical3A_87 : i32 to vector<16xi32>
      %shift_right_logical3A_89 = arith.shrui %get3A_86, %shift_right_logical3A_88 : vector<16xi32>
      %and3A_90 = arith.constant 127 : i32
      %and3A_91 = vector.broadcast %and3A_90 : i32 to vector<16xi32>
      %and3A_92 = arith.andi %get3A_86, %and3A_91 : vector<16xi32>
      tpu.vector_store_idx %arg6[%shift_right_logical3A_89, %and3A_92], %broadcast_in_dim3A_3 {add = true} : memref<80x128xf32, #tpu.memory_space<vmem>>[vector<16xi32>, vector<16xi32>], vector<16xf32>,
      %get3A_93 = arith.constant 1 : i32
      %get3A_94 = arith.index_cast %get3A_93 : i32 to index
      %get3A_95 = arith.constant 0 : index
      %get3A_96 = tpu.vector_load %arg5[%get3A_94, %get3A_95] {strides = array<i32>} : memref<8x128xi32, #tpu.memory_space<vmem>>, vector<16xi32>,
      %shift_right_logical3A_97 = arith.constant 7 : i32
      %shift_right_logical3A_98 = vector.broadcast %shift_right_logical3A_97 : i32 to vector<16xi32>
      %shift_right_logical3A_99 = arith.shrui %get3A_96, %shift_right_logical3A_98 : vector<16xi32>
      %and3A_100 = arith.constant 127 : i32
      %and3A_101 = vector.broadcast %and3A_100 : i32 to vector<16xi32>
      %and3A_102 = arith.andi %get3A_96, %and3A_101 : vector<16xi32>
      tpu.vector_store_idx %arg6[%shift_right_logical3A_99, %and3A_102], %broadcast_in_dim3A_3 {add = true} : memref<80x128xf32, #tpu.memory_space<vmem>>[vector<16xi32>, vector<16xi32>], vector<16xf32>,
      %get3A_103 = arith.constant 1 : i32
      %get3A_104 = arith.index_cast %get3A_103 : i32 to index
      %get3A_105 = arith.constant 16 : index
      %get3A_106 = tpu.vector_load %arg5[%get3A_104, %get3A_105] {strides = array<i32>} : memref<8x128xi32, #tpu.memory_space<vmem>>, vector<16xi32>,
      %shift_right_logical3A_107 = arith.constant 7 : i32
      %shift_right_logical3A_108 = vector.broadcast %shift_right_logical3A_107 : i32 to vector<16xi32>
      %shift_right_logical3A_109 = arith.shrui %get3A_106, %shift_right_logical3A_108 : vector<16xi32>
      %and3A_110 = arith.constant 127 : i32
      %and3A_111 = vector.broadcast %and3A_110 : i32 to vector<16xi32>
      %and3A_112 = arith.andi %get3A_106, %and3A_111 : vector<16xi32>
      tpu.vector_store_idx %arg6[%shift_right_logical3A_109, %and3A_112], %broadcast_in_dim3A_3 {add = true} : memref<80x128xf32, #tpu.memory_space<vmem>>[vector<16xi32>, vector<16xi32>], vector<16xf32>,
      %get3A_113 = arith.constant 1 : i32
      %get3A_114 = arith.index_cast %get3A_113 : i32 to index
      %get3A_115 = arith.constant 32 : index
      %get3A_116 = tpu.vector_load %arg5[%get3A_114, %get3A_115] {strides = array<i32>} : memref<8x128xi32, #tpu.memory_space<vmem>>, vector<16xi32>,
      %shift_right_logical3A_117 = arith.constant 7 : i32
      %shift_right_logical3A_118 = vector.broadcast %shift_right_logical3A_117 : i32 to vector<16xi32>
      %shift_right_logical3A_119 = arith.shrui %get3A_116, %shift_right_logical3A_118 : vector<16xi32>
      %and3A_120 = arith.constant 127 : i32
      %and3A_121 = vector.broadcast %and3A_120 : i32 to vector<16xi32>
      %and3A_122 = arith.andi %get3A_116, %and3A_121 : vector<16xi32>
      tpu.vector_store_idx %arg6[%shift_right_logical3A_119, %and3A_122], %broadcast_in_dim3A_3 {add = true} : memref<80x128xf32, #tpu.memory_space<vmem>>[vector<16xi32>, vector<16xi32>], vector<16xf32>,
      %get3A_123 = arith.constant 1 : i32
      %get3A_124 = arith.index_cast %get3A_123 : i32 to index
      %get3A_125 = arith.constant 48 : index
      %get3A_126 = tpu.vector_load %arg5[%get3A_124, %get3A_125] {strides = array<i32>} : memref<8x128xi32, #tpu.memory_space<vmem>>, vector<16xi32>,
      %shift_right_logical3A_127 = arith.constant 7 : i32
      %shift_right_logical3A_128 = vector.broadcast %shift_right_logical3A_127 : i32 to vector<16xi32>
      %shift_right_logical3A_129 = arith.shrui %get3A_126, %shift_right_logical3A_128 : vector<16xi32>
      %and3A_130 = arith.constant 127 : i32
      %and3A_131 = vector.broadcast %and3A_130 : i32 to vector<16xi32>
      %and3A_132 = arith.andi %get3A_126, %and3A_131 : vector<16xi32>
      tpu.vector_store_idx %arg6[%shift_right_logical3A_129, %and3A_132], %broadcast_in_dim3A_3 {add = true} : memref<80x128xf32, #tpu.memory_space<vmem>>[vector<16xi32>, vector<16xi32>], vector<16xf32>,
      %get3A_133 = arith.constant 1 : i32
      %get3A_134 = arith.index_cast %get3A_133 : i32 to index
      %get3A_135 = arith.constant 64 : index
      %get3A_136 = tpu.vector_load %arg5[%get3A_134, %get3A_135] {strides = array<i32>} : memref<8x128xi32, #tpu.memory_space<vmem>>, vector<16xi32>,
      %shift_right_logical3A_137 = arith.constant 7 : i32
      %shift_right_logical3A_138 = vector.broadcast %shift_right_logical3A_137 : i32 to vector<16xi32>
      %shift_right_logical3A_139 = arith.shrui %get3A_136, %shift_right_logical3A_138 : vector<16xi32>
      %and3A_140 = arith.constant 127 : i32
      %and3A_141 = vector.broadcast %and3A_140 : i32 to vector<16xi32>
      %and3A_142 = arith.andi %get3A_136, %and3A_141 : vector<16xi32>
      tpu.vector_store_idx %arg6[%shift_right_logical3A_139, %and3A_142], %broadcast_in_dim3A_3 {add = true} : memref<80x128xf32, #tpu.memory_space<vmem>>[vector<16xi32>, vector<16xi32>], vector<16xf32>,
      %get3A_143 = arith.constant 1 : i32
      %get3A_144 = arith.index_cast %get3A_143 : i32 to index
      %get3A_145 = arith.constant 80 : index
      %get3A_146 = tpu.vector_load %arg5[%get3A_144, %get3A_145] {strides = array<i32>} : memref<8x128xi32, #tpu.memory_space<vmem>>, vector<16xi32>,
      %shift_right_logical3A_147 = arith.constant 7 : i32
      %shift_right_logical3A_148 = vector.broadcast %shift_right_logical3A_147 : i32 to vector<16xi32>
      %shift_right_logical3A_149 = arith.shrui %get3A_146, %shift_right_logical3A_148 : vector<16xi32>
      %and3A_150 = arith.constant 127 : i32
      %and3A_151 = vector.broadcast %and3A_150 : i32 to vector<16xi32>
      %and3A_152 = arith.andi %get3A_146, %and3A_151 : vector<16xi32>
      tpu.vector_store_idx %arg6[%shift_right_logical3A_149, %and3A_152], %broadcast_in_dim3A_3 {add = true} : memref<80x128xf32, #tpu.memory_space<vmem>>[vector<16xi32>, vector<16xi32>], vector<16xf32>,
      %get3A_153 = arith.constant 1 : i32
      %get3A_154 = arith.index_cast %get3A_153 : i32 to index
      %get3A_155 = arith.constant 96 : index
      %get3A_156 = tpu.vector_load %arg5[%get3A_154, %get3A_155] {strides = array<i32>} : memref<8x128xi32, #tpu.memory_space<vmem>>, vector<16xi32>,
      %shift_right_logical3A_157 = arith.constant 7 : i32
      %shift_right_logical3A_158 = vector.broadcast %shift_right_logical3A_157 : i32 to vector<16xi32>
      %shift_right_logical3A_159 = arith.shrui %get3A_156, %shift_right_logical3A_158 : vector<16xi32>
      %and3A_160 = arith.constant 127 : i32
      %and3A_161 = vector.broadcast %and3A_160 : i32 to vector<16xi32>
      %and3A_162 = arith.andi %get3A_156, %and3A_161 : vector<16xi32>
      tpu.vector_store_idx %arg6[%shift_right_logical3A_159, %and3A_162], %broadcast_in_dim3A_3 {add = true} : memref<80x128xf32, #tpu.memory_space<vmem>>[vector<16xi32>, vector<16xi32>], vector<16xf32>,
      %get3A_163 = arith.constant 1 : i32
      %get3A_164 = arith.index_cast %get3A_163 : i32 to index
      %get3A_165 = arith.constant 112 : index
      %get3A_166 = tpu.vector_load %arg5[%get3A_164, %get3A_165] {strides = array<i32>} : memref<8x128xi32, #tpu.memory_space<vmem>>, vector<16xi32>,
      %shift_right_logical3A_167 = arith.constant 7 : i32
      %shift_right_logical3A_168 = vector.broadcast %shift_right_logical3A_167 : i32 to vector<16xi32>
      %shift_right_logical3A_169 = arith.shrui %get3A_166, %shift_right_logical3A_168 : vector<16xi32>
      %and3A_170 = arith.constant 127 : i32
      %and3A_171 = vector.broadcast %and3A_170 : i32 to vector<16xi32>
      %and3A_172 = arith.andi %get3A_166, %and3A_171 : vector<16xi32>
      tpu.vector_store_idx %arg6[%shift_right_logical3A_169, %and3A_172], %broadcast_in_dim3A_3 {add = true} : memref<80x128xf32, #tpu.memory_space<vmem>>[vector<16xi32>, vector<16xi32>], vector<16xf32>,
      %get3A_173 = arith.constant 2 : i32
      %get3A_174 = arith.index_cast %get3A_173 : i32 to index
      %get3A_175 = arith.constant 0 : index
      %get3A_176 = tpu.vector_load %arg5[%get3A_174, %get3A_175] {strides = array<i32>} : memref<8x128xi32, #tpu.memory_space<vmem>>, vector<16xi32>,
      %shift_right_logical3A_177 = arith.constant 7 : i32
      %shift_right_logical3A_178 = vector.broadcast %shift_right_logical3A_177 : i32 to vector<16xi32>
      %shift_right_logical3A_179 = arith.shrui %get3A_176, %shift_right_logical3A_178 : vector<16xi32>
      %and3A_180 = arith.constant 127 : i32
      %and3A_181 = vector.broadcast %and3A_180 : i32 to vector<16xi32>
      %and3A_182 = arith.andi %get3A_176, %and3A_181 : vector<16xi32>
      tpu.vector_store_idx %arg6[%shift_right_logical3A_179, %and3A_182], %broadcast_in_dim3A_3 {add = true} : memref<80x128xf32, #tpu.memory_space<vmem>>[vector<16xi32>, vector<16xi32>], vector<16xf32>,
      %get3A_183 = arith.constant 2 : i32
      %get3A_184 = arith.index_cast %get3A_183 : i32 to index
      %get3A_185 = arith.constant 16 : index
      %get3A_186 = tpu.vector_load %arg5[%get3A_184, %get3A_185] {strides = array<i32>} : memref<8x128xi32, #tpu.memory_space<vmem>>, vector<16xi32>,
      %shift_right_logical3A_187 = arith.constant 7 : i32
      %shift_right_logical3A_188 = vector.broadcast %shift_right_logical3A_187 : i32 to vector<16xi32>
      %shift_right_logical3A_189 = arith.shrui %get3A_186, %shift_right_logical3A_188 : vector<16xi32>
      %and3A_190 = arith.constant 127 : i32
      %and3A_191 = vector.broadcast %and3A_190 : i32 to vector<16xi32>
      %and3A_192 = arith.andi %get3A_186, %and3A_191 : vector<16xi32>
      tpu.vector_store_idx %arg6[%shift_right_logical3A_189, %and3A_192], %broadcast_in_dim3A_3 {add = true} : memref<80x128xf32, #tpu.memory_space<vmem>>[vector<16xi32>, vector<16xi32>], vector<16xf32>,
      %get3A_193 = arith.constant 2 : i32
      %get3A_194 = arith.index_cast %get3A_193 : i32 to index
      %get3A_195 = arith.constant 32 : index
      %get3A_196 = tpu.vector_load %arg5[%get3A_194, %get3A_195] {strides = array<i32>} : memref<8x128xi32, #tpu.memory_space<vmem>>, vector<16xi32>,
      %shift_right_logical3A_197 = arith.constant 7 : i32
      %shift_right_logical3A_198 = vector.broadcast %shift_right_logical3A_197 : i32 to vector<16xi32>
      %shift_right_logical3A_199 = arith.shrui %get3A_196, %shift_right_logical3A_198 : vector<16xi32>
      %and3A_200 = arith.constant 127 : i32
      %and3A_201 = vector.broadcast %and3A_200 : i32 to vector<16xi32>
      %and3A_202 = arith.andi %get3A_196, %and3A_201 : vector<16xi32>
      tpu.vector_store_idx %arg6[%shift_right_logical3A_199, %and3A_202], %broadcast_in_dim3A_3 {add = true} : memref<80x128xf32, #tpu.memory_space<vmem>>[vector<16xi32>, vector<16xi32>], vector<16xf32>,
      %get3A_203 = arith.constant 2 : i32
      %get3A_204 = arith.index_cast %get3A_203 : i32 to index
      %get3A_205 = arith.constant 48 : index
      %get3A_206 = tpu.vector_load %arg5[%get3A_204, %get3A_205] {strides = array<i32>} : memref<8x128xi32, #tpu.memory_space<vmem>>, vector<16xi32>,
      %shift_right_logical3A_207 = arith.constant 7 : i32
      %shift_right_logical3A_208 = vector.broadcast %shift_right_logical3A_207 : i32 to vector<16xi32>
      %shift_right_logical3A_209 = arith.shrui %get3A_206, %shift_right_logical3A_208 : vector<16xi32>
      %and3A_210 = arith.constant 127 : i32
      %and3A_211 = vector.broadcast %and3A_210 : i32 to vector<16xi32>
      %and3A_212 = arith.andi %get3A_206, %and3A_211 : vector<16xi32>
      tpu.vector_store_idx %arg6[%shift_right_logical3A_209, %and3A_212], %broadcast_in_dim3A_3 {add = true} : memref<80x128xf32, #tpu.memory_space<vmem>>[vector<16xi32>, vector<16xi32>], vector<16xf32>,
      %get3A_213 = arith.constant 2 : i32
      %get3A_214 = arith.index_cast %get3A_213 : i32 to index
      %get3A_215 = arith.constant 64 : index
      %get3A_216 = tpu.vector_load %arg5[%get3A_214, %get3A_215] {strides = array<i32>} : memref<8x128xi32, #tpu.memory_space<vmem>>, vector<16xi32>,
      %shift_right_logical3A_217 = arith.constant 7 : i32
      %shift_right_logical3A_218 = vector.broadcast %shift_right_logical3A_217 : i32 to vector<16xi32>
      %shift_right_logical3A_219 = arith.shrui %get3A_216, %shift_right_logical3A_218 : vector<16xi32>
      %and3A_220 = arith.constant 127 : i32
      %and3A_221 = vector.broadcast %and3A_220 : i32 to vector<16xi32>
      %and3A_222 = arith.andi %get3A_216, %and3A_221 : vector<16xi32>
      tpu.vector_store_idx %arg6[%shift_right_logical3A_219, %and3A_222], %broadcast_in_dim3A_3 {add = true} : memref<80x128xf32, #tpu.memory_space<vmem>>[vector<16xi32>, vector<16xi32>], vector<16xf32>,
      %get3A_223 = arith.constant 2 : i32
      %get3A_224 = arith.index_cast %get3A_223 : i32 to index
      %get3A_225 = arith.constant 80 : index
      %get3A_226 = tpu.vector_load %arg5[%get3A_224, %get3A_225] {strides = array<i32>} : memref<8x128xi32, #tpu.memory_space<vmem>>, vector<16xi32>,
      %shift_right_logical3A_227 = arith.constant 7 : i32
      %shift_right_logical3A_228 = vector.broadcast %shift_right_logical3A_227 : i32 to vector<16xi32>
      %shift_right_logical3A_229 = arith.shrui %get3A_226, %shift_right_logical3A_228 : vector<16xi32>
      %and3A_230 = arith.constant 127 : i32
      %and3A_231 = vector.broadcast %and3A_230 : i32 to vector<16xi32>
      %and3A_232 = arith.andi %get3A_226, %and3A_231 : vector<16xi32>
      tpu.vector_store_idx %arg6[%shift_right_logical3A_229, %and3A_232], %broadcast_in_dim3A_3 {add = true} : memref<80x128xf32, #tpu.memory_space<vmem>>[vector<16xi32>, vector<16xi32>], vector<16xf32>,
      %get3A_233 = arith.constant 2 : i32
      %get3A_234 = arith.index_cast %get3A_233 : i32 to index
      %get3A_235 = arith.constant 96 : index
      %get3A_236 = tpu.vector_load %arg5[%get3A_234, %get3A_235] {strides = array<i32>} : memref<8x128xi32, #tpu.memory_space<vmem>>, vector<16xi32>,
      %shift_right_logical3A_237 = arith.constant 7 : i32
      %shift_right_logical3A_238 = vector.broadcast %shift_right_logical3A_237 : i32 to vector<16xi32>
      %shift_right_logical3A_239 = arith.shrui %get3A_236, %shift_right_logical3A_238 : vector<16xi32>
      %and3A_240 = arith.constant 127 : i32
      %and3A_241 = vector.broadcast %and3A_240 : i32 to vector<16xi32>
      %and3A_242 = arith.andi %get3A_236, %and3A_241 : vector<16xi32>
      tpu.vector_store_idx %arg6[%shift_right_logical3A_239, %and3A_242], %broadcast_in_dim3A_3 {add = true} : memref<80x128xf32, #tpu.memory_space<vmem>>[vector<16xi32>, vector<16xi32>], vector<16xf32>,
      %get3A_243 = arith.constant 2 : i32
      %get3A_244 = arith.index_cast %get3A_243 : i32 to index
      %get3A_245 = arith.constant 112 : index
      %get3A_246 = tpu.vector_load %arg5[%get3A_244, %get3A_245] {strides = array<i32>} : memref<8x128xi32, #tpu.memory_space<vmem>>, vector<16xi32>,
      %shift_right_logical3A_247 = arith.constant 7 : i32
      %shift_right_logical3A_248 = vector.broadcast %shift_right_logical3A_247 : i32 to vector<16xi32>
      %shift_right_logical3A_249 = arith.shrui %get3A_246, %shift_right_logical3A_248 : vector<16xi32>
      %and3A_250 = arith.constant 127 : i32
      %and3A_251 = vector.broadcast %and3A_250 : i32 to vector<16xi32>
      %and3A_252 = arith.andi %get3A_246, %and3A_251 : vector<16xi32>
      tpu.vector_store_idx %arg6[%shift_right_logical3A_249, %and3A_252], %broadcast_in_dim3A_3 {add = true} : memref<80x128xf32, #tpu.memory_space<vmem>>[vector<16xi32>, vector<16xi32>], vector<16xf32>,
      %get3A_253 = arith.constant 3 : i32
      %get3A_254 = arith.index_cast %get3A_253 : i32 to index
      %get3A_255 = arith.constant 0 : index
      %get3A_256 = tpu.vector_load %arg5[%get3A_254, %get3A_255] {strides = array<i32>} : memref<8x128xi32, #tpu.memory_space<vmem>>, vector<16xi32>,
      %shift_right_logical3A_257 = arith.constant 7 : i32
      %shift_right_logical3A_258 = vector.broadcast %shift_right_logical3A_257 : i32 to vector<16xi32>
      %shift_right_logical3A_259 = arith.shrui %get3A_256, %shift_right_logical3A_258 : vector<16xi32>
      %and3A_260 = arith.constant 127 : i32
      %and3A_261 = vector.broadcast %and3A_260 : i32 to vector<16xi32>
      %and3A_262 = arith.andi %get3A_256, %and3A_261 : vector<16xi32>
      tpu.vector_store_idx %arg6[%shift_right_logical3A_259, %and3A_262], %broadcast_in_dim3A_3 {add = true} : memref<80x128xf32, #tpu.memory_space<vmem>>[vector<16xi32>, vector<16xi32>], vector<16xf32>,
      %get3A_263 = arith.constant 3 : i32
      %get3A_264 = arith.index_cast %get3A_263 : i32 to index
      %get3A_265 = arith.constant 16 : index
      %get3A_266 = tpu.vector_load %arg5[%get3A_264, %get3A_265] {strides = array<i32>} : memref<8x128xi32, #tpu.memory_space<vmem>>, vector<16xi32>,
      %shift_right_logical3A_267 = arith.constant 7 : i32
      %shift_right_logical3A_268 = vector.broadcast %shift_right_logical3A_267 : i32 to vector<16xi32>
      %shift_right_logical3A_269 = arith.shrui %get3A_266, %shift_right_logical3A_268 : vector<16xi32>
      %and3A_270 = arith.constant 127 : i32
      %and3A_271 = vector.broadcast %and3A_270 : i32 to vector<16xi32>
      %and3A_272 = arith.andi %get3A_266, %and3A_271 : vector<16xi32>
      tpu.vector_store_idx %arg6[%shift_right_logical3A_269, %and3A_272], %broadcast_in_dim3A_3 {add = true} : memref<80x128xf32, #tpu.memory_space<vmem>>[vector<16xi32>, vector<16xi32>], vector<16xf32>,
      %get3A_273 = arith.constant 3 : i32
      %get3A_274 = arith.index_cast %get3A_273 : i32 to index
      %get3A_275 = arith.constant 32 : index
      %get3A_276 = tpu.vector_load %arg5[%get3A_274, %get3A_275] {strides = array<i32>} : memref<8x128xi32, #tpu.memory_space<vmem>>, vector<16xi32>,
      %shift_right_logical3A_277 = arith.constant 7 : i32
      %shift_right_logical3A_278 = vector.broadcast %shift_right_logical3A_277 : i32 to vector<16xi32>
      %shift_right_logical3A_279 = arith.shrui %get3A_276, %shift_right_logical3A_278 : vector<16xi32>
      %and3A_280 = arith.constant 127 : i32
      %and3A_281 = vector.broadcast %and3A_280 : i32 to vector<16xi32>
      %and3A_282 = arith.andi %get3A_276, %and3A_281 : vector<16xi32>
      tpu.vector_store_idx %arg6[%shift_right_logical3A_279, %and3A_282], %broadcast_in_dim3A_3 {add = true} : memref<80x128xf32, #tpu.memory_space<vmem>>[vector<16xi32>, vector<16xi32>], vector<16xf32>,
      %get3A_283 = arith.constant 3 : i32
      %get3A_284 = arith.index_cast %get3A_283 : i32 to index
      %get3A_285 = arith.constant 48 : index
      %get3A_286 = tpu.vector_load %arg5[%get3A_284, %get3A_285] {strides = array<i32>} : memref<8x128xi32, #tpu.memory_space<vmem>>, vector<16xi32>,
      %shift_right_logical3A_287 = arith.constant 7 : i32
      %shift_right_logical3A_288 = vector.broadcast %shift_right_logical3A_287 : i32 to vector<16xi32>
      %shift_right_logical3A_289 = arith.shrui %get3A_286, %shift_right_logical3A_288 : vector<16xi32>
      %and3A_290 = arith.constant 127 : i32
      %and3A_291 = vector.broadcast %and3A_290 : i32 to vector<16xi32>
      %and3A_292 = arith.andi %get3A_286, %and3A_291 : vector<16xi32>
      tpu.vector_store_idx %arg6[%shift_right_logical3A_289, %and3A_292], %broadcast_in_dim3A_3 {add = true} : memref<80x128xf32, #tpu.memory_space<vmem>>[vector<16xi32>, vector<16xi32>], vector<16xf32>,
      %get3A_293 = arith.constant 3 : i32
      %get3A_294 = arith.index_cast %get3A_293 : i32 to index
      %get3A_295 = arith.constant 64 : index
      %get3A_296 = tpu.vector_load %arg5[%get3A_294, %get3A_295] {strides = array<i32>} : memref<8x128xi32, #tpu.memory_space<vmem>>, vector<16xi32>,
      %shift_right_logical3A_297 = arith.constant 7 : i32
      %shift_right_logical3A_298 = vector.broadcast %shift_right_logical3A_297 : i32 to vector<16xi32>
      %shift_right_logical3A_299 = arith.shrui %get3A_296, %shift_right_logical3A_298 : vector<16xi32>
      %and3A_300 = arith.constant 127 : i32
      %and3A_301 = vector.broadcast %and3A_300 : i32 to vector<16xi32>
      %and3A_302 = arith.andi %get3A_296, %and3A_301 : vector<16xi32>
      tpu.vector_store_idx %arg6[%shift_right_logical3A_299, %and3A_302], %broadcast_in_dim3A_3 {add = true} : memref<80x128xf32, #tpu.memory_space<vmem>>[vector<16xi32>, vector<16xi32>], vector<16xf32>,
      %get3A_303 = arith.constant 3 : i32
      %get3A_304 = arith.index_cast %get3A_303 : i32 to index
      %get3A_305 = arith.constant 80 : index
      %get3A_306 = tpu.vector_load %arg5[%get3A_304, %get3A_305] {strides = array<i32>} : memref<8x128xi32, #tpu.memory_space<vmem>>, vector<16xi32>,
      %shift_right_logical3A_307 = arith.constant 7 : i32
      %shift_right_logical3A_308 = vector.broadcast %shift_right_logical3A_307 : i32 to vector<16xi32>
      %shift_right_logical3A_309 = arith.shrui %get3A_306, %shift_right_logical3A_308 : vector<16xi32>
      %and3A_310 = arith.constant 127 : i32
      %and3A_311 = vector.broadcast %and3A_310 : i32 to vector<16xi32>
      %and3A_312 = arith.andi %get3A_306, %and3A_311 : vector<16xi32>
      tpu.vector_store_idx %arg6[%shift_right_logical3A_309, %and3A_312], %broadcast_in_dim3A_3 {add = true} : memref<80x128xf32, #tpu.memory_space<vmem>>[vector<16xi32>, vector<16xi32>], vector<16xf32>,
      %get3A_313 = arith.constant 3 : i32
      %get3A_314 = arith.index_cast %get3A_313 : i32 to index
      %get3A_315 = arith.constant 96 : index
      %get3A_316 = tpu.vector_load %arg5[%get3A_314, %get3A_315] {strides = array<i32>} : memref<8x128xi32, #tpu.memory_space<vmem>>, vector<16xi32>,
      %shift_right_logical3A_317 = arith.constant 7 : i32
      %shift_right_logical3A_318 = vector.broadcast %shift_right_logical3A_317 : i32 to vector<16xi32>
      %shift_right_logical3A_319 = arith.shrui %get3A_316, %shift_right_logical3A_318 : vector<16xi32>
      %and3A_320 = arith.constant 127 : i32
      %and3A_321 = vector.broadcast %and3A_320 : i32 to vector<16xi32>
      %and3A_322 = arith.andi %get3A_316, %and3A_321 : vector<16xi32>
      tpu.vector_store_idx %arg6[%shift_right_logical3A_319, %and3A_322], %broadcast_in_dim3A_3 {add = true} : memref<80x128xf32, #tpu.memory_space<vmem>>[vector<16xi32>, vector<16xi32>], vector<16xf32>,
      %get3A_323 = arith.constant 3 : i32
      %get3A_324 = arith.index_cast %get3A_323 : i32 to index
      %get3A_325 = arith.constant 112 : index
      %get3A_326 = tpu.vector_load %arg5[%get3A_324, %get3A_325] {strides = array<i32>} : memref<8x128xi32, #tpu.memory_space<vmem>>, vector<16xi32>,
      %shift_right_logical3A_327 = arith.constant 7 : i32
      %shift_right_logical3A_328 = vector.broadcast %shift_right_logical3A_327 : i32 to vector<16xi32>
      %shift_right_logical3A_329 = arith.shrui %get3A_326, %shift_right_logical3A_328 : vector<16xi32>
      %and3A_330 = arith.constant 127 : i32
      %and3A_331 = vector.broadcast %and3A_330 : i32 to vector<16xi32>
      %and3A_332 = arith.andi %get3A_326, %and3A_331 : vector<16xi32>
      tpu.vector_store_idx %arg6[%shift_right_logical3A_329, %and3A_332], %broadcast_in_dim3A_3 {add = true} : memref<80x128xf32, #tpu.memory_space<vmem>>[vector<16xi32>, vector<16xi32>], vector<16xf32>,
      %get3A_333 = arith.constant 4 : i32
      %get3A_334 = arith.index_cast %get3A_333 : i32 to index
      %get3A_335 = arith.constant 0 : index
      %get3A_336 = tpu.vector_load %arg5[%get3A_334, %get3A_335] {strides = array<i32>} : memref<8x128xi32, #tpu.memory_space<vmem>>, vector<16xi32>,
      %shift_right_logical3A_337 = arith.constant 7 : i32
      %shift_right_logical3A_338 = vector.broadcast %shift_right_logical3A_337 : i32 to vector<16xi32>
      %shift_right_logical3A_339 = arith.shrui %get3A_336, %shift_right_logical3A_338 : vector<16xi32>
      %and3A_340 = arith.constant 127 : i32
      %and3A_341 = vector.broadcast %and3A_340 : i32 to vector<16xi32>
      %and3A_342 = arith.andi %get3A_336, %and3A_341 : vector<16xi32>
      tpu.vector_store_idx %arg6[%shift_right_logical3A_339, %and3A_342], %broadcast_in_dim3A_3 {add = true} : memref<80x128xf32, #tpu.memory_space<vmem>>[vector<16xi32>, vector<16xi32>], vector<16xf32>,
      %get3A_343 = arith.constant 4 : i32
      %get3A_344 = arith.index_cast %get3A_343 : i32 to index
      %get3A_345 = arith.constant 16 : index
      %get3A_346 = tpu.vector_load %arg5[%get3A_344, %get3A_345] {strides = array<i32>} : memref<8x128xi32, #tpu.memory_space<vmem>>, vector<16xi32>,
      %shift_right_logical3A_347 = arith.constant 7 : i32
      %shift_right_logical3A_348 = vector.broadcast %shift_right_logical3A_347 : i32 to vector<16xi32>
      %shift_right_logical3A_349 = arith.shrui %get3A_346, %shift_right_logical3A_348 : vector<16xi32>
      %and3A_350 = arith.constant 127 : i32
      %and3A_351 = vector.broadcast %and3A_350 : i32 to vector<16xi32>
      %and3A_352 = arith.andi %get3A_346, %and3A_351 : vector<16xi32>
      tpu.vector_store_idx %arg6[%shift_right_logical3A_349, %and3A_352], %broadcast_in_dim3A_3 {add = true} : memref<80x128xf32, #tpu.memory_space<vmem>>[vector<16xi32>, vector<16xi32>], vector<16xf32>,
      %get3A_353 = arith.constant 4 : i32
      %get3A_354 = arith.index_cast %get3A_353 : i32 to index
      %get3A_355 = arith.constant 32 : index
      %get3A_356 = tpu.vector_load %arg5[%get3A_354, %get3A_355] {strides = array<i32>} : memref<8x128xi32, #tpu.memory_space<vmem>>, vector<16xi32>,
      %shift_right_logical3A_357 = arith.constant 7 : i32
      %shift_right_logical3A_358 = vector.broadcast %shift_right_logical3A_357 : i32 to vector<16xi32>
      %shift_right_logical3A_359 = arith.shrui %get3A_356, %shift_right_logical3A_358 : vector<16xi32>
      %and3A_360 = arith.constant 127 : i32
      %and3A_361 = vector.broadcast %and3A_360 : i32 to vector<16xi32>
      %and3A_362 = arith.andi %get3A_356, %and3A_361 : vector<16xi32>
      tpu.vector_store_idx %arg6[%shift_right_logical3A_359, %and3A_362], %broadcast_in_dim3A_3 {add = true} : memref<80x128xf32, #tpu.memory_space<vmem>>[vector<16xi32>, vector<16xi32>], vector<16xf32>,
      %get3A_363 = arith.constant 4 : i32
      %get3A_364 = arith.index_cast %get3A_363 : i32 to index
      %get3A_365 = arith.constant 48 : index
      %get3A_366 = tpu.vector_load %arg5[%get3A_364, %get3A_365] {strides = array<i32>} : memref<8x128xi32, #tpu.memory_space<vmem>>, vector<16xi32>,
      %shift_right_logical3A_367 = arith.constant 7 : i32
      %shift_right_logical3A_368 = vector.broadcast %shift_right_logical3A_367 : i32 to vector<16xi32>
      %shift_right_logical3A_369 = arith.shrui %get3A_366, %shift_right_logical3A_368 : vector<16xi32>
      %and3A_370 = arith.constant 127 : i32
      %and3A_371 = vector.broadcast %and3A_370 : i32 to vector<16xi32>
      %and3A_372 = arith.andi %get3A_366, %and3A_371 : vector<16xi32>
      tpu.vector_store_idx %arg6[%shift_right_logical3A_369, %and3A_372], %broadcast_in_dim3A_3 {add = true} : memref<80x128xf32, #tpu.memory_space<vmem>>[vector<16xi32>, vector<16xi32>], vector<16xf32>,
      %get3A_373 = arith.constant 4 : i32
      %get3A_374 = arith.index_cast %get3A_373 : i32 to index
      %get3A_375 = arith.constant 64 : index
      %get3A_376 = tpu.vector_load %arg5[%get3A_374, %get3A_375] {strides = array<i32>} : memref<8x128xi32, #tpu.memory_space<vmem>>, vector<16xi32>,
      %shift_right_logical3A_377 = arith.constant 7 : i32
      %shift_right_logical3A_378 = vector.broadcast %shift_right_logical3A_377 : i32 to vector<16xi32>
      %shift_right_logical3A_379 = arith.shrui %get3A_376, %shift_right_logical3A_378 : vector<16xi32>
      %and3A_380 = arith.constant 127 : i32
      %and3A_381 = vector.broadcast %and3A_380 : i32 to vector<16xi32>
      %and3A_382 = arith.andi %get3A_376, %and3A_381 : vector<16xi32>
      tpu.vector_store_idx %arg6[%shift_right_logical3A_379, %and3A_382], %broadcast_in_dim3A_3 {add = true} : memref<80x128xf32, #tpu.memory_space<vmem>>[vector<16xi32>, vector<16xi32>], vector<16xf32>,
      %get3A_383 = arith.constant 4 : i32
      %get3A_384 = arith.index_cast %get3A_383 : i32 to index
      %get3A_385 = arith.constant 80 : index
      %get3A_386 = tpu.vector_load %arg5[%get3A_384, %get3A_385] {strides = array<i32>} : memref<8x128xi32, #tpu.memory_space<vmem>>, vector<16xi32>,
      %shift_right_logical3A_387 = arith.constant 7 : i32
      %shift_right_logical3A_388 = vector.broadcast %shift_right_logical3A_387 : i32 to vector<16xi32>
      %shift_right_logical3A_389 = arith.shrui %get3A_386, %shift_right_logical3A_388 : vector<16xi32>
      %and3A_390 = arith.constant 127 : i32
      %and3A_391 = vector.broadcast %and3A_390 : i32 to vector<16xi32>
      %and3A_392 = arith.andi %get3A_386, %and3A_391 : vector<16xi32>
      tpu.vector_store_idx %arg6[%shift_right_logical3A_389, %and3A_392], %broadcast_in_dim3A_3 {add = true} : memref<80x128xf32, #tpu.memory_space<vmem>>[vector<16xi32>, vector<16xi32>], vector<16xf32>,
      %get3A_393 = arith.constant 4 : i32
      %get3A_394 = arith.index_cast %get3A_393 : i32 to index
      %get3A_395 = arith.constant 96 : index
      %get3A_396 = tpu.vector_load %arg5[%get3A_394, %get3A_395] {strides = array<i32>} : memref<8x128xi32, #tpu.memory_space<vmem>>, vector<16xi32>,
      %shift_right_logical3A_397 = arith.constant 7 : i32
      %shift_right_logical3A_398 = vector.broadcast %shift_right_logical3A_397 : i32 to vector<16xi32>
      %shift_right_logical3A_399 = arith.shrui %get3A_396, %shift_right_logical3A_398 : vector<16xi32>
      %and3A_400 = arith.constant 127 : i32
      %and3A_401 = vector.broadcast %and3A_400 : i32 to vector<16xi32>
      %and3A_402 = arith.andi %get3A_396, %and3A_401 : vector<16xi32>
      tpu.vector_store_idx %arg6[%shift_right_logical3A_399, %and3A_402], %broadcast_in_dim3A_3 {add = true} : memref<80x128xf32, #tpu.memory_space<vmem>>[vector<16xi32>, vector<16xi32>], vector<16xf32>,
      %get3A_403 = arith.constant 4 : i32
      %get3A_404 = arith.index_cast %get3A_403 : i32 to index
      %get3A_405 = arith.constant 112 : index
      %get3A_406 = tpu.vector_load %arg5[%get3A_404, %get3A_405] {strides = array<i32>} : memref<8x128xi32, #tpu.memory_space<vmem>>, vector<16xi32>,
      %shift_right_logical3A_407 = arith.constant 7 : i32
      %shift_right_logical3A_408 = vector.broadcast %shift_right_logical3A_407 : i32 to vector<16xi32>
      %shift_right_logical3A_409 = arith.shrui %get3A_406, %shift_right_logical3A_408 : vector<16xi32>
      %and3A_410 = arith.constant 127 : i32
      %and3A_411 = vector.broadcast %and3A_410 : i32 to vector<16xi32>
      %and3A_412 = arith.andi %get3A_406, %and3A_411 : vector<16xi32>
      tpu.vector_store_idx %arg6[%shift_right_logical3A_409, %and3A_412], %broadcast_in_dim3A_3 {add = true} : memref<80x128xf32, #tpu.memory_space<vmem>>[vector<16xi32>, vector<16xi32>], vector<16xf32>,
      %get3A_413 = arith.constant 5 : i32
      %get3A_414 = arith.index_cast %get3A_413 : i32 to index
      %get3A_415 = arith.constant 0 : index
      %get3A_416 = tpu.vector_load %arg5[%get3A_414, %get3A_415] {strides = array<i32>} : memref<8x128xi32, #tpu.memory_space<vmem>>, vector<16xi32>,
      %shift_right_logical3A_417 = arith.constant 7 : i32
      %shift_right_logical3A_418 = vector.broadcast %shift_right_logical3A_417 : i32 to vector<16xi32>
      %shift_right_logical3A_419 = arith.shrui %get3A_416, %shift_right_logical3A_418 : vector<16xi32>
      %and3A_420 = arith.constant 127 : i32
      %and3A_421 = vector.broadcast %and3A_420 : i32 to vector<16xi32>
      %and3A_422 = arith.andi %get3A_416, %and3A_421 : vector<16xi32>
      tpu.vector_store_idx %arg6[%shift_right_logical3A_419, %and3A_422], %broadcast_in_dim3A_3 {add = true} : memref<80x128xf32, #tpu.memory_space<vmem>>[vector<16xi32>, vector<16xi32>], vector<16xf32>,
      %get3A_423 = arith.constant 5 : i32
      %get3A_424 = arith.index_cast %get3A_423 : i32 to index
      %get3A_425 = arith.constant 16 : index
      %get3A_426 = tpu.vector_load %arg5[%get3A_424, %get3A_425] {strides = array<i32>} : memref<8x128xi32, #tpu.memory_space<vmem>>, vector<16xi32>,
      %shift_right_logical3A_427 = arith.constant 7 : i32
      %shift_right_logical3A_428 = vector.broadcast %shift_right_logical3A_427 : i32 to vector<16xi32>
      %shift_right_logical3A_429 = arith.shrui %get3A_426, %shift_right_logical3A_428 : vector<16xi32>
      %and3A_430 = arith.constant 127 : i32
      %and3A_431 = vector.broadcast %and3A_430 : i32 to vector<16xi32>
      %and3A_432 = arith.andi %get3A_426, %and3A_431 : vector<16xi32>
      tpu.vector_store_idx %arg6[%shift_right_logical3A_429, %and3A_432], %broadcast_in_dim3A_3 {add = true} : memref<80x128xf32, #tpu.memory_space<vmem>>[vector<16xi32>, vector<16xi32>], vector<16xf32>,
      %get3A_433 = arith.constant 5 : i32
      %get3A_434 = arith.index_cast %get3A_433 : i32 to index
      %get3A_435 = arith.constant 32 : index
      %get3A_436 = tpu.vector_load %arg5[%get3A_434, %get3A_435] {strides = array<i32>} : memref<8x128xi32, #tpu.memory_space<vmem>>, vector<16xi32>,
      %shift_right_logical3A_437 = arith.constant 7 : i32
      %shift_right_logical3A_438 = vector.broadcast %shift_right_logical3A_437 : i32 to vector<16xi32>
      %shift_right_logical3A_439 = arith.shrui %get3A_436, %shift_right_logical3A_438 : vector<16xi32>
      %and3A_440 = arith.constant 127 : i32
      %and3A_441 = vector.broadcast %and3A_440 : i32 to vector<16xi32>
      %and3A_442 = arith.andi %get3A_436, %and3A_441 : vector<16xi32>
      tpu.vector_store_idx %arg6[%shift_right_logical3A_439, %and3A_442], %broadcast_in_dim3A_3 {add = true} : memref<80x128xf32, #tpu.memory_space<vmem>>[vector<16xi32>, vector<16xi32>], vector<16xf32>,
      %get3A_443 = arith.constant 5 : i32
      %get3A_444 = arith.index_cast %get3A_443 : i32 to index
      %get3A_445 = arith.constant 48 : index
      %get3A_446 = tpu.vector_load %arg5[%get3A_444, %get3A_445] {strides = array<i32>} : memref<8x128xi32, #tpu.memory_space<vmem>>, vector<16xi32>,
      %shift_right_logical3A_447 = arith.constant 7 : i32
      %shift_right_logical3A_448 = vector.broadcast %shift_right_logical3A_447 : i32 to vector<16xi32>
      %shift_right_logical3A_449 = arith.shrui %get3A_446, %shift_right_logical3A_448 : vector<16xi32>
      %and3A_450 = arith.constant 127 : i32
      %and3A_451 = vector.broadcast %and3A_450 : i32 to vector<16xi32>
      %and3A_452 = arith.andi %get3A_446, %and3A_451 : vector<16xi32>
      tpu.vector_store_idx %arg6[%shift_right_logical3A_449, %and3A_452], %broadcast_in_dim3A_3 {add = true} : memref<80x128xf32, #tpu.memory_space<vmem>>[vector<16xi32>, vector<16xi32>], vector<16xf32>,
      %get3A_453 = arith.constant 5 : i32
      %get3A_454 = arith.index_cast %get3A_453 : i32 to index
      %get3A_455 = arith.constant 64 : index
      %get3A_456 = tpu.vector_load %arg5[%get3A_454, %get3A_455] {strides = array<i32>} : memref<8x128xi32, #tpu.memory_space<vmem>>, vector<16xi32>,
      %shift_right_logical3A_457 = arith.constant 7 : i32
      %shift_right_logical3A_458 = vector.broadcast %shift_right_logical3A_457 : i32 to vector<16xi32>
      %shift_right_logical3A_459 = arith.shrui %get3A_456, %shift_right_logical3A_458 : vector<16xi32>
      %and3A_460 = arith.constant 127 : i32
      %and3A_461 = vector.broadcast %and3A_460 : i32 to vector<16xi32>
      %and3A_462 = arith.andi %get3A_456, %and3A_461 : vector<16xi32>
      tpu.vector_store_idx %arg6[%shift_right_logical3A_459, %and3A_462], %broadcast_in_dim3A_3 {add = true} : memref<80x128xf32, #tpu.memory_space<vmem>>[vector<16xi32>, vector<16xi32>], vector<16xf32>,
      %get3A_463 = arith.constant 5 : i32
      %get3A_464 = arith.index_cast %get3A_463 : i32 to index
      %get3A_465 = arith.constant 80 : index
      %get3A_466 = tpu.vector_load %arg5[%get3A_464, %get3A_465] {strides = array<i32>} : memref<8x128xi32, #tpu.memory_space<vmem>>, vector<16xi32>,
      %shift_right_logical3A_467 = arith.constant 7 : i32
      %shift_right_logical3A_468 = vector.broadcast %shift_right_logical3A_467 : i32 to vector<16xi32>
      %shift_right_logical3A_469 = arith.shrui %get3A_466, %shift_right_logical3A_468 : vector<16xi32>
      %and3A_470 = arith.constant 127 : i32
      %and3A_471 = vector.broadcast %and3A_470 : i32 to vector<16xi32>
      %and3A_472 = arith.andi %get3A_466, %and3A_471 : vector<16xi32>
      tpu.vector_store_idx %arg6[%shift_right_logical3A_469, %and3A_472], %broadcast_in_dim3A_3 {add = true} : memref<80x128xf32, #tpu.memory_space<vmem>>[vector<16xi32>, vector<16xi32>], vector<16xf32>,
      %get3A_473 = arith.constant 5 : i32
      %get3A_474 = arith.index_cast %get3A_473 : i32 to index
      %get3A_475 = arith.constant 96 : index
      %get3A_476 = tpu.vector_load %arg5[%get3A_474, %get3A_475] {strides = array<i32>} : memref<8x128xi32, #tpu.memory_space<vmem>>, vector<16xi32>,
      %shift_right_logical3A_477 = arith.constant 7 : i32
      %shift_right_logical3A_478 = vector.broadcast %shift_right_logical3A_477 : i32 to vector<16xi32>
      %shift_right_logical3A_479 = arith.shrui %get3A_476, %shift_right_logical3A_478 : vector<16xi32>
      %and3A_480 = arith.constant 127 : i32
      %and3A_481 = vector.broadcast %and3A_480 : i32 to vector<16xi32>
      %and3A_482 = arith.andi %get3A_476, %and3A_481 : vector<16xi32>
      tpu.vector_store_idx %arg6[%shift_right_logical3A_479, %and3A_482], %broadcast_in_dim3A_3 {add = true} : memref<80x128xf32, #tpu.memory_space<vmem>>[vector<16xi32>, vector<16xi32>], vector<16xf32>,
      %get3A_483 = arith.constant 5 : i32
      %get3A_484 = arith.index_cast %get3A_483 : i32 to index
      %get3A_485 = arith.constant 112 : index
      %get3A_486 = tpu.vector_load %arg5[%get3A_484, %get3A_485] {strides = array<i32>} : memref<8x128xi32, #tpu.memory_space<vmem>>, vector<16xi32>,
      %shift_right_logical3A_487 = arith.constant 7 : i32
      %shift_right_logical3A_488 = vector.broadcast %shift_right_logical3A_487 : i32 to vector<16xi32>
      %shift_right_logical3A_489 = arith.shrui %get3A_486, %shift_right_logical3A_488 : vector<16xi32>
      %and3A_490 = arith.constant 127 : i32
      %and3A_491 = vector.broadcast %and3A_490 : i32 to vector<16xi32>
      %and3A_492 = arith.andi %get3A_486, %and3A_491 : vector<16xi32>
      tpu.vector_store_idx %arg6[%shift_right_logical3A_489, %and3A_492], %broadcast_in_dim3A_3 {add = true} : memref<80x128xf32, #tpu.memory_space<vmem>>[vector<16xi32>, vector<16xi32>], vector<16xf32>,
      %get3A_493 = arith.constant 6 : i32
      %get3A_494 = arith.index_cast %get3A_493 : i32 to index
      %get3A_495 = arith.constant 0 : index
      %get3A_496 = tpu.vector_load %arg5[%get3A_494, %get3A_495] {strides = array<i32>} : memref<8x128xi32, #tpu.memory_space<vmem>>, vector<16xi32>,
      %shift_right_logical3A_497 = arith.constant 7 : i32
      %shift_right_logical3A_498 = vector.broadcast %shift_right_logical3A_497 : i32 to vector<16xi32>
      %shift_right_logical3A_499 = arith.shrui %get3A_496, %shift_right_logical3A_498 : vector<16xi32>
      %and3A_500 = arith.constant 127 : i32
      %and3A_501 = vector.broadcast %and3A_500 : i32 to vector<16xi32>
      %and3A_502 = arith.andi %get3A_496, %and3A_501 : vector<16xi32>
      tpu.vector_store_idx %arg6[%shift_right_logical3A_499, %and3A_502], %broadcast_in_dim3A_3 {add = true} : memref<80x128xf32, #tpu.memory_space<vmem>>[vector<16xi32>, vector<16xi32>], vector<16xf32>,
      %get3A_503 = arith.constant 6 : i32
      %get3A_504 = arith.index_cast %get3A_503 : i32 to index
      %get3A_505 = arith.constant 16 : index
      %get3A_506 = tpu.vector_load %arg5[%get3A_504, %get3A_505] {strides = array<i32>} : memref<8x128xi32, #tpu.memory_space<vmem>>, vector<16xi32>,
      %shift_right_logical3A_507 = arith.constant 7 : i32
      %shift_right_logical3A_508 = vector.broadcast %shift_right_logical3A_507 : i32 to vector<16xi32>
      %shift_right_logical3A_509 = arith.shrui %get3A_506, %shift_right_logical3A_508 : vector<16xi32>
      %and3A_510 = arith.constant 127 : i32
      %and3A_511 = vector.broadcast %and3A_510 : i32 to vector<16xi32>
      %and3A_512 = arith.andi %get3A_506, %and3A_511 : vector<16xi32>
      tpu.vector_store_idx %arg6[%shift_right_logical3A_509, %and3A_512], %broadcast_in_dim3A_3 {add = true} : memref<80x128xf32, #tpu.memory_space<vmem>>[vector<16xi32>, vector<16xi32>], vector<16xf32>,
      %get3A_513 = arith.constant 6 : i32
      %get3A_514 = arith.index_cast %get3A_513 : i32 to index
      %get3A_515 = arith.constant 32 : index
      %get3A_516 = tpu.vector_load %arg5[%get3A_514, %get3A_515] {strides = array<i32>} : memref<8x128xi32, #tpu.memory_space<vmem>>, vector<16xi32>,
      %shift_right_logical3A_517 = arith.constant 7 : i32
      %shift_right_logical3A_518 = vector.broadcast %shift_right_logical3A_517 : i32 to vector<16xi32>
      %shift_right_logical3A_519 = arith.shrui %get3A_516, %shift_right_logical3A_518 : vector<16xi32>
      %and3A_520 = arith.constant 127 : i32
      %and3A_521 = vector.broadcast %and3A_520 : i32 to vector<16xi32>
      %and3A_522 = arith.andi %get3A_516, %and3A_521 : vector<16xi32>
      tpu.vector_store_idx %arg6[%shift_right_logical3A_519, %and3A_522], %broadcast_in_dim3A_3 {add = true} : memref<80x128xf32, #tpu.memory_space<vmem>>[vector<16xi32>, vector<16xi32>], vector<16xf32>,
      %get3A_523 = arith.constant 6 : i32
      %get3A_524 = arith.index_cast %get3A_523 : i32 to index
      %get3A_525 = arith.constant 48 : index
      %get3A_526 = tpu.vector_load %arg5[%get3A_524, %get3A_525] {strides = array<i32>} : memref<8x128xi32, #tpu.memory_space<vmem>>, vector<16xi32>,
      %shift_right_logical3A_527 = arith.constant 7 : i32
      %shift_right_logical3A_528 = vector.broadcast %shift_right_logical3A_527 : i32 to vector<16xi32>
      %shift_right_logical3A_529 = arith.shrui %get3A_526, %shift_right_logical3A_528 : vector<16xi32>
      %and3A_530 = arith.constant 127 : i32
      %and3A_531 = vector.broadcast %and3A_530 : i32 to vector<16xi32>
      %and3A_532 = arith.andi %get3A_526, %and3A_531 : vector<16xi32>
      tpu.vector_store_idx %arg6[%shift_right_logical3A_529, %and3A_532], %broadcast_in_dim3A_3 {add = true} : memref<80x128xf32, #tpu.memory_space<vmem>>[vector<16xi32>, vector<16xi32>], vector<16xf32>,
      %get3A_533 = arith.constant 6 : i32
      %get3A_534 = arith.index_cast %get3A_533 : i32 to index
      %get3A_535 = arith.constant 64 : index
      %get3A_536 = tpu.vector_load %arg5[%get3A_534, %get3A_535] {strides = array<i32>} : memref<8x128xi32, #tpu.memory_space<vmem>>, vector<16xi32>,
      %shift_right_logical3A_537 = arith.constant 7 : i32
      %shift_right_logical3A_538 = vector.broadcast %shift_right_logical3A_537 : i32 to vector<16xi32>
      %shift_right_logical3A_539 = arith.shrui %get3A_536, %shift_right_logical3A_538 : vector<16xi32>
      %and3A_540 = arith.constant 127 : i32
      %and3A_541 = vector.broadcast %and3A_540 : i32 to vector<16xi32>
      %and3A_542 = arith.andi %get3A_536, %and3A_541 : vector<16xi32>
      tpu.vector_store_idx %arg6[%shift_right_logical3A_539, %and3A_542], %broadcast_in_dim3A_3 {add = true} : memref<80x128xf32, #tpu.memory_space<vmem>>[vector<16xi32>, vector<16xi32>], vector<16xf32>,
      %get3A_543 = arith.constant 6 : i32
      %get3A_544 = arith.index_cast %get3A_543 : i32 to index
      %get3A_545 = arith.constant 80 : index
      %get3A_546 = tpu.vector_load %arg5[%get3A_544, %get3A_545] {strides = array<i32>} : memref<8x128xi32, #tpu.memory_space<vmem>>, vector<16xi32>,
      %shift_right_logical3A_547 = arith.constant 7 : i32
      %shift_right_logical3A_548 = vector.broadcast %shift_right_logical3A_547 : i32 to vector<16xi32>
      %shift_right_logical3A_549 = arith.shrui %get3A_546, %shift_right_logical3A_548 : vector<16xi32>
      %and3A_550 = arith.constant 127 : i32
      %and3A_551 = vector.broadcast %and3A_550 : i32 to vector<16xi32>
      %and3A_552 = arith.andi %get3A_546, %and3A_551 : vector<16xi32>
      tpu.vector_store_idx %arg6[%shift_right_logical3A_549, %and3A_552], %broadcast_in_dim3A_3 {add = true} : memref<80x128xf32, #tpu.memory_space<vmem>>[vector<16xi32>, vector<16xi32>], vector<16xf32>,
      %get3A_553 = arith.constant 6 : i32
      %get3A_554 = arith.index_cast %get3A_553 : i32 to index
      %get3A_555 = arith.constant 96 : index
      %get3A_556 = tpu.vector_load %arg5[%get3A_554, %get3A_555] {strides = array<i32>} : memref<8x128xi32, #tpu.memory_space<vmem>>, vector<16xi32>,
      %shift_right_logical3A_557 = arith.constant 7 : i32
      %shift_right_logical3A_558 = vector.broadcast %shift_right_logical3A_557 : i32 to vector<16xi32>
      %shift_right_logical3A_559 = arith.shrui %get3A_556, %shift_right_logical3A_558 : vector<16xi32>
      %and3A_560 = arith.constant 127 : i32
      %and3A_561 = vector.broadcast %and3A_560 : i32 to vector<16xi32>
      %and3A_562 = arith.andi %get3A_556, %and3A_561 : vector<16xi32>
      tpu.vector_store_idx %arg6[%shift_right_logical3A_559, %and3A_562], %broadcast_in_dim3A_3 {add = true} : memref<80x128xf32, #tpu.memory_space<vmem>>[vector<16xi32>, vector<16xi32>], vector<16xf32>,
      %get3A_563 = arith.constant 6 : i32
      %get3A_564 = arith.index_cast %get3A_563 : i32 to index
      %get3A_565 = arith.constant 112 : index
      %get3A_566 = tpu.vector_load %arg5[%get3A_564, %get3A_565] {strides = array<i32>} : memref<8x128xi32, #tpu.memory_space<vmem>>, vector<16xi32>,
      %shift_right_logical3A_567 = arith.constant 7 : i32
      %shift_right_logical3A_568 = vector.broadcast %shift_right_logical3A_567 : i32 to vector<16xi32>
      %shift_right_logical3A_569 = arith.shrui %get3A_566, %shift_right_logical3A_568 : vector<16xi32>
      %and3A_570 = arith.constant 127 : i32
      %and3A_571 = vector.broadcast %and3A_570 : i32 to vector<16xi32>
      %and3A_572 = arith.andi %get3A_566, %and3A_571 : vector<16xi32>
      tpu.vector_store_idx %arg6[%shift_right_logical3A_569, %and3A_572], %broadcast_in_dim3A_3 {add = true} : memref<80x128xf32, #tpu.memory_space<vmem>>[vector<16xi32>, vector<16xi32>], vector<16xf32>,
      %get3A_573 = arith.constant 7 : i32
      %get3A_574 = arith.index_cast %get3A_573 : i32 to index
      %get3A_575 = arith.constant 0 : index
      %get3A_576 = tpu.vector_load %arg5[%get3A_574, %get3A_575] {strides = array<i32>} : memref<8x128xi32, #tpu.memory_space<vmem>>, vector<16xi32>,
      %shift_right_logical3A_577 = arith.constant 7 : i32
      %shift_right_logical3A_578 = vector.broadcast %shift_right_logical3A_577 : i32 to vector<16xi32>
      %shift_right_logical3A_579 = arith.shrui %get3A_576, %shift_right_logical3A_578 : vector<16xi32>
      %and3A_580 = arith.constant 127 : i32
      %and3A_581 = vector.broadcast %and3A_580 : i32 to vector<16xi32>
      %and3A_582 = arith.andi %get3A_576, %and3A_581 : vector<16xi32>
      tpu.vector_store_idx %arg6[%shift_right_logical3A_579, %and3A_582], %broadcast_in_dim3A_3 {add = true} : memref<80x128xf32, #tpu.memory_space<vmem>>[vector<16xi32>, vector<16xi32>], vector<16xf32>,
      %get3A_583 = arith.constant 7 : i32
      %get3A_584 = arith.index_cast %get3A_583 : i32 to index
      %get3A_585 = arith.constant 16 : index
      %get3A_586 = tpu.vector_load %arg5[%get3A_584, %get3A_585] {strides = array<i32>} : memref<8x128xi32, #tpu.memory_space<vmem>>, vector<16xi32>,
      %shift_right_logical3A_587 = arith.constant 7 : i32
      %shift_right_logical3A_588 = vector.broadcast %shift_right_logical3A_587 : i32 to vector<16xi32>
      %shift_right_logical3A_589 = arith.shrui %get3A_586, %shift_right_logical3A_588 : vector<16xi32>
      %and3A_590 = arith.constant 127 : i32
      %and3A_591 = vector.broadcast %and3A_590 : i32 to vector<16xi32>
      %and3A_592 = arith.andi %get3A_586, %and3A_591 : vector<16xi32>
      tpu.vector_store_idx %arg6[%shift_right_logical3A_589, %and3A_592], %broadcast_in_dim3A_3 {add = true} : memref<80x128xf32, #tpu.memory_space<vmem>>[vector<16xi32>, vector<16xi32>], vector<16xf32>,
      %get3A_593 = arith.constant 7 : i32
      %get3A_594 = arith.index_cast %get3A_593 : i32 to index
      %get3A_595 = arith.constant 32 : index
      %get3A_596 = tpu.vector_load %arg5[%get3A_594, %get3A_595] {strides = array<i32>} : memref<8x128xi32, #tpu.memory_space<vmem>>, vector<16xi32>,
      %shift_right_logical3A_597 = arith.constant 7 : i32
      %shift_right_logical3A_598 = vector.broadcast %shift_right_logical3A_597 : i32 to vector<16xi32>
      %shift_right_logical3A_599 = arith.shrui %get3A_596, %shift_right_logical3A_598 : vector<16xi32>
      %and3A_600 = arith.constant 127 : i32
      %and3A_601 = vector.broadcast %and3A_600 : i32 to vector<16xi32>
      %and3A_602 = arith.andi %get3A_596, %and3A_601 : vector<16xi32>
      tpu.vector_store_idx %arg6[%shift_right_logical3A_599, %and3A_602], %broadcast_in_dim3A_3 {add = true} : memref<80x128xf32, #tpu.memory_space<vmem>>[vector<16xi32>, vector<16xi32>], vector<16xf32>,
      %get3A_603 = arith.constant 7 : i32
      %get3A_604 = arith.index_cast %get3A_603 : i32 to index
      %get3A_605 = arith.constant 48 : index
      %get3A_606 = tpu.vector_load %arg5[%get3A_604, %get3A_605] {strides = array<i32>} : memref<8x128xi32, #tpu.memory_space<vmem>>, vector<16xi32>,
      %shift_right_logical3A_607 = arith.constant 7 : i32
      %shift_right_logical3A_608 = vector.broadcast %shift_right_logical3A_607 : i32 to vector<16xi32>
      %shift_right_logical3A_609 = arith.shrui %get3A_606, %shift_right_logical3A_608 : vector<16xi32>
      %and3A_610 = arith.constant 127 : i32
      %and3A_611 = vector.broadcast %and3A_610 : i32 to vector<16xi32>
      %and3A_612 = arith.andi %get3A_606, %and3A_611 : vector<16xi32>
      tpu.vector_store_idx %arg6[%shift_right_logical3A_609, %and3A_612], %broadcast_in_dim3A_3 {add = true} : memref<80x128xf32, #tpu.memory_space<vmem>>[vector<16xi32>, vector<16xi32>], vector<16xf32>,
      %get3A_613 = arith.constant 7 : i32
      %get3A_614 = arith.index_cast %get3A_613 : i32 to index
      %get3A_615 = arith.constant 64 : index
      %get3A_616 = tpu.vector_load %arg5[%get3A_614, %get3A_615] {strides = array<i32>} : memref<8x128xi32, #tpu.memory_space<vmem>>, vector<16xi32>,
      %shift_right_logical3A_617 = arith.constant 7 : i32
      %shift_right_logical3A_618 = vector.broadcast %shift_right_logical3A_617 : i32 to vector<16xi32>
      %shift_right_logical3A_619 = arith.shrui %get3A_616, %shift_right_logical3A_618 : vector<16xi32>
      %and3A_620 = arith.constant 127 : i32
      %and3A_621 = vector.broadcast %and3A_620 : i32 to vector<16xi32>
      %and3A_622 = arith.andi %get3A_616, %and3A_621 : vector<16xi32>
      tpu.vector_store_idx %arg6[%shift_right_logical3A_619, %and3A_622], %broadcast_in_dim3A_3 {add = true} : memref<80x128xf32, #tpu.memory_space<vmem>>[vector<16xi32>, vector<16xi32>], vector<16xf32>,
      %get3A_623 = arith.constant 7 : i32
      %get3A_624 = arith.index_cast %get3A_623 : i32 to index
      %get3A_625 = arith.constant 80 : index
      %get3A_626 = tpu.vector_load %arg5[%get3A_624, %get3A_625] {strides = array<i32>} : memref<8x128xi32, #tpu.memory_space<vmem>>, vector<16xi32>,
      %shift_right_logical3A_627 = arith.constant 7 : i32
      %shift_right_logical3A_628 = vector.broadcast %shift_right_logical3A_627 : i32 to vector<16xi32>
      %shift_right_logical3A_629 = arith.shrui %get3A_626, %shift_right_logical3A_628 : vector<16xi32>
      %and3A_630 = arith.constant 127 : i32
      %and3A_631 = vector.broadcast %and3A_630 : i32 to vector<16xi32>
      %and3A_632 = arith.andi %get3A_626, %and3A_631 : vector<16xi32>
      tpu.vector_store_idx %arg6[%shift_right_logical3A_629, %and3A_632], %broadcast_in_dim3A_3 {add = true} : memref<80x128xf32, #tpu.memory_space<vmem>>[vector<16xi32>, vector<16xi32>], vector<16xf32>,
      %get3A_633 = arith.constant 7 : i32
      %get3A_634 = arith.index_cast %get3A_633 : i32 to index
      %get3A_635 = arith.constant 96 : index
      %get3A_636 = tpu.vector_load %arg5[%get3A_634, %get3A_635] {strides = array<i32>} : memref<8x128xi32, #tpu.memory_space<vmem>>, vector<16xi32>,
      %shift_right_logical3A_637 = arith.constant 7 : i32
      %shift_right_logical3A_638 = vector.broadcast %shift_right_logical3A_637 : i32 to vector<16xi32>
      %shift_right_logical3A_639 = arith.shrui %get3A_636, %shift_right_logical3A_638 : vector<16xi32>
      %and3A_640 = arith.constant 127 : i32
      %and3A_641 = vector.broadcast %and3A_640 : i32 to vector<16xi32>
      %and3A_642 = arith.andi %get3A_636, %and3A_641 : vector<16xi32>
      tpu.vector_store_idx %arg6[%shift_right_logical3A_639, %and3A_642], %broadcast_in_dim3A_3 {add = true} : memref<80x128xf32, #tpu.memory_space<vmem>>[vector<16xi32>, vector<16xi32>], vector<16xf32>,
      %get3A_643 = arith.constant 7 : i32
      %get3A_644 = arith.index_cast %get3A_643 : i32 to index
      %get3A_645 = arith.constant 112 : index
      %get3A_646 = tpu.vector_load %arg5[%get3A_644, %get3A_645] {strides = array<i32>} : memref<8x128xi32, #tpu.memory_space<vmem>>, vector<16xi32>,
      %shift_right_logical3A_647 = arith.constant 7 : i32
      %shift_right_logical3A_648 = vector.broadcast %shift_right_logical3A_647 : i32 to vector<16xi32>
      %shift_right_logical3A_649 = arith.shrui %get3A_646, %shift_right_logical3A_648 : vector<16xi32>
      %and3A_650 = arith.constant 127 : i32
      %and3A_651 = vector.broadcast %and3A_650 : i32 to vector<16xi32>
      %and3A_652 = arith.andi %get3A_646, %and3A_651 : vector<16xi32>
      tpu.vector_store_idx %arg6[%shift_right_logical3A_649, %and3A_652], %broadcast_in_dim3A_3 {add = true} : memref<80x128xf32, #tpu.memory_space<vmem>>[vector<16xi32>, vector<16xi32>], vector<16xf32>,
    }
    %scan3A_7 = arith.constant 10 : i32
    "tpu.region"() ({
      %run_scoped3A = tpu.sem_alloc : memref<!tpu.dma_semaphore, #tpu.memory_space<semaphore_mem>>
      %dma_start3A = arith.constant 0 : i32
      %dma_start3A_8 = arith.constant 0 : i32
      %dma_start3A_9 = tpu.memref_slice %arg4[%add3A, %dma_start3A, %dma_start3A_8] : memref<32x80x128xf32, #tpu.memory_space<hbm>> -> memref<1x80x128xf32, #tpu.memory_space<hbm>>
      %dma_start3A_10 = tpu.memref_squeeze %dma_start3A_9 : memref<1x80x128xf32, #tpu.memory_space<hbm>> -> memref<80x128xf32, #tpu.memory_space<hbm>>
      %dma_start3A_11 = arith.constant 0 : i32
      %dma_start3A_12 = arith.constant 0 : i32
      %dma_start3A_13 = tpu.memref_slice %arg4[%add3A, %dma_start3A_11, %dma_start3A_12] : memref<32x80x128xf32, #tpu.memory_space<hbm>> -> memref<1x80x128xf32, #tpu.memory_space<hbm>>
      %dma_start3A_14 = tpu.memref_squeeze %dma_start3A_13 : memref<1x80x128xf32, #tpu.memory_space<hbm>> -> memref<80x128xf32, #tpu.memory_space<hbm>>
      tpu.enqueue_dma source(%arg6 : memref<80x128xf32, #tpu.memory_space<vmem>>) target(%dma_start3A_14 : memref<80x128xf32, #tpu.memory_space<hbm>>) target_semaphore(%run_scoped3A : memref<!tpu.dma_semaphore, #tpu.memory_space<semaphore_mem>>)
      %dma_wait3A = arith.constant 0 : i32
      %dma_wait3A_15 = arith.constant 0 : i32
      %dma_wait3A_16 = tpu.memref_slice %arg4[%add3A, %dma_wait3A, %dma_wait3A_15] : memref<32x80x128xf32, #tpu.memory_space<hbm>> -> memref<1x80x128xf32, #tpu.memory_space<hbm>>
      %dma_wait3A_17 = tpu.memref_squeeze %dma_wait3A_16 : memref<1x80x128xf32, #tpu.memory_space<hbm>> -> memref<80x128xf32, #tpu.memory_space<hbm>>
      %dma_wait3A_18 = arith.constant 0 : i32
      %dma_wait3A_19 = arith.constant 0 : i32
      %dma_wait3A_20 = tpu.memref_slice %arg4[%add3A, %dma_wait3A_18, %dma_wait3A_19] : memref<32x80x128xf32, #tpu.memory_space<hbm>> -> memref<1x80x128xf32, #tpu.memory_space<hbm>>
      %dma_wait3A_21 = tpu.memref_squeeze %dma_wait3A_20 : memref<1x80x128xf32, #tpu.memory_space<hbm>> -> memref<80x128xf32, #tpu.memory_space<hbm>>
      tpu.wait_dma2 semaphore(%run_scoped3A : memref<!tpu.dma_semaphore, #tpu.memory_space<semaphore_mem>>) src(%arg6 : memref<80x128xf32, #tpu.memory_space<vmem>>) dst(%dma_wait3A_21 : memref<80x128xf32, #tpu.memory_space<hbm>>)
      tpu.yield
    }) : () -> ()
    return
  }
}

#map = affine_map<(d0, d1) -> (0, 0)>
#map1 = affine_map<(d0, d1) -> (0, 0, 0)>
module attributes {stable_mosaic.version = 14 : i64} {
  func.func @_sc_pass_body(%arg0: i32, %arg1: i32, %arg2: memref<10000x128xf32, #tpu.memory_space<hbm>>, %arg3: memref<2576x128xi32, #tpu.memory_space<hbm>>, %arg4: memref<2576x128xi32, #tpu.memory_space<hbm>>, %arg5: memref<10240x128xf32, #tpu.memory_space<hbm>>, %arg6: memref<2x10240x128xf32, #tpu.memory_space<hbm>>, %arg7: memref<8x128xi32, #tpu.memory_space<vmem>>, %arg8: memref<8x128xi32, #tpu.memory_space<vmem>>, %arg9: memref<8x128xi32, #tpu.memory_space<vmem>>, %arg10: memref<8x128xi32, #tpu.memory_space<vmem>>, %arg11: memref<128x128xf32, #tpu.memory_space<vmem>>, %arg12: memref<128x128xf32, #tpu.memory_space<vmem>>, %arg13: memref<10240x128xf32, #tpu.memory_space<vmem_shared>>, %arg14: memref<!tpu.dma_semaphore, #tpu.memory_space<semaphore_mem>>, %arg15: memref<!tpu.dma_semaphore, #tpu.memory_space<semaphore_mem>>, %arg16: memref<!tpu.dma_semaphore, #tpu.memory_space<semaphore_mem>>, %arg17: memref<!tpu.dma_semaphore, #tpu.memory_space<semaphore_mem>>) attributes {dimension_semantics = [#tpu.dimension_semantics<core_parallel>, #tpu.dimension_semantics<subcore_parallel>], iteration_bounds = array<i64: 2, 16>, scalar_prefetch = 0 : i64, scratch_operands = 11 : i64, tpu.core_type = #tpu.core_type<sc_vector_subcore>, window_params = [{transform_indices = #map}, {transform_indices = #map}, {transform_indices = #map}, {transform_indices = #map}, {transform_indices = #map1}]} {
    %mul3A = arith.constant 16 : i32
    %mul3A_0 = arith.muli %arg0, %mul3A : i32
    %add3A = arith.addi %mul3A_0, %arg1 : i32
    %mul3A_1 = arith.constant 80 : i32
    %mul3A_2 = arith.muli %add3A, %mul3A_1 : i32
    %add3A_3 = arith.constant 0 : i32
    %add3A_4 = arith.addi %mul3A_2, %add3A_3 : i32
    %dma_start3A = arith.constant 0 : i32
    %dma_start3A_5 = tpu.memref_slice %arg3[%add3A_4, %dma_start3A] : memref<2576x128xi32, #tpu.memory_space<hbm>> -> memref<8x128xi32, #tpu.memory_space<hbm>>
    %dma_start3A_6 = arith.constant 0 : i32
    %dma_start3A_7 = tpu.memref_slice %arg3[%add3A_4, %dma_start3A_6] : memref<2576x128xi32, #tpu.memory_space<hbm>> -> memref<8x128xi32, #tpu.memory_space<hbm>>
    tpu.enqueue_dma source(%dma_start3A_7 : memref<8x128xi32, #tpu.memory_space<hbm>>) target(%arg7 : memref<8x128xi32, #tpu.memory_space<vmem>>) target_semaphore(%arg14 : memref<!tpu.dma_semaphore, #tpu.memory_space<semaphore_mem>>)
    %dma_start3A_8 = arith.constant 0 : i32
    %dma_start3A_9 = tpu.memref_slice %arg4[%add3A_4, %dma_start3A_8] : memref<2576x128xi32, #tpu.memory_space<hbm>> -> memref<8x128xi32, #tpu.memory_space<hbm>>
    %dma_start3A_10 = arith.constant 0 : i32
    %dma_start3A_11 = tpu.memref_slice %arg4[%add3A_4, %dma_start3A_10] : memref<2576x128xi32, #tpu.memory_space<hbm>> -> memref<8x128xi32, #tpu.memory_space<hbm>>
    tpu.enqueue_dma source(%dma_start3A_11 : memref<8x128xi32, #tpu.memory_space<hbm>>) target(%arg9 : memref<8x128xi32, #tpu.memory_space<vmem>>) target_semaphore(%arg14 : memref<!tpu.dma_semaphore, #tpu.memory_space<semaphore_mem>>)
    %mul3A_12 = arith.constant 640 : i32
    %mul3A_13 = arith.muli %arg1, %mul3A_12 : i32
    "tpu.region"() ({
      %run_scoped3A = tpu.sem_alloc : memref<!tpu.dma_semaphore, #tpu.memory_space<semaphore_mem>>
      %dma_start3A_62 = arith.constant 0 : i32
      %dma_start3A_63 = tpu.memref_slice %arg13[%mul3A_13, %dma_start3A_62] : memref<10240x128xf32, #tpu.memory_space<vmem_shared>> -> memref<640x128xf32, #tpu.memory_space<vmem_shared>>
      %dma_start3A_64 = arith.constant 0 : i32
      %dma_start3A_65 = tpu.memref_slice %arg5[%mul3A_13, %dma_start3A_64] : memref<10240x128xf32, #tpu.memory_space<hbm>> -> memref<640x128xf32, #tpu.memory_space<hbm>>
      tpu.enqueue_dma source(%dma_start3A_65 : memref<640x128xf32, #tpu.memory_space<hbm>>) target(%dma_start3A_63 : memref<640x128xf32, #tpu.memory_space<vmem_shared>>) target_semaphore(%run_scoped3A : memref<!tpu.dma_semaphore, #tpu.memory_space<semaphore_mem>>)
      %dma_wait3A_66 = arith.constant 0 : i32
      %dma_wait3A_67 = tpu.memref_slice %arg13[%mul3A_13, %dma_wait3A_66] : memref<10240x128xf32, #tpu.memory_space<vmem_shared>> -> memref<640x128xf32, #tpu.memory_space<vmem_shared>>
      %dma_wait3A_68 = arith.constant 0 : i32
      %dma_wait3A_69 = tpu.memref_slice %arg5[%mul3A_13, %dma_wait3A_68] : memref<10240x128xf32, #tpu.memory_space<hbm>> -> memref<640x128xf32, #tpu.memory_space<hbm>>
      tpu.wait_dma2 semaphore(%run_scoped3A : memref<!tpu.dma_semaphore, #tpu.memory_space<semaphore_mem>>) src(%dma_wait3A_69 : memref<640x128xf32, #tpu.memory_space<hbm>>) dst(%dma_wait3A_67 : memref<640x128xf32, #tpu.memory_space<vmem_shared>>)
      tpu.yield
    }) : () -> ()
    %barrier3A = arith.constant 0 : index
    tpu.barrier barrier_id(%barrier3A)
    %add3A_14 = arith.constant 0 : i32
    %add3A_15 = arith.addi %mul3A_2, %add3A_14 : i32
    %dma_wait3A = arith.constant 0 : i32
    %dma_wait3A_16 = tpu.memref_slice %arg3[%add3A_15, %dma_wait3A] : memref<2576x128xi32, #tpu.memory_space<hbm>> -> memref<8x128xi32, #tpu.memory_space<hbm>>
    %dma_wait3A_17 = arith.constant 0 : i32
    %dma_wait3A_18 = tpu.memref_slice %arg3[%add3A_15, %dma_wait3A_17] : memref<2576x128xi32, #tpu.memory_space<hbm>> -> memref<8x128xi32, #tpu.memory_space<hbm>>
    tpu.wait_dma2 semaphore(%arg14 : memref<!tpu.dma_semaphore, #tpu.memory_space<semaphore_mem>>) src(%dma_wait3A_18 : memref<8x128xi32, #tpu.memory_space<hbm>>) dst(%arg7 : memref<8x128xi32, #tpu.memory_space<vmem>>)
    %dma_wait3A_19 = arith.constant 0 : i32
    %dma_wait3A_20 = tpu.memref_slice %arg4[%add3A_15, %dma_wait3A_19] : memref<2576x128xi32, #tpu.memory_space<hbm>> -> memref<8x128xi32, #tpu.memory_space<hbm>>
    %dma_wait3A_21 = arith.constant 0 : i32
    %dma_wait3A_22 = tpu.memref_slice %arg4[%add3A_15, %dma_wait3A_21] : memref<2576x128xi32, #tpu.memory_space<hbm>> -> memref<8x128xi32, #tpu.memory_space<hbm>>
    tpu.wait_dma2 semaphore(%arg14 : memref<!tpu.dma_semaphore, #tpu.memory_space<semaphore_mem>>) src(%dma_wait3A_22 : memref<8x128xi32, #tpu.memory_space<hbm>>) dst(%arg9 : memref<8x128xi32, #tpu.memory_space<vmem>>)
    %add3A_23 = arith.constant 8 : i32
    %add3A_24 = arith.addi %mul3A_2, %add3A_23 : i32
    %dma_start3A_25 = arith.constant 0 : i32
    %dma_start3A_26 = tpu.memref_slice %arg3[%add3A_24, %dma_start3A_25] : memref<2576x128xi32, #tpu.memory_space<hbm>> -> memref<8x128xi32, #tpu.memory_space<hbm>>
    %dma_start3A_27 = arith.constant 0 : i32
    %dma_start3A_28 = tpu.memref_slice %arg3[%add3A_24, %dma_start3A_27] : memref<2576x128xi32, #tpu.memory_space<hbm>> -> memref<8x128xi32, #tpu.memory_space<hbm>>
    tpu.enqueue_dma source(%dma_start3A_28 : memref<8x128xi32, #tpu.memory_space<hbm>>) target(%arg8 : memref<8x128xi32, #tpu.memory_space<vmem>>) target_semaphore(%arg15 : memref<!tpu.dma_semaphore, #tpu.memory_space<semaphore_mem>>)
    %dma_start3A_29 = arith.constant 0 : i32
    %dma_start3A_30 = tpu.memref_slice %arg4[%add3A_24, %dma_start3A_29] : memref<2576x128xi32, #tpu.memory_space<hbm>> -> memref<8x128xi32, #tpu.memory_space<hbm>>
    %dma_start3A_31 = arith.constant 0 : i32
    %dma_start3A_32 = tpu.memref_slice %arg4[%add3A_24, %dma_start3A_31] : memref<2576x128xi32, #tpu.memory_space<hbm>> -> memref<8x128xi32, #tpu.memory_space<hbm>>
    tpu.enqueue_dma source(%dma_start3A_32 : memref<8x128xi32, #tpu.memory_space<hbm>>) target(%arg10 : memref<8x128xi32, #tpu.memory_space<vmem>>) target_semaphore(%arg15 : memref<!tpu.dma_semaphore, #tpu.memory_space<semaphore_mem>>)
    %dma_start3A_33 = arith.constant 0 : i32
    %dma_start3A_34 = arith.constant 0 : i32
    %dma_start3A_35 = tpu.memref_slice %arg7[%dma_start3A_33, %dma_start3A_34] : memref<8x128xi32, #tpu.memory_space<vmem>> -> memref<1x128xi32, #tpu.memory_space<vmem>>
    %dma_start3A_36 = tpu.memref_squeeze %dma_start3A_35 : memref<1x128xi32, #tpu.memory_space<vmem>> -> memref<128xi32, #tpu.memory_space<vmem>>
    %dma_start3A_37 = arith.constant 0 : i32
    %dma_start3A_38 = arith.constant 0 : i32
    %dma_start3A_39 = tpu.memref_slice %arg2[%dma_start3A_37, %dma_start3A_38] : memref<10000x128xf32, #tpu.memory_space<hbm>> -> memref<10000x128xf32, #tpu.memory_space<hbm>>
    tpu.enqueue_indirect_dma source(%dma_start3A_39 : memref<10000x128xf32, #tpu.memory_space<hbm>>) target(%arg11 : memref<128x128xf32, #tpu.memory_space<vmem>>) offsets(%dma_start3A_36 : memref<128xi32, #tpu.memory_space<vmem>>) semaphore(%arg16 : memref<!tpu.dma_semaphore, #tpu.memory_space<semaphore_mem>>)
    %scan3A = arith.constant 0 : i32
    %scan3A_40 = arith.constant 5 : i32
    %scan3A_41 = arith.addi %scan3A, %scan3A_40 : i32
    %scan3A_42 = arith.constant 1 : i32
    scf.for %scan3A_62 = %scan3A to %scan3A_41 step %scan3A_42  : i32 {
      %mul3A_63 = arith.constant 2 : i32
      %mul3A_64 = arith.muli %scan3A_62, %mul3A_63 : i32
      %add3A_65 = arith.constant 0 : i32
      %add3A_66 = arith.addi %add3A_65, %mul3A_64 : i32
      %dma_start3A_67 = arith.constant 1 : i32
      %dma_start3A_68 = arith.constant 0 : i32
      %dma_start3A_69 = tpu.memref_slice %arg7[%dma_start3A_67, %dma_start3A_68] : memref<8x128xi32, #tpu.memory_space<vmem>> -> memref<1x128xi32, #tpu.memory_space<vmem>>
      %dma_start3A_70 = tpu.memref_squeeze %dma_start3A_69 : memref<1x128xi32, #tpu.memory_space<vmem>> -> memref<128xi32, #tpu.memory_space<vmem>>
      %dma_start3A_71 = arith.constant 0 : i32
      %dma_start3A_72 = arith.constant 0 : i32
      %dma_start3A_73 = tpu.memref_slice %arg2[%dma_start3A_71, %dma_start3A_72] : memref<10000x128xf32, #tpu.memory_space<hbm>> -> memref<10000x128xf32, #tpu.memory_space<hbm>>
      tpu.enqueue_indirect_dma source(%dma_start3A_73 : memref<10000x128xf32, #tpu.memory_space<hbm>>) target(%arg12 : memref<128x128xf32, #tpu.memory_space<vmem>>) offsets(%dma_start3A_70 : memref<128xi32, #tpu.memory_space<vmem>>) semaphore(%arg17 : memref<!tpu.dma_semaphore, #tpu.memory_space<semaphore_mem>>)
      %dma_wait3A_74 = arith.constant 0 : i32
      %dma_wait3A_75 = arith.constant 0 : i32
      %dma_wait3A_76 = tpu.memref_slice %arg7[%dma_wait3A_74, %dma_wait3A_75] : memref<8x128xi32, #tpu.memory_space<vmem>> -> memref<1x128xi32, #tpu.memory_space<vmem>>
      %dma_wait3A_77 = tpu.memref_squeeze %dma_wait3A_76 : memref<1x128xi32, #tpu.memory_space<vmem>> -> memref<128xi32, #tpu.memory_space<vmem>>
      %dma_wait3A_78 = arith.constant 0 : i32
      %dma_wait3A_79 = arith.constant 0 : i32
      %dma_wait3A_80 = tpu.memref_slice %arg2[%dma_wait3A_78, %dma_wait3A_79] : memref<10000x128xf32, #tpu.memory_space<hbm>> -> memref<10000x128xf32, #tpu.memory_space<hbm>>
      tpu.wait_indirect_dma semaphore(%arg16 : memref<!tpu.dma_semaphore, #tpu.memory_space<semaphore_mem>>) src(%dma_wait3A_80 : memref<10000x128xf32, #tpu.memory_space<hbm>>) dst(%arg11 : memref<128x128xf32, #tpu.memory_space<vmem>>)
      %run_scoped3A = arith.constant 0 : i32
      "tpu.region"() ({
        %run_scoped3A_360 = tpu.sem_alloc : memref<!tpu.dma_semaphore, #tpu.memory_space<semaphore_mem>>
        %dma_start3A_361 = arith.constant 0 : i32
        %dma_start3A_362 = tpu.memref_slice %arg9[%run_scoped3A, %dma_start3A_361] : memref<8x128xi32, #tpu.memory_space<vmem>> -> memref<1x128xi32, #tpu.memory_space<vmem>>
        %dma_start3A_363 = tpu.memref_squeeze %dma_start3A_362 : memref<1x128xi32, #tpu.memory_space<vmem>> -> memref<128xi32, #tpu.memory_space<vmem>>
        %dma_start3A_364 = arith.constant 0 : i32
        %dma_start3A_365 = arith.constant 0 : i32
        %dma_start3A_366 = tpu.memref_slice %arg13[%dma_start3A_364, %dma_start3A_365] : memref<10240x128xf32, #tpu.memory_space<vmem_shared>> -> memref<10240x128xf32, #tpu.memory_space<vmem_shared>>
        tpu.enqueue_indirect_dma source(%arg11 : memref<128x128xf32, #tpu.memory_space<vmem>>) target(%dma_start3A_366 : memref<10240x128xf32, #tpu.memory_space<vmem_shared>>) offsets(%dma_start3A_363 : memref<128xi32, #tpu.memory_space<vmem>>) semaphore(%run_scoped3A_360 : memref<!tpu.dma_semaphore, #tpu.memory_space<semaphore_mem>>) {add = true}
        %dma_wait3A_367 = arith.constant 0 : i32
        %dma_wait3A_368 = tpu.memref_slice %arg9[%run_scoped3A, %dma_wait3A_367] : memref<8x128xi32, #tpu.memory_space<vmem>> -> memref<1x128xi32, #tpu.memory_space<vmem>>
        %dma_wait3A_369 = tpu.memref_squeeze %dma_wait3A_368 : memref<1x128xi32, #tpu.memory_space<vmem>> -> memref<128xi32, #tpu.memory_space<vmem>>
        %dma_wait3A_370 = arith.constant 0 : i32
        %dma_wait3A_371 = arith.constant 0 : i32
        %dma_wait3A_372 = tpu.memref_slice %arg13[%dma_wait3A_370, %dma_wait3A_371] : memref<10240x128xf32, #tpu.memory_space<vmem_shared>> -> memref<10240x128xf32, #tpu.memory_space<vmem_shared>>
        tpu.wait_indirect_dma semaphore(%run_scoped3A_360 : memref<!tpu.dma_semaphore, #tpu.memory_space<semaphore_mem>>) src(%arg11 : memref<128x128xf32, #tpu.memory_space<vmem>>) dst(%dma_wait3A_372 : memref<10240x128xf32, #tpu.memory_space<vmem_shared>>)
        tpu.yield
      }) : () -> ()
      %dma_start3A_81 = arith.constant 2 : i32
      %dma_start3A_82 = arith.constant 0 : i32
      %dma_start3A_83 = tpu.memref_slice %arg7[%dma_start3A_81, %dma_start3A_82] : memref<8x128xi32, #tpu.memory_space<vmem>> -> memref<1x128xi32, #tpu.memory_space<vmem>>
      %dma_start3A_84 = tpu.memref_squeeze %dma_start3A_83 : memref<1x128xi32, #tpu.memory_space<vmem>> -> memref<128xi32, #tpu.memory_space<vmem>>
      %dma_start3A_85 = arith.constant 0 : i32
      %dma_start3A_86 = arith.constant 0 : i32
      %dma_start3A_87 = tpu.memref_slice %arg2[%dma_start3A_85, %dma_start3A_86] : memref<10000x128xf32, #tpu.memory_space<hbm>> -> memref<10000x128xf32, #tpu.memory_space<hbm>>
      tpu.enqueue_indirect_dma source(%dma_start3A_87 : memref<10000x128xf32, #tpu.memory_space<hbm>>) target(%arg11 : memref<128x128xf32, #tpu.memory_space<vmem>>) offsets(%dma_start3A_84 : memref<128xi32, #tpu.memory_space<vmem>>) semaphore(%arg16 : memref<!tpu.dma_semaphore, #tpu.memory_space<semaphore_mem>>)
      %dma_wait3A_88 = arith.constant 1 : i32
      %dma_wait3A_89 = arith.constant 0 : i32
      %dma_wait3A_90 = tpu.memref_slice %arg7[%dma_wait3A_88, %dma_wait3A_89] : memref<8x128xi32, #tpu.memory_space<vmem>> -> memref<1x128xi32, #tpu.memory_space<vmem>>
      %dma_wait3A_91 = tpu.memref_squeeze %dma_wait3A_90 : memref<1x128xi32, #tpu.memory_space<vmem>> -> memref<128xi32, #tpu.memory_space<vmem>>
      %dma_wait3A_92 = arith.constant 0 : i32
      %dma_wait3A_93 = arith.constant 0 : i32
      %dma_wait3A_94 = tpu.memref_slice %arg2[%dma_wait3A_92, %dma_wait3A_93] : memref<10000x128xf32, #tpu.memory_space<hbm>> -> memref<10000x128xf32, #tpu.memory_space<hbm>>
      tpu.wait_indirect_dma semaphore(%arg17 : memref<!tpu.dma_semaphore, #tpu.memory_space<semaphore_mem>>) src(%dma_wait3A_94 : memref<10000x128xf32, #tpu.memory_space<hbm>>) dst(%arg12 : memref<128x128xf32, #tpu.memory_space<vmem>>)
      %run_scoped3A_95 = arith.constant 1 : i32
      "tpu.region"() ({
        %run_scoped3A_360 = tpu.sem_alloc : memref<!tpu.dma_semaphore, #tpu.memory_space<semaphore_mem>>
        %dma_start3A_361 = arith.constant 0 : i32
        %dma_start3A_362 = tpu.memref_slice %arg9[%run_scoped3A_95, %dma_start3A_361] : memref<8x128xi32, #tpu.memory_space<vmem>> -> memref<1x128xi32, #tpu.memory_space<vmem>>
        %dma_start3A_363 = tpu.memref_squeeze %dma_start3A_362 : memref<1x128xi32, #tpu.memory_space<vmem>> -> memref<128xi32, #tpu.memory_space<vmem>>
        %dma_start3A_364 = arith.constant 0 : i32
        %dma_start3A_365 = arith.constant 0 : i32
        %dma_start3A_366 = tpu.memref_slice %arg13[%dma_start3A_364, %dma_start3A_365] : memref<10240x128xf32, #tpu.memory_space<vmem_shared>> -> memref<10240x128xf32, #tpu.memory_space<vmem_shared>>
        tpu.enqueue_indirect_dma source(%arg12 : memref<128x128xf32, #tpu.memory_space<vmem>>) target(%dma_start3A_366 : memref<10240x128xf32, #tpu.memory_space<vmem_shared>>) offsets(%dma_start3A_363 : memref<128xi32, #tpu.memory_space<vmem>>) semaphore(%run_scoped3A_360 : memref<!tpu.dma_semaphore, #tpu.memory_space<semaphore_mem>>) {add = true}
        %dma_wait3A_367 = arith.constant 0 : i32
        %dma_wait3A_368 = tpu.memref_slice %arg9[%run_scoped3A_95, %dma_wait3A_367] : memref<8x128xi32, #tpu.memory_space<vmem>> -> memref<1x128xi32, #tpu.memory_space<vmem>>
        %dma_wait3A_369 = tpu.memref_squeeze %dma_wait3A_368 : memref<1x128xi32, #tpu.memory_space<vmem>> -> memref<128xi32, #tpu.memory_space<vmem>>
        %dma_wait3A_370 = arith.constant 0 : i32
        %dma_wait3A_371 = arith.constant 0 : i32
        %dma_wait3A_372 = tpu.memref_slice %arg13[%dma_wait3A_370, %dma_wait3A_371] : memref<10240x128xf32, #tpu.memory_space<vmem_shared>> -> memref<10240x128xf32, #tpu.memory_space<vmem_shared>>
        tpu.wait_indirect_dma semaphore(%run_scoped3A_360 : memref<!tpu.dma_semaphore, #tpu.memory_space<semaphore_mem>>) src(%arg12 : memref<128x128xf32, #tpu.memory_space<vmem>>) dst(%dma_wait3A_372 : memref<10240x128xf32, #tpu.memory_space<vmem_shared>>)
        tpu.yield
      }) : () -> ()
      %dma_start3A_96 = arith.constant 3 : i32
      %dma_start3A_97 = arith.constant 0 : i32
      %dma_start3A_98 = tpu.memref_slice %arg7[%dma_start3A_96, %dma_start3A_97] : memref<8x128xi32, #tpu.memory_space<vmem>> -> memref<1x128xi32, #tpu.memory_space<vmem>>
      %dma_start3A_99 = tpu.memref_squeeze %dma_start3A_98 : memref<1x128xi32, #tpu.memory_space<vmem>> -> memref<128xi32, #tpu.memory_space<vmem>>
      %dma_start3A_100 = arith.constant 0 : i32
      %dma_start3A_101 = arith.constant 0 : i32
      %dma_start3A_102 = tpu.memref_slice %arg2[%dma_start3A_100, %dma_start3A_101] : memref<10000x128xf32, #tpu.memory_space<hbm>> -> memref<10000x128xf32, #tpu.memory_space<hbm>>
      tpu.enqueue_indirect_dma source(%dma_start3A_102 : memref<10000x128xf32, #tpu.memory_space<hbm>>) target(%arg12 : memref<128x128xf32, #tpu.memory_space<vmem>>) offsets(%dma_start3A_99 : memref<128xi32, #tpu.memory_space<vmem>>) semaphore(%arg17 : memref<!tpu.dma_semaphore, #tpu.memory_space<semaphore_mem>>)
      %dma_wait3A_103 = arith.constant 2 : i32
      %dma_wait3A_104 = arith.constant 0 : i32
      %dma_wait3A_105 = tpu.memref_slice %arg7[%dma_wait3A_103, %dma_wait3A_104] : memref<8x128xi32, #tpu.memory_space<vmem>> -> memref<1x128xi32, #tpu.memory_space<vmem>>
      %dma_wait3A_106 = tpu.memref_squeeze %dma_wait3A_105 : memref<1x128xi32, #tpu.memory_space<vmem>> -> memref<128xi32, #tpu.memory_space<vmem>>
      %dma_wait3A_107 = arith.constant 0 : i32
      %dma_wait3A_108 = arith.constant 0 : i32
      %dma_wait3A_109 = tpu.memref_slice %arg2[%dma_wait3A_107, %dma_wait3A_108] : memref<10000x128xf32, #tpu.memory_space<hbm>> -> memref<10000x128xf32, #tpu.memory_space<hbm>>
      tpu.wait_indirect_dma semaphore(%arg16 : memref<!tpu.dma_semaphore, #tpu.memory_space<semaphore_mem>>) src(%dma_wait3A_109 : memref<10000x128xf32, #tpu.memory_space<hbm>>) dst(%arg11 : memref<128x128xf32, #tpu.memory_space<vmem>>)
      %run_scoped3A_110 = arith.constant 2 : i32
      "tpu.region"() ({
        %run_scoped3A_360 = tpu.sem_alloc : memref<!tpu.dma_semaphore, #tpu.memory_space<semaphore_mem>>
        %dma_start3A_361 = arith.constant 0 : i32
        %dma_start3A_362 = tpu.memref_slice %arg9[%run_scoped3A_110, %dma_start3A_361] : memref<8x128xi32, #tpu.memory_space<vmem>> -> memref<1x128xi32, #tpu.memory_space<vmem>>
        %dma_start3A_363 = tpu.memref_squeeze %dma_start3A_362 : memref<1x128xi32, #tpu.memory_space<vmem>> -> memref<128xi32, #tpu.memory_space<vmem>>
        %dma_start3A_364 = arith.constant 0 : i32
        %dma_start3A_365 = arith.constant 0 : i32
        %dma_start3A_366 = tpu.memref_slice %arg13[%dma_start3A_364, %dma_start3A_365] : memref<10240x128xf32, #tpu.memory_space<vmem_shared>> -> memref<10240x128xf32, #tpu.memory_space<vmem_shared>>
        tpu.enqueue_indirect_dma source(%arg11 : memref<128x128xf32, #tpu.memory_space<vmem>>) target(%dma_start3A_366 : memref<10240x128xf32, #tpu.memory_space<vmem_shared>>) offsets(%dma_start3A_363 : memref<128xi32, #tpu.memory_space<vmem>>) semaphore(%run_scoped3A_360 : memref<!tpu.dma_semaphore, #tpu.memory_space<semaphore_mem>>) {add = true}
        %dma_wait3A_367 = arith.constant 0 : i32
        %dma_wait3A_368 = tpu.memref_slice %arg9[%run_scoped3A_110, %dma_wait3A_367] : memref<8x128xi32, #tpu.memory_space<vmem>> -> memref<1x128xi32, #tpu.memory_space<vmem>>
        %dma_wait3A_369 = tpu.memref_squeeze %dma_wait3A_368 : memref<1x128xi32, #tpu.memory_space<vmem>> -> memref<128xi32, #tpu.memory_space<vmem>>
        %dma_wait3A_370 = arith.constant 0 : i32
        %dma_wait3A_371 = arith.constant 0 : i32
        %dma_wait3A_372 = tpu.memref_slice %arg13[%dma_wait3A_370, %dma_wait3A_371] : memref<10240x128xf32, #tpu.memory_space<vmem_shared>> -> memref<10240x128xf32, #tpu.memory_space<vmem_shared>>
        tpu.wait_indirect_dma semaphore(%run_scoped3A_360 : memref<!tpu.dma_semaphore, #tpu.memory_space<semaphore_mem>>) src(%arg11 : memref<128x128xf32, #tpu.memory_space<vmem>>) dst(%dma_wait3A_372 : memref<10240x128xf32, #tpu.memory_space<vmem_shared>>)
        tpu.yield
      }) : () -> ()
      %dma_start3A_111 = arith.constant 4 : i32
      %dma_start3A_112 = arith.constant 0 : i32
      %dma_start3A_113 = tpu.memref_slice %arg7[%dma_start3A_111, %dma_start3A_112] : memref<8x128xi32, #tpu.memory_space<vmem>> -> memref<1x128xi32, #tpu.memory_space<vmem>>
      %dma_start3A_114 = tpu.memref_squeeze %dma_start3A_113 : memref<1x128xi32, #tpu.memory_space<vmem>> -> memref<128xi32, #tpu.memory_space<vmem>>
      %dma_start3A_115 = arith.constant 0 : i32
      %dma_start3A_116 = arith.constant 0 : i32
      %dma_start3A_117 = tpu.memref_slice %arg2[%dma_start3A_115, %dma_start3A_116] : memref<10000x128xf32, #tpu.memory_space<hbm>> -> memref<10000x128xf32, #tpu.memory_space<hbm>>
      tpu.enqueue_indirect_dma source(%dma_start3A_117 : memref<10000x128xf32, #tpu.memory_space<hbm>>) target(%arg11 : memref<128x128xf32, #tpu.memory_space<vmem>>) offsets(%dma_start3A_114 : memref<128xi32, #tpu.memory_space<vmem>>) semaphore(%arg16 : memref<!tpu.dma_semaphore, #tpu.memory_space<semaphore_mem>>)
      %dma_wait3A_118 = arith.constant 3 : i32
      %dma_wait3A_119 = arith.constant 0 : i32
      %dma_wait3A_120 = tpu.memref_slice %arg7[%dma_wait3A_118, %dma_wait3A_119] : memref<8x128xi32, #tpu.memory_space<vmem>> -> memref<1x128xi32, #tpu.memory_space<vmem>>
      %dma_wait3A_121 = tpu.memref_squeeze %dma_wait3A_120 : memref<1x128xi32, #tpu.memory_space<vmem>> -> memref<128xi32, #tpu.memory_space<vmem>>
      %dma_wait3A_122 = arith.constant 0 : i32
      %dma_wait3A_123 = arith.constant 0 : i32
      %dma_wait3A_124 = tpu.memref_slice %arg2[%dma_wait3A_122, %dma_wait3A_123] : memref<10000x128xf32, #tpu.memory_space<hbm>> -> memref<10000x128xf32, #tpu.memory_space<hbm>>
      tpu.wait_indirect_dma semaphore(%arg17 : memref<!tpu.dma_semaphore, #tpu.memory_space<semaphore_mem>>) src(%dma_wait3A_124 : memref<10000x128xf32, #tpu.memory_space<hbm>>) dst(%arg12 : memref<128x128xf32, #tpu.memory_space<vmem>>)
      %run_scoped3A_125 = arith.constant 3 : i32
      "tpu.region"() ({
        %run_scoped3A_360 = tpu.sem_alloc : memref<!tpu.dma_semaphore, #tpu.memory_space<semaphore_mem>>
        %dma_start3A_361 = arith.constant 0 : i32
        %dma_start3A_362 = tpu.memref_slice %arg9[%run_scoped3A_125, %dma_start3A_361] : memref<8x128xi32, #tpu.memory_space<vmem>> -> memref<1x128xi32, #tpu.memory_space<vmem>>
        %dma_start3A_363 = tpu.memref_squeeze %dma_start3A_362 : memref<1x128xi32, #tpu.memory_space<vmem>> -> memref<128xi32, #tpu.memory_space<vmem>>
        %dma_start3A_364 = arith.constant 0 : i32
        %dma_start3A_365 = arith.constant 0 : i32
        %dma_start3A_366 = tpu.memref_slice %arg13[%dma_start3A_364, %dma_start3A_365] : memref<10240x128xf32, #tpu.memory_space<vmem_shared>> -> memref<10240x128xf32, #tpu.memory_space<vmem_shared>>
        tpu.enqueue_indirect_dma source(%arg12 : memref<128x128xf32, #tpu.memory_space<vmem>>) target(%dma_start3A_366 : memref<10240x128xf32, #tpu.memory_space<vmem_shared>>) offsets(%dma_start3A_363 : memref<128xi32, #tpu.memory_space<vmem>>) semaphore(%run_scoped3A_360 : memref<!tpu.dma_semaphore, #tpu.memory_space<semaphore_mem>>) {add = true}
        %dma_wait3A_367 = arith.constant 0 : i32
        %dma_wait3A_368 = tpu.memref_slice %arg9[%run_scoped3A_125, %dma_wait3A_367] : memref<8x128xi32, #tpu.memory_space<vmem>> -> memref<1x128xi32, #tpu.memory_space<vmem>>
        %dma_wait3A_369 = tpu.memref_squeeze %dma_wait3A_368 : memref<1x128xi32, #tpu.memory_space<vmem>> -> memref<128xi32, #tpu.memory_space<vmem>>
        %dma_wait3A_370 = arith.constant 0 : i32
        %dma_wait3A_371 = arith.constant 0 : i32
        %dma_wait3A_372 = tpu.memref_slice %arg13[%dma_wait3A_370, %dma_wait3A_371] : memref<10240x128xf32, #tpu.memory_space<vmem_shared>> -> memref<10240x128xf32, #tpu.memory_space<vmem_shared>>
        tpu.wait_indirect_dma semaphore(%run_scoped3A_360 : memref<!tpu.dma_semaphore, #tpu.memory_space<semaphore_mem>>) src(%arg12 : memref<128x128xf32, #tpu.memory_space<vmem>>) dst(%dma_wait3A_372 : memref<10240x128xf32, #tpu.memory_space<vmem_shared>>)
        tpu.yield
      }) : () -> ()
      %dma_start3A_126 = arith.constant 5 : i32
      %dma_start3A_127 = arith.constant 0 : i32
      %dma_start3A_128 = tpu.memref_slice %arg7[%dma_start3A_126, %dma_start3A_127] : memref<8x128xi32, #tpu.memory_space<vmem>> -> memref<1x128xi32, #tpu.memory_space<vmem>>
      %dma_start3A_129 = tpu.memref_squeeze %dma_start3A_128 : memref<1x128xi32, #tpu.memory_space<vmem>> -> memref<128xi32, #tpu.memory_space<vmem>>
      %dma_start3A_130 = arith.constant 0 : i32
      %dma_start3A_131 = arith.constant 0 : i32
      %dma_start3A_132 = tpu.memref_slice %arg2[%dma_start3A_130, %dma_start3A_131] : memref<10000x128xf32, #tpu.memory_space<hbm>> -> memref<10000x128xf32, #tpu.memory_space<hbm>>
      tpu.enqueue_indirect_dma source(%dma_start3A_132 : memref<10000x128xf32, #tpu.memory_space<hbm>>) target(%arg12 : memref<128x128xf32, #tpu.memory_space<vmem>>) offsets(%dma_start3A_129 : memref<128xi32, #tpu.memory_space<vmem>>) semaphore(%arg17 : memref<!tpu.dma_semaphore, #tpu.memory_space<semaphore_mem>>)
      %dma_wait3A_133 = arith.constant 4 : i32
      %dma_wait3A_134 = arith.constant 0 : i32
      %dma_wait3A_135 = tpu.memref_slice %arg7[%dma_wait3A_133, %dma_wait3A_134] : memref<8x128xi32, #tpu.memory_space<vmem>> -> memref<1x128xi32, #tpu.memory_space<vmem>>
      %dma_wait3A_136 = tpu.memref_squeeze %dma_wait3A_135 : memref<1x128xi32, #tpu.memory_space<vmem>> -> memref<128xi32, #tpu.memory_space<vmem>>
      %dma_wait3A_137 = arith.constant 0 : i32
      %dma_wait3A_138 = arith.constant 0 : i32
      %dma_wait3A_139 = tpu.memref_slice %arg2[%dma_wait3A_137, %dma_wait3A_138] : memref<10000x128xf32, #tpu.memory_space<hbm>> -> memref<10000x128xf32, #tpu.memory_space<hbm>>
      tpu.wait_indirect_dma semaphore(%arg16 : memref<!tpu.dma_semaphore, #tpu.memory_space<semaphore_mem>>) src(%dma_wait3A_139 : memref<10000x128xf32, #tpu.memory_space<hbm>>) dst(%arg11 : memref<128x128xf32, #tpu.memory_space<vmem>>)
      %run_scoped3A_140 = arith.constant 4 : i32
      "tpu.region"() ({
        %run_scoped3A_360 = tpu.sem_alloc : memref<!tpu.dma_semaphore, #tpu.memory_space<semaphore_mem>>
        %dma_start3A_361 = arith.constant 0 : i32
        %dma_start3A_362 = tpu.memref_slice %arg9[%run_scoped3A_140, %dma_start3A_361] : memref<8x128xi32, #tpu.memory_space<vmem>> -> memref<1x128xi32, #tpu.memory_space<vmem>>
        %dma_start3A_363 = tpu.memref_squeeze %dma_start3A_362 : memref<1x128xi32, #tpu.memory_space<vmem>> -> memref<128xi32, #tpu.memory_space<vmem>>
        %dma_start3A_364 = arith.constant 0 : i32
        %dma_start3A_365 = arith.constant 0 : i32
        %dma_start3A_366 = tpu.memref_slice %arg13[%dma_start3A_364, %dma_start3A_365] : memref<10240x128xf32, #tpu.memory_space<vmem_shared>> -> memref<10240x128xf32, #tpu.memory_space<vmem_shared>>
        tpu.enqueue_indirect_dma source(%arg11 : memref<128x128xf32, #tpu.memory_space<vmem>>) target(%dma_start3A_366 : memref<10240x128xf32, #tpu.memory_space<vmem_shared>>) offsets(%dma_start3A_363 : memref<128xi32, #tpu.memory_space<vmem>>) semaphore(%run_scoped3A_360 : memref<!tpu.dma_semaphore, #tpu.memory_space<semaphore_mem>>) {add = true}
        %dma_wait3A_367 = arith.constant 0 : i32
        %dma_wait3A_368 = tpu.memref_slice %arg9[%run_scoped3A_140, %dma_wait3A_367] : memref<8x128xi32, #tpu.memory_space<vmem>> -> memref<1x128xi32, #tpu.memory_space<vmem>>
        %dma_wait3A_369 = tpu.memref_squeeze %dma_wait3A_368 : memref<1x128xi32, #tpu.memory_space<vmem>> -> memref<128xi32, #tpu.memory_space<vmem>>
        %dma_wait3A_370 = arith.constant 0 : i32
        %dma_wait3A_371 = arith.constant 0 : i32
        %dma_wait3A_372 = tpu.memref_slice %arg13[%dma_wait3A_370, %dma_wait3A_371] : memref<10240x128xf32, #tpu.memory_space<vmem_shared>> -> memref<10240x128xf32, #tpu.memory_space<vmem_shared>>
        tpu.wait_indirect_dma semaphore(%run_scoped3A_360 : memref<!tpu.dma_semaphore, #tpu.memory_space<semaphore_mem>>) src(%arg11 : memref<128x128xf32, #tpu.memory_space<vmem>>) dst(%dma_wait3A_372 : memref<10240x128xf32, #tpu.memory_space<vmem_shared>>)
        tpu.yield
      }) : () -> ()
      %dma_start3A_141 = arith.constant 6 : i32
      %dma_start3A_142 = arith.constant 0 : i32
      %dma_start3A_143 = tpu.memref_slice %arg7[%dma_start3A_141, %dma_start3A_142] : memref<8x128xi32, #tpu.memory_space<vmem>> -> memref<1x128xi32, #tpu.memory_space<vmem>>
      %dma_start3A_144 = tpu.memref_squeeze %dma_start3A_143 : memref<1x128xi32, #tpu.memory_space<vmem>> -> memref<128xi32, #tpu.memory_space<vmem>>
      %dma_start3A_145 = arith.constant 0 : i32
      %dma_start3A_146 = arith.constant 0 : i32
      %dma_start3A_147 = tpu.memref_slice %arg2[%dma_start3A_145, %dma_start3A_146] : memref<10000x128xf32, #tpu.memory_space<hbm>> -> memref<10000x128xf32, #tpu.memory_space<hbm>>
      tpu.enqueue_indirect_dma source(%dma_start3A_147 : memref<10000x128xf32, #tpu.memory_space<hbm>>) target(%arg11 : memref<128x128xf32, #tpu.memory_space<vmem>>) offsets(%dma_start3A_144 : memref<128xi32, #tpu.memory_space<vmem>>) semaphore(%arg16 : memref<!tpu.dma_semaphore, #tpu.memory_space<semaphore_mem>>)
      %dma_wait3A_148 = arith.constant 5 : i32
      %dma_wait3A_149 = arith.constant 0 : i32
      %dma_wait3A_150 = tpu.memref_slice %arg7[%dma_wait3A_148, %dma_wait3A_149] : memref<8x128xi32, #tpu.memory_space<vmem>> -> memref<1x128xi32, #tpu.memory_space<vmem>>
      %dma_wait3A_151 = tpu.memref_squeeze %dma_wait3A_150 : memref<1x128xi32, #tpu.memory_space<vmem>> -> memref<128xi32, #tpu.memory_space<vmem>>
      %dma_wait3A_152 = arith.constant 0 : i32
      %dma_wait3A_153 = arith.constant 0 : i32
      %dma_wait3A_154 = tpu.memref_slice %arg2[%dma_wait3A_152, %dma_wait3A_153] : memref<10000x128xf32, #tpu.memory_space<hbm>> -> memref<10000x128xf32, #tpu.memory_space<hbm>>
      tpu.wait_indirect_dma semaphore(%arg17 : memref<!tpu.dma_semaphore, #tpu.memory_space<semaphore_mem>>) src(%dma_wait3A_154 : memref<10000x128xf32, #tpu.memory_space<hbm>>) dst(%arg12 : memref<128x128xf32, #tpu.memory_space<vmem>>)
      %run_scoped3A_155 = arith.constant 5 : i32
      "tpu.region"() ({
        %run_scoped3A_360 = tpu.sem_alloc : memref<!tpu.dma_semaphore, #tpu.memory_space<semaphore_mem>>
        %dma_start3A_361 = arith.constant 0 : i32
        %dma_start3A_362 = tpu.memref_slice %arg9[%run_scoped3A_155, %dma_start3A_361] : memref<8x128xi32, #tpu.memory_space<vmem>> -> memref<1x128xi32, #tpu.memory_space<vmem>>
        %dma_start3A_363 = tpu.memref_squeeze %dma_start3A_362 : memref<1x128xi32, #tpu.memory_space<vmem>> -> memref<128xi32, #tpu.memory_space<vmem>>
        %dma_start3A_364 = arith.constant 0 : i32
        %dma_start3A_365 = arith.constant 0 : i32
        %dma_start3A_366 = tpu.memref_slice %arg13[%dma_start3A_364, %dma_start3A_365] : memref<10240x128xf32, #tpu.memory_space<vmem_shared>> -> memref<10240x128xf32, #tpu.memory_space<vmem_shared>>
        tpu.enqueue_indirect_dma source(%arg12 : memref<128x128xf32, #tpu.memory_space<vmem>>) target(%dma_start3A_366 : memref<10240x128xf32, #tpu.memory_space<vmem_shared>>) offsets(%dma_start3A_363 : memref<128xi32, #tpu.memory_space<vmem>>) semaphore(%run_scoped3A_360 : memref<!tpu.dma_semaphore, #tpu.memory_space<semaphore_mem>>) {add = true}
        %dma_wait3A_367 = arith.constant 0 : i32
        %dma_wait3A_368 = tpu.memref_slice %arg9[%run_scoped3A_155, %dma_wait3A_367] : memref<8x128xi32, #tpu.memory_space<vmem>> -> memref<1x128xi32, #tpu.memory_space<vmem>>
        %dma_wait3A_369 = tpu.memref_squeeze %dma_wait3A_368 : memref<1x128xi32, #tpu.memory_space<vmem>> -> memref<128xi32, #tpu.memory_space<vmem>>
        %dma_wait3A_370 = arith.constant 0 : i32
        %dma_wait3A_371 = arith.constant 0 : i32
        %dma_wait3A_372 = tpu.memref_slice %arg13[%dma_wait3A_370, %dma_wait3A_371] : memref<10240x128xf32, #tpu.memory_space<vmem_shared>> -> memref<10240x128xf32, #tpu.memory_space<vmem_shared>>
        tpu.wait_indirect_dma semaphore(%run_scoped3A_360 : memref<!tpu.dma_semaphore, #tpu.memory_space<semaphore_mem>>) src(%arg12 : memref<128x128xf32, #tpu.memory_space<vmem>>) dst(%dma_wait3A_372 : memref<10240x128xf32, #tpu.memory_space<vmem_shared>>)
        tpu.yield
      }) : () -> ()
      %dma_start3A_156 = arith.constant 7 : i32
      %dma_start3A_157 = arith.constant 0 : i32
      %dma_start3A_158 = tpu.memref_slice %arg7[%dma_start3A_156, %dma_start3A_157] : memref<8x128xi32, #tpu.memory_space<vmem>> -> memref<1x128xi32, #tpu.memory_space<vmem>>
      %dma_start3A_159 = tpu.memref_squeeze %dma_start3A_158 : memref<1x128xi32, #tpu.memory_space<vmem>> -> memref<128xi32, #tpu.memory_space<vmem>>
      %dma_start3A_160 = arith.constant 0 : i32
      %dma_start3A_161 = arith.constant 0 : i32
      %dma_start3A_162 = tpu.memref_slice %arg2[%dma_start3A_160, %dma_start3A_161] : memref<10000x128xf32, #tpu.memory_space<hbm>> -> memref<10000x128xf32, #tpu.memory_space<hbm>>
      tpu.enqueue_indirect_dma source(%dma_start3A_162 : memref<10000x128xf32, #tpu.memory_space<hbm>>) target(%arg12 : memref<128x128xf32, #tpu.memory_space<vmem>>) offsets(%dma_start3A_159 : memref<128xi32, #tpu.memory_space<vmem>>) semaphore(%arg17 : memref<!tpu.dma_semaphore, #tpu.memory_space<semaphore_mem>>)
      %dma_wait3A_163 = arith.constant 6 : i32
      %dma_wait3A_164 = arith.constant 0 : i32
      %dma_wait3A_165 = tpu.memref_slice %arg7[%dma_wait3A_163, %dma_wait3A_164] : memref<8x128xi32, #tpu.memory_space<vmem>> -> memref<1x128xi32, #tpu.memory_space<vmem>>
      %dma_wait3A_166 = tpu.memref_squeeze %dma_wait3A_165 : memref<1x128xi32, #tpu.memory_space<vmem>> -> memref<128xi32, #tpu.memory_space<vmem>>
      %dma_wait3A_167 = arith.constant 0 : i32
      %dma_wait3A_168 = arith.constant 0 : i32
      %dma_wait3A_169 = tpu.memref_slice %arg2[%dma_wait3A_167, %dma_wait3A_168] : memref<10000x128xf32, #tpu.memory_space<hbm>> -> memref<10000x128xf32, #tpu.memory_space<hbm>>
      tpu.wait_indirect_dma semaphore(%arg16 : memref<!tpu.dma_semaphore, #tpu.memory_space<semaphore_mem>>) src(%dma_wait3A_169 : memref<10000x128xf32, #tpu.memory_space<hbm>>) dst(%arg11 : memref<128x128xf32, #tpu.memory_space<vmem>>)
      %run_scoped3A_170 = arith.constant 6 : i32
      "tpu.region"() ({
        %run_scoped3A_360 = tpu.sem_alloc : memref<!tpu.dma_semaphore, #tpu.memory_space<semaphore_mem>>
        %dma_start3A_361 = arith.constant 0 : i32
        %dma_start3A_362 = tpu.memref_slice %arg9[%run_scoped3A_170, %dma_start3A_361] : memref<8x128xi32, #tpu.memory_space<vmem>> -> memref<1x128xi32, #tpu.memory_space<vmem>>
        %dma_start3A_363 = tpu.memref_squeeze %dma_start3A_362 : memref<1x128xi32, #tpu.memory_space<vmem>> -> memref<128xi32, #tpu.memory_space<vmem>>
        %dma_start3A_364 = arith.constant 0 : i32
        %dma_start3A_365 = arith.constant 0 : i32
        %dma_start3A_366 = tpu.memref_slice %arg13[%dma_start3A_364, %dma_start3A_365] : memref<10240x128xf32, #tpu.memory_space<vmem_shared>> -> memref<10240x128xf32, #tpu.memory_space<vmem_shared>>
        tpu.enqueue_indirect_dma source(%arg11 : memref<128x128xf32, #tpu.memory_space<vmem>>) target(%dma_start3A_366 : memref<10240x128xf32, #tpu.memory_space<vmem_shared>>) offsets(%dma_start3A_363 : memref<128xi32, #tpu.memory_space<vmem>>) semaphore(%run_scoped3A_360 : memref<!tpu.dma_semaphore, #tpu.memory_space<semaphore_mem>>) {add = true}
        %dma_wait3A_367 = arith.constant 0 : i32
        %dma_wait3A_368 = tpu.memref_slice %arg9[%run_scoped3A_170, %dma_wait3A_367] : memref<8x128xi32, #tpu.memory_space<vmem>> -> memref<1x128xi32, #tpu.memory_space<vmem>>
        %dma_wait3A_369 = tpu.memref_squeeze %dma_wait3A_368 : memref<1x128xi32, #tpu.memory_space<vmem>> -> memref<128xi32, #tpu.memory_space<vmem>>
        %dma_wait3A_370 = arith.constant 0 : i32
        %dma_wait3A_371 = arith.constant 0 : i32
        %dma_wait3A_372 = tpu.memref_slice %arg13[%dma_wait3A_370, %dma_wait3A_371] : memref<10240x128xf32, #tpu.memory_space<vmem_shared>> -> memref<10240x128xf32, #tpu.memory_space<vmem_shared>>
        tpu.wait_indirect_dma semaphore(%run_scoped3A_360 : memref<!tpu.dma_semaphore, #tpu.memory_space<semaphore_mem>>) src(%arg11 : memref<128x128xf32, #tpu.memory_space<vmem>>) dst(%dma_wait3A_372 : memref<10240x128xf32, #tpu.memory_space<vmem_shared>>)
        tpu.yield
      }) : () -> ()
      %add3A_171 = arith.constant 1 : i32
      %add3A_172 = arith.addi %add3A_66, %add3A_171 : i32
      %mul3A_173 = arith.constant 8 : i32
      %mul3A_174 = arith.muli %add3A_172, %mul3A_173 : i32
      %add3A_175 = arith.addi %mul3A_2, %mul3A_174 : i32
      %dma_wait3A_176 = arith.constant 0 : i32
      %dma_wait3A_177 = tpu.memref_slice %arg3[%add3A_175, %dma_wait3A_176] : memref<2576x128xi32, #tpu.memory_space<hbm>> -> memref<8x128xi32, #tpu.memory_space<hbm>>
      %dma_wait3A_178 = arith.constant 0 : i32
      %dma_wait3A_179 = tpu.memref_slice %arg3[%add3A_175, %dma_wait3A_178] : memref<2576x128xi32, #tpu.memory_space<hbm>> -> memref<8x128xi32, #tpu.memory_space<hbm>>
      tpu.wait_dma2 semaphore(%arg15 : memref<!tpu.dma_semaphore, #tpu.memory_space<semaphore_mem>>) src(%dma_wait3A_179 : memref<8x128xi32, #tpu.memory_space<hbm>>) dst(%arg8 : memref<8x128xi32, #tpu.memory_space<vmem>>)
      %dma_wait3A_180 = arith.constant 0 : i32
      %dma_wait3A_181 = tpu.memref_slice %arg4[%add3A_175, %dma_wait3A_180] : memref<2576x128xi32, #tpu.memory_space<hbm>> -> memref<8x128xi32, #tpu.memory_space<hbm>>
      %dma_wait3A_182 = arith.constant 0 : i32
      %dma_wait3A_183 = tpu.memref_slice %arg4[%add3A_175, %dma_wait3A_182] : memref<2576x128xi32, #tpu.memory_space<hbm>> -> memref<8x128xi32, #tpu.memory_space<hbm>>
      tpu.wait_dma2 semaphore(%arg15 : memref<!tpu.dma_semaphore, #tpu.memory_space<semaphore_mem>>) src(%dma_wait3A_183 : memref<8x128xi32, #tpu.memory_space<hbm>>) dst(%arg10 : memref<8x128xi32, #tpu.memory_space<vmem>>)
      %dma_start3A_184 = arith.constant 0 : i32
      %dma_start3A_185 = arith.constant 0 : i32
      %dma_start3A_186 = tpu.memref_slice %arg8[%dma_start3A_184, %dma_start3A_185] : memref<8x128xi32, #tpu.memory_space<vmem>> -> memref<1x128xi32, #tpu.memory_space<vmem>>
      %dma_start3A_187 = tpu.memref_squeeze %dma_start3A_186 : memref<1x128xi32, #tpu.memory_space<vmem>> -> memref<128xi32, #tpu.memory_space<vmem>>
      %dma_start3A_188 = arith.constant 0 : i32
      %dma_start3A_189 = arith.constant 0 : i32
      %dma_start3A_190 = tpu.memref_slice %arg2[%dma_start3A_188, %dma_start3A_189] : memref<10000x128xf32, #tpu.memory_space<hbm>> -> memref<10000x128xf32, #tpu.memory_space<hbm>>
      tpu.enqueue_indirect_dma source(%dma_start3A_190 : memref<10000x128xf32, #tpu.memory_space<hbm>>) target(%arg11 : memref<128x128xf32, #tpu.memory_space<vmem>>) offsets(%dma_start3A_187 : memref<128xi32, #tpu.memory_space<vmem>>) semaphore(%arg16 : memref<!tpu.dma_semaphore, #tpu.memory_space<semaphore_mem>>)
      %dma_wait3A_191 = arith.constant 7 : i32
      %dma_wait3A_192 = arith.constant 0 : i32
      %dma_wait3A_193 = tpu.memref_slice %arg7[%dma_wait3A_191, %dma_wait3A_192] : memref<8x128xi32, #tpu.memory_space<vmem>> -> memref<1x128xi32, #tpu.memory_space<vmem>>
      %dma_wait3A_194 = tpu.memref_squeeze %dma_wait3A_193 : memref<1x128xi32, #tpu.memory_space<vmem>> -> memref<128xi32, #tpu.memory_space<vmem>>
      %dma_wait3A_195 = arith.constant 0 : i32
      %dma_wait3A_196 = arith.constant 0 : i32
      %dma_wait3A_197 = tpu.memref_slice %arg2[%dma_wait3A_195, %dma_wait3A_196] : memref<10000x128xf32, #tpu.memory_space<hbm>> -> memref<10000x128xf32, #tpu.memory_space<hbm>>
      tpu.wait_indirect_dma semaphore(%arg17 : memref<!tpu.dma_semaphore, #tpu.memory_space<semaphore_mem>>) src(%dma_wait3A_197 : memref<10000x128xf32, #tpu.memory_space<hbm>>) dst(%arg12 : memref<128x128xf32, #tpu.memory_space<vmem>>)
      %add3A_198 = arith.constant 2 : i32
      %add3A_199 = arith.addi %add3A_66, %add3A_198 : i32
      %mul3A_200 = arith.constant 8 : i32
      %mul3A_201 = arith.muli %add3A_199, %mul3A_200 : i32
      %add3A_202 = arith.addi %mul3A_2, %mul3A_201 : i32
      %dma_start3A_203 = arith.constant 0 : i32
      %dma_start3A_204 = tpu.memref_slice %arg3[%add3A_202, %dma_start3A_203] : memref<2576x128xi32, #tpu.memory_space<hbm>> -> memref<8x128xi32, #tpu.memory_space<hbm>>
      %dma_start3A_205 = arith.constant 0 : i32
      %dma_start3A_206 = tpu.memref_slice %arg3[%add3A_202, %dma_start3A_205] : memref<2576x128xi32, #tpu.memory_space<hbm>> -> memref<8x128xi32, #tpu.memory_space<hbm>>
      tpu.enqueue_dma source(%dma_start3A_206 : memref<8x128xi32, #tpu.memory_space<hbm>>) target(%arg7 : memref<8x128xi32, #tpu.memory_space<vmem>>) target_semaphore(%arg14 : memref<!tpu.dma_semaphore, #tpu.memory_space<semaphore_mem>>)
      %dma_start3A_207 = arith.constant 0 : i32
      %dma_start3A_208 = tpu.memref_slice %arg4[%add3A_202, %dma_start3A_207] : memref<2576x128xi32, #tpu.memory_space<hbm>> -> memref<8x128xi32, #tpu.memory_space<hbm>>
      %dma_start3A_209 = arith.constant 0 : i32
      %dma_start3A_210 = tpu.memref_slice %arg4[%add3A_202, %dma_start3A_209] : memref<2576x128xi32, #tpu.memory_space<hbm>> -> memref<8x128xi32, #tpu.memory_space<hbm>>
      tpu.enqueue_dma source(%dma_start3A_210 : memref<8x128xi32, #tpu.memory_space<hbm>>) target(%arg9 : memref<8x128xi32, #tpu.memory_space<vmem>>) target_semaphore(%arg14 : memref<!tpu.dma_semaphore, #tpu.memory_space<semaphore_mem>>)
      %run_scoped3A_211 = arith.constant 7 : i32
      "tpu.region"() ({
        %run_scoped3A_360 = tpu.sem_alloc : memref<!tpu.dma_semaphore, #tpu.memory_space<semaphore_mem>>
        %dma_start3A_361 = arith.constant 0 : i32
        %dma_start3A_362 = tpu.memref_slice %arg9[%run_scoped3A_211, %dma_start3A_361] : memref<8x128xi32, #tpu.memory_space<vmem>> -> memref<1x128xi32, #tpu.memory_space<vmem>>
        %dma_start3A_363 = tpu.memref_squeeze %dma_start3A_362 : memref<1x128xi32, #tpu.memory_space<vmem>> -> memref<128xi32, #tpu.memory_space<vmem>>
        %dma_start3A_364 = arith.constant 0 : i32
        %dma_start3A_365 = arith.constant 0 : i32
        %dma_start3A_366 = tpu.memref_slice %arg13[%dma_start3A_364, %dma_start3A_365] : memref<10240x128xf32, #tpu.memory_space<vmem_shared>> -> memref<10240x128xf32, #tpu.memory_space<vmem_shared>>
        tpu.enqueue_indirect_dma source(%arg12 : memref<128x128xf32, #tpu.memory_space<vmem>>) target(%dma_start3A_366 : memref<10240x128xf32, #tpu.memory_space<vmem_shared>>) offsets(%dma_start3A_363 : memref<128xi32, #tpu.memory_space<vmem>>) semaphore(%run_scoped3A_360 : memref<!tpu.dma_semaphore, #tpu.memory_space<semaphore_mem>>) {add = true}
        %dma_wait3A_367 = arith.constant 0 : i32
        %dma_wait3A_368 = tpu.memref_slice %arg9[%run_scoped3A_211, %dma_wait3A_367] : memref<8x128xi32, #tpu.memory_space<vmem>> -> memref<1x128xi32, #tpu.memory_space<vmem>>
        %dma_wait3A_369 = tpu.memref_squeeze %dma_wait3A_368 : memref<1x128xi32, #tpu.memory_space<vmem>> -> memref<128xi32, #tpu.memory_space<vmem>>
        %dma_wait3A_370 = arith.constant 0 : i32
        %dma_wait3A_371 = arith.constant 0 : i32
        %dma_wait3A_372 = tpu.memref_slice %arg13[%dma_wait3A_370, %dma_wait3A_371] : memref<10240x128xf32, #tpu.memory_space<vmem_shared>> -> memref<10240x128xf32, #tpu.memory_space<vmem_shared>>
        tpu.wait_indirect_dma semaphore(%run_scoped3A_360 : memref<!tpu.dma_semaphore, #tpu.memory_space<semaphore_mem>>) src(%arg12 : memref<128x128xf32, #tpu.memory_space<vmem>>) dst(%dma_wait3A_372 : memref<10240x128xf32, #tpu.memory_space<vmem_shared>>)
        tpu.yield
      }) : () -> ()
      %add3A_212 = arith.constant 1 : i32
      %add3A_213 = arith.addi %add3A_66, %add3A_212 : i32
      %dma_start3A_214 = arith.constant 1 : i32
      %dma_start3A_215 = arith.constant 0 : i32
      %dma_start3A_216 = tpu.memref_slice %arg8[%dma_start3A_214, %dma_start3A_215] : memref<8x128xi32, #tpu.memory_space<vmem>> -> memref<1x128xi32, #tpu.memory_space<vmem>>
      %dma_start3A_217 = tpu.memref_squeeze %dma_start3A_216 : memref<1x128xi32, #tpu.memory_space<vmem>> -> memref<128xi32, #tpu.memory_space<vmem>>
      %dma_start3A_218 = arith.constant 0 : i32
      %dma_start3A_219 = arith.constant 0 : i32
      %dma_start3A_220 = tpu.memref_slice %arg2[%dma_start3A_218, %dma_start3A_219] : memref<10000x128xf32, #tpu.memory_space<hbm>> -> memref<10000x128xf32, #tpu.memory_space<hbm>>
      tpu.enqueue_indirect_dma source(%dma_start3A_220 : memref<10000x128xf32, #tpu.memory_space<hbm>>) target(%arg12 : memref<128x128xf32, #tpu.memory_space<vmem>>) offsets(%dma_start3A_217 : memref<128xi32, #tpu.memory_space<vmem>>) semaphore(%arg17 : memref<!tpu.dma_semaphore, #tpu.memory_space<semaphore_mem>>)
      %dma_wait3A_221 = arith.constant 0 : i32
      %dma_wait3A_222 = arith.constant 0 : i32
      %dma_wait3A_223 = tpu.memref_slice %arg8[%dma_wait3A_221, %dma_wait3A_222] : memref<8x128xi32, #tpu.memory_space<vmem>> -> memref<1x128xi32, #tpu.memory_space<vmem>>
      %dma_wait3A_224 = tpu.memref_squeeze %dma_wait3A_223 : memref<1x128xi32, #tpu.memory_space<vmem>> -> memref<128xi32, #tpu.memory_space<vmem>>
      %dma_wait3A_225 = arith.constant 0 : i32
      %dma_wait3A_226 = arith.constant 0 : i32
      %dma_wait3A_227 = tpu.memref_slice %arg2[%dma_wait3A_225, %dma_wait3A_226] : memref<10000x128xf32, #tpu.memory_space<hbm>> -> memref<10000x128xf32, #tpu.memory_space<hbm>>
      tpu.wait_indirect_dma semaphore(%arg16 : memref<!tpu.dma_semaphore, #tpu.memory_space<semaphore_mem>>) src(%dma_wait3A_227 : memref<10000x128xf32, #tpu.memory_space<hbm>>) dst(%arg11 : memref<128x128xf32, #tpu.memory_space<vmem>>)
      %run_scoped3A_228 = arith.constant 0 : i32
      "tpu.region"() ({
        %run_scoped3A_360 = tpu.sem_alloc : memref<!tpu.dma_semaphore, #tpu.memory_space<semaphore_mem>>
        %dma_start3A_361 = arith.constant 0 : i32
        %dma_start3A_362 = tpu.memref_slice %arg10[%run_scoped3A_228, %dma_start3A_361] : memref<8x128xi32, #tpu.memory_space<vmem>> -> memref<1x128xi32, #tpu.memory_space<vmem>>
        %dma_start3A_363 = tpu.memref_squeeze %dma_start3A_362 : memref<1x128xi32, #tpu.memory_space<vmem>> -> memref<128xi32, #tpu.memory_space<vmem>>
        %dma_start3A_364 = arith.constant 0 : i32
        %dma_start3A_365 = arith.constant 0 : i32
        %dma_start3A_366 = tpu.memref_slice %arg13[%dma_start3A_364, %dma_start3A_365] : memref<10240x128xf32, #tpu.memory_space<vmem_shared>> -> memref<10240x128xf32, #tpu.memory_space<vmem_shared>>
        tpu.enqueue_indirect_dma source(%arg11 : memref<128x128xf32, #tpu.memory_space<vmem>>) target(%dma_start3A_366 : memref<10240x128xf32, #tpu.memory_space<vmem_shared>>) offsets(%dma_start3A_363 : memref<128xi32, #tpu.memory_space<vmem>>) semaphore(%run_scoped3A_360 : memref<!tpu.dma_semaphore, #tpu.memory_space<semaphore_mem>>) {add = true}
        %dma_wait3A_367 = arith.constant 0 : i32
        %dma_wait3A_368 = tpu.memref_slice %arg10[%run_scoped3A_228, %dma_wait3A_367] : memref<8x128xi32, #tpu.memory_space<vmem>> -> memref<1x128xi32, #tpu.memory_space<vmem>>
        %dma_wait3A_369 = tpu.memref_squeeze %dma_wait3A_368 : memref<1x128xi32, #tpu.memory_space<vmem>> -> memref<128xi32, #tpu.memory_space<vmem>>
        %dma_wait3A_370 = arith.constant 0 : i32
        %dma_wait3A_371 = arith.constant 0 : i32
        %dma_wait3A_372 = tpu.memref_slice %arg13[%dma_wait3A_370, %dma_wait3A_371] : memref<10240x128xf32, #tpu.memory_space<vmem_shared>> -> memref<10240x128xf32, #tpu.memory_space<vmem_shared>>
        tpu.wait_indirect_dma semaphore(%run_scoped3A_360 : memref<!tpu.dma_semaphore, #tpu.memory_space<semaphore_mem>>) src(%arg11 : memref<128x128xf32, #tpu.memory_space<vmem>>) dst(%dma_wait3A_372 : memref<10240x128xf32, #tpu.memory_space<vmem_shared>>)
        tpu.yield
      }) : () -> ()
      %dma_start3A_229 = arith.constant 2 : i32
      %dma_start3A_230 = arith.constant 0 : i32
      %dma_start3A_231 = tpu.memref_slice %arg8[%dma_start3A_229, %dma_start3A_230] : memref<8x128xi32, #tpu.memory_space<vmem>> -> memref<1x128xi32, #tpu.memory_space<vmem>>
      %dma_start3A_232 = tpu.memref_squeeze %dma_start3A_231 : memref<1x128xi32, #tpu.memory_space<vmem>> -> memref<128xi32, #tpu.memory_space<vmem>>
      %dma_start3A_233 = arith.constant 0 : i32
      %dma_start3A_234 = arith.constant 0 : i32
      %dma_start3A_235 = tpu.memref_slice %arg2[%dma_start3A_233, %dma_start3A_234] : memref<10000x128xf32, #tpu.memory_space<hbm>> -> memref<10000x128xf32, #tpu.memory_space<hbm>>
      tpu.enqueue_indirect_dma source(%dma_start3A_235 : memref<10000x128xf32, #tpu.memory_space<hbm>>) target(%arg11 : memref<128x128xf32, #tpu.memory_space<vmem>>) offsets(%dma_start3A_232 : memref<128xi32, #tpu.memory_space<vmem>>) semaphore(%arg16 : memref<!tpu.dma_semaphore, #tpu.memory_space<semaphore_mem>>)
      %dma_wait3A_236 = arith.constant 1 : i32
      %dma_wait3A_237 = arith.constant 0 : i32
      %dma_wait3A_238 = tpu.memref_slice %arg8[%dma_wait3A_236, %dma_wait3A_237] : memref<8x128xi32, #tpu.memory_space<vmem>> -> memref<1x128xi32, #tpu.memory_space<vmem>>
      %dma_wait3A_239 = tpu.memref_squeeze %dma_wait3A_238 : memref<1x128xi32, #tpu.memory_space<vmem>> -> memref<128xi32, #tpu.memory_space<vmem>>
      %dma_wait3A_240 = arith.constant 0 : i32
      %dma_wait3A_241 = arith.constant 0 : i32
      %dma_wait3A_242 = tpu.memref_slice %arg2[%dma_wait3A_240, %dma_wait3A_241] : memref<10000x128xf32, #tpu.memory_space<hbm>> -> memref<10000x128xf32, #tpu.memory_space<hbm>>
      tpu.wait_indirect_dma semaphore(%arg17 : memref<!tpu.dma_semaphore, #tpu.memory_space<semaphore_mem>>) src(%dma_wait3A_242 : memref<10000x128xf32, #tpu.memory_space<hbm>>) dst(%arg12 : memref<128x128xf32, #tpu.memory_space<vmem>>)
      %run_scoped3A_243 = arith.constant 1 : i32
      "tpu.region"() ({
        %run_scoped3A_360 = tpu.sem_alloc : memref<!tpu.dma_semaphore, #tpu.memory_space<semaphore_mem>>
        %dma_start3A_361 = arith.constant 0 : i32
        %dma_start3A_362 = tpu.memref_slice %arg10[%run_scoped3A_243, %dma_start3A_361] : memref<8x128xi32, #tpu.memory_space<vmem>> -> memref<1x128xi32, #tpu.memory_space<vmem>>
        %dma_start3A_363 = tpu.memref_squeeze %dma_start3A_362 : memref<1x128xi32, #tpu.memory_space<vmem>> -> memref<128xi32, #tpu.memory_space<vmem>>
        %dma_start3A_364 = arith.constant 0 : i32
        %dma_start3A_365 = arith.constant 0 : i32
        %dma_start3A_366 = tpu.memref_slice %arg13[%dma_start3A_364, %dma_start3A_365] : memref<10240x128xf32, #tpu.memory_space<vmem_shared>> -> memref<10240x128xf32, #tpu.memory_space<vmem_shared>>
        tpu.enqueue_indirect_dma source(%arg12 : memref<128x128xf32, #tpu.memory_space<vmem>>) target(%dma_start3A_366 : memref<10240x128xf32, #tpu.memory_space<vmem_shared>>) offsets(%dma_start3A_363 : memref<128xi32, #tpu.memory_space<vmem>>) semaphore(%run_scoped3A_360 : memref<!tpu.dma_semaphore, #tpu.memory_space<semaphore_mem>>) {add = true}
        %dma_wait3A_367 = arith.constant 0 : i32
        %dma_wait3A_368 = tpu.memref_slice %arg10[%run_scoped3A_243, %dma_wait3A_367] : memref<8x128xi32, #tpu.memory_space<vmem>> -> memref<1x128xi32, #tpu.memory_space<vmem>>
        %dma_wait3A_369 = tpu.memref_squeeze %dma_wait3A_368 : memref<1x128xi32, #tpu.memory_space<vmem>> -> memref<128xi32, #tpu.memory_space<vmem>>
        %dma_wait3A_370 = arith.constant 0 : i32
        %dma_wait3A_371 = arith.constant 0 : i32
        %dma_wait3A_372 = tpu.memref_slice %arg13[%dma_wait3A_370, %dma_wait3A_371] : memref<10240x128xf32, #tpu.memory_space<vmem_shared>> -> memref<10240x128xf32, #tpu.memory_space<vmem_shared>>
        tpu.wait_indirect_dma semaphore(%run_scoped3A_360 : memref<!tpu.dma_semaphore, #tpu.memory_space<semaphore_mem>>) src(%arg12 : memref<128x128xf32, #tpu.memory_space<vmem>>) dst(%dma_wait3A_372 : memref<10240x128xf32, #tpu.memory_space<vmem_shared>>)
        tpu.yield
      }) : () -> ()
      %dma_start3A_244 = arith.constant 3 : i32
      %dma_start3A_245 = arith.constant 0 : i32
      %dma_start3A_246 = tpu.memref_slice %arg8[%dma_start3A_244, %dma_start3A_245] : memref<8x128xi32, #tpu.memory_space<vmem>> -> memref<1x128xi32, #tpu.memory_space<vmem>>
      %dma_start3A_247 = tpu.memref_squeeze %dma_start3A_246 : memref<1x128xi32, #tpu.memory_space<vmem>> -> memref<128xi32, #tpu.memory_space<vmem>>
      %dma_start3A_248 = arith.constant 0 : i32
      %dma_start3A_249 = arith.constant 0 : i32
      %dma_start3A_250 = tpu.memref_slice %arg2[%dma_start3A_248, %dma_start3A_249] : memref<10000x128xf32, #tpu.memory_space<hbm>> -> memref<10000x128xf32, #tpu.memory_space<hbm>>
      tpu.enqueue_indirect_dma source(%dma_start3A_250 : memref<10000x128xf32, #tpu.memory_space<hbm>>) target(%arg12 : memref<128x128xf32, #tpu.memory_space<vmem>>) offsets(%dma_start3A_247 : memref<128xi32, #tpu.memory_space<vmem>>) semaphore(%arg17 : memref<!tpu.dma_semaphore, #tpu.memory_space<semaphore_mem>>)
      %dma_wait3A_251 = arith.constant 2 : i32
      %dma_wait3A_252 = arith.constant 0 : i32
      %dma_wait3A_253 = tpu.memref_slice %arg8[%dma_wait3A_251, %dma_wait3A_252] : memref<8x128xi32, #tpu.memory_space<vmem>> -> memref<1x128xi32, #tpu.memory_space<vmem>>
      %dma_wait3A_254 = tpu.memref_squeeze %dma_wait3A_253 : memref<1x128xi32, #tpu.memory_space<vmem>> -> memref<128xi32, #tpu.memory_space<vmem>>
      %dma_wait3A_255 = arith.constant 0 : i32
      %dma_wait3A_256 = arith.constant 0 : i32
      %dma_wait3A_257 = tpu.memref_slice %arg2[%dma_wait3A_255, %dma_wait3A_256] : memref<10000x128xf32, #tpu.memory_space<hbm>> -> memref<10000x128xf32, #tpu.memory_space<hbm>>
      tpu.wait_indirect_dma semaphore(%arg16 : memref<!tpu.dma_semaphore, #tpu.memory_space<semaphore_mem>>) src(%dma_wait3A_257 : memref<10000x128xf32, #tpu.memory_space<hbm>>) dst(%arg11 : memref<128x128xf32, #tpu.memory_space<vmem>>)
      %run_scoped3A_258 = arith.constant 2 : i32
      "tpu.region"() ({
        %run_scoped3A_360 = tpu.sem_alloc : memref<!tpu.dma_semaphore, #tpu.memory_space<semaphore_mem>>
        %dma_start3A_361 = arith.constant 0 : i32
        %dma_start3A_362 = tpu.memref_slice %arg10[%run_scoped3A_258, %dma_start3A_361] : memref<8x128xi32, #tpu.memory_space<vmem>> -> memref<1x128xi32, #tpu.memory_space<vmem>>
        %dma_start3A_363 = tpu.memref_squeeze %dma_start3A_362 : memref<1x128xi32, #tpu.memory_space<vmem>> -> memref<128xi32, #tpu.memory_space<vmem>>
        %dma_start3A_364 = arith.constant 0 : i32
        %dma_start3A_365 = arith.constant 0 : i32
        %dma_start3A_366 = tpu.memref_slice %arg13[%dma_start3A_364, %dma_start3A_365] : memref<10240x128xf32, #tpu.memory_space<vmem_shared>> -> memref<10240x128xf32, #tpu.memory_space<vmem_shared>>
        tpu.enqueue_indirect_dma source(%arg11 : memref<128x128xf32, #tpu.memory_space<vmem>>) target(%dma_start3A_366 : memref<10240x128xf32, #tpu.memory_space<vmem_shared>>) offsets(%dma_start3A_363 : memref<128xi32, #tpu.memory_space<vmem>>) semaphore(%run_scoped3A_360 : memref<!tpu.dma_semaphore, #tpu.memory_space<semaphore_mem>>) {add = true}
        %dma_wait3A_367 = arith.constant 0 : i32
        %dma_wait3A_368 = tpu.memref_slice %arg10[%run_scoped3A_258, %dma_wait3A_367] : memref<8x128xi32, #tpu.memory_space<vmem>> -> memref<1x128xi32, #tpu.memory_space<vmem>>
        %dma_wait3A_369 = tpu.memref_squeeze %dma_wait3A_368 : memref<1x128xi32, #tpu.memory_space<vmem>> -> memref<128xi32, #tpu.memory_space<vmem>>
        %dma_wait3A_370 = arith.constant 0 : i32
        %dma_wait3A_371 = arith.constant 0 : i32
        %dma_wait3A_372 = tpu.memref_slice %arg13[%dma_wait3A_370, %dma_wait3A_371] : memref<10240x128xf32, #tpu.memory_space<vmem_shared>> -> memref<10240x128xf32, #tpu.memory_space<vmem_shared>>
        tpu.wait_indirect_dma semaphore(%run_scoped3A_360 : memref<!tpu.dma_semaphore, #tpu.memory_space<semaphore_mem>>) src(%arg11 : memref<128x128xf32, #tpu.memory_space<vmem>>) dst(%dma_wait3A_372 : memref<10240x128xf32, #tpu.memory_space<vmem_shared>>)
        tpu.yield
      }) : () -> ()
      %dma_start3A_259 = arith.constant 4 : i32
      %dma_start3A_260 = arith.constant 0 : i32
      %dma_start3A_261 = tpu.memref_slice %arg8[%dma_start3A_259, %dma_start3A_260] : memref<8x128xi32, #tpu.memory_space<vmem>> -> memref<1x128xi32, #tpu.memory_space<vmem>>
      %dma_start3A_262 = tpu.memref_squeeze %dma_start3A_261 : memref<1x128xi32, #tpu.memory_space<vmem>> -> memref<128xi32, #tpu.memory_space<vmem>>
      %dma_start3A_263 = arith.constant 0 : i32
      %dma_start3A_264 = arith.constant 0 : i32
      %dma_start3A_265 = tpu.memref_slice %arg2[%dma_start3A_263, %dma_start3A_264] : memref<10000x128xf32, #tpu.memory_space<hbm>> -> memref<10000x128xf32, #tpu.memory_space<hbm>>
      tpu.enqueue_indirect_dma source(%dma_start3A_265 : memref<10000x128xf32, #tpu.memory_space<hbm>>) target(%arg11 : memref<128x128xf32, #tpu.memory_space<vmem>>) offsets(%dma_start3A_262 : memref<128xi32, #tpu.memory_space<vmem>>) semaphore(%arg16 : memref<!tpu.dma_semaphore, #tpu.memory_space<semaphore_mem>>)
      %dma_wait3A_266 = arith.constant 3 : i32
      %dma_wait3A_267 = arith.constant 0 : i32
      %dma_wait3A_268 = tpu.memref_slice %arg8[%dma_wait3A_266, %dma_wait3A_267] : memref<8x128xi32, #tpu.memory_space<vmem>> -> memref<1x128xi32, #tpu.memory_space<vmem>>
      %dma_wait3A_269 = tpu.memref_squeeze %dma_wait3A_268 : memref<1x128xi32, #tpu.memory_space<vmem>> -> memref<128xi32, #tpu.memory_space<vmem>>
      %dma_wait3A_270 = arith.constant 0 : i32
      %dma_wait3A_271 = arith.constant 0 : i32
      %dma_wait3A_272 = tpu.memref_slice %arg2[%dma_wait3A_270, %dma_wait3A_271] : memref<10000x128xf32, #tpu.memory_space<hbm>> -> memref<10000x128xf32, #tpu.memory_space<hbm>>
      tpu.wait_indirect_dma semaphore(%arg17 : memref<!tpu.dma_semaphore, #tpu.memory_space<semaphore_mem>>) src(%dma_wait3A_272 : memref<10000x128xf32, #tpu.memory_space<hbm>>) dst(%arg12 : memref<128x128xf32, #tpu.memory_space<vmem>>)
      %run_scoped3A_273 = arith.constant 3 : i32
      "tpu.region"() ({
        %run_scoped3A_360 = tpu.sem_alloc : memref<!tpu.dma_semaphore, #tpu.memory_space<semaphore_mem>>
        %dma_start3A_361 = arith.constant 0 : i32
        %dma_start3A_362 = tpu.memref_slice %arg10[%run_scoped3A_273, %dma_start3A_361] : memref<8x128xi32, #tpu.memory_space<vmem>> -> memref<1x128xi32, #tpu.memory_space<vmem>>
        %dma_start3A_363 = tpu.memref_squeeze %dma_start3A_362 : memref<1x128xi32, #tpu.memory_space<vmem>> -> memref<128xi32, #tpu.memory_space<vmem>>
        %dma_start3A_364 = arith.constant 0 : i32
        %dma_start3A_365 = arith.constant 0 : i32
        %dma_start3A_366 = tpu.memref_slice %arg13[%dma_start3A_364, %dma_start3A_365] : memref<10240x128xf32, #tpu.memory_space<vmem_shared>> -> memref<10240x128xf32, #tpu.memory_space<vmem_shared>>
        tpu.enqueue_indirect_dma source(%arg12 : memref<128x128xf32, #tpu.memory_space<vmem>>) target(%dma_start3A_366 : memref<10240x128xf32, #tpu.memory_space<vmem_shared>>) offsets(%dma_start3A_363 : memref<128xi32, #tpu.memory_space<vmem>>) semaphore(%run_scoped3A_360 : memref<!tpu.dma_semaphore, #tpu.memory_space<semaphore_mem>>) {add = true}
        %dma_wait3A_367 = arith.constant 0 : i32
        %dma_wait3A_368 = tpu.memref_slice %arg10[%run_scoped3A_273, %dma_wait3A_367] : memref<8x128xi32, #tpu.memory_space<vmem>> -> memref<1x128xi32, #tpu.memory_space<vmem>>
        %dma_wait3A_369 = tpu.memref_squeeze %dma_wait3A_368 : memref<1x128xi32, #tpu.memory_space<vmem>> -> memref<128xi32, #tpu.memory_space<vmem>>
        %dma_wait3A_370 = arith.constant 0 : i32
        %dma_wait3A_371 = arith.constant 0 : i32
        %dma_wait3A_372 = tpu.memref_slice %arg13[%dma_wait3A_370, %dma_wait3A_371] : memref<10240x128xf32, #tpu.memory_space<vmem_shared>> -> memref<10240x128xf32, #tpu.memory_space<vmem_shared>>
        tpu.wait_indirect_dma semaphore(%run_scoped3A_360 : memref<!tpu.dma_semaphore, #tpu.memory_space<semaphore_mem>>) src(%arg12 : memref<128x128xf32, #tpu.memory_space<vmem>>) dst(%dma_wait3A_372 : memref<10240x128xf32, #tpu.memory_space<vmem_shared>>)
        tpu.yield
      }) : () -> ()
      %dma_start3A_274 = arith.constant 5 : i32
      %dma_start3A_275 = arith.constant 0 : i32
      %dma_start3A_276 = tpu.memref_slice %arg8[%dma_start3A_274, %dma_start3A_275] : memref<8x128xi32, #tpu.memory_space<vmem>> -> memref<1x128xi32, #tpu.memory_space<vmem>>
      %dma_start3A_277 = tpu.memref_squeeze %dma_start3A_276 : memref<1x128xi32, #tpu.memory_space<vmem>> -> memref<128xi32, #tpu.memory_space<vmem>>
      %dma_start3A_278 = arith.constant 0 : i32
      %dma_start3A_279 = arith.constant 0 : i32
      %dma_start3A_280 = tpu.memref_slice %arg2[%dma_start3A_278, %dma_start3A_279] : memref<10000x128xf32, #tpu.memory_space<hbm>> -> memref<10000x128xf32, #tpu.memory_space<hbm>>
      tpu.enqueue_indirect_dma source(%dma_start3A_280 : memref<10000x128xf32, #tpu.memory_space<hbm>>) target(%arg12 : memref<128x128xf32, #tpu.memory_space<vmem>>) offsets(%dma_start3A_277 : memref<128xi32, #tpu.memory_space<vmem>>) semaphore(%arg17 : memref<!tpu.dma_semaphore, #tpu.memory_space<semaphore_mem>>)
      %dma_wait3A_281 = arith.constant 4 : i32
      %dma_wait3A_282 = arith.constant 0 : i32
      %dma_wait3A_283 = tpu.memref_slice %arg8[%dma_wait3A_281, %dma_wait3A_282] : memref<8x128xi32, #tpu.memory_space<vmem>> -> memref<1x128xi32, #tpu.memory_space<vmem>>
      %dma_wait3A_284 = tpu.memref_squeeze %dma_wait3A_283 : memref<1x128xi32, #tpu.memory_space<vmem>> -> memref<128xi32, #tpu.memory_space<vmem>>
      %dma_wait3A_285 = arith.constant 0 : i32
      %dma_wait3A_286 = arith.constant 0 : i32
      %dma_wait3A_287 = tpu.memref_slice %arg2[%dma_wait3A_285, %dma_wait3A_286] : memref<10000x128xf32, #tpu.memory_space<hbm>> -> memref<10000x128xf32, #tpu.memory_space<hbm>>
      tpu.wait_indirect_dma semaphore(%arg16 : memref<!tpu.dma_semaphore, #tpu.memory_space<semaphore_mem>>) src(%dma_wait3A_287 : memref<10000x128xf32, #tpu.memory_space<hbm>>) dst(%arg11 : memref<128x128xf32, #tpu.memory_space<vmem>>)
      %run_scoped3A_288 = arith.constant 4 : i32
      "tpu.region"() ({
        %run_scoped3A_360 = tpu.sem_alloc : memref<!tpu.dma_semaphore, #tpu.memory_space<semaphore_mem>>
        %dma_start3A_361 = arith.constant 0 : i32
        %dma_start3A_362 = tpu.memref_slice %arg10[%run_scoped3A_288, %dma_start3A_361] : memref<8x128xi32, #tpu.memory_space<vmem>> -> memref<1x128xi32, #tpu.memory_space<vmem>>
        %dma_start3A_363 = tpu.memref_squeeze %dma_start3A_362 : memref<1x128xi32, #tpu.memory_space<vmem>> -> memref<128xi32, #tpu.memory_space<vmem>>
        %dma_start3A_364 = arith.constant 0 : i32
        %dma_start3A_365 = arith.constant 0 : i32
        %dma_start3A_366 = tpu.memref_slice %arg13[%dma_start3A_364, %dma_start3A_365] : memref<10240x128xf32, #tpu.memory_space<vmem_shared>> -> memref<10240x128xf32, #tpu.memory_space<vmem_shared>>
        tpu.enqueue_indirect_dma source(%arg11 : memref<128x128xf32, #tpu.memory_space<vmem>>) target(%dma_start3A_366 : memref<10240x128xf32, #tpu.memory_space<vmem_shared>>) offsets(%dma_start3A_363 : memref<128xi32, #tpu.memory_space<vmem>>) semaphore(%run_scoped3A_360 : memref<!tpu.dma_semaphore, #tpu.memory_space<semaphore_mem>>) {add = true}
        %dma_wait3A_367 = arith.constant 0 : i32
        %dma_wait3A_368 = tpu.memref_slice %arg10[%run_scoped3A_288, %dma_wait3A_367] : memref<8x128xi32, #tpu.memory_space<vmem>> -> memref<1x128xi32, #tpu.memory_space<vmem>>
        %dma_wait3A_369 = tpu.memref_squeeze %dma_wait3A_368 : memref<1x128xi32, #tpu.memory_space<vmem>> -> memref<128xi32, #tpu.memory_space<vmem>>
        %dma_wait3A_370 = arith.constant 0 : i32
        %dma_wait3A_371 = arith.constant 0 : i32
        %dma_wait3A_372 = tpu.memref_slice %arg13[%dma_wait3A_370, %dma_wait3A_371] : memref<10240x128xf32, #tpu.memory_space<vmem_shared>> -> memref<10240x128xf32, #tpu.memory_space<vmem_shared>>
        tpu.wait_indirect_dma semaphore(%run_scoped3A_360 : memref<!tpu.dma_semaphore, #tpu.memory_space<semaphore_mem>>) src(%arg11 : memref<128x128xf32, #tpu.memory_space<vmem>>) dst(%dma_wait3A_372 : memref<10240x128xf32, #tpu.memory_space<vmem_shared>>)
        tpu.yield
      }) : () -> ()
      %dma_start3A_289 = arith.constant 6 : i32
      %dma_start3A_290 = arith.constant 0 : i32
      %dma_start3A_291 = tpu.memref_slice %arg8[%dma_start3A_289, %dma_start3A_290] : memref<8x128xi32, #tpu.memory_space<vmem>> -> memref<1x128xi32, #tpu.memory_space<vmem>>
      %dma_start3A_292 = tpu.memref_squeeze %dma_start3A_291 : memref<1x128xi32, #tpu.memory_space<vmem>> -> memref<128xi32, #tpu.memory_space<vmem>>
      %dma_start3A_293 = arith.constant 0 : i32
      %dma_start3A_294 = arith.constant 0 : i32
      %dma_start3A_295 = tpu.memref_slice %arg2[%dma_start3A_293, %dma_start3A_294] : memref<10000x128xf32, #tpu.memory_space<hbm>> -> memref<10000x128xf32, #tpu.memory_space<hbm>>
      tpu.enqueue_indirect_dma source(%dma_start3A_295 : memref<10000x128xf32, #tpu.memory_space<hbm>>) target(%arg11 : memref<128x128xf32, #tpu.memory_space<vmem>>) offsets(%dma_start3A_292 : memref<128xi32, #tpu.memory_space<vmem>>) semaphore(%arg16 : memref<!tpu.dma_semaphore, #tpu.memory_space<semaphore_mem>>)
      %dma_wait3A_296 = arith.constant 5 : i32
      %dma_wait3A_297 = arith.constant 0 : i32
      %dma_wait3A_298 = tpu.memref_slice %arg8[%dma_wait3A_296, %dma_wait3A_297] : memref<8x128xi32, #tpu.memory_space<vmem>> -> memref<1x128xi32, #tpu.memory_space<vmem>>
      %dma_wait3A_299 = tpu.memref_squeeze %dma_wait3A_298 : memref<1x128xi32, #tpu.memory_space<vmem>> -> memref<128xi32, #tpu.memory_space<vmem>>
      %dma_wait3A_300 = arith.constant 0 : i32
      %dma_wait3A_301 = arith.constant 0 : i32
      %dma_wait3A_302 = tpu.memref_slice %arg2[%dma_wait3A_300, %dma_wait3A_301] : memref<10000x128xf32, #tpu.memory_space<hbm>> -> memref<10000x128xf32, #tpu.memory_space<hbm>>
      tpu.wait_indirect_dma semaphore(%arg17 : memref<!tpu.dma_semaphore, #tpu.memory_space<semaphore_mem>>) src(%dma_wait3A_302 : memref<10000x128xf32, #tpu.memory_space<hbm>>) dst(%arg12 : memref<128x128xf32, #tpu.memory_space<vmem>>)
      %run_scoped3A_303 = arith.constant 5 : i32
      "tpu.region"() ({
        %run_scoped3A_360 = tpu.sem_alloc : memref<!tpu.dma_semaphore, #tpu.memory_space<semaphore_mem>>
        %dma_start3A_361 = arith.constant 0 : i32
        %dma_start3A_362 = tpu.memref_slice %arg10[%run_scoped3A_303, %dma_start3A_361] : memref<8x128xi32, #tpu.memory_space<vmem>> -> memref<1x128xi32, #tpu.memory_space<vmem>>
        %dma_start3A_363 = tpu.memref_squeeze %dma_start3A_362 : memref<1x128xi32, #tpu.memory_space<vmem>> -> memref<128xi32, #tpu.memory_space<vmem>>
        %dma_start3A_364 = arith.constant 0 : i32
        %dma_start3A_365 = arith.constant 0 : i32
        %dma_start3A_366 = tpu.memref_slice %arg13[%dma_start3A_364, %dma_start3A_365] : memref<10240x128xf32, #tpu.memory_space<vmem_shared>> -> memref<10240x128xf32, #tpu.memory_space<vmem_shared>>
        tpu.enqueue_indirect_dma source(%arg12 : memref<128x128xf32, #tpu.memory_space<vmem>>) target(%dma_start3A_366 : memref<10240x128xf32, #tpu.memory_space<vmem_shared>>) offsets(%dma_start3A_363 : memref<128xi32, #tpu.memory_space<vmem>>) semaphore(%run_scoped3A_360 : memref<!tpu.dma_semaphore, #tpu.memory_space<semaphore_mem>>) {add = true}
        %dma_wait3A_367 = arith.constant 0 : i32
        %dma_wait3A_368 = tpu.memref_slice %arg10[%run_scoped3A_303, %dma_wait3A_367] : memref<8x128xi32, #tpu.memory_space<vmem>> -> memref<1x128xi32, #tpu.memory_space<vmem>>
        %dma_wait3A_369 = tpu.memref_squeeze %dma_wait3A_368 : memref<1x128xi32, #tpu.memory_space<vmem>> -> memref<128xi32, #tpu.memory_space<vmem>>
        %dma_wait3A_370 = arith.constant 0 : i32
        %dma_wait3A_371 = arith.constant 0 : i32
        %dma_wait3A_372 = tpu.memref_slice %arg13[%dma_wait3A_370, %dma_wait3A_371] : memref<10240x128xf32, #tpu.memory_space<vmem_shared>> -> memref<10240x128xf32, #tpu.memory_space<vmem_shared>>
        tpu.wait_indirect_dma semaphore(%run_scoped3A_360 : memref<!tpu.dma_semaphore, #tpu.memory_space<semaphore_mem>>) src(%arg12 : memref<128x128xf32, #tpu.memory_space<vmem>>) dst(%dma_wait3A_372 : memref<10240x128xf32, #tpu.memory_space<vmem_shared>>)
        tpu.yield
      }) : () -> ()
      %dma_start3A_304 = arith.constant 7 : i32
      %dma_start3A_305 = arith.constant 0 : i32
      %dma_start3A_306 = tpu.memref_slice %arg8[%dma_start3A_304, %dma_start3A_305] : memref<8x128xi32, #tpu.memory_space<vmem>> -> memref<1x128xi32, #tpu.memory_space<vmem>>
      %dma_start3A_307 = tpu.memref_squeeze %dma_start3A_306 : memref<1x128xi32, #tpu.memory_space<vmem>> -> memref<128xi32, #tpu.memory_space<vmem>>
      %dma_start3A_308 = arith.constant 0 : i32
      %dma_start3A_309 = arith.constant 0 : i32
      %dma_start3A_310 = tpu.memref_slice %arg2[%dma_start3A_308, %dma_start3A_309] : memref<10000x128xf32, #tpu.memory_space<hbm>> -> memref<10000x128xf32, #tpu.memory_space<hbm>>
      tpu.enqueue_indirect_dma source(%dma_start3A_310 : memref<10000x128xf32, #tpu.memory_space<hbm>>) target(%arg12 : memref<128x128xf32, #tpu.memory_space<vmem>>) offsets(%dma_start3A_307 : memref<128xi32, #tpu.memory_space<vmem>>) semaphore(%arg17 : memref<!tpu.dma_semaphore, #tpu.memory_space<semaphore_mem>>)
      %dma_wait3A_311 = arith.constant 6 : i32
      %dma_wait3A_312 = arith.constant 0 : i32
      %dma_wait3A_313 = tpu.memref_slice %arg8[%dma_wait3A_311, %dma_wait3A_312] : memref<8x128xi32, #tpu.memory_space<vmem>> -> memref<1x128xi32, #tpu.memory_space<vmem>>
      %dma_wait3A_314 = tpu.memref_squeeze %dma_wait3A_313 : memref<1x128xi32, #tpu.memory_space<vmem>> -> memref<128xi32, #tpu.memory_space<vmem>>
      %dma_wait3A_315 = arith.constant 0 : i32
      %dma_wait3A_316 = arith.constant 0 : i32
      %dma_wait3A_317 = tpu.memref_slice %arg2[%dma_wait3A_315, %dma_wait3A_316] : memref<10000x128xf32, #tpu.memory_space<hbm>> -> memref<10000x128xf32, #tpu.memory_space<hbm>>
      tpu.wait_indirect_dma semaphore(%arg16 : memref<!tpu.dma_semaphore, #tpu.memory_space<semaphore_mem>>) src(%dma_wait3A_317 : memref<10000x128xf32, #tpu.memory_space<hbm>>) dst(%arg11 : memref<128x128xf32, #tpu.memory_space<vmem>>)
      %run_scoped3A_318 = arith.constant 6 : i32
      "tpu.region"() ({
        %run_scoped3A_360 = tpu.sem_alloc : memref<!tpu.dma_semaphore, #tpu.memory_space<semaphore_mem>>
        %dma_start3A_361 = arith.constant 0 : i32
        %dma_start3A_362 = tpu.memref_slice %arg10[%run_scoped3A_318, %dma_start3A_361] : memref<8x128xi32, #tpu.memory_space<vmem>> -> memref<1x128xi32, #tpu.memory_space<vmem>>
        %dma_start3A_363 = tpu.memref_squeeze %dma_start3A_362 : memref<1x128xi32, #tpu.memory_space<vmem>> -> memref<128xi32, #tpu.memory_space<vmem>>
        %dma_start3A_364 = arith.constant 0 : i32
        %dma_start3A_365 = arith.constant 0 : i32
        %dma_start3A_366 = tpu.memref_slice %arg13[%dma_start3A_364, %dma_start3A_365] : memref<10240x128xf32, #tpu.memory_space<vmem_shared>> -> memref<10240x128xf32, #tpu.memory_space<vmem_shared>>
        tpu.enqueue_indirect_dma source(%arg11 : memref<128x128xf32, #tpu.memory_space<vmem>>) target(%dma_start3A_366 : memref<10240x128xf32, #tpu.memory_space<vmem_shared>>) offsets(%dma_start3A_363 : memref<128xi32, #tpu.memory_space<vmem>>) semaphore(%run_scoped3A_360 : memref<!tpu.dma_semaphore, #tpu.memory_space<semaphore_mem>>) {add = true}
        %dma_wait3A_367 = arith.constant 0 : i32
        %dma_wait3A_368 = tpu.memref_slice %arg10[%run_scoped3A_318, %dma_wait3A_367] : memref<8x128xi32, #tpu.memory_space<vmem>> -> memref<1x128xi32, #tpu.memory_space<vmem>>
        %dma_wait3A_369 = tpu.memref_squeeze %dma_wait3A_368 : memref<1x128xi32, #tpu.memory_space<vmem>> -> memref<128xi32, #tpu.memory_space<vmem>>
        %dma_wait3A_370 = arith.constant 0 : i32
        %dma_wait3A_371 = arith.constant 0 : i32
        %dma_wait3A_372 = tpu.memref_slice %arg13[%dma_wait3A_370, %dma_wait3A_371] : memref<10240x128xf32, #tpu.memory_space<vmem_shared>> -> memref<10240x128xf32, #tpu.memory_space<vmem_shared>>
        tpu.wait_indirect_dma semaphore(%run_scoped3A_360 : memref<!tpu.dma_semaphore, #tpu.memory_space<semaphore_mem>>) src(%arg11 : memref<128x128xf32, #tpu.memory_space<vmem>>) dst(%dma_wait3A_372 : memref<10240x128xf32, #tpu.memory_space<vmem_shared>>)
        tpu.yield
      }) : () -> ()
      %add3A_319 = arith.constant 1 : i32
      %add3A_320 = arith.addi %add3A_213, %add3A_319 : i32
      %mul3A_321 = arith.constant 8 : i32
      %mul3A_322 = arith.muli %add3A_320, %mul3A_321 : i32
      %add3A_323 = arith.addi %mul3A_2, %mul3A_322 : i32
      %dma_wait3A_324 = arith.constant 0 : i32
      %dma_wait3A_325 = tpu.memref_slice %arg3[%add3A_323, %dma_wait3A_324] : memref<2576x128xi32, #tpu.memory_space<hbm>> -> memref<8x128xi32, #tpu.memory_space<hbm>>
      %dma_wait3A_326 = arith.constant 0 : i32
      %dma_wait3A_327 = tpu.memref_slice %arg3[%add3A_323, %dma_wait3A_326] : memref<2576x128xi32, #tpu.memory_space<hbm>> -> memref<8x128xi32, #tpu.memory_space<hbm>>
      tpu.wait_dma2 semaphore(%arg14 : memref<!tpu.dma_semaphore, #tpu.memory_space<semaphore_mem>>) src(%dma_wait3A_327 : memref<8x128xi32, #tpu.memory_space<hbm>>) dst(%arg7 : memref<8x128xi32, #tpu.memory_space<vmem>>)
      %dma_wait3A_328 = arith.constant 0 : i32
      %dma_wait3A_329 = tpu.memref_slice %arg4[%add3A_323, %dma_wait3A_328] : memref<2576x128xi32, #tpu.memory_space<hbm>> -> memref<8x128xi32, #tpu.memory_space<hbm>>
      %dma_wait3A_330 = arith.constant 0 : i32
      %dma_wait3A_331 = tpu.memref_slice %arg4[%add3A_323, %dma_wait3A_330] : memref<2576x128xi32, #tpu.memory_space<hbm>> -> memref<8x128xi32, #tpu.memory_space<hbm>>
      tpu.wait_dma2 semaphore(%arg14 : memref<!tpu.dma_semaphore, #tpu.memory_space<semaphore_mem>>) src(%dma_wait3A_331 : memref<8x128xi32, #tpu.memory_space<hbm>>) dst(%arg9 : memref<8x128xi32, #tpu.memory_space<vmem>>)
      %dma_start3A_332 = arith.constant 0 : i32
      %dma_start3A_333 = arith.constant 0 : i32
      %dma_start3A_334 = tpu.memref_slice %arg7[%dma_start3A_332, %dma_start3A_333] : memref<8x128xi32, #tpu.memory_space<vmem>> -> memref<1x128xi32, #tpu.memory_space<vmem>>
      %dma_start3A_335 = tpu.memref_squeeze %dma_start3A_334 : memref<1x128xi32, #tpu.memory_space<vmem>> -> memref<128xi32, #tpu.memory_space<vmem>>
      %dma_start3A_336 = arith.constant 0 : i32
      %dma_start3A_337 = arith.constant 0 : i32
      %dma_start3A_338 = tpu.memref_slice %arg2[%dma_start3A_336, %dma_start3A_337] : memref<10000x128xf32, #tpu.memory_space<hbm>> -> memref<10000x128xf32, #tpu.memory_space<hbm>>
      tpu.enqueue_indirect_dma source(%dma_start3A_338 : memref<10000x128xf32, #tpu.memory_space<hbm>>) target(%arg11 : memref<128x128xf32, #tpu.memory_space<vmem>>) offsets(%dma_start3A_335 : memref<128xi32, #tpu.memory_space<vmem>>) semaphore(%arg16 : memref<!tpu.dma_semaphore, #tpu.memory_space<semaphore_mem>>)
      %dma_wait3A_339 = arith.constant 7 : i32
      %dma_wait3A_340 = arith.constant 0 : i32
      %dma_wait3A_341 = tpu.memref_slice %arg8[%dma_wait3A_339, %dma_wait3A_340] : memref<8x128xi32, #tpu.memory_space<vmem>> -> memref<1x128xi32, #tpu.memory_space<vmem>>
      %dma_wait3A_342 = tpu.memref_squeeze %dma_wait3A_341 : memref<1x128xi32, #tpu.memory_space<vmem>> -> memref<128xi32, #tpu.memory_space<vmem>>
      %dma_wait3A_343 = arith.constant 0 : i32
      %dma_wait3A_344 = arith.constant 0 : i32
      %dma_wait3A_345 = tpu.memref_slice %arg2[%dma_wait3A_343, %dma_wait3A_344] : memref<10000x128xf32, #tpu.memory_space<hbm>> -> memref<10000x128xf32, #tpu.memory_space<hbm>>
      tpu.wait_indirect_dma semaphore(%arg17 : memref<!tpu.dma_semaphore, #tpu.memory_space<semaphore_mem>>) src(%dma_wait3A_345 : memref<10000x128xf32, #tpu.memory_space<hbm>>) dst(%arg12 : memref<128x128xf32, #tpu.memory_space<vmem>>)
      %add3A_346 = arith.constant 2 : i32
      %add3A_347 = arith.addi %add3A_213, %add3A_346 : i32
      %mul3A_348 = arith.constant 8 : i32
      %mul3A_349 = arith.muli %add3A_347, %mul3A_348 : i32
      %add3A_350 = arith.addi %mul3A_2, %mul3A_349 : i32
      %dma_start3A_351 = arith.constant 0 : i32
      %dma_start3A_352 = tpu.memref_slice %arg3[%add3A_350, %dma_start3A_351] : memref<2576x128xi32, #tpu.memory_space<hbm>> -> memref<8x128xi32, #tpu.memory_space<hbm>>
      %dma_start3A_353 = arith.constant 0 : i32
      %dma_start3A_354 = tpu.memref_slice %arg3[%add3A_350, %dma_start3A_353] : memref<2576x128xi32, #tpu.memory_space<hbm>> -> memref<8x128xi32, #tpu.memory_space<hbm>>
      tpu.enqueue_dma source(%dma_start3A_354 : memref<8x128xi32, #tpu.memory_space<hbm>>) target(%arg8 : memref<8x128xi32, #tpu.memory_space<vmem>>) target_semaphore(%arg15 : memref<!tpu.dma_semaphore, #tpu.memory_space<semaphore_mem>>)
      %dma_start3A_355 = arith.constant 0 : i32
      %dma_start3A_356 = tpu.memref_slice %arg4[%add3A_350, %dma_start3A_355] : memref<2576x128xi32, #tpu.memory_space<hbm>> -> memref<8x128xi32, #tpu.memory_space<hbm>>
      %dma_start3A_357 = arith.constant 0 : i32
      %dma_start3A_358 = tpu.memref_slice %arg4[%add3A_350, %dma_start3A_357] : memref<2576x128xi32, #tpu.memory_space<hbm>> -> memref<8x128xi32, #tpu.memory_space<hbm>>
      tpu.enqueue_dma source(%dma_start3A_358 : memref<8x128xi32, #tpu.memory_space<hbm>>) target(%arg10 : memref<8x128xi32, #tpu.memory_space<vmem>>) target_semaphore(%arg15 : memref<!tpu.dma_semaphore, #tpu.memory_space<semaphore_mem>>)
      %run_scoped3A_359 = arith.constant 7 : i32
      "tpu.region"() ({
        %run_scoped3A_360 = tpu.sem_alloc : memref<!tpu.dma_semaphore, #tpu.memory_space<semaphore_mem>>
        %dma_start3A_361 = arith.constant 0 : i32
        %dma_start3A_362 = tpu.memref_slice %arg10[%run_scoped3A_359, %dma_start3A_361] : memref<8x128xi32, #tpu.memory_space<vmem>> -> memref<1x128xi32, #tpu.memory_space<vmem>>
        %dma_start3A_363 = tpu.memref_squeeze %dma_start3A_362 : memref<1x128xi32, #tpu.memory_space<vmem>> -> memref<128xi32, #tpu.memory_space<vmem>>
        %dma_start3A_364 = arith.constant 0 : i32
        %dma_start3A_365 = arith.constant 0 : i32
        %dma_start3A_366 = tpu.memref_slice %arg13[%dma_start3A_364, %dma_start3A_365] : memref<10240x128xf32, #tpu.memory_space<vmem_shared>> -> memref<10240x128xf32, #tpu.memory_space<vmem_shared>>
        tpu.enqueue_indirect_dma source(%arg12 : memref<128x128xf32, #tpu.memory_space<vmem>>) target(%dma_start3A_366 : memref<10240x128xf32, #tpu.memory_space<vmem_shared>>) offsets(%dma_start3A_363 : memref<128xi32, #tpu.memory_space<vmem>>) semaphore(%run_scoped3A_360 : memref<!tpu.dma_semaphore, #tpu.memory_space<semaphore_mem>>) {add = true}
        %dma_wait3A_367 = arith.constant 0 : i32
        %dma_wait3A_368 = tpu.memref_slice %arg10[%run_scoped3A_359, %dma_wait3A_367] : memref<8x128xi32, #tpu.memory_space<vmem>> -> memref<1x128xi32, #tpu.memory_space<vmem>>
        %dma_wait3A_369 = tpu.memref_squeeze %dma_wait3A_368 : memref<1x128xi32, #tpu.memory_space<vmem>> -> memref<128xi32, #tpu.memory_space<vmem>>
        %dma_wait3A_370 = arith.constant 0 : i32
        %dma_wait3A_371 = arith.constant 0 : i32
        %dma_wait3A_372 = tpu.memref_slice %arg13[%dma_wait3A_370, %dma_wait3A_371] : memref<10240x128xf32, #tpu.memory_space<vmem_shared>> -> memref<10240x128xf32, #tpu.memory_space<vmem_shared>>
        tpu.wait_indirect_dma semaphore(%run_scoped3A_360 : memref<!tpu.dma_semaphore, #tpu.memory_space<semaphore_mem>>) src(%arg12 : memref<128x128xf32, #tpu.memory_space<vmem>>) dst(%dma_wait3A_372 : memref<10240x128xf32, #tpu.memory_space<vmem_shared>>)
        tpu.yield
      }) : () -> ()
    }
    %scan3A_43 = arith.constant 5 : i32
    %dma_wait3A_44 = arith.constant 0 : i32
    %dma_wait3A_45 = arith.constant 0 : i32
    %dma_wait3A_46 = tpu.memref_slice %arg7[%dma_wait3A_44, %dma_wait3A_45] : memref<8x128xi32, #tpu.memory_space<vmem>> -> memref<1x128xi32, #tpu.memory_space<vmem>>
    %dma_wait3A_47 = tpu.memref_squeeze %dma_wait3A_46 : memref<1x128xi32, #tpu.memory_space<vmem>> -> memref<128xi32, #tpu.memory_space<vmem>>
    %dma_wait3A_48 = arith.constant 0 : i32
    %dma_wait3A_49 = arith.constant 0 : i32
    %dma_wait3A_50 = tpu.memref_slice %arg2[%dma_wait3A_48, %dma_wait3A_49] : memref<10000x128xf32, #tpu.memory_space<hbm>> -> memref<10000x128xf32, #tpu.memory_space<hbm>>
    tpu.wait_indirect_dma semaphore(%arg16 : memref<!tpu.dma_semaphore, #tpu.memory_space<semaphore_mem>>) src(%dma_wait3A_50 : memref<10000x128xf32, #tpu.memory_space<hbm>>) dst(%arg11 : memref<128x128xf32, #tpu.memory_space<vmem>>)
    %add3A_51 = arith.constant 88 : i32
    %add3A_52 = arith.addi %mul3A_2, %add3A_51 : i32
    %dma_wait3A_53 = arith.constant 0 : i32
    %dma_wait3A_54 = tpu.memref_slice %arg3[%add3A_52, %dma_wait3A_53] : memref<2576x128xi32, #tpu.memory_space<hbm>> -> memref<8x128xi32, #tpu.memory_space<hbm>>
    %dma_wait3A_55 = arith.constant 0 : i32
    %dma_wait3A_56 = tpu.memref_slice %arg3[%add3A_52, %dma_wait3A_55] : memref<2576x128xi32, #tpu.memory_space<hbm>> -> memref<8x128xi32, #tpu.memory_space<hbm>>
    tpu.wait_dma2 semaphore(%arg15 : memref<!tpu.dma_semaphore, #tpu.memory_space<semaphore_mem>>) src(%dma_wait3A_56 : memref<8x128xi32, #tpu.memory_space<hbm>>) dst(%arg8 : memref<8x128xi32, #tpu.memory_space<vmem>>)
    %dma_wait3A_57 = arith.constant 0 : i32
    %dma_wait3A_58 = tpu.memref_slice %arg4[%add3A_52, %dma_wait3A_57] : memref<2576x128xi32, #tpu.memory_space<hbm>> -> memref<8x128xi32, #tpu.memory_space<hbm>>
    %dma_wait3A_59 = arith.constant 0 : i32
    %dma_wait3A_60 = tpu.memref_slice %arg4[%add3A_52, %dma_wait3A_59] : memref<2576x128xi32, #tpu.memory_space<hbm>> -> memref<8x128xi32, #tpu.memory_space<hbm>>
    tpu.wait_dma2 semaphore(%arg15 : memref<!tpu.dma_semaphore, #tpu.memory_space<semaphore_mem>>) src(%dma_wait3A_60 : memref<8x128xi32, #tpu.memory_space<hbm>>) dst(%arg10 : memref<8x128xi32, #tpu.memory_space<vmem>>)
    %barrier3A_61 = arith.constant 0 : index
    tpu.barrier barrier_id(%barrier3A_61)
    "tpu.region"() ({
      %run_scoped3A = tpu.sem_alloc : memref<!tpu.dma_semaphore, #tpu.memory_space<semaphore_mem>>
      %dma_start3A_62 = arith.constant 0 : i32
      %dma_start3A_63 = tpu.memref_slice %arg6[%arg0, %mul3A_13, %dma_start3A_62] : memref<2x10240x128xf32, #tpu.memory_space<hbm>> -> memref<1x640x128xf32, #tpu.memory_space<hbm>>
      %dma_start3A_64 = tpu.memref_squeeze %dma_start3A_63 : memref<1x640x128xf32, #tpu.memory_space<hbm>> -> memref<640x128xf32, #tpu.memory_space<hbm>>
      %dma_start3A_65 = arith.constant 0 : i32
      %dma_start3A_66 = tpu.memref_slice %arg13[%mul3A_13, %dma_start3A_65] : memref<10240x128xf32, #tpu.memory_space<vmem_shared>> -> memref<640x128xf32, #tpu.memory_space<vmem_shared>>
      tpu.enqueue_dma source(%dma_start3A_66 : memref<640x128xf32, #tpu.memory_space<vmem_shared>>) target(%dma_start3A_64 : memref<640x128xf32, #tpu.memory_space<hbm>>) target_semaphore(%run_scoped3A : memref<!tpu.dma_semaphore, #tpu.memory_space<semaphore_mem>>)
      %dma_wait3A_67 = arith.constant 0 : i32
      %dma_wait3A_68 = tpu.memref_slice %arg6[%arg0, %mul3A_13, %dma_wait3A_67] : memref<2x10240x128xf32, #tpu.memory_space<hbm>> -> memref<1x640x128xf32, #tpu.memory_space<hbm>>
      %dma_wait3A_69 = tpu.memref_squeeze %dma_wait3A_68 : memref<1x640x128xf32, #tpu.memory_space<hbm>> -> memref<640x128xf32, #tpu.memory_space<hbm>>
      %dma_wait3A_70 = arith.constant 0 : i32
      %dma_wait3A_71 = tpu.memref_slice %arg13[%mul3A_13, %dma_wait3A_70] : memref<10240x128xf32, #tpu.memory_space<vmem_shared>> -> memref<640x128xf32, #tpu.memory_space<vmem_shared>>
      tpu.wait_dma2 semaphore(%run_scoped3A : memref<!tpu.dma_semaphore, #tpu.memory_space<semaphore_mem>>) src(%dma_wait3A_71 : memref<640x128xf32, #tpu.memory_space<vmem_shared>>) dst(%dma_wait3A_69 : memref<640x128xf32, #tpu.memory_space<hbm>>)
      tpu.yield
    }) : () -> ()
    return
  }
}

#map = affine_map<(d0, d1) -> (0, 0)>
#map1 = affine_map<(d0, d1) -> (0, 0, 0)>
module attributes {stable_mosaic.version = 14 : i64} {
  func.func @_sc_pass_body(%arg0: i32, %arg1: i32, %arg2: memref<10000x128xf32, #tpu.memory_space<hbm>>, %arg3: memref<2576x128xi32, #tpu.memory_space<hbm>>, %arg4: memref<2576x128xi32, #tpu.memory_space<hbm>>, %arg5: memref<10240x128xf32, #tpu.memory_space<hbm>>, %arg6: memref<2x10240x128xf32, #tpu.memory_space<hbm>>, %arg7: memref<8x128xi32, #tpu.memory_space<vmem>>, %arg8: memref<8x128xi32, #tpu.memory_space<vmem>>, %arg9: memref<8x128xi32, #tpu.memory_space<vmem>>, %arg10: memref<8x128xi32, #tpu.memory_space<vmem>>, %arg11: memref<128x128xf32, #tpu.memory_space<vmem>>, %arg12: memref<128x128xf32, #tpu.memory_space<vmem>>, %arg13: memref<10240x128xf32, #tpu.memory_space<vmem_shared>>, %arg14: memref<!tpu.dma_semaphore, #tpu.memory_space<semaphore_mem>>, %arg15: memref<!tpu.dma_semaphore, #tpu.memory_space<semaphore_mem>>, %arg16: memref<!tpu.dma_semaphore, #tpu.memory_space<semaphore_mem>>, %arg17: memref<!tpu.dma_semaphore, #tpu.memory_space<semaphore_mem>>) attributes {dimension_semantics = [#tpu.dimension_semantics<core_parallel>, #tpu.dimension_semantics<subcore_parallel>], iteration_bounds = array<i64: 2, 16>, scalar_prefetch = 0 : i64, scratch_operands = 11 : i64, tpu.core_type = #tpu.core_type<sc_vector_subcore>, window_params = [{transform_indices = #map}, {transform_indices = #map}, {transform_indices = #map}, {transform_indices = #map}, {transform_indices = #map1}]} {
    %mul3A = arith.constant 16 : i32
    %mul3A_0 = arith.muli %arg0, %mul3A : i32
    %add3A = arith.addi %mul3A_0, %arg1 : i32
    %mul3A_1 = arith.constant 80 : i32
    %mul3A_2 = arith.muli %add3A, %mul3A_1 : i32
    %add3A_3 = arith.constant 0 : i32
    %add3A_4 = arith.addi %mul3A_2, %add3A_3 : i32
    %dma_start3A = arith.constant 0 : i32
    %dma_start3A_5 = tpu.memref_slice %arg3[%add3A_4, %dma_start3A] : memref<2576x128xi32, #tpu.memory_space<hbm>> -> memref<8x128xi32, #tpu.memory_space<hbm>>
    %dma_start3A_6 = arith.constant 0 : i32
    %dma_start3A_7 = tpu.memref_slice %arg3[%add3A_4, %dma_start3A_6] : memref<2576x128xi32, #tpu.memory_space<hbm>> -> memref<8x128xi32, #tpu.memory_space<hbm>>
    tpu.enqueue_dma source(%dma_start3A_7 : memref<8x128xi32, #tpu.memory_space<hbm>>) target(%arg7 : memref<8x128xi32, #tpu.memory_space<vmem>>) target_semaphore(%arg14 : memref<!tpu.dma_semaphore, #tpu.memory_space<semaphore_mem>>)
    %dma_start3A_8 = arith.constant 0 : i32
    %dma_start3A_9 = tpu.memref_slice %arg4[%add3A_4, %dma_start3A_8] : memref<2576x128xi32, #tpu.memory_space<hbm>> -> memref<8x128xi32, #tpu.memory_space<hbm>>
    %dma_start3A_10 = arith.constant 0 : i32
    %dma_start3A_11 = tpu.memref_slice %arg4[%add3A_4, %dma_start3A_10] : memref<2576x128xi32, #tpu.memory_space<hbm>> -> memref<8x128xi32, #tpu.memory_space<hbm>>
    tpu.enqueue_dma source(%dma_start3A_11 : memref<8x128xi32, #tpu.memory_space<hbm>>) target(%arg9 : memref<8x128xi32, #tpu.memory_space<vmem>>) target_semaphore(%arg14 : memref<!tpu.dma_semaphore, #tpu.memory_space<semaphore_mem>>)
    %mul3A_12 = arith.constant 640 : i32
    %mul3A_13 = arith.muli %arg1, %mul3A_12 : i32
    "tpu.region"() ({
      %run_scoped3A = tpu.sem_alloc : memref<!tpu.dma_semaphore, #tpu.memory_space<semaphore_mem>>
      %dma_start3A_62 = arith.constant 0 : i32
      %dma_start3A_63 = tpu.memref_slice %arg13[%mul3A_13, %dma_start3A_62] : memref<10240x128xf32, #tpu.memory_space<vmem_shared>> -> memref<640x128xf32, #tpu.memory_space<vmem_shared>>
      %dma_start3A_64 = arith.constant 0 : i32
      %dma_start3A_65 = tpu.memref_slice %arg5[%mul3A_13, %dma_start3A_64] : memref<10240x128xf32, #tpu.memory_space<hbm>> -> memref<640x128xf32, #tpu.memory_space<hbm>>
      tpu.enqueue_dma source(%dma_start3A_65 : memref<640x128xf32, #tpu.memory_space<hbm>>) target(%dma_start3A_63 : memref<640x128xf32, #tpu.memory_space<vmem_shared>>) target_semaphore(%run_scoped3A : memref<!tpu.dma_semaphore, #tpu.memory_space<semaphore_mem>>)
      %dma_wait3A_66 = arith.constant 0 : i32
      %dma_wait3A_67 = tpu.memref_slice %arg13[%mul3A_13, %dma_wait3A_66] : memref<10240x128xf32, #tpu.memory_space<vmem_shared>> -> memref<640x128xf32, #tpu.memory_space<vmem_shared>>
      %dma_wait3A_68 = arith.constant 0 : i32
      %dma_wait3A_69 = tpu.memref_slice %arg5[%mul3A_13, %dma_wait3A_68] : memref<10240x128xf32, #tpu.memory_space<hbm>> -> memref<640x128xf32, #tpu.memory_space<hbm>>
      tpu.wait_dma2 semaphore(%run_scoped3A : memref<!tpu.dma_semaphore, #tpu.memory_space<semaphore_mem>>) src(%dma_wait3A_69 : memref<640x128xf32, #tpu.memory_space<hbm>>) dst(%dma_wait3A_67 : memref<640x128xf32, #tpu.memory_space<vmem_shared>>)
      tpu.yield
    }) : () -> ()
    %barrier3A = arith.constant 0 : index
    tpu.barrier barrier_id(%barrier3A)
    %add3A_14 = arith.constant 0 : i32
    %add3A_15 = arith.addi %mul3A_2, %add3A_14 : i32
    %dma_wait3A = arith.constant 0 : i32
    %dma_wait3A_16 = tpu.memref_slice %arg3[%add3A_15, %dma_wait3A] : memref<2576x128xi32, #tpu.memory_space<hbm>> -> memref<8x128xi32, #tpu.memory_space<hbm>>
    %dma_wait3A_17 = arith.constant 0 : i32
    %dma_wait3A_18 = tpu.memref_slice %arg3[%add3A_15, %dma_wait3A_17] : memref<2576x128xi32, #tpu.memory_space<hbm>> -> memref<8x128xi32, #tpu.memory_space<hbm>>
    tpu.wait_dma2 semaphore(%arg14 : memref<!tpu.dma_semaphore, #tpu.memory_space<semaphore_mem>>) src(%dma_wait3A_18 : memref<8x128xi32, #tpu.memory_space<hbm>>) dst(%arg7 : memref<8x128xi32, #tpu.memory_space<vmem>>)
    %dma_wait3A_19 = arith.constant 0 : i32
    %dma_wait3A_20 = tpu.memref_slice %arg4[%add3A_15, %dma_wait3A_19] : memref<2576x128xi32, #tpu.memory_space<hbm>> -> memref<8x128xi32, #tpu.memory_space<hbm>>
    %dma_wait3A_21 = arith.constant 0 : i32
    %dma_wait3A_22 = tpu.memref_slice %arg4[%add3A_15, %dma_wait3A_21] : memref<2576x128xi32, #tpu.memory_space<hbm>> -> memref<8x128xi32, #tpu.memory_space<hbm>>
    tpu.wait_dma2 semaphore(%arg14 : memref<!tpu.dma_semaphore, #tpu.memory_space<semaphore_mem>>) src(%dma_wait3A_22 : memref<8x128xi32, #tpu.memory_space<hbm>>) dst(%arg9 : memref<8x128xi32, #tpu.memory_space<vmem>>)
    %add3A_23 = arith.constant 8 : i32
    %add3A_24 = arith.addi %mul3A_2, %add3A_23 : i32
    %dma_start3A_25 = arith.constant 0 : i32
    %dma_start3A_26 = tpu.memref_slice %arg3[%add3A_24, %dma_start3A_25] : memref<2576x128xi32, #tpu.memory_space<hbm>> -> memref<8x128xi32, #tpu.memory_space<hbm>>
    %dma_start3A_27 = arith.constant 0 : i32
    %dma_start3A_28 = tpu.memref_slice %arg3[%add3A_24, %dma_start3A_27] : memref<2576x128xi32, #tpu.memory_space<hbm>> -> memref<8x128xi32, #tpu.memory_space<hbm>>
    tpu.enqueue_dma source(%dma_start3A_28 : memref<8x128xi32, #tpu.memory_space<hbm>>) target(%arg8 : memref<8x128xi32, #tpu.memory_space<vmem>>) target_semaphore(%arg15 : memref<!tpu.dma_semaphore, #tpu.memory_space<semaphore_mem>>)
    %dma_start3A_29 = arith.constant 0 : i32
    %dma_start3A_30 = tpu.memref_slice %arg4[%add3A_24, %dma_start3A_29] : memref<2576x128xi32, #tpu.memory_space<hbm>> -> memref<8x128xi32, #tpu.memory_space<hbm>>
    %dma_start3A_31 = arith.constant 0 : i32
    %dma_start3A_32 = tpu.memref_slice %arg4[%add3A_24, %dma_start3A_31] : memref<2576x128xi32, #tpu.memory_space<hbm>> -> memref<8x128xi32, #tpu.memory_space<hbm>>
    tpu.enqueue_dma source(%dma_start3A_32 : memref<8x128xi32, #tpu.memory_space<hbm>>) target(%arg10 : memref<8x128xi32, #tpu.memory_space<vmem>>) target_semaphore(%arg15 : memref<!tpu.dma_semaphore, #tpu.memory_space<semaphore_mem>>)
    %dma_start3A_33 = arith.constant 0 : i32
    %dma_start3A_34 = arith.constant 0 : i32
    %dma_start3A_35 = tpu.memref_slice %arg7[%dma_start3A_33, %dma_start3A_34] : memref<8x128xi32, #tpu.memory_space<vmem>> -> memref<1x128xi32, #tpu.memory_space<vmem>>
    %dma_start3A_36 = tpu.memref_squeeze %dma_start3A_35 : memref<1x128xi32, #tpu.memory_space<vmem>> -> memref<128xi32, #tpu.memory_space<vmem>>
    %dma_start3A_37 = arith.constant 0 : i32
    %dma_start3A_38 = arith.constant 0 : i32
    %dma_start3A_39 = tpu.memref_slice %arg2[%dma_start3A_37, %dma_start3A_38] : memref<10000x128xf32, #tpu.memory_space<hbm>> -> memref<10000x128xf32, #tpu.memory_space<hbm>>
    tpu.enqueue_indirect_dma source(%dma_start3A_39 : memref<10000x128xf32, #tpu.memory_space<hbm>>) target(%arg11 : memref<128x128xf32, #tpu.memory_space<vmem>>) offsets(%dma_start3A_36 : memref<128xi32, #tpu.memory_space<vmem>>) semaphore(%arg16 : memref<!tpu.dma_semaphore, #tpu.memory_space<semaphore_mem>>)
    %scan3A = arith.constant 0 : i32
    %scan3A_40 = arith.constant 5 : i32
    %scan3A_41 = arith.addi %scan3A, %scan3A_40 : i32
    %scan3A_42 = arith.constant 1 : i32
    scf.for %scan3A_62 = %scan3A to %scan3A_41 step %scan3A_42  : i32 {
      %mul3A_63 = arith.constant 2 : i32
      %mul3A_64 = arith.muli %scan3A_62, %mul3A_63 : i32
      %add3A_65 = arith.constant 0 : i32
      %add3A_66 = arith.addi %add3A_65, %mul3A_64 : i32
      %dma_start3A_67 = arith.constant 1 : i32
      %dma_start3A_68 = arith.constant 0 : i32
      %dma_start3A_69 = tpu.memref_slice %arg7[%dma_start3A_67, %dma_start3A_68] : memref<8x128xi32, #tpu.memory_space<vmem>> -> memref<1x128xi32, #tpu.memory_space<vmem>>
      %dma_start3A_70 = tpu.memref_squeeze %dma_start3A_69 : memref<1x128xi32, #tpu.memory_space<vmem>> -> memref<128xi32, #tpu.memory_space<vmem>>
      %dma_start3A_71 = arith.constant 0 : i32
      %dma_start3A_72 = arith.constant 0 : i32
      %dma_start3A_73 = tpu.memref_slice %arg2[%dma_start3A_71, %dma_start3A_72] : memref<10000x128xf32, #tpu.memory_space<hbm>> -> memref<10000x128xf32, #tpu.memory_space<hbm>>
      tpu.enqueue_indirect_dma source(%dma_start3A_73 : memref<10000x128xf32, #tpu.memory_space<hbm>>) target(%arg12 : memref<128x128xf32, #tpu.memory_space<vmem>>) offsets(%dma_start3A_70 : memref<128xi32, #tpu.memory_space<vmem>>) semaphore(%arg17 : memref<!tpu.dma_semaphore, #tpu.memory_space<semaphore_mem>>)
      %dma_wait3A_74 = arith.constant 0 : i32
      %dma_wait3A_75 = arith.constant 0 : i32
      %dma_wait3A_76 = tpu.memref_slice %arg7[%dma_wait3A_74, %dma_wait3A_75] : memref<8x128xi32, #tpu.memory_space<vmem>> -> memref<1x128xi32, #tpu.memory_space<vmem>>
      %dma_wait3A_77 = tpu.memref_squeeze %dma_wait3A_76 : memref<1x128xi32, #tpu.memory_space<vmem>> -> memref<128xi32, #tpu.memory_space<vmem>>
      %dma_wait3A_78 = arith.constant 0 : i32
      %dma_wait3A_79 = arith.constant 0 : i32
      %dma_wait3A_80 = tpu.memref_slice %arg2[%dma_wait3A_78, %dma_wait3A_79] : memref<10000x128xf32, #tpu.memory_space<hbm>> -> memref<10000x128xf32, #tpu.memory_space<hbm>>
      tpu.wait_indirect_dma semaphore(%arg16 : memref<!tpu.dma_semaphore, #tpu.memory_space<semaphore_mem>>) src(%dma_wait3A_80 : memref<10000x128xf32, #tpu.memory_space<hbm>>) dst(%arg11 : memref<128x128xf32, #tpu.memory_space<vmem>>)
      %run_scoped3A = arith.constant 0 : i32
      "tpu.region"() ({
        %run_scoped3A_360 = tpu.sem_alloc : memref<!tpu.dma_semaphore, #tpu.memory_space<semaphore_mem>>
        %dma_start3A_361 = arith.constant 0 : i32
        %dma_start3A_362 = tpu.memref_slice %arg9[%run_scoped3A, %dma_start3A_361] : memref<8x128xi32, #tpu.memory_space<vmem>> -> memref<1x128xi32, #tpu.memory_space<vmem>>
        %dma_start3A_363 = tpu.memref_squeeze %dma_start3A_362 : memref<1x128xi32, #tpu.memory_space<vmem>> -> memref<128xi32, #tpu.memory_space<vmem>>
        %dma_start3A_364 = arith.constant 0 : i32
        %dma_start3A_365 = arith.constant 0 : i32
        %dma_start3A_366 = tpu.memref_slice %arg13[%dma_start3A_364, %dma_start3A_365] : memref<10240x128xf32, #tpu.memory_space<vmem_shared>> -> memref<10240x128xf32, #tpu.memory_space<vmem_shared>>
        tpu.enqueue_indirect_dma source(%arg11 : memref<128x128xf32, #tpu.memory_space<vmem>>) target(%dma_start3A_366 : memref<10240x128xf32, #tpu.memory_space<vmem_shared>>) offsets(%dma_start3A_363 : memref<128xi32, #tpu.memory_space<vmem>>) semaphore(%run_scoped3A_360 : memref<!tpu.dma_semaphore, #tpu.memory_space<semaphore_mem>>) {add = true}
        %dma_wait3A_367 = arith.constant 0 : i32
        %dma_wait3A_368 = tpu.memref_slice %arg9[%run_scoped3A, %dma_wait3A_367] : memref<8x128xi32, #tpu.memory_space<vmem>> -> memref<1x128xi32, #tpu.memory_space<vmem>>
        %dma_wait3A_369 = tpu.memref_squeeze %dma_wait3A_368 : memref<1x128xi32, #tpu.memory_space<vmem>> -> memref<128xi32, #tpu.memory_space<vmem>>
        %dma_wait3A_370 = arith.constant 0 : i32
        %dma_wait3A_371 = arith.constant 0 : i32
        %dma_wait3A_372 = tpu.memref_slice %arg13[%dma_wait3A_370, %dma_wait3A_371] : memref<10240x128xf32, #tpu.memory_space<vmem_shared>> -> memref<10240x128xf32, #tpu.memory_space<vmem_shared>>
        tpu.wait_indirect_dma semaphore(%run_scoped3A_360 : memref<!tpu.dma_semaphore, #tpu.memory_space<semaphore_mem>>) src(%arg11 : memref<128x128xf32, #tpu.memory_space<vmem>>) dst(%dma_wait3A_372 : memref<10240x128xf32, #tpu.memory_space<vmem_shared>>)
        tpu.yield
      }) : () -> ()
      %dma_start3A_81 = arith.constant 2 : i32
      %dma_start3A_82 = arith.constant 0 : i32
      %dma_start3A_83 = tpu.memref_slice %arg7[%dma_start3A_81, %dma_start3A_82] : memref<8x128xi32, #tpu.memory_space<vmem>> -> memref<1x128xi32, #tpu.memory_space<vmem>>
      %dma_start3A_84 = tpu.memref_squeeze %dma_start3A_83 : memref<1x128xi32, #tpu.memory_space<vmem>> -> memref<128xi32, #tpu.memory_space<vmem>>
      %dma_start3A_85 = arith.constant 0 : i32
      %dma_start3A_86 = arith.constant 0 : i32
      %dma_start3A_87 = tpu.memref_slice %arg2[%dma_start3A_85, %dma_start3A_86] : memref<10000x128xf32, #tpu.memory_space<hbm>> -> memref<10000x128xf32, #tpu.memory_space<hbm>>
      tpu.enqueue_indirect_dma source(%dma_start3A_87 : memref<10000x128xf32, #tpu.memory_space<hbm>>) target(%arg11 : memref<128x128xf32, #tpu.memory_space<vmem>>) offsets(%dma_start3A_84 : memref<128xi32, #tpu.memory_space<vmem>>) semaphore(%arg16 : memref<!tpu.dma_semaphore, #tpu.memory_space<semaphore_mem>>)
      %dma_wait3A_88 = arith.constant 1 : i32
      %dma_wait3A_89 = arith.constant 0 : i32
      %dma_wait3A_90 = tpu.memref_slice %arg7[%dma_wait3A_88, %dma_wait3A_89] : memref<8x128xi32, #tpu.memory_space<vmem>> -> memref<1x128xi32, #tpu.memory_space<vmem>>
      %dma_wait3A_91 = tpu.memref_squeeze %dma_wait3A_90 : memref<1x128xi32, #tpu.memory_space<vmem>> -> memref<128xi32, #tpu.memory_space<vmem>>
      %dma_wait3A_92 = arith.constant 0 : i32
      %dma_wait3A_93 = arith.constant 0 : i32
      %dma_wait3A_94 = tpu.memref_slice %arg2[%dma_wait3A_92, %dma_wait3A_93] : memref<10000x128xf32, #tpu.memory_space<hbm>> -> memref<10000x128xf32, #tpu.memory_space<hbm>>
      tpu.wait_indirect_dma semaphore(%arg17 : memref<!tpu.dma_semaphore, #tpu.memory_space<semaphore_mem>>) src(%dma_wait3A_94 : memref<10000x128xf32, #tpu.memory_space<hbm>>) dst(%arg12 : memref<128x128xf32, #tpu.memory_space<vmem>>)
      %run_scoped3A_95 = arith.constant 1 : i32
      "tpu.region"() ({
        %run_scoped3A_360 = tpu.sem_alloc : memref<!tpu.dma_semaphore, #tpu.memory_space<semaphore_mem>>
        %dma_start3A_361 = arith.constant 0 : i32
        %dma_start3A_362 = tpu.memref_slice %arg9[%run_scoped3A_95, %dma_start3A_361] : memref<8x128xi32, #tpu.memory_space<vmem>> -> memref<1x128xi32, #tpu.memory_space<vmem>>
        %dma_start3A_363 = tpu.memref_squeeze %dma_start3A_362 : memref<1x128xi32, #tpu.memory_space<vmem>> -> memref<128xi32, #tpu.memory_space<vmem>>
        %dma_start3A_364 = arith.constant 0 : i32
        %dma_start3A_365 = arith.constant 0 : i32
        %dma_start3A_366 = tpu.memref_slice %arg13[%dma_start3A_364, %dma_start3A_365] : memref<10240x128xf32, #tpu.memory_space<vmem_shared>> -> memref<10240x128xf32, #tpu.memory_space<vmem_shared>>
        tpu.enqueue_indirect_dma source(%arg12 : memref<128x128xf32, #tpu.memory_space<vmem>>) target(%dma_start3A_366 : memref<10240x128xf32, #tpu.memory_space<vmem_shared>>) offsets(%dma_start3A_363 : memref<128xi32, #tpu.memory_space<vmem>>) semaphore(%run_scoped3A_360 : memref<!tpu.dma_semaphore, #tpu.memory_space<semaphore_mem>>) {add = true}
        %dma_wait3A_367 = arith.constant 0 : i32
        %dma_wait3A_368 = tpu.memref_slice %arg9[%run_scoped3A_95, %dma_wait3A_367] : memref<8x128xi32, #tpu.memory_space<vmem>> -> memref<1x128xi32, #tpu.memory_space<vmem>>
        %dma_wait3A_369 = tpu.memref_squeeze %dma_wait3A_368 : memref<1x128xi32, #tpu.memory_space<vmem>> -> memref<128xi32, #tpu.memory_space<vmem>>
        %dma_wait3A_370 = arith.constant 0 : i32
        %dma_wait3A_371 = arith.constant 0 : i32
        %dma_wait3A_372 = tpu.memref_slice %arg13[%dma_wait3A_370, %dma_wait3A_371] : memref<10240x128xf32, #tpu.memory_space<vmem_shared>> -> memref<10240x128xf32, #tpu.memory_space<vmem_shared>>
        tpu.wait_indirect_dma semaphore(%run_scoped3A_360 : memref<!tpu.dma_semaphore, #tpu.memory_space<semaphore_mem>>) src(%arg12 : memref<128x128xf32, #tpu.memory_space<vmem>>) dst(%dma_wait3A_372 : memref<10240x128xf32, #tpu.memory_space<vmem_shared>>)
        tpu.yield
      }) : () -> ()
      %dma_start3A_96 = arith.constant 3 : i32
      %dma_start3A_97 = arith.constant 0 : i32
      %dma_start3A_98 = tpu.memref_slice %arg7[%dma_start3A_96, %dma_start3A_97] : memref<8x128xi32, #tpu.memory_space<vmem>> -> memref<1x128xi32, #tpu.memory_space<vmem>>
      %dma_start3A_99 = tpu.memref_squeeze %dma_start3A_98 : memref<1x128xi32, #tpu.memory_space<vmem>> -> memref<128xi32, #tpu.memory_space<vmem>>
      %dma_start3A_100 = arith.constant 0 : i32
      %dma_start3A_101 = arith.constant 0 : i32
      %dma_start3A_102 = tpu.memref_slice %arg2[%dma_start3A_100, %dma_start3A_101] : memref<10000x128xf32, #tpu.memory_space<hbm>> -> memref<10000x128xf32, #tpu.memory_space<hbm>>
      tpu.enqueue_indirect_dma source(%dma_start3A_102 : memref<10000x128xf32, #tpu.memory_space<hbm>>) target(%arg12 : memref<128x128xf32, #tpu.memory_space<vmem>>) offsets(%dma_start3A_99 : memref<128xi32, #tpu.memory_space<vmem>>) semaphore(%arg17 : memref<!tpu.dma_semaphore, #tpu.memory_space<semaphore_mem>>)
      %dma_wait3A_103 = arith.constant 2 : i32
      %dma_wait3A_104 = arith.constant 0 : i32
      %dma_wait3A_105 = tpu.memref_slice %arg7[%dma_wait3A_103, %dma_wait3A_104] : memref<8x128xi32, #tpu.memory_space<vmem>> -> memref<1x128xi32, #tpu.memory_space<vmem>>
      %dma_wait3A_106 = tpu.memref_squeeze %dma_wait3A_105 : memref<1x128xi32, #tpu.memory_space<vmem>> -> memref<128xi32, #tpu.memory_space<vmem>>
      %dma_wait3A_107 = arith.constant 0 : i32
      %dma_wait3A_108 = arith.constant 0 : i32
      %dma_wait3A_109 = tpu.memref_slice %arg2[%dma_wait3A_107, %dma_wait3A_108] : memref<10000x128xf32, #tpu.memory_space<hbm>> -> memref<10000x128xf32, #tpu.memory_space<hbm>>
      tpu.wait_indirect_dma semaphore(%arg16 : memref<!tpu.dma_semaphore, #tpu.memory_space<semaphore_mem>>) src(%dma_wait3A_109 : memref<10000x128xf32, #tpu.memory_space<hbm>>) dst(%arg11 : memref<128x128xf32, #tpu.memory_space<vmem>>)
      %run_scoped3A_110 = arith.constant 2 : i32
      "tpu.region"() ({
        %run_scoped3A_360 = tpu.sem_alloc : memref<!tpu.dma_semaphore, #tpu.memory_space<semaphore_mem>>
        %dma_start3A_361 = arith.constant 0 : i32
        %dma_start3A_362 = tpu.memref_slice %arg9[%run_scoped3A_110, %dma_start3A_361] : memref<8x128xi32, #tpu.memory_space<vmem>> -> memref<1x128xi32, #tpu.memory_space<vmem>>
        %dma_start3A_363 = tpu.memref_squeeze %dma_start3A_362 : memref<1x128xi32, #tpu.memory_space<vmem>> -> memref<128xi32, #tpu.memory_space<vmem>>
        %dma_start3A_364 = arith.constant 0 : i32
        %dma_start3A_365 = arith.constant 0 : i32
        %dma_start3A_366 = tpu.memref_slice %arg13[%dma_start3A_364, %dma_start3A_365] : memref<10240x128xf32, #tpu.memory_space<vmem_shared>> -> memref<10240x128xf32, #tpu.memory_space<vmem_shared>>
        tpu.enqueue_indirect_dma source(%arg11 : memref<128x128xf32, #tpu.memory_space<vmem>>) target(%dma_start3A_366 : memref<10240x128xf32, #tpu.memory_space<vmem_shared>>) offsets(%dma_start3A_363 : memref<128xi32, #tpu.memory_space<vmem>>) semaphore(%run_scoped3A_360 : memref<!tpu.dma_semaphore, #tpu.memory_space<semaphore_mem>>) {add = true}
        %dma_wait3A_367 = arith.constant 0 : i32
        %dma_wait3A_368 = tpu.memref_slice %arg9[%run_scoped3A_110, %dma_wait3A_367] : memref<8x128xi32, #tpu.memory_space<vmem>> -> memref<1x128xi32, #tpu.memory_space<vmem>>
        %dma_wait3A_369 = tpu.memref_squeeze %dma_wait3A_368 : memref<1x128xi32, #tpu.memory_space<vmem>> -> memref<128xi32, #tpu.memory_space<vmem>>
        %dma_wait3A_370 = arith.constant 0 : i32
        %dma_wait3A_371 = arith.constant 0 : i32
        %dma_wait3A_372 = tpu.memref_slice %arg13[%dma_wait3A_370, %dma_wait3A_371] : memref<10240x128xf32, #tpu.memory_space<vmem_shared>> -> memref<10240x128xf32, #tpu.memory_space<vmem_shared>>
        tpu.wait_indirect_dma semaphore(%run_scoped3A_360 : memref<!tpu.dma_semaphore, #tpu.memory_space<semaphore_mem>>) src(%arg11 : memref<128x128xf32, #tpu.memory_space<vmem>>) dst(%dma_wait3A_372 : memref<10240x128xf32, #tpu.memory_space<vmem_shared>>)
        tpu.yield
      }) : () -> ()
      %dma_start3A_111 = arith.constant 4 : i32
      %dma_start3A_112 = arith.constant 0 : i32
      %dma_start3A_113 = tpu.memref_slice %arg7[%dma_start3A_111, %dma_start3A_112] : memref<8x128xi32, #tpu.memory_space<vmem>> -> memref<1x128xi32, #tpu.memory_space<vmem>>
      %dma_start3A_114 = tpu.memref_squeeze %dma_start3A_113 : memref<1x128xi32, #tpu.memory_space<vmem>> -> memref<128xi32, #tpu.memory_space<vmem>>
      %dma_start3A_115 = arith.constant 0 : i32
      %dma_start3A_116 = arith.constant 0 : i32
      %dma_start3A_117 = tpu.memref_slice %arg2[%dma_start3A_115, %dma_start3A_116] : memref<10000x128xf32, #tpu.memory_space<hbm>> -> memref<10000x128xf32, #tpu.memory_space<hbm>>
      tpu.enqueue_indirect_dma source(%dma_start3A_117 : memref<10000x128xf32, #tpu.memory_space<hbm>>) target(%arg11 : memref<128x128xf32, #tpu.memory_space<vmem>>) offsets(%dma_start3A_114 : memref<128xi32, #tpu.memory_space<vmem>>) semaphore(%arg16 : memref<!tpu.dma_semaphore, #tpu.memory_space<semaphore_mem>>)
      %dma_wait3A_118 = arith.constant 3 : i32
      %dma_wait3A_119 = arith.constant 0 : i32
      %dma_wait3A_120 = tpu.memref_slice %arg7[%dma_wait3A_118, %dma_wait3A_119] : memref<8x128xi32, #tpu.memory_space<vmem>> -> memref<1x128xi32, #tpu.memory_space<vmem>>
      %dma_wait3A_121 = tpu.memref_squeeze %dma_wait3A_120 : memref<1x128xi32, #tpu.memory_space<vmem>> -> memref<128xi32, #tpu.memory_space<vmem>>
      %dma_wait3A_122 = arith.constant 0 : i32
      %dma_wait3A_123 = arith.constant 0 : i32
      %dma_wait3A_124 = tpu.memref_slice %arg2[%dma_wait3A_122, %dma_wait3A_123] : memref<10000x128xf32, #tpu.memory_space<hbm>> -> memref<10000x128xf32, #tpu.memory_space<hbm>>
      tpu.wait_indirect_dma semaphore(%arg17 : memref<!tpu.dma_semaphore, #tpu.memory_space<semaphore_mem>>) src(%dma_wait3A_124 : memref<10000x128xf32, #tpu.memory_space<hbm>>) dst(%arg12 : memref<128x128xf32, #tpu.memory_space<vmem>>)
      %run_scoped3A_125 = arith.constant 3 : i32
      "tpu.region"() ({
        %run_scoped3A_360 = tpu.sem_alloc : memref<!tpu.dma_semaphore, #tpu.memory_space<semaphore_mem>>
        %dma_start3A_361 = arith.constant 0 : i32
        %dma_start3A_362 = tpu.memref_slice %arg9[%run_scoped3A_125, %dma_start3A_361] : memref<8x128xi32, #tpu.memory_space<vmem>> -> memref<1x128xi32, #tpu.memory_space<vmem>>
        %dma_start3A_363 = tpu.memref_squeeze %dma_start3A_362 : memref<1x128xi32, #tpu.memory_space<vmem>> -> memref<128xi32, #tpu.memory_space<vmem>>
        %dma_start3A_364 = arith.constant 0 : i32
        %dma_start3A_365 = arith.constant 0 : i32
        %dma_start3A_366 = tpu.memref_slice %arg13[%dma_start3A_364, %dma_start3A_365] : memref<10240x128xf32, #tpu.memory_space<vmem_shared>> -> memref<10240x128xf32, #tpu.memory_space<vmem_shared>>
        tpu.enqueue_indirect_dma source(%arg12 : memref<128x128xf32, #tpu.memory_space<vmem>>) target(%dma_start3A_366 : memref<10240x128xf32, #tpu.memory_space<vmem_shared>>) offsets(%dma_start3A_363 : memref<128xi32, #tpu.memory_space<vmem>>) semaphore(%run_scoped3A_360 : memref<!tpu.dma_semaphore, #tpu.memory_space<semaphore_mem>>) {add = true}
        %dma_wait3A_367 = arith.constant 0 : i32
        %dma_wait3A_368 = tpu.memref_slice %arg9[%run_scoped3A_125, %dma_wait3A_367] : memref<8x128xi32, #tpu.memory_space<vmem>> -> memref<1x128xi32, #tpu.memory_space<vmem>>
        %dma_wait3A_369 = tpu.memref_squeeze %dma_wait3A_368 : memref<1x128xi32, #tpu.memory_space<vmem>> -> memref<128xi32, #tpu.memory_space<vmem>>
        %dma_wait3A_370 = arith.constant 0 : i32
        %dma_wait3A_371 = arith.constant 0 : i32
        %dma_wait3A_372 = tpu.memref_slice %arg13[%dma_wait3A_370, %dma_wait3A_371] : memref<10240x128xf32, #tpu.memory_space<vmem_shared>> -> memref<10240x128xf32, #tpu.memory_space<vmem_shared>>
        tpu.wait_indirect_dma semaphore(%run_scoped3A_360 : memref<!tpu.dma_semaphore, #tpu.memory_space<semaphore_mem>>) src(%arg12 : memref<128x128xf32, #tpu.memory_space<vmem>>) dst(%dma_wait3A_372 : memref<10240x128xf32, #tpu.memory_space<vmem_shared>>)
        tpu.yield
      }) : () -> ()
      %dma_start3A_126 = arith.constant 5 : i32
      %dma_start3A_127 = arith.constant 0 : i32
      %dma_start3A_128 = tpu.memref_slice %arg7[%dma_start3A_126, %dma_start3A_127] : memref<8x128xi32, #tpu.memory_space<vmem>> -> memref<1x128xi32, #tpu.memory_space<vmem>>
      %dma_start3A_129 = tpu.memref_squeeze %dma_start3A_128 : memref<1x128xi32, #tpu.memory_space<vmem>> -> memref<128xi32, #tpu.memory_space<vmem>>
      %dma_start3A_130 = arith.constant 0 : i32
      %dma_start3A_131 = arith.constant 0 : i32
      %dma_start3A_132 = tpu.memref_slice %arg2[%dma_start3A_130, %dma_start3A_131] : memref<10000x128xf32, #tpu.memory_space<hbm>> -> memref<10000x128xf32, #tpu.memory_space<hbm>>
      tpu.enqueue_indirect_dma source(%dma_start3A_132 : memref<10000x128xf32, #tpu.memory_space<hbm>>) target(%arg12 : memref<128x128xf32, #tpu.memory_space<vmem>>) offsets(%dma_start3A_129 : memref<128xi32, #tpu.memory_space<vmem>>) semaphore(%arg17 : memref<!tpu.dma_semaphore, #tpu.memory_space<semaphore_mem>>)
      %dma_wait3A_133 = arith.constant 4 : i32
      %dma_wait3A_134 = arith.constant 0 : i32
      %dma_wait3A_135 = tpu.memref_slice %arg7[%dma_wait3A_133, %dma_wait3A_134] : memref<8x128xi32, #tpu.memory_space<vmem>> -> memref<1x128xi32, #tpu.memory_space<vmem>>
      %dma_wait3A_136 = tpu.memref_squeeze %dma_wait3A_135 : memref<1x128xi32, #tpu.memory_space<vmem>> -> memref<128xi32, #tpu.memory_space<vmem>>
      %dma_wait3A_137 = arith.constant 0 : i32
      %dma_wait3A_138 = arith.constant 0 : i32
      %dma_wait3A_139 = tpu.memref_slice %arg2[%dma_wait3A_137, %dma_wait3A_138] : memref<10000x128xf32, #tpu.memory_space<hbm>> -> memref<10000x128xf32, #tpu.memory_space<hbm>>
      tpu.wait_indirect_dma semaphore(%arg16 : memref<!tpu.dma_semaphore, #tpu.memory_space<semaphore_mem>>) src(%dma_wait3A_139 : memref<10000x128xf32, #tpu.memory_space<hbm>>) dst(%arg11 : memref<128x128xf32, #tpu.memory_space<vmem>>)
      %run_scoped3A_140 = arith.constant 4 : i32
      "tpu.region"() ({
        %run_scoped3A_360 = tpu.sem_alloc : memref<!tpu.dma_semaphore, #tpu.memory_space<semaphore_mem>>
        %dma_start3A_361 = arith.constant 0 : i32
        %dma_start3A_362 = tpu.memref_slice %arg9[%run_scoped3A_140, %dma_start3A_361] : memref<8x128xi32, #tpu.memory_space<vmem>> -> memref<1x128xi32, #tpu.memory_space<vmem>>
        %dma_start3A_363 = tpu.memref_squeeze %dma_start3A_362 : memref<1x128xi32, #tpu.memory_space<vmem>> -> memref<128xi32, #tpu.memory_space<vmem>>
        %dma_start3A_364 = arith.constant 0 : i32
        %dma_start3A_365 = arith.constant 0 : i32
        %dma_start3A_366 = tpu.memref_slice %arg13[%dma_start3A_364, %dma_start3A_365] : memref<10240x128xf32, #tpu.memory_space<vmem_shared>> -> memref<10240x128xf32, #tpu.memory_space<vmem_shared>>
        tpu.enqueue_indirect_dma source(%arg11 : memref<128x128xf32, #tpu.memory_space<vmem>>) target(%dma_start3A_366 : memref<10240x128xf32, #tpu.memory_space<vmem_shared>>) offsets(%dma_start3A_363 : memref<128xi32, #tpu.memory_space<vmem>>) semaphore(%run_scoped3A_360 : memref<!tpu.dma_semaphore, #tpu.memory_space<semaphore_mem>>) {add = true}
        %dma_wait3A_367 = arith.constant 0 : i32
        %dma_wait3A_368 = tpu.memref_slice %arg9[%run_scoped3A_140, %dma_wait3A_367] : memref<8x128xi32, #tpu.memory_space<vmem>> -> memref<1x128xi32, #tpu.memory_space<vmem>>
        %dma_wait3A_369 = tpu.memref_squeeze %dma_wait3A_368 : memref<1x128xi32, #tpu.memory_space<vmem>> -> memref<128xi32, #tpu.memory_space<vmem>>
        %dma_wait3A_370 = arith.constant 0 : i32
        %dma_wait3A_371 = arith.constant 0 : i32
        %dma_wait3A_372 = tpu.memref_slice %arg13[%dma_wait3A_370, %dma_wait3A_371] : memref<10240x128xf32, #tpu.memory_space<vmem_shared>> -> memref<10240x128xf32, #tpu.memory_space<vmem_shared>>
        tpu.wait_indirect_dma semaphore(%run_scoped3A_360 : memref<!tpu.dma_semaphore, #tpu.memory_space<semaphore_mem>>) src(%arg11 : memref<128x128xf32, #tpu.memory_space<vmem>>) dst(%dma_wait3A_372 : memref<10240x128xf32, #tpu.memory_space<vmem_shared>>)
        tpu.yield
      }) : () -> ()
      %dma_start3A_141 = arith.constant 6 : i32
      %dma_start3A_142 = arith.constant 0 : i32
      %dma_start3A_143 = tpu.memref_slice %arg7[%dma_start3A_141, %dma_start3A_142] : memref<8x128xi32, #tpu.memory_space<vmem>> -> memref<1x128xi32, #tpu.memory_space<vmem>>
      %dma_start3A_144 = tpu.memref_squeeze %dma_start3A_143 : memref<1x128xi32, #tpu.memory_space<vmem>> -> memref<128xi32, #tpu.memory_space<vmem>>
      %dma_start3A_145 = arith.constant 0 : i32
      %dma_start3A_146 = arith.constant 0 : i32
      %dma_start3A_147 = tpu.memref_slice %arg2[%dma_start3A_145, %dma_start3A_146] : memref<10000x128xf32, #tpu.memory_space<hbm>> -> memref<10000x128xf32, #tpu.memory_space<hbm>>
      tpu.enqueue_indirect_dma source(%dma_start3A_147 : memref<10000x128xf32, #tpu.memory_space<hbm>>) target(%arg11 : memref<128x128xf32, #tpu.memory_space<vmem>>) offsets(%dma_start3A_144 : memref<128xi32, #tpu.memory_space<vmem>>) semaphore(%arg16 : memref<!tpu.dma_semaphore, #tpu.memory_space<semaphore_mem>>)
      %dma_wait3A_148 = arith.constant 5 : i32
      %dma_wait3A_149 = arith.constant 0 : i32
      %dma_wait3A_150 = tpu.memref_slice %arg7[%dma_wait3A_148, %dma_wait3A_149] : memref<8x128xi32, #tpu.memory_space<vmem>> -> memref<1x128xi32, #tpu.memory_space<vmem>>
      %dma_wait3A_151 = tpu.memref_squeeze %dma_wait3A_150 : memref<1x128xi32, #tpu.memory_space<vmem>> -> memref<128xi32, #tpu.memory_space<vmem>>
      %dma_wait3A_152 = arith.constant 0 : i32
      %dma_wait3A_153 = arith.constant 0 : i32
      %dma_wait3A_154 = tpu.memref_slice %arg2[%dma_wait3A_152, %dma_wait3A_153] : memref<10000x128xf32, #tpu.memory_space<hbm>> -> memref<10000x128xf32, #tpu.memory_space<hbm>>
      tpu.wait_indirect_dma semaphore(%arg17 : memref<!tpu.dma_semaphore, #tpu.memory_space<semaphore_mem>>) src(%dma_wait3A_154 : memref<10000x128xf32, #tpu.memory_space<hbm>>) dst(%arg12 : memref<128x128xf32, #tpu.memory_space<vmem>>)
      %run_scoped3A_155 = arith.constant 5 : i32
      "tpu.region"() ({
        %run_scoped3A_360 = tpu.sem_alloc : memref<!tpu.dma_semaphore, #tpu.memory_space<semaphore_mem>>
        %dma_start3A_361 = arith.constant 0 : i32
        %dma_start3A_362 = tpu.memref_slice %arg9[%run_scoped3A_155, %dma_start3A_361] : memref<8x128xi32, #tpu.memory_space<vmem>> -> memref<1x128xi32, #tpu.memory_space<vmem>>
        %dma_start3A_363 = tpu.memref_squeeze %dma_start3A_362 : memref<1x128xi32, #tpu.memory_space<vmem>> -> memref<128xi32, #tpu.memory_space<vmem>>
        %dma_start3A_364 = arith.constant 0 : i32
        %dma_start3A_365 = arith.constant 0 : i32
        %dma_start3A_366 = tpu.memref_slice %arg13[%dma_start3A_364, %dma_start3A_365] : memref<10240x128xf32, #tpu.memory_space<vmem_shared>> -> memref<10240x128xf32, #tpu.memory_space<vmem_shared>>
        tpu.enqueue_indirect_dma source(%arg12 : memref<128x128xf32, #tpu.memory_space<vmem>>) target(%dma_start3A_366 : memref<10240x128xf32, #tpu.memory_space<vmem_shared>>) offsets(%dma_start3A_363 : memref<128xi32, #tpu.memory_space<vmem>>) semaphore(%run_scoped3A_360 : memref<!tpu.dma_semaphore, #tpu.memory_space<semaphore_mem>>) {add = true}
        %dma_wait3A_367 = arith.constant 0 : i32
        %dma_wait3A_368 = tpu.memref_slice %arg9[%run_scoped3A_155, %dma_wait3A_367] : memref<8x128xi32, #tpu.memory_space<vmem>> -> memref<1x128xi32, #tpu.memory_space<vmem>>
        %dma_wait3A_369 = tpu.memref_squeeze %dma_wait3A_368 : memref<1x128xi32, #tpu.memory_space<vmem>> -> memref<128xi32, #tpu.memory_space<vmem>>
        %dma_wait3A_370 = arith.constant 0 : i32
        %dma_wait3A_371 = arith.constant 0 : i32
        %dma_wait3A_372 = tpu.memref_slice %arg13[%dma_wait3A_370, %dma_wait3A_371] : memref<10240x128xf32, #tpu.memory_space<vmem_shared>> -> memref<10240x128xf32, #tpu.memory_space<vmem_shared>>
        tpu.wait_indirect_dma semaphore(%run_scoped3A_360 : memref<!tpu.dma_semaphore, #tpu.memory_space<semaphore_mem>>) src(%arg12 : memref<128x128xf32, #tpu.memory_space<vmem>>) dst(%dma_wait3A_372 : memref<10240x128xf32, #tpu.memory_space<vmem_shared>>)
        tpu.yield
      }) : () -> ()
      %dma_start3A_156 = arith.constant 7 : i32
      %dma_start3A_157 = arith.constant 0 : i32
      %dma_start3A_158 = tpu.memref_slice %arg7[%dma_start3A_156, %dma_start3A_157] : memref<8x128xi32, #tpu.memory_space<vmem>> -> memref<1x128xi32, #tpu.memory_space<vmem>>
      %dma_start3A_159 = tpu.memref_squeeze %dma_start3A_158 : memref<1x128xi32, #tpu.memory_space<vmem>> -> memref<128xi32, #tpu.memory_space<vmem>>
      %dma_start3A_160 = arith.constant 0 : i32
      %dma_start3A_161 = arith.constant 0 : i32
      %dma_start3A_162 = tpu.memref_slice %arg2[%dma_start3A_160, %dma_start3A_161] : memref<10000x128xf32, #tpu.memory_space<hbm>> -> memref<10000x128xf32, #tpu.memory_space<hbm>>
      tpu.enqueue_indirect_dma source(%dma_start3A_162 : memref<10000x128xf32, #tpu.memory_space<hbm>>) target(%arg12 : memref<128x128xf32, #tpu.memory_space<vmem>>) offsets(%dma_start3A_159 : memref<128xi32, #tpu.memory_space<vmem>>) semaphore(%arg17 : memref<!tpu.dma_semaphore, #tpu.memory_space<semaphore_mem>>)
      %dma_wait3A_163 = arith.constant 6 : i32
      %dma_wait3A_164 = arith.constant 0 : i32
      %dma_wait3A_165 = tpu.memref_slice %arg7[%dma_wait3A_163, %dma_wait3A_164] : memref<8x128xi32, #tpu.memory_space<vmem>> -> memref<1x128xi32, #tpu.memory_space<vmem>>
      %dma_wait3A_166 = tpu.memref_squeeze %dma_wait3A_165 : memref<1x128xi32, #tpu.memory_space<vmem>> -> memref<128xi32, #tpu.memory_space<vmem>>
      %dma_wait3A_167 = arith.constant 0 : i32
      %dma_wait3A_168 = arith.constant 0 : i32
      %dma_wait3A_169 = tpu.memref_slice %arg2[%dma_wait3A_167, %dma_wait3A_168] : memref<10000x128xf32, #tpu.memory_space<hbm>> -> memref<10000x128xf32, #tpu.memory_space<hbm>>
      tpu.wait_indirect_dma semaphore(%arg16 : memref<!tpu.dma_semaphore, #tpu.memory_space<semaphore_mem>>) src(%dma_wait3A_169 : memref<10000x128xf32, #tpu.memory_space<hbm>>) dst(%arg11 : memref<128x128xf32, #tpu.memory_space<vmem>>)
      %run_scoped3A_170 = arith.constant 6 : i32
      "tpu.region"() ({
        %run_scoped3A_360 = tpu.sem_alloc : memref<!tpu.dma_semaphore, #tpu.memory_space<semaphore_mem>>
        %dma_start3A_361 = arith.constant 0 : i32
        %dma_start3A_362 = tpu.memref_slice %arg9[%run_scoped3A_170, %dma_start3A_361] : memref<8x128xi32, #tpu.memory_space<vmem>> -> memref<1x128xi32, #tpu.memory_space<vmem>>
        %dma_start3A_363 = tpu.memref_squeeze %dma_start3A_362 : memref<1x128xi32, #tpu.memory_space<vmem>> -> memref<128xi32, #tpu.memory_space<vmem>>
        %dma_start3A_364 = arith.constant 0 : i32
        %dma_start3A_365 = arith.constant 0 : i32
        %dma_start3A_366 = tpu.memref_slice %arg13[%dma_start3A_364, %dma_start3A_365] : memref<10240x128xf32, #tpu.memory_space<vmem_shared>> -> memref<10240x128xf32, #tpu.memory_space<vmem_shared>>
        tpu.enqueue_indirect_dma source(%arg11 : memref<128x128xf32, #tpu.memory_space<vmem>>) target(%dma_start3A_366 : memref<10240x128xf32, #tpu.memory_space<vmem_shared>>) offsets(%dma_start3A_363 : memref<128xi32, #tpu.memory_space<vmem>>) semaphore(%run_scoped3A_360 : memref<!tpu.dma_semaphore, #tpu.memory_space<semaphore_mem>>) {add = true}
        %dma_wait3A_367 = arith.constant 0 : i32
        %dma_wait3A_368 = tpu.memref_slice %arg9[%run_scoped3A_170, %dma_wait3A_367] : memref<8x128xi32, #tpu.memory_space<vmem>> -> memref<1x128xi32, #tpu.memory_space<vmem>>
        %dma_wait3A_369 = tpu.memref_squeeze %dma_wait3A_368 : memref<1x128xi32, #tpu.memory_space<vmem>> -> memref<128xi32, #tpu.memory_space<vmem>>
        %dma_wait3A_370 = arith.constant 0 : i32
        %dma_wait3A_371 = arith.constant 0 : i32
        %dma_wait3A_372 = tpu.memref_slice %arg13[%dma_wait3A_370, %dma_wait3A_371] : memref<10240x128xf32, #tpu.memory_space<vmem_shared>> -> memref<10240x128xf32, #tpu.memory_space<vmem_shared>>
        tpu.wait_indirect_dma semaphore(%run_scoped3A_360 : memref<!tpu.dma_semaphore, #tpu.memory_space<semaphore_mem>>) src(%arg11 : memref<128x128xf32, #tpu.memory_space<vmem>>) dst(%dma_wait3A_372 : memref<10240x128xf32, #tpu.memory_space<vmem_shared>>)
        tpu.yield
      }) : () -> ()
      %add3A_171 = arith.constant 1 : i32
      %add3A_172 = arith.addi %add3A_66, %add3A_171 : i32
      %mul3A_173 = arith.constant 8 : i32
      %mul3A_174 = arith.muli %add3A_172, %mul3A_173 : i32
      %add3A_175 = arith.addi %mul3A_2, %mul3A_174 : i32
      %dma_wait3A_176 = arith.constant 0 : i32
      %dma_wait3A_177 = tpu.memref_slice %arg3[%add3A_175, %dma_wait3A_176] : memref<2576x128xi32, #tpu.memory_space<hbm>> -> memref<8x128xi32, #tpu.memory_space<hbm>>
      %dma_wait3A_178 = arith.constant 0 : i32
      %dma_wait3A_179 = tpu.memref_slice %arg3[%add3A_175, %dma_wait3A_178] : memref<2576x128xi32, #tpu.memory_space<hbm>> -> memref<8x128xi32, #tpu.memory_space<hbm>>
      tpu.wait_dma2 semaphore(%arg15 : memref<!tpu.dma_semaphore, #tpu.memory_space<semaphore_mem>>) src(%dma_wait3A_179 : memref<8x128xi32, #tpu.memory_space<hbm>>) dst(%arg8 : memref<8x128xi32, #tpu.memory_space<vmem>>)
      %dma_wait3A_180 = arith.constant 0 : i32
      %dma_wait3A_181 = tpu.memref_slice %arg4[%add3A_175, %dma_wait3A_180] : memref<2576x128xi32, #tpu.memory_space<hbm>> -> memref<8x128xi32, #tpu.memory_space<hbm>>
      %dma_wait3A_182 = arith.constant 0 : i32
      %dma_wait3A_183 = tpu.memref_slice %arg4[%add3A_175, %dma_wait3A_182] : memref<2576x128xi32, #tpu.memory_space<hbm>> -> memref<8x128xi32, #tpu.memory_space<hbm>>
      tpu.wait_dma2 semaphore(%arg15 : memref<!tpu.dma_semaphore, #tpu.memory_space<semaphore_mem>>) src(%dma_wait3A_183 : memref<8x128xi32, #tpu.memory_space<hbm>>) dst(%arg10 : memref<8x128xi32, #tpu.memory_space<vmem>>)
      %dma_start3A_184 = arith.constant 0 : i32
      %dma_start3A_185 = arith.constant 0 : i32
      %dma_start3A_186 = tpu.memref_slice %arg8[%dma_start3A_184, %dma_start3A_185] : memref<8x128xi32, #tpu.memory_space<vmem>> -> memref<1x128xi32, #tpu.memory_space<vmem>>
      %dma_start3A_187 = tpu.memref_squeeze %dma_start3A_186 : memref<1x128xi32, #tpu.memory_space<vmem>> -> memref<128xi32, #tpu.memory_space<vmem>>
      %dma_start3A_188 = arith.constant 0 : i32
      %dma_start3A_189 = arith.constant 0 : i32
      %dma_start3A_190 = tpu.memref_slice %arg2[%dma_start3A_188, %dma_start3A_189] : memref<10000x128xf32, #tpu.memory_space<hbm>> -> memref<10000x128xf32, #tpu.memory_space<hbm>>
      tpu.enqueue_indirect_dma source(%dma_start3A_190 : memref<10000x128xf32, #tpu.memory_space<hbm>>) target(%arg11 : memref<128x128xf32, #tpu.memory_space<vmem>>) offsets(%dma_start3A_187 : memref<128xi32, #tpu.memory_space<vmem>>) semaphore(%arg16 : memref<!tpu.dma_semaphore, #tpu.memory_space<semaphore_mem>>)
      %dma_wait3A_191 = arith.constant 7 : i32
      %dma_wait3A_192 = arith.constant 0 : i32
      %dma_wait3A_193 = tpu.memref_slice %arg7[%dma_wait3A_191, %dma_wait3A_192] : memref<8x128xi32, #tpu.memory_space<vmem>> -> memref<1x128xi32, #tpu.memory_space<vmem>>
      %dma_wait3A_194 = tpu.memref_squeeze %dma_wait3A_193 : memref<1x128xi32, #tpu.memory_space<vmem>> -> memref<128xi32, #tpu.memory_space<vmem>>
      %dma_wait3A_195 = arith.constant 0 : i32
      %dma_wait3A_196 = arith.constant 0 : i32
      %dma_wait3A_197 = tpu.memref_slice %arg2[%dma_wait3A_195, %dma_wait3A_196] : memref<10000x128xf32, #tpu.memory_space<hbm>> -> memref<10000x128xf32, #tpu.memory_space<hbm>>
      tpu.wait_indirect_dma semaphore(%arg17 : memref<!tpu.dma_semaphore, #tpu.memory_space<semaphore_mem>>) src(%dma_wait3A_197 : memref<10000x128xf32, #tpu.memory_space<hbm>>) dst(%arg12 : memref<128x128xf32, #tpu.memory_space<vmem>>)
      %add3A_198 = arith.constant 2 : i32
      %add3A_199 = arith.addi %add3A_66, %add3A_198 : i32
      %mul3A_200 = arith.constant 8 : i32
      %mul3A_201 = arith.muli %add3A_199, %mul3A_200 : i32
      %add3A_202 = arith.addi %mul3A_2, %mul3A_201 : i32
      %dma_start3A_203 = arith.constant 0 : i32
      %dma_start3A_204 = tpu.memref_slice %arg3[%add3A_202, %dma_start3A_203] : memref<2576x128xi32, #tpu.memory_space<hbm>> -> memref<8x128xi32, #tpu.memory_space<hbm>>
      %dma_start3A_205 = arith.constant 0 : i32
      %dma_start3A_206 = tpu.memref_slice %arg3[%add3A_202, %dma_start3A_205] : memref<2576x128xi32, #tpu.memory_space<hbm>> -> memref<8x128xi32, #tpu.memory_space<hbm>>
      tpu.enqueue_dma source(%dma_start3A_206 : memref<8x128xi32, #tpu.memory_space<hbm>>) target(%arg7 : memref<8x128xi32, #tpu.memory_space<vmem>>) target_semaphore(%arg14 : memref<!tpu.dma_semaphore, #tpu.memory_space<semaphore_mem>>)
      %dma_start3A_207 = arith.constant 0 : i32
      %dma_start3A_208 = tpu.memref_slice %arg4[%add3A_202, %dma_start3A_207] : memref<2576x128xi32, #tpu.memory_space<hbm>> -> memref<8x128xi32, #tpu.memory_space<hbm>>
      %dma_start3A_209 = arith.constant 0 : i32
      %dma_start3A_210 = tpu.memref_slice %arg4[%add3A_202, %dma_start3A_209] : memref<2576x128xi32, #tpu.memory_space<hbm>> -> memref<8x128xi32, #tpu.memory_space<hbm>>
      tpu.enqueue_dma source(%dma_start3A_210 : memref<8x128xi32, #tpu.memory_space<hbm>>) target(%arg9 : memref<8x128xi32, #tpu.memory_space<vmem>>) target_semaphore(%arg14 : memref<!tpu.dma_semaphore, #tpu.memory_space<semaphore_mem>>)
      %run_scoped3A_211 = arith.constant 7 : i32
      "tpu.region"() ({
        %run_scoped3A_360 = tpu.sem_alloc : memref<!tpu.dma_semaphore, #tpu.memory_space<semaphore_mem>>
        %dma_start3A_361 = arith.constant 0 : i32
        %dma_start3A_362 = tpu.memref_slice %arg9[%run_scoped3A_211, %dma_start3A_361] : memref<8x128xi32, #tpu.memory_space<vmem>> -> memref<1x128xi32, #tpu.memory_space<vmem>>
        %dma_start3A_363 = tpu.memref_squeeze %dma_start3A_362 : memref<1x128xi32, #tpu.memory_space<vmem>> -> memref<128xi32, #tpu.memory_space<vmem>>
        %dma_start3A_364 = arith.constant 0 : i32
        %dma_start3A_365 = arith.constant 0 : i32
        %dma_start3A_366 = tpu.memref_slice %arg13[%dma_start3A_364, %dma_start3A_365] : memref<10240x128xf32, #tpu.memory_space<vmem_shared>> -> memref<10240x128xf32, #tpu.memory_space<vmem_shared>>
        tpu.enqueue_indirect_dma source(%arg12 : memref<128x128xf32, #tpu.memory_space<vmem>>) target(%dma_start3A_366 : memref<10240x128xf32, #tpu.memory_space<vmem_shared>>) offsets(%dma_start3A_363 : memref<128xi32, #tpu.memory_space<vmem>>) semaphore(%run_scoped3A_360 : memref<!tpu.dma_semaphore, #tpu.memory_space<semaphore_mem>>) {add = true}
        %dma_wait3A_367 = arith.constant 0 : i32
        %dma_wait3A_368 = tpu.memref_slice %arg9[%run_scoped3A_211, %dma_wait3A_367] : memref<8x128xi32, #tpu.memory_space<vmem>> -> memref<1x128xi32, #tpu.memory_space<vmem>>
        %dma_wait3A_369 = tpu.memref_squeeze %dma_wait3A_368 : memref<1x128xi32, #tpu.memory_space<vmem>> -> memref<128xi32, #tpu.memory_space<vmem>>
        %dma_wait3A_370 = arith.constant 0 : i32
        %dma_wait3A_371 = arith.constant 0 : i32
        %dma_wait3A_372 = tpu.memref_slice %arg13[%dma_wait3A_370, %dma_wait3A_371] : memref<10240x128xf32, #tpu.memory_space<vmem_shared>> -> memref<10240x128xf32, #tpu.memory_space<vmem_shared>>
        tpu.wait_indirect_dma semaphore(%run_scoped3A_360 : memref<!tpu.dma_semaphore, #tpu.memory_space<semaphore_mem>>) src(%arg12 : memref<128x128xf32, #tpu.memory_space<vmem>>) dst(%dma_wait3A_372 : memref<10240x128xf32, #tpu.memory_space<vmem_shared>>)
        tpu.yield
      }) : () -> ()
      %add3A_212 = arith.constant 1 : i32
      %add3A_213 = arith.addi %add3A_66, %add3A_212 : i32
      %dma_start3A_214 = arith.constant 1 : i32
      %dma_start3A_215 = arith.constant 0 : i32
      %dma_start3A_216 = tpu.memref_slice %arg8[%dma_start3A_214, %dma_start3A_215] : memref<8x128xi32, #tpu.memory_space<vmem>> -> memref<1x128xi32, #tpu.memory_space<vmem>>
      %dma_start3A_217 = tpu.memref_squeeze %dma_start3A_216 : memref<1x128xi32, #tpu.memory_space<vmem>> -> memref<128xi32, #tpu.memory_space<vmem>>
      %dma_start3A_218 = arith.constant 0 : i32
      %dma_start3A_219 = arith.constant 0 : i32
      %dma_start3A_220 = tpu.memref_slice %arg2[%dma_start3A_218, %dma_start3A_219] : memref<10000x128xf32, #tpu.memory_space<hbm>> -> memref<10000x128xf32, #tpu.memory_space<hbm>>
      tpu.enqueue_indirect_dma source(%dma_start3A_220 : memref<10000x128xf32, #tpu.memory_space<hbm>>) target(%arg12 : memref<128x128xf32, #tpu.memory_space<vmem>>) offsets(%dma_start3A_217 : memref<128xi32, #tpu.memory_space<vmem>>) semaphore(%arg17 : memref<!tpu.dma_semaphore, #tpu.memory_space<semaphore_mem>>)
      %dma_wait3A_221 = arith.constant 0 : i32
      %dma_wait3A_222 = arith.constant 0 : i32
      %dma_wait3A_223 = tpu.memref_slice %arg8[%dma_wait3A_221, %dma_wait3A_222] : memref<8x128xi32, #tpu.memory_space<vmem>> -> memref<1x128xi32, #tpu.memory_space<vmem>>
      %dma_wait3A_224 = tpu.memref_squeeze %dma_wait3A_223 : memref<1x128xi32, #tpu.memory_space<vmem>> -> memref<128xi32, #tpu.memory_space<vmem>>
      %dma_wait3A_225 = arith.constant 0 : i32
      %dma_wait3A_226 = arith.constant 0 : i32
      %dma_wait3A_227 = tpu.memref_slice %arg2[%dma_wait3A_225, %dma_wait3A_226] : memref<10000x128xf32, #tpu.memory_space<hbm>> -> memref<10000x128xf32, #tpu.memory_space<hbm>>
      tpu.wait_indirect_dma semaphore(%arg16 : memref<!tpu.dma_semaphore, #tpu.memory_space<semaphore_mem>>) src(%dma_wait3A_227 : memref<10000x128xf32, #tpu.memory_space<hbm>>) dst(%arg11 : memref<128x128xf32, #tpu.memory_space<vmem>>)
      %run_scoped3A_228 = arith.constant 0 : i32
      "tpu.region"() ({
        %run_scoped3A_360 = tpu.sem_alloc : memref<!tpu.dma_semaphore, #tpu.memory_space<semaphore_mem>>
        %dma_start3A_361 = arith.constant 0 : i32
        %dma_start3A_362 = tpu.memref_slice %arg10[%run_scoped3A_228, %dma_start3A_361] : memref<8x128xi32, #tpu.memory_space<vmem>> -> memref<1x128xi32, #tpu.memory_space<vmem>>
        %dma_start3A_363 = tpu.memref_squeeze %dma_start3A_362 : memref<1x128xi32, #tpu.memory_space<vmem>> -> memref<128xi32, #tpu.memory_space<vmem>>
        %dma_start3A_364 = arith.constant 0 : i32
        %dma_start3A_365 = arith.constant 0 : i32
        %dma_start3A_366 = tpu.memref_slice %arg13[%dma_start3A_364, %dma_start3A_365] : memref<10240x128xf32, #tpu.memory_space<vmem_shared>> -> memref<10240x128xf32, #tpu.memory_space<vmem_shared>>
        tpu.enqueue_indirect_dma source(%arg11 : memref<128x128xf32, #tpu.memory_space<vmem>>) target(%dma_start3A_366 : memref<10240x128xf32, #tpu.memory_space<vmem_shared>>) offsets(%dma_start3A_363 : memref<128xi32, #tpu.memory_space<vmem>>) semaphore(%run_scoped3A_360 : memref<!tpu.dma_semaphore, #tpu.memory_space<semaphore_mem>>) {add = true}
        %dma_wait3A_367 = arith.constant 0 : i32
        %dma_wait3A_368 = tpu.memref_slice %arg10[%run_scoped3A_228, %dma_wait3A_367] : memref<8x128xi32, #tpu.memory_space<vmem>> -> memref<1x128xi32, #tpu.memory_space<vmem>>
        %dma_wait3A_369 = tpu.memref_squeeze %dma_wait3A_368 : memref<1x128xi32, #tpu.memory_space<vmem>> -> memref<128xi32, #tpu.memory_space<vmem>>
        %dma_wait3A_370 = arith.constant 0 : i32
        %dma_wait3A_371 = arith.constant 0 : i32
        %dma_wait3A_372 = tpu.memref_slice %arg13[%dma_wait3A_370, %dma_wait3A_371] : memref<10240x128xf32, #tpu.memory_space<vmem_shared>> -> memref<10240x128xf32, #tpu.memory_space<vmem_shared>>
        tpu.wait_indirect_dma semaphore(%run_scoped3A_360 : memref<!tpu.dma_semaphore, #tpu.memory_space<semaphore_mem>>) src(%arg11 : memref<128x128xf32, #tpu.memory_space<vmem>>) dst(%dma_wait3A_372 : memref<10240x128xf32, #tpu.memory_space<vmem_shared>>)
        tpu.yield
      }) : () -> ()
      %dma_start3A_229 = arith.constant 2 : i32
      %dma_start3A_230 = arith.constant 0 : i32
      %dma_start3A_231 = tpu.memref_slice %arg8[%dma_start3A_229, %dma_start3A_230] : memref<8x128xi32, #tpu.memory_space<vmem>> -> memref<1x128xi32, #tpu.memory_space<vmem>>
      %dma_start3A_232 = tpu.memref_squeeze %dma_start3A_231 : memref<1x128xi32, #tpu.memory_space<vmem>> -> memref<128xi32, #tpu.memory_space<vmem>>
      %dma_start3A_233 = arith.constant 0 : i32
      %dma_start3A_234 = arith.constant 0 : i32
      %dma_start3A_235 = tpu.memref_slice %arg2[%dma_start3A_233, %dma_start3A_234] : memref<10000x128xf32, #tpu.memory_space<hbm>> -> memref<10000x128xf32, #tpu.memory_space<hbm>>
      tpu.enqueue_indirect_dma source(%dma_start3A_235 : memref<10000x128xf32, #tpu.memory_space<hbm>>) target(%arg11 : memref<128x128xf32, #tpu.memory_space<vmem>>) offsets(%dma_start3A_232 : memref<128xi32, #tpu.memory_space<vmem>>) semaphore(%arg16 : memref<!tpu.dma_semaphore, #tpu.memory_space<semaphore_mem>>)
      %dma_wait3A_236 = arith.constant 1 : i32
      %dma_wait3A_237 = arith.constant 0 : i32
      %dma_wait3A_238 = tpu.memref_slice %arg8[%dma_wait3A_236, %dma_wait3A_237] : memref<8x128xi32, #tpu.memory_space<vmem>> -> memref<1x128xi32, #tpu.memory_space<vmem>>
      %dma_wait3A_239 = tpu.memref_squeeze %dma_wait3A_238 : memref<1x128xi32, #tpu.memory_space<vmem>> -> memref<128xi32, #tpu.memory_space<vmem>>
      %dma_wait3A_240 = arith.constant 0 : i32
      %dma_wait3A_241 = arith.constant 0 : i32
      %dma_wait3A_242 = tpu.memref_slice %arg2[%dma_wait3A_240, %dma_wait3A_241] : memref<10000x128xf32, #tpu.memory_space<hbm>> -> memref<10000x128xf32, #tpu.memory_space<hbm>>
      tpu.wait_indirect_dma semaphore(%arg17 : memref<!tpu.dma_semaphore, #tpu.memory_space<semaphore_mem>>) src(%dma_wait3A_242 : memref<10000x128xf32, #tpu.memory_space<hbm>>) dst(%arg12 : memref<128x128xf32, #tpu.memory_space<vmem>>)
      %run_scoped3A_243 = arith.constant 1 : i32
      "tpu.region"() ({
        %run_scoped3A_360 = tpu.sem_alloc : memref<!tpu.dma_semaphore, #tpu.memory_space<semaphore_mem>>
        %dma_start3A_361 = arith.constant 0 : i32
        %dma_start3A_362 = tpu.memref_slice %arg10[%run_scoped3A_243, %dma_start3A_361] : memref<8x128xi32, #tpu.memory_space<vmem>> -> memref<1x128xi32, #tpu.memory_space<vmem>>
        %dma_start3A_363 = tpu.memref_squeeze %dma_start3A_362 : memref<1x128xi32, #tpu.memory_space<vmem>> -> memref<128xi32, #tpu.memory_space<vmem>>
        %dma_start3A_364 = arith.constant 0 : i32
        %dma_start3A_365 = arith.constant 0 : i32
        %dma_start3A_366 = tpu.memref_slice %arg13[%dma_start3A_364, %dma_start3A_365] : memref<10240x128xf32, #tpu.memory_space<vmem_shared>> -> memref<10240x128xf32, #tpu.memory_space<vmem_shared>>
        tpu.enqueue_indirect_dma source(%arg12 : memref<128x128xf32, #tpu.memory_space<vmem>>) target(%dma_start3A_366 : memref<10240x128xf32, #tpu.memory_space<vmem_shared>>) offsets(%dma_start3A_363 : memref<128xi32, #tpu.memory_space<vmem>>) semaphore(%run_scoped3A_360 : memref<!tpu.dma_semaphore, #tpu.memory_space<semaphore_mem>>) {add = true}
        %dma_wait3A_367 = arith.constant 0 : i32
        %dma_wait3A_368 = tpu.memref_slice %arg10[%run_scoped3A_243, %dma_wait3A_367] : memref<8x128xi32, #tpu.memory_space<vmem>> -> memref<1x128xi32, #tpu.memory_space<vmem>>
        %dma_wait3A_369 = tpu.memref_squeeze %dma_wait3A_368 : memref<1x128xi32, #tpu.memory_space<vmem>> -> memref<128xi32, #tpu.memory_space<vmem>>
        %dma_wait3A_370 = arith.constant 0 : i32
        %dma_wait3A_371 = arith.constant 0 : i32
        %dma_wait3A_372 = tpu.memref_slice %arg13[%dma_wait3A_370, %dma_wait3A_371] : memref<10240x128xf32, #tpu.memory_space<vmem_shared>> -> memref<10240x128xf32, #tpu.memory_space<vmem_shared>>
        tpu.wait_indirect_dma semaphore(%run_scoped3A_360 : memref<!tpu.dma_semaphore, #tpu.memory_space<semaphore_mem>>) src(%arg12 : memref<128x128xf32, #tpu.memory_space<vmem>>) dst(%dma_wait3A_372 : memref<10240x128xf32, #tpu.memory_space<vmem_shared>>)
        tpu.yield
      }) : () -> ()
      %dma_start3A_244 = arith.constant 3 : i32
      %dma_start3A_245 = arith.constant 0 : i32
      %dma_start3A_246 = tpu.memref_slice %arg8[%dma_start3A_244, %dma_start3A_245] : memref<8x128xi32, #tpu.memory_space<vmem>> -> memref<1x128xi32, #tpu.memory_space<vmem>>
      %dma_start3A_247 = tpu.memref_squeeze %dma_start3A_246 : memref<1x128xi32, #tpu.memory_space<vmem>> -> memref<128xi32, #tpu.memory_space<vmem>>
      %dma_start3A_248 = arith.constant 0 : i32
      %dma_start3A_249 = arith.constant 0 : i32
      %dma_start3A_250 = tpu.memref_slice %arg2[%dma_start3A_248, %dma_start3A_249] : memref<10000x128xf32, #tpu.memory_space<hbm>> -> memref<10000x128xf32, #tpu.memory_space<hbm>>
      tpu.enqueue_indirect_dma source(%dma_start3A_250 : memref<10000x128xf32, #tpu.memory_space<hbm>>) target(%arg12 : memref<128x128xf32, #tpu.memory_space<vmem>>) offsets(%dma_start3A_247 : memref<128xi32, #tpu.memory_space<vmem>>) semaphore(%arg17 : memref<!tpu.dma_semaphore, #tpu.memory_space<semaphore_mem>>)
      %dma_wait3A_251 = arith.constant 2 : i32
      %dma_wait3A_252 = arith.constant 0 : i32
      %dma_wait3A_253 = tpu.memref_slice %arg8[%dma_wait3A_251, %dma_wait3A_252] : memref<8x128xi32, #tpu.memory_space<vmem>> -> memref<1x128xi32, #tpu.memory_space<vmem>>
      %dma_wait3A_254 = tpu.memref_squeeze %dma_wait3A_253 : memref<1x128xi32, #tpu.memory_space<vmem>> -> memref<128xi32, #tpu.memory_space<vmem>>
      %dma_wait3A_255 = arith.constant 0 : i32
      %dma_wait3A_256 = arith.constant 0 : i32
      %dma_wait3A_257 = tpu.memref_slice %arg2[%dma_wait3A_255, %dma_wait3A_256] : memref<10000x128xf32, #tpu.memory_space<hbm>> -> memref<10000x128xf32, #tpu.memory_space<hbm>>
      tpu.wait_indirect_dma semaphore(%arg16 : memref<!tpu.dma_semaphore, #tpu.memory_space<semaphore_mem>>) src(%dma_wait3A_257 : memref<10000x128xf32, #tpu.memory_space<hbm>>) dst(%arg11 : memref<128x128xf32, #tpu.memory_space<vmem>>)
      %run_scoped3A_258 = arith.constant 2 : i32
      "tpu.region"() ({
        %run_scoped3A_360 = tpu.sem_alloc : memref<!tpu.dma_semaphore, #tpu.memory_space<semaphore_mem>>
        %dma_start3A_361 = arith.constant 0 : i32
        %dma_start3A_362 = tpu.memref_slice %arg10[%run_scoped3A_258, %dma_start3A_361] : memref<8x128xi32, #tpu.memory_space<vmem>> -> memref<1x128xi32, #tpu.memory_space<vmem>>
        %dma_start3A_363 = tpu.memref_squeeze %dma_start3A_362 : memref<1x128xi32, #tpu.memory_space<vmem>> -> memref<128xi32, #tpu.memory_space<vmem>>
        %dma_start3A_364 = arith.constant 0 : i32
        %dma_start3A_365 = arith.constant 0 : i32
        %dma_start3A_366 = tpu.memref_slice %arg13[%dma_start3A_364, %dma_start3A_365] : memref<10240x128xf32, #tpu.memory_space<vmem_shared>> -> memref<10240x128xf32, #tpu.memory_space<vmem_shared>>
        tpu.enqueue_indirect_dma source(%arg11 : memref<128x128xf32, #tpu.memory_space<vmem>>) target(%dma_start3A_366 : memref<10240x128xf32, #tpu.memory_space<vmem_shared>>) offsets(%dma_start3A_363 : memref<128xi32, #tpu.memory_space<vmem>>) semaphore(%run_scoped3A_360 : memref<!tpu.dma_semaphore, #tpu.memory_space<semaphore_mem>>) {add = true}
        %dma_wait3A_367 = arith.constant 0 : i32
        %dma_wait3A_368 = tpu.memref_slice %arg10[%run_scoped3A_258, %dma_wait3A_367] : memref<8x128xi32, #tpu.memory_space<vmem>> -> memref<1x128xi32, #tpu.memory_space<vmem>>
        %dma_wait3A_369 = tpu.memref_squeeze %dma_wait3A_368 : memref<1x128xi32, #tpu.memory_space<vmem>> -> memref<128xi32, #tpu.memory_space<vmem>>
        %dma_wait3A_370 = arith.constant 0 : i32
        %dma_wait3A_371 = arith.constant 0 : i32
        %dma_wait3A_372 = tpu.memref_slice %arg13[%dma_wait3A_370, %dma_wait3A_371] : memref<10240x128xf32, #tpu.memory_space<vmem_shared>> -> memref<10240x128xf32, #tpu.memory_space<vmem_shared>>
        tpu.wait_indirect_dma semaphore(%run_scoped3A_360 : memref<!tpu.dma_semaphore, #tpu.memory_space<semaphore_mem>>) src(%arg11 : memref<128x128xf32, #tpu.memory_space<vmem>>) dst(%dma_wait3A_372 : memref<10240x128xf32, #tpu.memory_space<vmem_shared>>)
        tpu.yield
      }) : () -> ()
      %dma_start3A_259 = arith.constant 4 : i32
      %dma_start3A_260 = arith.constant 0 : i32
      %dma_start3A_261 = tpu.memref_slice %arg8[%dma_start3A_259, %dma_start3A_260] : memref<8x128xi32, #tpu.memory_space<vmem>> -> memref<1x128xi32, #tpu.memory_space<vmem>>
      %dma_start3A_262 = tpu.memref_squeeze %dma_start3A_261 : memref<1x128xi32, #tpu.memory_space<vmem>> -> memref<128xi32, #tpu.memory_space<vmem>>
      %dma_start3A_263 = arith.constant 0 : i32
      %dma_start3A_264 = arith.constant 0 : i32
      %dma_start3A_265 = tpu.memref_slice %arg2[%dma_start3A_263, %dma_start3A_264] : memref<10000x128xf32, #tpu.memory_space<hbm>> -> memref<10000x128xf32, #tpu.memory_space<hbm>>
      tpu.enqueue_indirect_dma source(%dma_start3A_265 : memref<10000x128xf32, #tpu.memory_space<hbm>>) target(%arg11 : memref<128x128xf32, #tpu.memory_space<vmem>>) offsets(%dma_start3A_262 : memref<128xi32, #tpu.memory_space<vmem>>) semaphore(%arg16 : memref<!tpu.dma_semaphore, #tpu.memory_space<semaphore_mem>>)
      %dma_wait3A_266 = arith.constant 3 : i32
      %dma_wait3A_267 = arith.constant 0 : i32
      %dma_wait3A_268 = tpu.memref_slice %arg8[%dma_wait3A_266, %dma_wait3A_267] : memref<8x128xi32, #tpu.memory_space<vmem>> -> memref<1x128xi32, #tpu.memory_space<vmem>>
      %dma_wait3A_269 = tpu.memref_squeeze %dma_wait3A_268 : memref<1x128xi32, #tpu.memory_space<vmem>> -> memref<128xi32, #tpu.memory_space<vmem>>
      %dma_wait3A_270 = arith.constant 0 : i32
      %dma_wait3A_271 = arith.constant 0 : i32
      %dma_wait3A_272 = tpu.memref_slice %arg2[%dma_wait3A_270, %dma_wait3A_271] : memref<10000x128xf32, #tpu.memory_space<hbm>> -> memref<10000x128xf32, #tpu.memory_space<hbm>>
      tpu.wait_indirect_dma semaphore(%arg17 : memref<!tpu.dma_semaphore, #tpu.memory_space<semaphore_mem>>) src(%dma_wait3A_272 : memref<10000x128xf32, #tpu.memory_space<hbm>>) dst(%arg12 : memref<128x128xf32, #tpu.memory_space<vmem>>)
      %run_scoped3A_273 = arith.constant 3 : i32
      "tpu.region"() ({
        %run_scoped3A_360 = tpu.sem_alloc : memref<!tpu.dma_semaphore, #tpu.memory_space<semaphore_mem>>
        %dma_start3A_361 = arith.constant 0 : i32
        %dma_start3A_362 = tpu.memref_slice %arg10[%run_scoped3A_273, %dma_start3A_361] : memref<8x128xi32, #tpu.memory_space<vmem>> -> memref<1x128xi32, #tpu.memory_space<vmem>>
        %dma_start3A_363 = tpu.memref_squeeze %dma_start3A_362 : memref<1x128xi32, #tpu.memory_space<vmem>> -> memref<128xi32, #tpu.memory_space<vmem>>
        %dma_start3A_364 = arith.constant 0 : i32
        %dma_start3A_365 = arith.constant 0 : i32
        %dma_start3A_366 = tpu.memref_slice %arg13[%dma_start3A_364, %dma_start3A_365] : memref<10240x128xf32, #tpu.memory_space<vmem_shared>> -> memref<10240x128xf32, #tpu.memory_space<vmem_shared>>
        tpu.enqueue_indirect_dma source(%arg12 : memref<128x128xf32, #tpu.memory_space<vmem>>) target(%dma_start3A_366 : memref<10240x128xf32, #tpu.memory_space<vmem_shared>>) offsets(%dma_start3A_363 : memref<128xi32, #tpu.memory_space<vmem>>) semaphore(%run_scoped3A_360 : memref<!tpu.dma_semaphore, #tpu.memory_space<semaphore_mem>>) {add = true}
        %dma_wait3A_367 = arith.constant 0 : i32
        %dma_wait3A_368 = tpu.memref_slice %arg10[%run_scoped3A_273, %dma_wait3A_367] : memref<8x128xi32, #tpu.memory_space<vmem>> -> memref<1x128xi32, #tpu.memory_space<vmem>>
        %dma_wait3A_369 = tpu.memref_squeeze %dma_wait3A_368 : memref<1x128xi32, #tpu.memory_space<vmem>> -> memref<128xi32, #tpu.memory_space<vmem>>
        %dma_wait3A_370 = arith.constant 0 : i32
        %dma_wait3A_371 = arith.constant 0 : i32
        %dma_wait3A_372 = tpu.memref_slice %arg13[%dma_wait3A_370, %dma_wait3A_371] : memref<10240x128xf32, #tpu.memory_space<vmem_shared>> -> memref<10240x128xf32, #tpu.memory_space<vmem_shared>>
        tpu.wait_indirect_dma semaphore(%run_scoped3A_360 : memref<!tpu.dma_semaphore, #tpu.memory_space<semaphore_mem>>) src(%arg12 : memref<128x128xf32, #tpu.memory_space<vmem>>) dst(%dma_wait3A_372 : memref<10240x128xf32, #tpu.memory_space<vmem_shared>>)
        tpu.yield
      }) : () -> ()
      %dma_start3A_274 = arith.constant 5 : i32
      %dma_start3A_275 = arith.constant 0 : i32
      %dma_start3A_276 = tpu.memref_slice %arg8[%dma_start3A_274, %dma_start3A_275] : memref<8x128xi32, #tpu.memory_space<vmem>> -> memref<1x128xi32, #tpu.memory_space<vmem>>
      %dma_start3A_277 = tpu.memref_squeeze %dma_start3A_276 : memref<1x128xi32, #tpu.memory_space<vmem>> -> memref<128xi32, #tpu.memory_space<vmem>>
      %dma_start3A_278 = arith.constant 0 : i32
      %dma_start3A_279 = arith.constant 0 : i32
      %dma_start3A_280 = tpu.memref_slice %arg2[%dma_start3A_278, %dma_start3A_279] : memref<10000x128xf32, #tpu.memory_space<hbm>> -> memref<10000x128xf32, #tpu.memory_space<hbm>>
      tpu.enqueue_indirect_dma source(%dma_start3A_280 : memref<10000x128xf32, #tpu.memory_space<hbm>>) target(%arg12 : memref<128x128xf32, #tpu.memory_space<vmem>>) offsets(%dma_start3A_277 : memref<128xi32, #tpu.memory_space<vmem>>) semaphore(%arg17 : memref<!tpu.dma_semaphore, #tpu.memory_space<semaphore_mem>>)
      %dma_wait3A_281 = arith.constant 4 : i32
      %dma_wait3A_282 = arith.constant 0 : i32
      %dma_wait3A_283 = tpu.memref_slice %arg8[%dma_wait3A_281, %dma_wait3A_282] : memref<8x128xi32, #tpu.memory_space<vmem>> -> memref<1x128xi32, #tpu.memory_space<vmem>>
      %dma_wait3A_284 = tpu.memref_squeeze %dma_wait3A_283 : memref<1x128xi32, #tpu.memory_space<vmem>> -> memref<128xi32, #tpu.memory_space<vmem>>
      %dma_wait3A_285 = arith.constant 0 : i32
      %dma_wait3A_286 = arith.constant 0 : i32
      %dma_wait3A_287 = tpu.memref_slice %arg2[%dma_wait3A_285, %dma_wait3A_286] : memref<10000x128xf32, #tpu.memory_space<hbm>> -> memref<10000x128xf32, #tpu.memory_space<hbm>>
      tpu.wait_indirect_dma semaphore(%arg16 : memref<!tpu.dma_semaphore, #tpu.memory_space<semaphore_mem>>) src(%dma_wait3A_287 : memref<10000x128xf32, #tpu.memory_space<hbm>>) dst(%arg11 : memref<128x128xf32, #tpu.memory_space<vmem>>)
      %run_scoped3A_288 = arith.constant 4 : i32
      "tpu.region"() ({
        %run_scoped3A_360 = tpu.sem_alloc : memref<!tpu.dma_semaphore, #tpu.memory_space<semaphore_mem>>
        %dma_start3A_361 = arith.constant 0 : i32
        %dma_start3A_362 = tpu.memref_slice %arg10[%run_scoped3A_288, %dma_start3A_361] : memref<8x128xi32, #tpu.memory_space<vmem>> -> memref<1x128xi32, #tpu.memory_space<vmem>>
        %dma_start3A_363 = tpu.memref_squeeze %dma_start3A_362 : memref<1x128xi32, #tpu.memory_space<vmem>> -> memref<128xi32, #tpu.memory_space<vmem>>
        %dma_start3A_364 = arith.constant 0 : i32
        %dma_start3A_365 = arith.constant 0 : i32
        %dma_start3A_366 = tpu.memref_slice %arg13[%dma_start3A_364, %dma_start3A_365] : memref<10240x128xf32, #tpu.memory_space<vmem_shared>> -> memref<10240x128xf32, #tpu.memory_space<vmem_shared>>
        tpu.enqueue_indirect_dma source(%arg11 : memref<128x128xf32, #tpu.memory_space<vmem>>) target(%dma_start3A_366 : memref<10240x128xf32, #tpu.memory_space<vmem_shared>>) offsets(%dma_start3A_363 : memref<128xi32, #tpu.memory_space<vmem>>) semaphore(%run_scoped3A_360 : memref<!tpu.dma_semaphore, #tpu.memory_space<semaphore_mem>>) {add = true}
        %dma_wait3A_367 = arith.constant 0 : i32
        %dma_wait3A_368 = tpu.memref_slice %arg10[%run_scoped3A_288, %dma_wait3A_367] : memref<8x128xi32, #tpu.memory_space<vmem>> -> memref<1x128xi32, #tpu.memory_space<vmem>>
        %dma_wait3A_369 = tpu.memref_squeeze %dma_wait3A_368 : memref<1x128xi32, #tpu.memory_space<vmem>> -> memref<128xi32, #tpu.memory_space<vmem>>
        %dma_wait3A_370 = arith.constant 0 : i32
        %dma_wait3A_371 = arith.constant 0 : i32
        %dma_wait3A_372 = tpu.memref_slice %arg13[%dma_wait3A_370, %dma_wait3A_371] : memref<10240x128xf32, #tpu.memory_space<vmem_shared>> -> memref<10240x128xf32, #tpu.memory_space<vmem_shared>>
        tpu.wait_indirect_dma semaphore(%run_scoped3A_360 : memref<!tpu.dma_semaphore, #tpu.memory_space<semaphore_mem>>) src(%arg11 : memref<128x128xf32, #tpu.memory_space<vmem>>) dst(%dma_wait3A_372 : memref<10240x128xf32, #tpu.memory_space<vmem_shared>>)
        tpu.yield
      }) : () -> ()
      %dma_start3A_289 = arith.constant 6 : i32
      %dma_start3A_290 = arith.constant 0 : i32
      %dma_start3A_291 = tpu.memref_slice %arg8[%dma_start3A_289, %dma_start3A_290] : memref<8x128xi32, #tpu.memory_space<vmem>> -> memref<1x128xi32, #tpu.memory_space<vmem>>
      %dma_start3A_292 = tpu.memref_squeeze %dma_start3A_291 : memref<1x128xi32, #tpu.memory_space<vmem>> -> memref<128xi32, #tpu.memory_space<vmem>>
      %dma_start3A_293 = arith.constant 0 : i32
      %dma_start3A_294 = arith.constant 0 : i32
      %dma_start3A_295 = tpu.memref_slice %arg2[%dma_start3A_293, %dma_start3A_294] : memref<10000x128xf32, #tpu.memory_space<hbm>> -> memref<10000x128xf32, #tpu.memory_space<hbm>>
      tpu.enqueue_indirect_dma source(%dma_start3A_295 : memref<10000x128xf32, #tpu.memory_space<hbm>>) target(%arg11 : memref<128x128xf32, #tpu.memory_space<vmem>>) offsets(%dma_start3A_292 : memref<128xi32, #tpu.memory_space<vmem>>) semaphore(%arg16 : memref<!tpu.dma_semaphore, #tpu.memory_space<semaphore_mem>>)
      %dma_wait3A_296 = arith.constant 5 : i32
      %dma_wait3A_297 = arith.constant 0 : i32
      %dma_wait3A_298 = tpu.memref_slice %arg8[%dma_wait3A_296, %dma_wait3A_297] : memref<8x128xi32, #tpu.memory_space<vmem>> -> memref<1x128xi32, #tpu.memory_space<vmem>>
      %dma_wait3A_299 = tpu.memref_squeeze %dma_wait3A_298 : memref<1x128xi32, #tpu.memory_space<vmem>> -> memref<128xi32, #tpu.memory_space<vmem>>
      %dma_wait3A_300 = arith.constant 0 : i32
      %dma_wait3A_301 = arith.constant 0 : i32
      %dma_wait3A_302 = tpu.memref_slice %arg2[%dma_wait3A_300, %dma_wait3A_301] : memref<10000x128xf32, #tpu.memory_space<hbm>> -> memref<10000x128xf32, #tpu.memory_space<hbm>>
      tpu.wait_indirect_dma semaphore(%arg17 : memref<!tpu.dma_semaphore, #tpu.memory_space<semaphore_mem>>) src(%dma_wait3A_302 : memref<10000x128xf32, #tpu.memory_space<hbm>>) dst(%arg12 : memref<128x128xf32, #tpu.memory_space<vmem>>)
      %run_scoped3A_303 = arith.constant 5 : i32
      "tpu.region"() ({
        %run_scoped3A_360 = tpu.sem_alloc : memref<!tpu.dma_semaphore, #tpu.memory_space<semaphore_mem>>
        %dma_start3A_361 = arith.constant 0 : i32
        %dma_start3A_362 = tpu.memref_slice %arg10[%run_scoped3A_303, %dma_start3A_361] : memref<8x128xi32, #tpu.memory_space<vmem>> -> memref<1x128xi32, #tpu.memory_space<vmem>>
        %dma_start3A_363 = tpu.memref_squeeze %dma_start3A_362 : memref<1x128xi32, #tpu.memory_space<vmem>> -> memref<128xi32, #tpu.memory_space<vmem>>
        %dma_start3A_364 = arith.constant 0 : i32
        %dma_start3A_365 = arith.constant 0 : i32
        %dma_start3A_366 = tpu.memref_slice %arg13[%dma_start3A_364, %dma_start3A_365] : memref<10240x128xf32, #tpu.memory_space<vmem_shared>> -> memref<10240x128xf32, #tpu.memory_space<vmem_shared>>
        tpu.enqueue_indirect_dma source(%arg12 : memref<128x128xf32, #tpu.memory_space<vmem>>) target(%dma_start3A_366 : memref<10240x128xf32, #tpu.memory_space<vmem_shared>>) offsets(%dma_start3A_363 : memref<128xi32, #tpu.memory_space<vmem>>) semaphore(%run_scoped3A_360 : memref<!tpu.dma_semaphore, #tpu.memory_space<semaphore_mem>>) {add = true}
        %dma_wait3A_367 = arith.constant 0 : i32
        %dma_wait3A_368 = tpu.memref_slice %arg10[%run_scoped3A_303, %dma_wait3A_367] : memref<8x128xi32, #tpu.memory_space<vmem>> -> memref<1x128xi32, #tpu.memory_space<vmem>>
        %dma_wait3A_369 = tpu.memref_squeeze %dma_wait3A_368 : memref<1x128xi32, #tpu.memory_space<vmem>> -> memref<128xi32, #tpu.memory_space<vmem>>
        %dma_wait3A_370 = arith.constant 0 : i32
        %dma_wait3A_371 = arith.constant 0 : i32
        %dma_wait3A_372 = tpu.memref_slice %arg13[%dma_wait3A_370, %dma_wait3A_371] : memref<10240x128xf32, #tpu.memory_space<vmem_shared>> -> memref<10240x128xf32, #tpu.memory_space<vmem_shared>>
        tpu.wait_indirect_dma semaphore(%run_scoped3A_360 : memref<!tpu.dma_semaphore, #tpu.memory_space<semaphore_mem>>) src(%arg12 : memref<128x128xf32, #tpu.memory_space<vmem>>) dst(%dma_wait3A_372 : memref<10240x128xf32, #tpu.memory_space<vmem_shared>>)
        tpu.yield
      }) : () -> ()
      %dma_start3A_304 = arith.constant 7 : i32
      %dma_start3A_305 = arith.constant 0 : i32
      %dma_start3A_306 = tpu.memref_slice %arg8[%dma_start3A_304, %dma_start3A_305] : memref<8x128xi32, #tpu.memory_space<vmem>> -> memref<1x128xi32, #tpu.memory_space<vmem>>
      %dma_start3A_307 = tpu.memref_squeeze %dma_start3A_306 : memref<1x128xi32, #tpu.memory_space<vmem>> -> memref<128xi32, #tpu.memory_space<vmem>>
      %dma_start3A_308 = arith.constant 0 : i32
      %dma_start3A_309 = arith.constant 0 : i32
      %dma_start3A_310 = tpu.memref_slice %arg2[%dma_start3A_308, %dma_start3A_309] : memref<10000x128xf32, #tpu.memory_space<hbm>> -> memref<10000x128xf32, #tpu.memory_space<hbm>>
      tpu.enqueue_indirect_dma source(%dma_start3A_310 : memref<10000x128xf32, #tpu.memory_space<hbm>>) target(%arg12 : memref<128x128xf32, #tpu.memory_space<vmem>>) offsets(%dma_start3A_307 : memref<128xi32, #tpu.memory_space<vmem>>) semaphore(%arg17 : memref<!tpu.dma_semaphore, #tpu.memory_space<semaphore_mem>>)
      %dma_wait3A_311 = arith.constant 6 : i32
      %dma_wait3A_312 = arith.constant 0 : i32
      %dma_wait3A_313 = tpu.memref_slice %arg8[%dma_wait3A_311, %dma_wait3A_312] : memref<8x128xi32, #tpu.memory_space<vmem>> -> memref<1x128xi32, #tpu.memory_space<vmem>>
      %dma_wait3A_314 = tpu.memref_squeeze %dma_wait3A_313 : memref<1x128xi32, #tpu.memory_space<vmem>> -> memref<128xi32, #tpu.memory_space<vmem>>
      %dma_wait3A_315 = arith.constant 0 : i32
      %dma_wait3A_316 = arith.constant 0 : i32
      %dma_wait3A_317 = tpu.memref_slice %arg2[%dma_wait3A_315, %dma_wait3A_316] : memref<10000x128xf32, #tpu.memory_space<hbm>> -> memref<10000x128xf32, #tpu.memory_space<hbm>>
      tpu.wait_indirect_dma semaphore(%arg16 : memref<!tpu.dma_semaphore, #tpu.memory_space<semaphore_mem>>) src(%dma_wait3A_317 : memref<10000x128xf32, #tpu.memory_space<hbm>>) dst(%arg11 : memref<128x128xf32, #tpu.memory_space<vmem>>)
      %run_scoped3A_318 = arith.constant 6 : i32
      "tpu.region"() ({
        %run_scoped3A_360 = tpu.sem_alloc : memref<!tpu.dma_semaphore, #tpu.memory_space<semaphore_mem>>
        %dma_start3A_361 = arith.constant 0 : i32
        %dma_start3A_362 = tpu.memref_slice %arg10[%run_scoped3A_318, %dma_start3A_361] : memref<8x128xi32, #tpu.memory_space<vmem>> -> memref<1x128xi32, #tpu.memory_space<vmem>>
        %dma_start3A_363 = tpu.memref_squeeze %dma_start3A_362 : memref<1x128xi32, #tpu.memory_space<vmem>> -> memref<128xi32, #tpu.memory_space<vmem>>
        %dma_start3A_364 = arith.constant 0 : i32
        %dma_start3A_365 = arith.constant 0 : i32
        %dma_start3A_366 = tpu.memref_slice %arg13[%dma_start3A_364, %dma_start3A_365] : memref<10240x128xf32, #tpu.memory_space<vmem_shared>> -> memref<10240x128xf32, #tpu.memory_space<vmem_shared>>
        tpu.enqueue_indirect_dma source(%arg11 : memref<128x128xf32, #tpu.memory_space<vmem>>) target(%dma_start3A_366 : memref<10240x128xf32, #tpu.memory_space<vmem_shared>>) offsets(%dma_start3A_363 : memref<128xi32, #tpu.memory_space<vmem>>) semaphore(%run_scoped3A_360 : memref<!tpu.dma_semaphore, #tpu.memory_space<semaphore_mem>>) {add = true}
        %dma_wait3A_367 = arith.constant 0 : i32
        %dma_wait3A_368 = tpu.memref_slice %arg10[%run_scoped3A_318, %dma_wait3A_367] : memref<8x128xi32, #tpu.memory_space<vmem>> -> memref<1x128xi32, #tpu.memory_space<vmem>>
        %dma_wait3A_369 = tpu.memref_squeeze %dma_wait3A_368 : memref<1x128xi32, #tpu.memory_space<vmem>> -> memref<128xi32, #tpu.memory_space<vmem>>
        %dma_wait3A_370 = arith.constant 0 : i32
        %dma_wait3A_371 = arith.constant 0 : i32
        %dma_wait3A_372 = tpu.memref_slice %arg13[%dma_wait3A_370, %dma_wait3A_371] : memref<10240x128xf32, #tpu.memory_space<vmem_shared>> -> memref<10240x128xf32, #tpu.memory_space<vmem_shared>>
        tpu.wait_indirect_dma semaphore(%run_scoped3A_360 : memref<!tpu.dma_semaphore, #tpu.memory_space<semaphore_mem>>) src(%arg11 : memref<128x128xf32, #tpu.memory_space<vmem>>) dst(%dma_wait3A_372 : memref<10240x128xf32, #tpu.memory_space<vmem_shared>>)
        tpu.yield
      }) : () -> ()
      %add3A_319 = arith.constant 1 : i32
      %add3A_320 = arith.addi %add3A_213, %add3A_319 : i32
      %mul3A_321 = arith.constant 8 : i32
      %mul3A_322 = arith.muli %add3A_320, %mul3A_321 : i32
      %add3A_323 = arith.addi %mul3A_2, %mul3A_322 : i32
      %dma_wait3A_324 = arith.constant 0 : i32
      %dma_wait3A_325 = tpu.memref_slice %arg3[%add3A_323, %dma_wait3A_324] : memref<2576x128xi32, #tpu.memory_space<hbm>> -> memref<8x128xi32, #tpu.memory_space<hbm>>
      %dma_wait3A_326 = arith.constant 0 : i32
      %dma_wait3A_327 = tpu.memref_slice %arg3[%add3A_323, %dma_wait3A_326] : memref<2576x128xi32, #tpu.memory_space<hbm>> -> memref<8x128xi32, #tpu.memory_space<hbm>>
      tpu.wait_dma2 semaphore(%arg14 : memref<!tpu.dma_semaphore, #tpu.memory_space<semaphore_mem>>) src(%dma_wait3A_327 : memref<8x128xi32, #tpu.memory_space<hbm>>) dst(%arg7 : memref<8x128xi32, #tpu.memory_space<vmem>>)
      %dma_wait3A_328 = arith.constant 0 : i32
      %dma_wait3A_329 = tpu.memref_slice %arg4[%add3A_323, %dma_wait3A_328] : memref<2576x128xi32, #tpu.memory_space<hbm>> -> memref<8x128xi32, #tpu.memory_space<hbm>>
      %dma_wait3A_330 = arith.constant 0 : i32
      %dma_wait3A_331 = tpu.memref_slice %arg4[%add3A_323, %dma_wait3A_330] : memref<2576x128xi32, #tpu.memory_space<hbm>> -> memref<8x128xi32, #tpu.memory_space<hbm>>
      tpu.wait_dma2 semaphore(%arg14 : memref<!tpu.dma_semaphore, #tpu.memory_space<semaphore_mem>>) src(%dma_wait3A_331 : memref<8x128xi32, #tpu.memory_space<hbm>>) dst(%arg9 : memref<8x128xi32, #tpu.memory_space<vmem>>)
      %dma_start3A_332 = arith.constant 0 : i32
      %dma_start3A_333 = arith.constant 0 : i32
      %dma_start3A_334 = tpu.memref_slice %arg7[%dma_start3A_332, %dma_start3A_333] : memref<8x128xi32, #tpu.memory_space<vmem>> -> memref<1x128xi32, #tpu.memory_space<vmem>>
      %dma_start3A_335 = tpu.memref_squeeze %dma_start3A_334 : memref<1x128xi32, #tpu.memory_space<vmem>> -> memref<128xi32, #tpu.memory_space<vmem>>
      %dma_start3A_336 = arith.constant 0 : i32
      %dma_start3A_337 = arith.constant 0 : i32
      %dma_start3A_338 = tpu.memref_slice %arg2[%dma_start3A_336, %dma_start3A_337] : memref<10000x128xf32, #tpu.memory_space<hbm>> -> memref<10000x128xf32, #tpu.memory_space<hbm>>
      tpu.enqueue_indirect_dma source(%dma_start3A_338 : memref<10000x128xf32, #tpu.memory_space<hbm>>) target(%arg11 : memref<128x128xf32, #tpu.memory_space<vmem>>) offsets(%dma_start3A_335 : memref<128xi32, #tpu.memory_space<vmem>>) semaphore(%arg16 : memref<!tpu.dma_semaphore, #tpu.memory_space<semaphore_mem>>)
      %dma_wait3A_339 = arith.constant 7 : i32
      %dma_wait3A_340 = arith.constant 0 : i32
      %dma_wait3A_341 = tpu.memref_slice %arg8[%dma_wait3A_339, %dma_wait3A_340] : memref<8x128xi32, #tpu.memory_space<vmem>> -> memref<1x128xi32, #tpu.memory_space<vmem>>
      %dma_wait3A_342 = tpu.memref_squeeze %dma_wait3A_341 : memref<1x128xi32, #tpu.memory_space<vmem>> -> memref<128xi32, #tpu.memory_space<vmem>>
      %dma_wait3A_343 = arith.constant 0 : i32
      %dma_wait3A_344 = arith.constant 0 : i32
      %dma_wait3A_345 = tpu.memref_slice %arg2[%dma_wait3A_343, %dma_wait3A_344] : memref<10000x128xf32, #tpu.memory_space<hbm>> -> memref<10000x128xf32, #tpu.memory_space<hbm>>
      tpu.wait_indirect_dma semaphore(%arg17 : memref<!tpu.dma_semaphore, #tpu.memory_space<semaphore_mem>>) src(%dma_wait3A_345 : memref<10000x128xf32, #tpu.memory_space<hbm>>) dst(%arg12 : memref<128x128xf32, #tpu.memory_space<vmem>>)
      %add3A_346 = arith.constant 2 : i32
      %add3A_347 = arith.addi %add3A_213, %add3A_346 : i32
      %mul3A_348 = arith.constant 8 : i32
      %mul3A_349 = arith.muli %add3A_347, %mul3A_348 : i32
      %add3A_350 = arith.addi %mul3A_2, %mul3A_349 : i32
      %dma_start3A_351 = arith.constant 0 : i32
      %dma_start3A_352 = tpu.memref_slice %arg3[%add3A_350, %dma_start3A_351] : memref<2576x128xi32, #tpu.memory_space<hbm>> -> memref<8x128xi32, #tpu.memory_space<hbm>>
      %dma_start3A_353 = arith.constant 0 : i32
      %dma_start3A_354 = tpu.memref_slice %arg3[%add3A_350, %dma_start3A_353] : memref<2576x128xi32, #tpu.memory_space<hbm>> -> memref<8x128xi32, #tpu.memory_space<hbm>>
      tpu.enqueue_dma source(%dma_start3A_354 : memref<8x128xi32, #tpu.memory_space<hbm>>) target(%arg8 : memref<8x128xi32, #tpu.memory_space<vmem>>) target_semaphore(%arg15 : memref<!tpu.dma_semaphore, #tpu.memory_space<semaphore_mem>>)
      %dma_start3A_355 = arith.constant 0 : i32
      %dma_start3A_356 = tpu.memref_slice %arg4[%add3A_350, %dma_start3A_355] : memref<2576x128xi32, #tpu.memory_space<hbm>> -> memref<8x128xi32, #tpu.memory_space<hbm>>
      %dma_start3A_357 = arith.constant 0 : i32
      %dma_start3A_358 = tpu.memref_slice %arg4[%add3A_350, %dma_start3A_357] : memref<2576x128xi32, #tpu.memory_space<hbm>> -> memref<8x128xi32, #tpu.memory_space<hbm>>
      tpu.enqueue_dma source(%dma_start3A_358 : memref<8x128xi32, #tpu.memory_space<hbm>>) target(%arg10 : memref<8x128xi32, #tpu.memory_space<vmem>>) target_semaphore(%arg15 : memref<!tpu.dma_semaphore, #tpu.memory_space<semaphore_mem>>)
      %run_scoped3A_359 = arith.constant 7 : i32
      "tpu.region"() ({
        %run_scoped3A_360 = tpu.sem_alloc : memref<!tpu.dma_semaphore, #tpu.memory_space<semaphore_mem>>
        %dma_start3A_361 = arith.constant 0 : i32
        %dma_start3A_362 = tpu.memref_slice %arg10[%run_scoped3A_359, %dma_start3A_361] : memref<8x128xi32, #tpu.memory_space<vmem>> -> memref<1x128xi32, #tpu.memory_space<vmem>>
        %dma_start3A_363 = tpu.memref_squeeze %dma_start3A_362 : memref<1x128xi32, #tpu.memory_space<vmem>> -> memref<128xi32, #tpu.memory_space<vmem>>
        %dma_start3A_364 = arith.constant 0 : i32
        %dma_start3A_365 = arith.constant 0 : i32
        %dma_start3A_366 = tpu.memref_slice %arg13[%dma_start3A_364, %dma_start3A_365] : memref<10240x128xf32, #tpu.memory_space<vmem_shared>> -> memref<10240x128xf32, #tpu.memory_space<vmem_shared>>
        tpu.enqueue_indirect_dma source(%arg12 : memref<128x128xf32, #tpu.memory_space<vmem>>) target(%dma_start3A_366 : memref<10240x128xf32, #tpu.memory_space<vmem_shared>>) offsets(%dma_start3A_363 : memref<128xi32, #tpu.memory_space<vmem>>) semaphore(%run_scoped3A_360 : memref<!tpu.dma_semaphore, #tpu.memory_space<semaphore_mem>>) {add = true}
        %dma_wait3A_367 = arith.constant 0 : i32
        %dma_wait3A_368 = tpu.memref_slice %arg10[%run_scoped3A_359, %dma_wait3A_367] : memref<8x128xi32, #tpu.memory_space<vmem>> -> memref<1x128xi32, #tpu.memory_space<vmem>>
        %dma_wait3A_369 = tpu.memref_squeeze %dma_wait3A_368 : memref<1x128xi32, #tpu.memory_space<vmem>> -> memref<128xi32, #tpu.memory_space<vmem>>
        %dma_wait3A_370 = arith.constant 0 : i32
        %dma_wait3A_371 = arith.constant 0 : i32
        %dma_wait3A_372 = tpu.memref_slice %arg13[%dma_wait3A_370, %dma_wait3A_371] : memref<10240x128xf32, #tpu.memory_space<vmem_shared>> -> memref<10240x128xf32, #tpu.memory_space<vmem_shared>>
        tpu.wait_indirect_dma semaphore(%run_scoped3A_360 : memref<!tpu.dma_semaphore, #tpu.memory_space<semaphore_mem>>) src(%arg12 : memref<128x128xf32, #tpu.memory_space<vmem>>) dst(%dma_wait3A_372 : memref<10240x128xf32, #tpu.memory_space<vmem_shared>>)
        tpu.yield
      }) : () -> ()
    }
    %scan3A_43 = arith.constant 5 : i32
    %dma_wait3A_44 = arith.constant 0 : i32
    %dma_wait3A_45 = arith.constant 0 : i32
    %dma_wait3A_46 = tpu.memref_slice %arg7[%dma_wait3A_44, %dma_wait3A_45] : memref<8x128xi32, #tpu.memory_space<vmem>> -> memref<1x128xi32, #tpu.memory_space<vmem>>
    %dma_wait3A_47 = tpu.memref_squeeze %dma_wait3A_46 : memref<1x128xi32, #tpu.memory_space<vmem>> -> memref<128xi32, #tpu.memory_space<vmem>>
    %dma_wait3A_48 = arith.constant 0 : i32
    %dma_wait3A_49 = arith.constant 0 : i32
    %dma_wait3A_50 = tpu.memref_slice %arg2[%dma_wait3A_48, %dma_wait3A_49] : memref<10000x128xf32, #tpu.memory_space<hbm>> -> memref<10000x128xf32, #tpu.memory_space<hbm>>
    tpu.wait_indirect_dma semaphore(%arg16 : memref<!tpu.dma_semaphore, #tpu.memory_space<semaphore_mem>>) src(%dma_wait3A_50 : memref<10000x128xf32, #tpu.memory_space<hbm>>) dst(%arg11 : memref<128x128xf32, #tpu.memory_space<vmem>>)
    %add3A_51 = arith.constant 88 : i32
    %add3A_52 = arith.addi %mul3A_2, %add3A_51 : i32
    %dma_wait3A_53 = arith.constant 0 : i32
    %dma_wait3A_54 = tpu.memref_slice %arg3[%add3A_52, %dma_wait3A_53] : memref<2576x128xi32, #tpu.memory_space<hbm>> -> memref<8x128xi32, #tpu.memory_space<hbm>>
    %dma_wait3A_55 = arith.constant 0 : i32
    %dma_wait3A_56 = tpu.memref_slice %arg3[%add3A_52, %dma_wait3A_55] : memref<2576x128xi32, #tpu.memory_space<hbm>> -> memref<8x128xi32, #tpu.memory_space<hbm>>
    tpu.wait_dma2 semaphore(%arg15 : memref<!tpu.dma_semaphore, #tpu.memory_space<semaphore_mem>>) src(%dma_wait3A_56 : memref<8x128xi32, #tpu.memory_space<hbm>>) dst(%arg8 : memref<8x128xi32, #tpu.memory_space<vmem>>)
    %dma_wait3A_57 = arith.constant 0 : i32
    %dma_wait3A_58 = tpu.memref_slice %arg4[%add3A_52, %dma_wait3A_57] : memref<2576x128xi32, #tpu.memory_space<hbm>> -> memref<8x128xi32, #tpu.memory_space<hbm>>
    %dma_wait3A_59 = arith.constant 0 : i32
    %dma_wait3A_60 = tpu.memref_slice %arg4[%add3A_52, %dma_wait3A_59] : memref<2576x128xi32, #tpu.memory_space<hbm>> -> memref<8x128xi32, #tpu.memory_space<hbm>>
    tpu.wait_dma2 semaphore(%arg15 : memref<!tpu.dma_semaphore, #tpu.memory_space<semaphore_mem>>) src(%dma_wait3A_60 : memref<8x128xi32, #tpu.memory_space<hbm>>) dst(%arg10 : memref<8x128xi32, #tpu.memory_space<vmem>>)
    %barrier3A_61 = arith.constant 0 : index
    tpu.barrier barrier_id(%barrier3A_61)
    "tpu.region"() ({
      %run_scoped3A = tpu.sem_alloc : memref<!tpu.dma_semaphore, #tpu.memory_space<semaphore_mem>>
      %dma_start3A_62 = arith.constant 0 : i32
      %dma_start3A_63 = tpu.memref_slice %arg6[%arg0, %mul3A_13, %dma_start3A_62] : memref<2x10240x128xf32, #tpu.memory_space<hbm>> -> memref<1x640x128xf32, #tpu.memory_space<hbm>>
      %dma_start3A_64 = tpu.memref_squeeze %dma_start3A_63 : memref<1x640x128xf32, #tpu.memory_space<hbm>> -> memref<640x128xf32, #tpu.memory_space<hbm>>
      %dma_start3A_65 = arith.constant 0 : i32
      %dma_start3A_66 = tpu.memref_slice %arg13[%mul3A_13, %dma_start3A_65] : memref<10240x128xf32, #tpu.memory_space<vmem_shared>> -> memref<640x128xf32, #tpu.memory_space<vmem_shared>>
      tpu.enqueue_dma source(%dma_start3A_66 : memref<640x128xf32, #tpu.memory_space<vmem_shared>>) target(%dma_start3A_64 : memref<640x128xf32, #tpu.memory_space<hbm>>) target_semaphore(%run_scoped3A : memref<!tpu.dma_semaphore, #tpu.memory_space<semaphore_mem>>)
      %dma_wait3A_67 = arith.constant 0 : i32
      %dma_wait3A_68 = tpu.memref_slice %arg6[%arg0, %mul3A_13, %dma_wait3A_67] : memref<2x10240x128xf32, #tpu.memory_space<hbm>> -> memref<1x640x128xf32, #tpu.memory_space<hbm>>
      %dma_wait3A_69 = tpu.memref_squeeze %dma_wait3A_68 : memref<1x640x128xf32, #tpu.memory_space<hbm>> -> memref<640x128xf32, #tpu.memory_space<hbm>>
      %dma_wait3A_70 = arith.constant 0 : i32
      %dma_wait3A_71 = tpu.memref_slice %arg13[%mul3A_13, %dma_wait3A_70] : memref<10240x128xf32, #tpu.memory_space<vmem_shared>> -> memref<640x128xf32, #tpu.memory_space<vmem_shared>>
      tpu.wait_dma2 semaphore(%run_scoped3A : memref<!tpu.dma_semaphore, #tpu.memory_space<semaphore_mem>>) src(%dma_wait3A_71 : memref<640x128xf32, #tpu.memory_space<vmem_shared>>) dst(%dma_wait3A_69 : memref<640x128xf32, #tpu.memory_space<hbm>>)
      tpu.yield
    }) : () -> ()
    return
  }
}

#map = affine_map<(d0, d1) -> (0, 0)>
#map1 = affine_map<(d0, d1) -> (0, 0, 0)>
module attributes {stable_mosaic.version = 14 : i64} {
  func.func @_sc_pass_body(%arg0: i32, %arg1: i32, %arg2: memref<10000x128xf32, #tpu.memory_space<hbm>>, %arg3: memref<2576x128xi32, #tpu.memory_space<hbm>>, %arg4: memref<2576x128xi32, #tpu.memory_space<hbm>>, %arg5: memref<10240x128xf32, #tpu.memory_space<hbm>>, %arg6: memref<2x10240x128xf32, #tpu.memory_space<hbm>>, %arg7: memref<8x128xi32, #tpu.memory_space<vmem>>, %arg8: memref<8x128xi32, #tpu.memory_space<vmem>>, %arg9: memref<8x128xi32, #tpu.memory_space<vmem>>, %arg10: memref<8x128xi32, #tpu.memory_space<vmem>>, %arg11: memref<128x128xf32, #tpu.memory_space<vmem>>, %arg12: memref<128x128xf32, #tpu.memory_space<vmem>>, %arg13: memref<10240x128xf32, #tpu.memory_space<vmem_shared>>, %arg14: memref<!tpu.dma_semaphore, #tpu.memory_space<semaphore_mem>>, %arg15: memref<!tpu.dma_semaphore, #tpu.memory_space<semaphore_mem>>, %arg16: memref<!tpu.dma_semaphore, #tpu.memory_space<semaphore_mem>>, %arg17: memref<!tpu.dma_semaphore, #tpu.memory_space<semaphore_mem>>) attributes {dimension_semantics = [#tpu.dimension_semantics<core_parallel>, #tpu.dimension_semantics<subcore_parallel>], iteration_bounds = array<i64: 2, 16>, scalar_prefetch = 0 : i64, scratch_operands = 11 : i64, tpu.core_type = #tpu.core_type<sc_vector_subcore>, window_params = [{transform_indices = #map}, {transform_indices = #map}, {transform_indices = #map}, {transform_indices = #map}, {transform_indices = #map1}]} {
    %mul3A = arith.constant 16 : i32
    %mul3A_0 = arith.muli %arg0, %mul3A : i32
    %add3A = arith.addi %mul3A_0, %arg1 : i32
    %mul3A_1 = arith.constant 80 : i32
    %mul3A_2 = arith.muli %add3A, %mul3A_1 : i32
    %add3A_3 = arith.constant 0 : i32
    %add3A_4 = arith.addi %mul3A_2, %add3A_3 : i32
    %dma_start3A = arith.constant 0 : i32
    %dma_start3A_5 = tpu.memref_slice %arg3[%add3A_4, %dma_start3A] : memref<2576x128xi32, #tpu.memory_space<hbm>> -> memref<8x128xi32, #tpu.memory_space<hbm>>
    %dma_start3A_6 = arith.constant 0 : i32
    %dma_start3A_7 = tpu.memref_slice %arg3[%add3A_4, %dma_start3A_6] : memref<2576x128xi32, #tpu.memory_space<hbm>> -> memref<8x128xi32, #tpu.memory_space<hbm>>
    tpu.enqueue_dma source(%dma_start3A_7 : memref<8x128xi32, #tpu.memory_space<hbm>>) target(%arg7 : memref<8x128xi32, #tpu.memory_space<vmem>>) target_semaphore(%arg14 : memref<!tpu.dma_semaphore, #tpu.memory_space<semaphore_mem>>)
    %dma_start3A_8 = arith.constant 0 : i32
    %dma_start3A_9 = tpu.memref_slice %arg4[%add3A_4, %dma_start3A_8] : memref<2576x128xi32, #tpu.memory_space<hbm>> -> memref<8x128xi32, #tpu.memory_space<hbm>>
    %dma_start3A_10 = arith.constant 0 : i32
    %dma_start3A_11 = tpu.memref_slice %arg4[%add3A_4, %dma_start3A_10] : memref<2576x128xi32, #tpu.memory_space<hbm>> -> memref<8x128xi32, #tpu.memory_space<hbm>>
    tpu.enqueue_dma source(%dma_start3A_11 : memref<8x128xi32, #tpu.memory_space<hbm>>) target(%arg9 : memref<8x128xi32, #tpu.memory_space<vmem>>) target_semaphore(%arg14 : memref<!tpu.dma_semaphore, #tpu.memory_space<semaphore_mem>>)
    %mul3A_12 = arith.constant 640 : i32
    %mul3A_13 = arith.muli %arg1, %mul3A_12 : i32
    "tpu.region"() ({
      %run_scoped3A = tpu.sem_alloc : memref<!tpu.dma_semaphore, #tpu.memory_space<semaphore_mem>>
      %dma_start3A_62 = arith.constant 0 : i32
      %dma_start3A_63 = tpu.memref_slice %arg13[%mul3A_13, %dma_start3A_62] : memref<10240x128xf32, #tpu.memory_space<vmem_shared>> -> memref<640x128xf32, #tpu.memory_space<vmem_shared>>
      %dma_start3A_64 = arith.constant 0 : i32
      %dma_start3A_65 = tpu.memref_slice %arg5[%mul3A_13, %dma_start3A_64] : memref<10240x128xf32, #tpu.memory_space<hbm>> -> memref<640x128xf32, #tpu.memory_space<hbm>>
      tpu.enqueue_dma source(%dma_start3A_65 : memref<640x128xf32, #tpu.memory_space<hbm>>) target(%dma_start3A_63 : memref<640x128xf32, #tpu.memory_space<vmem_shared>>) target_semaphore(%run_scoped3A : memref<!tpu.dma_semaphore, #tpu.memory_space<semaphore_mem>>)
      %dma_wait3A_66 = arith.constant 0 : i32
      %dma_wait3A_67 = tpu.memref_slice %arg13[%mul3A_13, %dma_wait3A_66] : memref<10240x128xf32, #tpu.memory_space<vmem_shared>> -> memref<640x128xf32, #tpu.memory_space<vmem_shared>>
      %dma_wait3A_68 = arith.constant 0 : i32
      %dma_wait3A_69 = tpu.memref_slice %arg5[%mul3A_13, %dma_wait3A_68] : memref<10240x128xf32, #tpu.memory_space<hbm>> -> memref<640x128xf32, #tpu.memory_space<hbm>>
      tpu.wait_dma2 semaphore(%run_scoped3A : memref<!tpu.dma_semaphore, #tpu.memory_space<semaphore_mem>>) src(%dma_wait3A_69 : memref<640x128xf32, #tpu.memory_space<hbm>>) dst(%dma_wait3A_67 : memref<640x128xf32, #tpu.memory_space<vmem_shared>>)
      tpu.yield
    }) : () -> ()
    %barrier3A = arith.constant 0 : index
    tpu.barrier barrier_id(%barrier3A)
    %add3A_14 = arith.constant 0 : i32
    %add3A_15 = arith.addi %mul3A_2, %add3A_14 : i32
    %dma_wait3A = arith.constant 0 : i32
    %dma_wait3A_16 = tpu.memref_slice %arg3[%add3A_15, %dma_wait3A] : memref<2576x128xi32, #tpu.memory_space<hbm>> -> memref<8x128xi32, #tpu.memory_space<hbm>>
    %dma_wait3A_17 = arith.constant 0 : i32
    %dma_wait3A_18 = tpu.memref_slice %arg3[%add3A_15, %dma_wait3A_17] : memref<2576x128xi32, #tpu.memory_space<hbm>> -> memref<8x128xi32, #tpu.memory_space<hbm>>
    tpu.wait_dma2 semaphore(%arg14 : memref<!tpu.dma_semaphore, #tpu.memory_space<semaphore_mem>>) src(%dma_wait3A_18 : memref<8x128xi32, #tpu.memory_space<hbm>>) dst(%arg7 : memref<8x128xi32, #tpu.memory_space<vmem>>)
    %dma_wait3A_19 = arith.constant 0 : i32
    %dma_wait3A_20 = tpu.memref_slice %arg4[%add3A_15, %dma_wait3A_19] : memref<2576x128xi32, #tpu.memory_space<hbm>> -> memref<8x128xi32, #tpu.memory_space<hbm>>
    %dma_wait3A_21 = arith.constant 0 : i32
    %dma_wait3A_22 = tpu.memref_slice %arg4[%add3A_15, %dma_wait3A_21] : memref<2576x128xi32, #tpu.memory_space<hbm>> -> memref<8x128xi32, #tpu.memory_space<hbm>>
    tpu.wait_dma2 semaphore(%arg14 : memref<!tpu.dma_semaphore, #tpu.memory_space<semaphore_mem>>) src(%dma_wait3A_22 : memref<8x128xi32, #tpu.memory_space<hbm>>) dst(%arg9 : memref<8x128xi32, #tpu.memory_space<vmem>>)
    %add3A_23 = arith.constant 8 : i32
    %add3A_24 = arith.addi %mul3A_2, %add3A_23 : i32
    %dma_start3A_25 = arith.constant 0 : i32
    %dma_start3A_26 = tpu.memref_slice %arg3[%add3A_24, %dma_start3A_25] : memref<2576x128xi32, #tpu.memory_space<hbm>> -> memref<8x128xi32, #tpu.memory_space<hbm>>
    %dma_start3A_27 = arith.constant 0 : i32
    %dma_start3A_28 = tpu.memref_slice %arg3[%add3A_24, %dma_start3A_27] : memref<2576x128xi32, #tpu.memory_space<hbm>> -> memref<8x128xi32, #tpu.memory_space<hbm>>
    tpu.enqueue_dma source(%dma_start3A_28 : memref<8x128xi32, #tpu.memory_space<hbm>>) target(%arg8 : memref<8x128xi32, #tpu.memory_space<vmem>>) target_semaphore(%arg15 : memref<!tpu.dma_semaphore, #tpu.memory_space<semaphore_mem>>)
    %dma_start3A_29 = arith.constant 0 : i32
    %dma_start3A_30 = tpu.memref_slice %arg4[%add3A_24, %dma_start3A_29] : memref<2576x128xi32, #tpu.memory_space<hbm>> -> memref<8x128xi32, #tpu.memory_space<hbm>>
    %dma_start3A_31 = arith.constant 0 : i32
    %dma_start3A_32 = tpu.memref_slice %arg4[%add3A_24, %dma_start3A_31] : memref<2576x128xi32, #tpu.memory_space<hbm>> -> memref<8x128xi32, #tpu.memory_space<hbm>>
    tpu.enqueue_dma source(%dma_start3A_32 : memref<8x128xi32, #tpu.memory_space<hbm>>) target(%arg10 : memref<8x128xi32, #tpu.memory_space<vmem>>) target_semaphore(%arg15 : memref<!tpu.dma_semaphore, #tpu.memory_space<semaphore_mem>>)
    %dma_start3A_33 = arith.constant 0 : i32
    %dma_start3A_34 = arith.constant 0 : i32
    %dma_start3A_35 = tpu.memref_slice %arg7[%dma_start3A_33, %dma_start3A_34] : memref<8x128xi32, #tpu.memory_space<vmem>> -> memref<1x128xi32, #tpu.memory_space<vmem>>
    %dma_start3A_36 = tpu.memref_squeeze %dma_start3A_35 : memref<1x128xi32, #tpu.memory_space<vmem>> -> memref<128xi32, #tpu.memory_space<vmem>>
    %dma_start3A_37 = arith.constant 0 : i32
    %dma_start3A_38 = arith.constant 0 : i32
    %dma_start3A_39 = tpu.memref_slice %arg2[%dma_start3A_37, %dma_start3A_38] : memref<10000x128xf32, #tpu.memory_space<hbm>> -> memref<10000x128xf32, #tpu.memory_space<hbm>>
    tpu.enqueue_indirect_dma source(%dma_start3A_39 : memref<10000x128xf32, #tpu.memory_space<hbm>>) target(%arg11 : memref<128x128xf32, #tpu.memory_space<vmem>>) offsets(%dma_start3A_36 : memref<128xi32, #tpu.memory_space<vmem>>) semaphore(%arg16 : memref<!tpu.dma_semaphore, #tpu.memory_space<semaphore_mem>>)
    %scan3A = arith.constant 0 : i32
    %scan3A_40 = arith.constant 5 : i32
    %scan3A_41 = arith.addi %scan3A, %scan3A_40 : i32
    %scan3A_42 = arith.constant 1 : i32
    scf.for %scan3A_62 = %scan3A to %scan3A_41 step %scan3A_42  : i32 {
      %mul3A_63 = arith.constant 2 : i32
      %mul3A_64 = arith.muli %scan3A_62, %mul3A_63 : i32
      %add3A_65 = arith.constant 0 : i32
      %add3A_66 = arith.addi %add3A_65, %mul3A_64 : i32
      %dma_start3A_67 = arith.constant 1 : i32
      %dma_start3A_68 = arith.constant 0 : i32
      %dma_start3A_69 = tpu.memref_slice %arg7[%dma_start3A_67, %dma_start3A_68] : memref<8x128xi32, #tpu.memory_space<vmem>> -> memref<1x128xi32, #tpu.memory_space<vmem>>
      %dma_start3A_70 = tpu.memref_squeeze %dma_start3A_69 : memref<1x128xi32, #tpu.memory_space<vmem>> -> memref<128xi32, #tpu.memory_space<vmem>>
      %dma_start3A_71 = arith.constant 0 : i32
      %dma_start3A_72 = arith.constant 0 : i32
      %dma_start3A_73 = tpu.memref_slice %arg2[%dma_start3A_71, %dma_start3A_72] : memref<10000x128xf32, #tpu.memory_space<hbm>> -> memref<10000x128xf32, #tpu.memory_space<hbm>>
      tpu.enqueue_indirect_dma source(%dma_start3A_73 : memref<10000x128xf32, #tpu.memory_space<hbm>>) target(%arg12 : memref<128x128xf32, #tpu.memory_space<vmem>>) offsets(%dma_start3A_70 : memref<128xi32, #tpu.memory_space<vmem>>) semaphore(%arg17 : memref<!tpu.dma_semaphore, #tpu.memory_space<semaphore_mem>>)
      %dma_wait3A_74 = arith.constant 0 : i32
      %dma_wait3A_75 = arith.constant 0 : i32
      %dma_wait3A_76 = tpu.memref_slice %arg7[%dma_wait3A_74, %dma_wait3A_75] : memref<8x128xi32, #tpu.memory_space<vmem>> -> memref<1x128xi32, #tpu.memory_space<vmem>>
      %dma_wait3A_77 = tpu.memref_squeeze %dma_wait3A_76 : memref<1x128xi32, #tpu.memory_space<vmem>> -> memref<128xi32, #tpu.memory_space<vmem>>
      %dma_wait3A_78 = arith.constant 0 : i32
      %dma_wait3A_79 = arith.constant 0 : i32
      %dma_wait3A_80 = tpu.memref_slice %arg2[%dma_wait3A_78, %dma_wait3A_79] : memref<10000x128xf32, #tpu.memory_space<hbm>> -> memref<10000x128xf32, #tpu.memory_space<hbm>>
      tpu.wait_indirect_dma semaphore(%arg16 : memref<!tpu.dma_semaphore, #tpu.memory_space<semaphore_mem>>) src(%dma_wait3A_80 : memref<10000x128xf32, #tpu.memory_space<hbm>>) dst(%arg11 : memref<128x128xf32, #tpu.memory_space<vmem>>)
      %run_scoped3A = arith.constant 0 : i32
      "tpu.region"() ({
        %run_scoped3A_360 = tpu.sem_alloc : memref<!tpu.dma_semaphore, #tpu.memory_space<semaphore_mem>>
        %dma_start3A_361 = arith.constant 0 : i32
        %dma_start3A_362 = tpu.memref_slice %arg9[%run_scoped3A, %dma_start3A_361] : memref<8x128xi32, #tpu.memory_space<vmem>> -> memref<1x128xi32, #tpu.memory_space<vmem>>
        %dma_start3A_363 = tpu.memref_squeeze %dma_start3A_362 : memref<1x128xi32, #tpu.memory_space<vmem>> -> memref<128xi32, #tpu.memory_space<vmem>>
        %dma_start3A_364 = arith.constant 0 : i32
        %dma_start3A_365 = arith.constant 0 : i32
        %dma_start3A_366 = tpu.memref_slice %arg13[%dma_start3A_364, %dma_start3A_365] : memref<10240x128xf32, #tpu.memory_space<vmem_shared>> -> memref<10240x128xf32, #tpu.memory_space<vmem_shared>>
        tpu.enqueue_indirect_dma source(%arg11 : memref<128x128xf32, #tpu.memory_space<vmem>>) target(%dma_start3A_366 : memref<10240x128xf32, #tpu.memory_space<vmem_shared>>) offsets(%dma_start3A_363 : memref<128xi32, #tpu.memory_space<vmem>>) semaphore(%run_scoped3A_360 : memref<!tpu.dma_semaphore, #tpu.memory_space<semaphore_mem>>) {add = true}
        %dma_wait3A_367 = arith.constant 0 : i32
        %dma_wait3A_368 = tpu.memref_slice %arg9[%run_scoped3A, %dma_wait3A_367] : memref<8x128xi32, #tpu.memory_space<vmem>> -> memref<1x128xi32, #tpu.memory_space<vmem>>
        %dma_wait3A_369 = tpu.memref_squeeze %dma_wait3A_368 : memref<1x128xi32, #tpu.memory_space<vmem>> -> memref<128xi32, #tpu.memory_space<vmem>>
        %dma_wait3A_370 = arith.constant 0 : i32
        %dma_wait3A_371 = arith.constant 0 : i32
        %dma_wait3A_372 = tpu.memref_slice %arg13[%dma_wait3A_370, %dma_wait3A_371] : memref<10240x128xf32, #tpu.memory_space<vmem_shared>> -> memref<10240x128xf32, #tpu.memory_space<vmem_shared>>
        tpu.wait_indirect_dma semaphore(%run_scoped3A_360 : memref<!tpu.dma_semaphore, #tpu.memory_space<semaphore_mem>>) src(%arg11 : memref<128x128xf32, #tpu.memory_space<vmem>>) dst(%dma_wait3A_372 : memref<10240x128xf32, #tpu.memory_space<vmem_shared>>)
        tpu.yield
      }) : () -> ()
      %dma_start3A_81 = arith.constant 2 : i32
      %dma_start3A_82 = arith.constant 0 : i32
      %dma_start3A_83 = tpu.memref_slice %arg7[%dma_start3A_81, %dma_start3A_82] : memref<8x128xi32, #tpu.memory_space<vmem>> -> memref<1x128xi32, #tpu.memory_space<vmem>>
      %dma_start3A_84 = tpu.memref_squeeze %dma_start3A_83 : memref<1x128xi32, #tpu.memory_space<vmem>> -> memref<128xi32, #tpu.memory_space<vmem>>
      %dma_start3A_85 = arith.constant 0 : i32
      %dma_start3A_86 = arith.constant 0 : i32
      %dma_start3A_87 = tpu.memref_slice %arg2[%dma_start3A_85, %dma_start3A_86] : memref<10000x128xf32, #tpu.memory_space<hbm>> -> memref<10000x128xf32, #tpu.memory_space<hbm>>
      tpu.enqueue_indirect_dma source(%dma_start3A_87 : memref<10000x128xf32, #tpu.memory_space<hbm>>) target(%arg11 : memref<128x128xf32, #tpu.memory_space<vmem>>) offsets(%dma_start3A_84 : memref<128xi32, #tpu.memory_space<vmem>>) semaphore(%arg16 : memref<!tpu.dma_semaphore, #tpu.memory_space<semaphore_mem>>)
      %dma_wait3A_88 = arith.constant 1 : i32
      %dma_wait3A_89 = arith.constant 0 : i32
      %dma_wait3A_90 = tpu.memref_slice %arg7[%dma_wait3A_88, %dma_wait3A_89] : memref<8x128xi32, #tpu.memory_space<vmem>> -> memref<1x128xi32, #tpu.memory_space<vmem>>
      %dma_wait3A_91 = tpu.memref_squeeze %dma_wait3A_90 : memref<1x128xi32, #tpu.memory_space<vmem>> -> memref<128xi32, #tpu.memory_space<vmem>>
      %dma_wait3A_92 = arith.constant 0 : i32
      %dma_wait3A_93 = arith.constant 0 : i32
      %dma_wait3A_94 = tpu.memref_slice %arg2[%dma_wait3A_92, %dma_wait3A_93] : memref<10000x128xf32, #tpu.memory_space<hbm>> -> memref<10000x128xf32, #tpu.memory_space<hbm>>
      tpu.wait_indirect_dma semaphore(%arg17 : memref<!tpu.dma_semaphore, #tpu.memory_space<semaphore_mem>>) src(%dma_wait3A_94 : memref<10000x128xf32, #tpu.memory_space<hbm>>) dst(%arg12 : memref<128x128xf32, #tpu.memory_space<vmem>>)
      %run_scoped3A_95 = arith.constant 1 : i32
      "tpu.region"() ({
        %run_scoped3A_360 = tpu.sem_alloc : memref<!tpu.dma_semaphore, #tpu.memory_space<semaphore_mem>>
        %dma_start3A_361 = arith.constant 0 : i32
        %dma_start3A_362 = tpu.memref_slice %arg9[%run_scoped3A_95, %dma_start3A_361] : memref<8x128xi32, #tpu.memory_space<vmem>> -> memref<1x128xi32, #tpu.memory_space<vmem>>
        %dma_start3A_363 = tpu.memref_squeeze %dma_start3A_362 : memref<1x128xi32, #tpu.memory_space<vmem>> -> memref<128xi32, #tpu.memory_space<vmem>>
        %dma_start3A_364 = arith.constant 0 : i32
        %dma_start3A_365 = arith.constant 0 : i32
        %dma_start3A_366 = tpu.memref_slice %arg13[%dma_start3A_364, %dma_start3A_365] : memref<10240x128xf32, #tpu.memory_space<vmem_shared>> -> memref<10240x128xf32, #tpu.memory_space<vmem_shared>>
        tpu.enqueue_indirect_dma source(%arg12 : memref<128x128xf32, #tpu.memory_space<vmem>>) target(%dma_start3A_366 : memref<10240x128xf32, #tpu.memory_space<vmem_shared>>) offsets(%dma_start3A_363 : memref<128xi32, #tpu.memory_space<vmem>>) semaphore(%run_scoped3A_360 : memref<!tpu.dma_semaphore, #tpu.memory_space<semaphore_mem>>) {add = true}
        %dma_wait3A_367 = arith.constant 0 : i32
        %dma_wait3A_368 = tpu.memref_slice %arg9[%run_scoped3A_95, %dma_wait3A_367] : memref<8x128xi32, #tpu.memory_space<vmem>> -> memref<1x128xi32, #tpu.memory_space<vmem>>
        %dma_wait3A_369 = tpu.memref_squeeze %dma_wait3A_368 : memref<1x128xi32, #tpu.memory_space<vmem>> -> memref<128xi32, #tpu.memory_space<vmem>>
        %dma_wait3A_370 = arith.constant 0 : i32
        %dma_wait3A_371 = arith.constant 0 : i32
        %dma_wait3A_372 = tpu.memref_slice %arg13[%dma_wait3A_370, %dma_wait3A_371] : memref<10240x128xf32, #tpu.memory_space<vmem_shared>> -> memref<10240x128xf32, #tpu.memory_space<vmem_shared>>
        tpu.wait_indirect_dma semaphore(%run_scoped3A_360 : memref<!tpu.dma_semaphore, #tpu.memory_space<semaphore_mem>>) src(%arg12 : memref<128x128xf32, #tpu.memory_space<vmem>>) dst(%dma_wait3A_372 : memref<10240x128xf32, #tpu.memory_space<vmem_shared>>)
        tpu.yield
      }) : () -> ()
      %dma_start3A_96 = arith.constant 3 : i32
      %dma_start3A_97 = arith.constant 0 : i32
      %dma_start3A_98 = tpu.memref_slice %arg7[%dma_start3A_96, %dma_start3A_97] : memref<8x128xi32, #tpu.memory_space<vmem>> -> memref<1x128xi32, #tpu.memory_space<vmem>>
      %dma_start3A_99 = tpu.memref_squeeze %dma_start3A_98 : memref<1x128xi32, #tpu.memory_space<vmem>> -> memref<128xi32, #tpu.memory_space<vmem>>
      %dma_start3A_100 = arith.constant 0 : i32
      %dma_start3A_101 = arith.constant 0 : i32
      %dma_start3A_102 = tpu.memref_slice %arg2[%dma_start3A_100, %dma_start3A_101] : memref<10000x128xf32, #tpu.memory_space<hbm>> -> memref<10000x128xf32, #tpu.memory_space<hbm>>
      tpu.enqueue_indirect_dma source(%dma_start3A_102 : memref<10000x128xf32, #tpu.memory_space<hbm>>) target(%arg12 : memref<128x128xf32, #tpu.memory_space<vmem>>) offsets(%dma_start3A_99 : memref<128xi32, #tpu.memory_space<vmem>>) semaphore(%arg17 : memref<!tpu.dma_semaphore, #tpu.memory_space<semaphore_mem>>)
      %dma_wait3A_103 = arith.constant 2 : i32
      %dma_wait3A_104 = arith.constant 0 : i32
      %dma_wait3A_105 = tpu.memref_slice %arg7[%dma_wait3A_103, %dma_wait3A_104] : memref<8x128xi32, #tpu.memory_space<vmem>> -> memref<1x128xi32, #tpu.memory_space<vmem>>
      %dma_wait3A_106 = tpu.memref_squeeze %dma_wait3A_105 : memref<1x128xi32, #tpu.memory_space<vmem>> -> memref<128xi32, #tpu.memory_space<vmem>>
      %dma_wait3A_107 = arith.constant 0 : i32
      %dma_wait3A_108 = arith.constant 0 : i32
      %dma_wait3A_109 = tpu.memref_slice %arg2[%dma_wait3A_107, %dma_wait3A_108] : memref<10000x128xf32, #tpu.memory_space<hbm>> -> memref<10000x128xf32, #tpu.memory_space<hbm>>
      tpu.wait_indirect_dma semaphore(%arg16 : memref<!tpu.dma_semaphore, #tpu.memory_space<semaphore_mem>>) src(%dma_wait3A_109 : memref<10000x128xf32, #tpu.memory_space<hbm>>) dst(%arg11 : memref<128x128xf32, #tpu.memory_space<vmem>>)
      %run_scoped3A_110 = arith.constant 2 : i32
      "tpu.region"() ({
        %run_scoped3A_360 = tpu.sem_alloc : memref<!tpu.dma_semaphore, #tpu.memory_space<semaphore_mem>>
        %dma_start3A_361 = arith.constant 0 : i32
        %dma_start3A_362 = tpu.memref_slice %arg9[%run_scoped3A_110, %dma_start3A_361] : memref<8x128xi32, #tpu.memory_space<vmem>> -> memref<1x128xi32, #tpu.memory_space<vmem>>
        %dma_start3A_363 = tpu.memref_squeeze %dma_start3A_362 : memref<1x128xi32, #tpu.memory_space<vmem>> -> memref<128xi32, #tpu.memory_space<vmem>>
        %dma_start3A_364 = arith.constant 0 : i32
        %dma_start3A_365 = arith.constant 0 : i32
        %dma_start3A_366 = tpu.memref_slice %arg13[%dma_start3A_364, %dma_start3A_365] : memref<10240x128xf32, #tpu.memory_space<vmem_shared>> -> memref<10240x128xf32, #tpu.memory_space<vmem_shared>>
        tpu.enqueue_indirect_dma source(%arg11 : memref<128x128xf32, #tpu.memory_space<vmem>>) target(%dma_start3A_366 : memref<10240x128xf32, #tpu.memory_space<vmem_shared>>) offsets(%dma_start3A_363 : memref<128xi32, #tpu.memory_space<vmem>>) semaphore(%run_scoped3A_360 : memref<!tpu.dma_semaphore, #tpu.memory_space<semaphore_mem>>) {add = true}
        %dma_wait3A_367 = arith.constant 0 : i32
        %dma_wait3A_368 = tpu.memref_slice %arg9[%run_scoped3A_110, %dma_wait3A_367] : memref<8x128xi32, #tpu.memory_space<vmem>> -> memref<1x128xi32, #tpu.memory_space<vmem>>
        %dma_wait3A_369 = tpu.memref_squeeze %dma_wait3A_368 : memref<1x128xi32, #tpu.memory_space<vmem>> -> memref<128xi32, #tpu.memory_space<vmem>>
        %dma_wait3A_370 = arith.constant 0 : i32
        %dma_wait3A_371 = arith.constant 0 : i32
        %dma_wait3A_372 = tpu.memref_slice %arg13[%dma_wait3A_370, %dma_wait3A_371] : memref<10240x128xf32, #tpu.memory_space<vmem_shared>> -> memref<10240x128xf32, #tpu.memory_space<vmem_shared>>
        tpu.wait_indirect_dma semaphore(%run_scoped3A_360 : memref<!tpu.dma_semaphore, #tpu.memory_space<semaphore_mem>>) src(%arg11 : memref<128x128xf32, #tpu.memory_space<vmem>>) dst(%dma_wait3A_372 : memref<10240x128xf32, #tpu.memory_space<vmem_shared>>)
        tpu.yield
      }) : () -> ()
      %dma_start3A_111 = arith.constant 4 : i32
      %dma_start3A_112 = arith.constant 0 : i32
      %dma_start3A_113 = tpu.memref_slice %arg7[%dma_start3A_111, %dma_start3A_112] : memref<8x128xi32, #tpu.memory_space<vmem>> -> memref<1x128xi32, #tpu.memory_space<vmem>>
      %dma_start3A_114 = tpu.memref_squeeze %dma_start3A_113 : memref<1x128xi32, #tpu.memory_space<vmem>> -> memref<128xi32, #tpu.memory_space<vmem>>
      %dma_start3A_115 = arith.constant 0 : i32
      %dma_start3A_116 = arith.constant 0 : i32
      %dma_start3A_117 = tpu.memref_slice %arg2[%dma_start3A_115, %dma_start3A_116] : memref<10000x128xf32, #tpu.memory_space<hbm>> -> memref<10000x128xf32, #tpu.memory_space<hbm>>
      tpu.enqueue_indirect_dma source(%dma_start3A_117 : memref<10000x128xf32, #tpu.memory_space<hbm>>) target(%arg11 : memref<128x128xf32, #tpu.memory_space<vmem>>) offsets(%dma_start3A_114 : memref<128xi32, #tpu.memory_space<vmem>>) semaphore(%arg16 : memref<!tpu.dma_semaphore, #tpu.memory_space<semaphore_mem>>)
      %dma_wait3A_118 = arith.constant 3 : i32
      %dma_wait3A_119 = arith.constant 0 : i32
      %dma_wait3A_120 = tpu.memref_slice %arg7[%dma_wait3A_118, %dma_wait3A_119] : memref<8x128xi32, #tpu.memory_space<vmem>> -> memref<1x128xi32, #tpu.memory_space<vmem>>
      %dma_wait3A_121 = tpu.memref_squeeze %dma_wait3A_120 : memref<1x128xi32, #tpu.memory_space<vmem>> -> memref<128xi32, #tpu.memory_space<vmem>>
      %dma_wait3A_122 = arith.constant 0 : i32
      %dma_wait3A_123 = arith.constant 0 : i32
      %dma_wait3A_124 = tpu.memref_slice %arg2[%dma_wait3A_122, %dma_wait3A_123] : memref<10000x128xf32, #tpu.memory_space<hbm>> -> memref<10000x128xf32, #tpu.memory_space<hbm>>
      tpu.wait_indirect_dma semaphore(%arg17 : memref<!tpu.dma_semaphore, #tpu.memory_space<semaphore_mem>>) src(%dma_wait3A_124 : memref<10000x128xf32, #tpu.memory_space<hbm>>) dst(%arg12 : memref<128x128xf32, #tpu.memory_space<vmem>>)
      %run_scoped3A_125 = arith.constant 3 : i32
      "tpu.region"() ({
        %run_scoped3A_360 = tpu.sem_alloc : memref<!tpu.dma_semaphore, #tpu.memory_space<semaphore_mem>>
        %dma_start3A_361 = arith.constant 0 : i32
        %dma_start3A_362 = tpu.memref_slice %arg9[%run_scoped3A_125, %dma_start3A_361] : memref<8x128xi32, #tpu.memory_space<vmem>> -> memref<1x128xi32, #tpu.memory_space<vmem>>
        %dma_start3A_363 = tpu.memref_squeeze %dma_start3A_362 : memref<1x128xi32, #tpu.memory_space<vmem>> -> memref<128xi32, #tpu.memory_space<vmem>>
        %dma_start3A_364 = arith.constant 0 : i32
        %dma_start3A_365 = arith.constant 0 : i32
        %dma_start3A_366 = tpu.memref_slice %arg13[%dma_start3A_364, %dma_start3A_365] : memref<10240x128xf32, #tpu.memory_space<vmem_shared>> -> memref<10240x128xf32, #tpu.memory_space<vmem_shared>>
        tpu.enqueue_indirect_dma source(%arg12 : memref<128x128xf32, #tpu.memory_space<vmem>>) target(%dma_start3A_366 : memref<10240x128xf32, #tpu.memory_space<vmem_shared>>) offsets(%dma_start3A_363 : memref<128xi32, #tpu.memory_space<vmem>>) semaphore(%run_scoped3A_360 : memref<!tpu.dma_semaphore, #tpu.memory_space<semaphore_mem>>) {add = true}
        %dma_wait3A_367 = arith.constant 0 : i32
        %dma_wait3A_368 = tpu.memref_slice %arg9[%run_scoped3A_125, %dma_wait3A_367] : memref<8x128xi32, #tpu.memory_space<vmem>> -> memref<1x128xi32, #tpu.memory_space<vmem>>
        %dma_wait3A_369 = tpu.memref_squeeze %dma_wait3A_368 : memref<1x128xi32, #tpu.memory_space<vmem>> -> memref<128xi32, #tpu.memory_space<vmem>>
        %dma_wait3A_370 = arith.constant 0 : i32
        %dma_wait3A_371 = arith.constant 0 : i32
        %dma_wait3A_372 = tpu.memref_slice %arg13[%dma_wait3A_370, %dma_wait3A_371] : memref<10240x128xf32, #tpu.memory_space<vmem_shared>> -> memref<10240x128xf32, #tpu.memory_space<vmem_shared>>
        tpu.wait_indirect_dma semaphore(%run_scoped3A_360 : memref<!tpu.dma_semaphore, #tpu.memory_space<semaphore_mem>>) src(%arg12 : memref<128x128xf32, #tpu.memory_space<vmem>>) dst(%dma_wait3A_372 : memref<10240x128xf32, #tpu.memory_space<vmem_shared>>)
        tpu.yield
      }) : () -> ()
      %dma_start3A_126 = arith.constant 5 : i32
      %dma_start3A_127 = arith.constant 0 : i32
      %dma_start3A_128 = tpu.memref_slice %arg7[%dma_start3A_126, %dma_start3A_127] : memref<8x128xi32, #tpu.memory_space<vmem>> -> memref<1x128xi32, #tpu.memory_space<vmem>>
      %dma_start3A_129 = tpu.memref_squeeze %dma_start3A_128 : memref<1x128xi32, #tpu.memory_space<vmem>> -> memref<128xi32, #tpu.memory_space<vmem>>
      %dma_start3A_130 = arith.constant 0 : i32
      %dma_start3A_131 = arith.constant 0 : i32
      %dma_start3A_132 = tpu.memref_slice %arg2[%dma_start3A_130, %dma_start3A_131] : memref<10000x128xf32, #tpu.memory_space<hbm>> -> memref<10000x128xf32, #tpu.memory_space<hbm>>
      tpu.enqueue_indirect_dma source(%dma_start3A_132 : memref<10000x128xf32, #tpu.memory_space<hbm>>) target(%arg12 : memref<128x128xf32, #tpu.memory_space<vmem>>) offsets(%dma_start3A_129 : memref<128xi32, #tpu.memory_space<vmem>>) semaphore(%arg17 : memref<!tpu.dma_semaphore, #tpu.memory_space<semaphore_mem>>)
      %dma_wait3A_133 = arith.constant 4 : i32
      %dma_wait3A_134 = arith.constant 0 : i32
      %dma_wait3A_135 = tpu.memref_slice %arg7[%dma_wait3A_133, %dma_wait3A_134] : memref<8x128xi32, #tpu.memory_space<vmem>> -> memref<1x128xi32, #tpu.memory_space<vmem>>
      %dma_wait3A_136 = tpu.memref_squeeze %dma_wait3A_135 : memref<1x128xi32, #tpu.memory_space<vmem>> -> memref<128xi32, #tpu.memory_space<vmem>>
      %dma_wait3A_137 = arith.constant 0 : i32
      %dma_wait3A_138 = arith.constant 0 : i32
      %dma_wait3A_139 = tpu.memref_slice %arg2[%dma_wait3A_137, %dma_wait3A_138] : memref<10000x128xf32, #tpu.memory_space<hbm>> -> memref<10000x128xf32, #tpu.memory_space<hbm>>
      tpu.wait_indirect_dma semaphore(%arg16 : memref<!tpu.dma_semaphore, #tpu.memory_space<semaphore_mem>>) src(%dma_wait3A_139 : memref<10000x128xf32, #tpu.memory_space<hbm>>) dst(%arg11 : memref<128x128xf32, #tpu.memory_space<vmem>>)
      %run_scoped3A_140 = arith.constant 4 : i32
      "tpu.region"() ({
        %run_scoped3A_360 = tpu.sem_alloc : memref<!tpu.dma_semaphore, #tpu.memory_space<semaphore_mem>>
        %dma_start3A_361 = arith.constant 0 : i32
        %dma_start3A_362 = tpu.memref_slice %arg9[%run_scoped3A_140, %dma_start3A_361] : memref<8x128xi32, #tpu.memory_space<vmem>> -> memref<1x128xi32, #tpu.memory_space<vmem>>
        %dma_start3A_363 = tpu.memref_squeeze %dma_start3A_362 : memref<1x128xi32, #tpu.memory_space<vmem>> -> memref<128xi32, #tpu.memory_space<vmem>>
        %dma_start3A_364 = arith.constant 0 : i32
        %dma_start3A_365 = arith.constant 0 : i32
        %dma_start3A_366 = tpu.memref_slice %arg13[%dma_start3A_364, %dma_start3A_365] : memref<10240x128xf32, #tpu.memory_space<vmem_shared>> -> memref<10240x128xf32, #tpu.memory_space<vmem_shared>>
        tpu.enqueue_indirect_dma source(%arg11 : memref<128x128xf32, #tpu.memory_space<vmem>>) target(%dma_start3A_366 : memref<10240x128xf32, #tpu.memory_space<vmem_shared>>) offsets(%dma_start3A_363 : memref<128xi32, #tpu.memory_space<vmem>>) semaphore(%run_scoped3A_360 : memref<!tpu.dma_semaphore, #tpu.memory_space<semaphore_mem>>) {add = true}
        %dma_wait3A_367 = arith.constant 0 : i32
        %dma_wait3A_368 = tpu.memref_slice %arg9[%run_scoped3A_140, %dma_wait3A_367] : memref<8x128xi32, #tpu.memory_space<vmem>> -> memref<1x128xi32, #tpu.memory_space<vmem>>
        %dma_wait3A_369 = tpu.memref_squeeze %dma_wait3A_368 : memref<1x128xi32, #tpu.memory_space<vmem>> -> memref<128xi32, #tpu.memory_space<vmem>>
        %dma_wait3A_370 = arith.constant 0 : i32
        %dma_wait3A_371 = arith.constant 0 : i32
        %dma_wait3A_372 = tpu.memref_slice %arg13[%dma_wait3A_370, %dma_wait3A_371] : memref<10240x128xf32, #tpu.memory_space<vmem_shared>> -> memref<10240x128xf32, #tpu.memory_space<vmem_shared>>
        tpu.wait_indirect_dma semaphore(%run_scoped3A_360 : memref<!tpu.dma_semaphore, #tpu.memory_space<semaphore_mem>>) src(%arg11 : memref<128x128xf32, #tpu.memory_space<vmem>>) dst(%dma_wait3A_372 : memref<10240x128xf32, #tpu.memory_space<vmem_shared>>)
        tpu.yield
      }) : () -> ()
      %dma_start3A_141 = arith.constant 6 : i32
      %dma_start3A_142 = arith.constant 0 : i32
      %dma_start3A_143 = tpu.memref_slice %arg7[%dma_start3A_141, %dma_start3A_142] : memref<8x128xi32, #tpu.memory_space<vmem>> -> memref<1x128xi32, #tpu.memory_space<vmem>>
      %dma_start3A_144 = tpu.memref_squeeze %dma_start3A_143 : memref<1x128xi32, #tpu.memory_space<vmem>> -> memref<128xi32, #tpu.memory_space<vmem>>
      %dma_start3A_145 = arith.constant 0 : i32
      %dma_start3A_146 = arith.constant 0 : i32
      %dma_start3A_147 = tpu.memref_slice %arg2[%dma_start3A_145, %dma_start3A_146] : memref<10000x128xf32, #tpu.memory_space<hbm>> -> memref<10000x128xf32, #tpu.memory_space<hbm>>
      tpu.enqueue_indirect_dma source(%dma_start3A_147 : memref<10000x128xf32, #tpu.memory_space<hbm>>) target(%arg11 : memref<128x128xf32, #tpu.memory_space<vmem>>) offsets(%dma_start3A_144 : memref<128xi32, #tpu.memory_space<vmem>>) semaphore(%arg16 : memref<!tpu.dma_semaphore, #tpu.memory_space<semaphore_mem>>)
      %dma_wait3A_148 = arith.constant 5 : i32
      %dma_wait3A_149 = arith.constant 0 : i32
      %dma_wait3A_150 = tpu.memref_slice %arg7[%dma_wait3A_148, %dma_wait3A_149] : memref<8x128xi32, #tpu.memory_space<vmem>> -> memref<1x128xi32, #tpu.memory_space<vmem>>
      %dma_wait3A_151 = tpu.memref_squeeze %dma_wait3A_150 : memref<1x128xi32, #tpu.memory_space<vmem>> -> memref<128xi32, #tpu.memory_space<vmem>>
      %dma_wait3A_152 = arith.constant 0 : i32
      %dma_wait3A_153 = arith.constant 0 : i32
      %dma_wait3A_154 = tpu.memref_slice %arg2[%dma_wait3A_152, %dma_wait3A_153] : memref<10000x128xf32, #tpu.memory_space<hbm>> -> memref<10000x128xf32, #tpu.memory_space<hbm>>
      tpu.wait_indirect_dma semaphore(%arg17 : memref<!tpu.dma_semaphore, #tpu.memory_space<semaphore_mem>>) src(%dma_wait3A_154 : memref<10000x128xf32, #tpu.memory_space<hbm>>) dst(%arg12 : memref<128x128xf32, #tpu.memory_space<vmem>>)
      %run_scoped3A_155 = arith.constant 5 : i32
      "tpu.region"() ({
        %run_scoped3A_360 = tpu.sem_alloc : memref<!tpu.dma_semaphore, #tpu.memory_space<semaphore_mem>>
        %dma_start3A_361 = arith.constant 0 : i32
        %dma_start3A_362 = tpu.memref_slice %arg9[%run_scoped3A_155, %dma_start3A_361] : memref<8x128xi32, #tpu.memory_space<vmem>> -> memref<1x128xi32, #tpu.memory_space<vmem>>
        %dma_start3A_363 = tpu.memref_squeeze %dma_start3A_362 : memref<1x128xi32, #tpu.memory_space<vmem>> -> memref<128xi32, #tpu.memory_space<vmem>>
        %dma_start3A_364 = arith.constant 0 : i32
        %dma_start3A_365 = arith.constant 0 : i32
        %dma_start3A_366 = tpu.memref_slice %arg13[%dma_start3A_364, %dma_start3A_365] : memref<10240x128xf32, #tpu.memory_space<vmem_shared>> -> memref<10240x128xf32, #tpu.memory_space<vmem_shared>>
        tpu.enqueue_indirect_dma source(%arg12 : memref<128x128xf32, #tpu.memory_space<vmem>>) target(%dma_start3A_366 : memref<10240x128xf32, #tpu.memory_space<vmem_shared>>) offsets(%dma_start3A_363 : memref<128xi32, #tpu.memory_space<vmem>>) semaphore(%run_scoped3A_360 : memref<!tpu.dma_semaphore, #tpu.memory_space<semaphore_mem>>) {add = true}
        %dma_wait3A_367 = arith.constant 0 : i32
        %dma_wait3A_368 = tpu.memref_slice %arg9[%run_scoped3A_155, %dma_wait3A_367] : memref<8x128xi32, #tpu.memory_space<vmem>> -> memref<1x128xi32, #tpu.memory_space<vmem>>
        %dma_wait3A_369 = tpu.memref_squeeze %dma_wait3A_368 : memref<1x128xi32, #tpu.memory_space<vmem>> -> memref<128xi32, #tpu.memory_space<vmem>>
        %dma_wait3A_370 = arith.constant 0 : i32
        %dma_wait3A_371 = arith.constant 0 : i32
        %dma_wait3A_372 = tpu.memref_slice %arg13[%dma_wait3A_370, %dma_wait3A_371] : memref<10240x128xf32, #tpu.memory_space<vmem_shared>> -> memref<10240x128xf32, #tpu.memory_space<vmem_shared>>
        tpu.wait_indirect_dma semaphore(%run_scoped3A_360 : memref<!tpu.dma_semaphore, #tpu.memory_space<semaphore_mem>>) src(%arg12 : memref<128x128xf32, #tpu.memory_space<vmem>>) dst(%dma_wait3A_372 : memref<10240x128xf32, #tpu.memory_space<vmem_shared>>)
        tpu.yield
      }) : () -> ()
      %dma_start3A_156 = arith.constant 7 : i32
      %dma_start3A_157 = arith.constant 0 : i32
      %dma_start3A_158 = tpu.memref_slice %arg7[%dma_start3A_156, %dma_start3A_157] : memref<8x128xi32, #tpu.memory_space<vmem>> -> memref<1x128xi32, #tpu.memory_space<vmem>>
      %dma_start3A_159 = tpu.memref_squeeze %dma_start3A_158 : memref<1x128xi32, #tpu.memory_space<vmem>> -> memref<128xi32, #tpu.memory_space<vmem>>
      %dma_start3A_160 = arith.constant 0 : i32
      %dma_start3A_161 = arith.constant 0 : i32
      %dma_start3A_162 = tpu.memref_slice %arg2[%dma_start3A_160, %dma_start3A_161] : memref<10000x128xf32, #tpu.memory_space<hbm>> -> memref<10000x128xf32, #tpu.memory_space<hbm>>
      tpu.enqueue_indirect_dma source(%dma_start3A_162 : memref<10000x128xf32, #tpu.memory_space<hbm>>) target(%arg12 : memref<128x128xf32, #tpu.memory_space<vmem>>) offsets(%dma_start3A_159 : memref<128xi32, #tpu.memory_space<vmem>>) semaphore(%arg17 : memref<!tpu.dma_semaphore, #tpu.memory_space<semaphore_mem>>)
      %dma_wait3A_163 = arith.constant 6 : i32
      %dma_wait3A_164 = arith.constant 0 : i32
      %dma_wait3A_165 = tpu.memref_slice %arg7[%dma_wait3A_163, %dma_wait3A_164] : memref<8x128xi32, #tpu.memory_space<vmem>> -> memref<1x128xi32, #tpu.memory_space<vmem>>
      %dma_wait3A_166 = tpu.memref_squeeze %dma_wait3A_165 : memref<1x128xi32, #tpu.memory_space<vmem>> -> memref<128xi32, #tpu.memory_space<vmem>>
      %dma_wait3A_167 = arith.constant 0 : i32
      %dma_wait3A_168 = arith.constant 0 : i32
      %dma_wait3A_169 = tpu.memref_slice %arg2[%dma_wait3A_167, %dma_wait3A_168] : memref<10000x128xf32, #tpu.memory_space<hbm>> -> memref<10000x128xf32, #tpu.memory_space<hbm>>
      tpu.wait_indirect_dma semaphore(%arg16 : memref<!tpu.dma_semaphore, #tpu.memory_space<semaphore_mem>>) src(%dma_wait3A_169 : memref<10000x128xf32, #tpu.memory_space<hbm>>) dst(%arg11 : memref<128x128xf32, #tpu.memory_space<vmem>>)
      %run_scoped3A_170 = arith.constant 6 : i32
      "tpu.region"() ({
        %run_scoped3A_360 = tpu.sem_alloc : memref<!tpu.dma_semaphore, #tpu.memory_space<semaphore_mem>>
        %dma_start3A_361 = arith.constant 0 : i32
        %dma_start3A_362 = tpu.memref_slice %arg9[%run_scoped3A_170, %dma_start3A_361] : memref<8x128xi32, #tpu.memory_space<vmem>> -> memref<1x128xi32, #tpu.memory_space<vmem>>
        %dma_start3A_363 = tpu.memref_squeeze %dma_start3A_362 : memref<1x128xi32, #tpu.memory_space<vmem>> -> memref<128xi32, #tpu.memory_space<vmem>>
        %dma_start3A_364 = arith.constant 0 : i32
        %dma_start3A_365 = arith.constant 0 : i32
        %dma_start3A_366 = tpu.memref_slice %arg13[%dma_start3A_364, %dma_start3A_365] : memref<10240x128xf32, #tpu.memory_space<vmem_shared>> -> memref<10240x128xf32, #tpu.memory_space<vmem_shared>>
        tpu.enqueue_indirect_dma source(%arg11 : memref<128x128xf32, #tpu.memory_space<vmem>>) target(%dma_start3A_366 : memref<10240x128xf32, #tpu.memory_space<vmem_shared>>) offsets(%dma_start3A_363 : memref<128xi32, #tpu.memory_space<vmem>>) semaphore(%run_scoped3A_360 : memref<!tpu.dma_semaphore, #tpu.memory_space<semaphore_mem>>) {add = true}
        %dma_wait3A_367 = arith.constant 0 : i32
        %dma_wait3A_368 = tpu.memref_slice %arg9[%run_scoped3A_170, %dma_wait3A_367] : memref<8x128xi32, #tpu.memory_space<vmem>> -> memref<1x128xi32, #tpu.memory_space<vmem>>
        %dma_wait3A_369 = tpu.memref_squeeze %dma_wait3A_368 : memref<1x128xi32, #tpu.memory_space<vmem>> -> memref<128xi32, #tpu.memory_space<vmem>>
        %dma_wait3A_370 = arith.constant 0 : i32
        %dma_wait3A_371 = arith.constant 0 : i32
        %dma_wait3A_372 = tpu.memref_slice %arg13[%dma_wait3A_370, %dma_wait3A_371] : memref<10240x128xf32, #tpu.memory_space<vmem_shared>> -> memref<10240x128xf32, #tpu.memory_space<vmem_shared>>
        tpu.wait_indirect_dma semaphore(%run_scoped3A_360 : memref<!tpu.dma_semaphore, #tpu.memory_space<semaphore_mem>>) src(%arg11 : memref<128x128xf32, #tpu.memory_space<vmem>>) dst(%dma_wait3A_372 : memref<10240x128xf32, #tpu.memory_space<vmem_shared>>)
        tpu.yield
      }) : () -> ()
      %add3A_171 = arith.constant 1 : i32
      %add3A_172 = arith.addi %add3A_66, %add3A_171 : i32
      %mul3A_173 = arith.constant 8 : i32
      %mul3A_174 = arith.muli %add3A_172, %mul3A_173 : i32
      %add3A_175 = arith.addi %mul3A_2, %mul3A_174 : i32
      %dma_wait3A_176 = arith.constant 0 : i32
      %dma_wait3A_177 = tpu.memref_slice %arg3[%add3A_175, %dma_wait3A_176] : memref<2576x128xi32, #tpu.memory_space<hbm>> -> memref<8x128xi32, #tpu.memory_space<hbm>>
      %dma_wait3A_178 = arith.constant 0 : i32
      %dma_wait3A_179 = tpu.memref_slice %arg3[%add3A_175, %dma_wait3A_178] : memref<2576x128xi32, #tpu.memory_space<hbm>> -> memref<8x128xi32, #tpu.memory_space<hbm>>
      tpu.wait_dma2 semaphore(%arg15 : memref<!tpu.dma_semaphore, #tpu.memory_space<semaphore_mem>>) src(%dma_wait3A_179 : memref<8x128xi32, #tpu.memory_space<hbm>>) dst(%arg8 : memref<8x128xi32, #tpu.memory_space<vmem>>)
      %dma_wait3A_180 = arith.constant 0 : i32
      %dma_wait3A_181 = tpu.memref_slice %arg4[%add3A_175, %dma_wait3A_180] : memref<2576x128xi32, #tpu.memory_space<hbm>> -> memref<8x128xi32, #tpu.memory_space<hbm>>
      %dma_wait3A_182 = arith.constant 0 : i32
      %dma_wait3A_183 = tpu.memref_slice %arg4[%add3A_175, %dma_wait3A_182] : memref<2576x128xi32, #tpu.memory_space<hbm>> -> memref<8x128xi32, #tpu.memory_space<hbm>>
      tpu.wait_dma2 semaphore(%arg15 : memref<!tpu.dma_semaphore, #tpu.memory_space<semaphore_mem>>) src(%dma_wait3A_183 : memref<8x128xi32, #tpu.memory_space<hbm>>) dst(%arg10 : memref<8x128xi32, #tpu.memory_space<vmem>>)
      %dma_start3A_184 = arith.constant 0 : i32
      %dma_start3A_185 = arith.constant 0 : i32
      %dma_start3A_186 = tpu.memref_slice %arg8[%dma_start3A_184, %dma_start3A_185] : memref<8x128xi32, #tpu.memory_space<vmem>> -> memref<1x128xi32, #tpu.memory_space<vmem>>
      %dma_start3A_187 = tpu.memref_squeeze %dma_start3A_186 : memref<1x128xi32, #tpu.memory_space<vmem>> -> memref<128xi32, #tpu.memory_space<vmem>>
      %dma_start3A_188 = arith.constant 0 : i32
      %dma_start3A_189 = arith.constant 0 : i32
      %dma_start3A_190 = tpu.memref_slice %arg2[%dma_start3A_188, %dma_start3A_189] : memref<10000x128xf32, #tpu.memory_space<hbm>> -> memref<10000x128xf32, #tpu.memory_space<hbm>>
      tpu.enqueue_indirect_dma source(%dma_start3A_190 : memref<10000x128xf32, #tpu.memory_space<hbm>>) target(%arg11 : memref<128x128xf32, #tpu.memory_space<vmem>>) offsets(%dma_start3A_187 : memref<128xi32, #tpu.memory_space<vmem>>) semaphore(%arg16 : memref<!tpu.dma_semaphore, #tpu.memory_space<semaphore_mem>>)
      %dma_wait3A_191 = arith.constant 7 : i32
      %dma_wait3A_192 = arith.constant 0 : i32
      %dma_wait3A_193 = tpu.memref_slice %arg7[%dma_wait3A_191, %dma_wait3A_192] : memref<8x128xi32, #tpu.memory_space<vmem>> -> memref<1x128xi32, #tpu.memory_space<vmem>>
      %dma_wait3A_194 = tpu.memref_squeeze %dma_wait3A_193 : memref<1x128xi32, #tpu.memory_space<vmem>> -> memref<128xi32, #tpu.memory_space<vmem>>
      %dma_wait3A_195 = arith.constant 0 : i32
      %dma_wait3A_196 = arith.constant 0 : i32
      %dma_wait3A_197 = tpu.memref_slice %arg2[%dma_wait3A_195, %dma_wait3A_196] : memref<10000x128xf32, #tpu.memory_space<hbm>> -> memref<10000x128xf32, #tpu.memory_space<hbm>>
      tpu.wait_indirect_dma semaphore(%arg17 : memref<!tpu.dma_semaphore, #tpu.memory_space<semaphore_mem>>) src(%dma_wait3A_197 : memref<10000x128xf32, #tpu.memory_space<hbm>>) dst(%arg12 : memref<128x128xf32, #tpu.memory_space<vmem>>)
      %add3A_198 = arith.constant 2 : i32
      %add3A_199 = arith.addi %add3A_66, %add3A_198 : i32
      %mul3A_200 = arith.constant 8 : i32
      %mul3A_201 = arith.muli %add3A_199, %mul3A_200 : i32
      %add3A_202 = arith.addi %mul3A_2, %mul3A_201 : i32
      %dma_start3A_203 = arith.constant 0 : i32
      %dma_start3A_204 = tpu.memref_slice %arg3[%add3A_202, %dma_start3A_203] : memref<2576x128xi32, #tpu.memory_space<hbm>> -> memref<8x128xi32, #tpu.memory_space<hbm>>
      %dma_start3A_205 = arith.constant 0 : i32
      %dma_start3A_206 = tpu.memref_slice %arg3[%add3A_202, %dma_start3A_205] : memref<2576x128xi32, #tpu.memory_space<hbm>> -> memref<8x128xi32, #tpu.memory_space<hbm>>
      tpu.enqueue_dma source(%dma_start3A_206 : memref<8x128xi32, #tpu.memory_space<hbm>>) target(%arg7 : memref<8x128xi32, #tpu.memory_space<vmem>>) target_semaphore(%arg14 : memref<!tpu.dma_semaphore, #tpu.memory_space<semaphore_mem>>)
      %dma_start3A_207 = arith.constant 0 : i32
      %dma_start3A_208 = tpu.memref_slice %arg4[%add3A_202, %dma_start3A_207] : memref<2576x128xi32, #tpu.memory_space<hbm>> -> memref<8x128xi32, #tpu.memory_space<hbm>>
      %dma_start3A_209 = arith.constant 0 : i32
      %dma_start3A_210 = tpu.memref_slice %arg4[%add3A_202, %dma_start3A_209] : memref<2576x128xi32, #tpu.memory_space<hbm>> -> memref<8x128xi32, #tpu.memory_space<hbm>>
      tpu.enqueue_dma source(%dma_start3A_210 : memref<8x128xi32, #tpu.memory_space<hbm>>) target(%arg9 : memref<8x128xi32, #tpu.memory_space<vmem>>) target_semaphore(%arg14 : memref<!tpu.dma_semaphore, #tpu.memory_space<semaphore_mem>>)
      %run_scoped3A_211 = arith.constant 7 : i32
      "tpu.region"() ({
        %run_scoped3A_360 = tpu.sem_alloc : memref<!tpu.dma_semaphore, #tpu.memory_space<semaphore_mem>>
        %dma_start3A_361 = arith.constant 0 : i32
        %dma_start3A_362 = tpu.memref_slice %arg9[%run_scoped3A_211, %dma_start3A_361] : memref<8x128xi32, #tpu.memory_space<vmem>> -> memref<1x128xi32, #tpu.memory_space<vmem>>
        %dma_start3A_363 = tpu.memref_squeeze %dma_start3A_362 : memref<1x128xi32, #tpu.memory_space<vmem>> -> memref<128xi32, #tpu.memory_space<vmem>>
        %dma_start3A_364 = arith.constant 0 : i32
        %dma_start3A_365 = arith.constant 0 : i32
        %dma_start3A_366 = tpu.memref_slice %arg13[%dma_start3A_364, %dma_start3A_365] : memref<10240x128xf32, #tpu.memory_space<vmem_shared>> -> memref<10240x128xf32, #tpu.memory_space<vmem_shared>>
        tpu.enqueue_indirect_dma source(%arg12 : memref<128x128xf32, #tpu.memory_space<vmem>>) target(%dma_start3A_366 : memref<10240x128xf32, #tpu.memory_space<vmem_shared>>) offsets(%dma_start3A_363 : memref<128xi32, #tpu.memory_space<vmem>>) semaphore(%run_scoped3A_360 : memref<!tpu.dma_semaphore, #tpu.memory_space<semaphore_mem>>) {add = true}
        %dma_wait3A_367 = arith.constant 0 : i32
        %dma_wait3A_368 = tpu.memref_slice %arg9[%run_scoped3A_211, %dma_wait3A_367] : memref<8x128xi32, #tpu.memory_space<vmem>> -> memref<1x128xi32, #tpu.memory_space<vmem>>
        %dma_wait3A_369 = tpu.memref_squeeze %dma_wait3A_368 : memref<1x128xi32, #tpu.memory_space<vmem>> -> memref<128xi32, #tpu.memory_space<vmem>>
        %dma_wait3A_370 = arith.constant 0 : i32
        %dma_wait3A_371 = arith.constant 0 : i32
        %dma_wait3A_372 = tpu.memref_slice %arg13[%dma_wait3A_370, %dma_wait3A_371] : memref<10240x128xf32, #tpu.memory_space<vmem_shared>> -> memref<10240x128xf32, #tpu.memory_space<vmem_shared>>
        tpu.wait_indirect_dma semaphore(%run_scoped3A_360 : memref<!tpu.dma_semaphore, #tpu.memory_space<semaphore_mem>>) src(%arg12 : memref<128x128xf32, #tpu.memory_space<vmem>>) dst(%dma_wait3A_372 : memref<10240x128xf32, #tpu.memory_space<vmem_shared>>)
        tpu.yield
      }) : () -> ()
      %add3A_212 = arith.constant 1 : i32
      %add3A_213 = arith.addi %add3A_66, %add3A_212 : i32
      %dma_start3A_214 = arith.constant 1 : i32
      %dma_start3A_215 = arith.constant 0 : i32
      %dma_start3A_216 = tpu.memref_slice %arg8[%dma_start3A_214, %dma_start3A_215] : memref<8x128xi32, #tpu.memory_space<vmem>> -> memref<1x128xi32, #tpu.memory_space<vmem>>
      %dma_start3A_217 = tpu.memref_squeeze %dma_start3A_216 : memref<1x128xi32, #tpu.memory_space<vmem>> -> memref<128xi32, #tpu.memory_space<vmem>>
      %dma_start3A_218 = arith.constant 0 : i32
      %dma_start3A_219 = arith.constant 0 : i32
      %dma_start3A_220 = tpu.memref_slice %arg2[%dma_start3A_218, %dma_start3A_219] : memref<10000x128xf32, #tpu.memory_space<hbm>> -> memref<10000x128xf32, #tpu.memory_space<hbm>>
      tpu.enqueue_indirect_dma source(%dma_start3A_220 : memref<10000x128xf32, #tpu.memory_space<hbm>>) target(%arg12 : memref<128x128xf32, #tpu.memory_space<vmem>>) offsets(%dma_start3A_217 : memref<128xi32, #tpu.memory_space<vmem>>) semaphore(%arg17 : memref<!tpu.dma_semaphore, #tpu.memory_space<semaphore_mem>>)
      %dma_wait3A_221 = arith.constant 0 : i32
      %dma_wait3A_222 = arith.constant 0 : i32
      %dma_wait3A_223 = tpu.memref_slice %arg8[%dma_wait3A_221, %dma_wait3A_222] : memref<8x128xi32, #tpu.memory_space<vmem>> -> memref<1x128xi32, #tpu.memory_space<vmem>>
      %dma_wait3A_224 = tpu.memref_squeeze %dma_wait3A_223 : memref<1x128xi32, #tpu.memory_space<vmem>> -> memref<128xi32, #tpu.memory_space<vmem>>
      %dma_wait3A_225 = arith.constant 0 : i32
      %dma_wait3A_226 = arith.constant 0 : i32
      %dma_wait3A_227 = tpu.memref_slice %arg2[%dma_wait3A_225, %dma_wait3A_226] : memref<10000x128xf32, #tpu.memory_space<hbm>> -> memref<10000x128xf32, #tpu.memory_space<hbm>>
      tpu.wait_indirect_dma semaphore(%arg16 : memref<!tpu.dma_semaphore, #tpu.memory_space<semaphore_mem>>) src(%dma_wait3A_227 : memref<10000x128xf32, #tpu.memory_space<hbm>>) dst(%arg11 : memref<128x128xf32, #tpu.memory_space<vmem>>)
      %run_scoped3A_228 = arith.constant 0 : i32
      "tpu.region"() ({
        %run_scoped3A_360 = tpu.sem_alloc : memref<!tpu.dma_semaphore, #tpu.memory_space<semaphore_mem>>
        %dma_start3A_361 = arith.constant 0 : i32
        %dma_start3A_362 = tpu.memref_slice %arg10[%run_scoped3A_228, %dma_start3A_361] : memref<8x128xi32, #tpu.memory_space<vmem>> -> memref<1x128xi32, #tpu.memory_space<vmem>>
        %dma_start3A_363 = tpu.memref_squeeze %dma_start3A_362 : memref<1x128xi32, #tpu.memory_space<vmem>> -> memref<128xi32, #tpu.memory_space<vmem>>
        %dma_start3A_364 = arith.constant 0 : i32
        %dma_start3A_365 = arith.constant 0 : i32
        %dma_start3A_366 = tpu.memref_slice %arg13[%dma_start3A_364, %dma_start3A_365] : memref<10240x128xf32, #tpu.memory_space<vmem_shared>> -> memref<10240x128xf32, #tpu.memory_space<vmem_shared>>
        tpu.enqueue_indirect_dma source(%arg11 : memref<128x128xf32, #tpu.memory_space<vmem>>) target(%dma_start3A_366 : memref<10240x128xf32, #tpu.memory_space<vmem_shared>>) offsets(%dma_start3A_363 : memref<128xi32, #tpu.memory_space<vmem>>) semaphore(%run_scoped3A_360 : memref<!tpu.dma_semaphore, #tpu.memory_space<semaphore_mem>>) {add = true}
        %dma_wait3A_367 = arith.constant 0 : i32
        %dma_wait3A_368 = tpu.memref_slice %arg10[%run_scoped3A_228, %dma_wait3A_367] : memref<8x128xi32, #tpu.memory_space<vmem>> -> memref<1x128xi32, #tpu.memory_space<vmem>>
        %dma_wait3A_369 = tpu.memref_squeeze %dma_wait3A_368 : memref<1x128xi32, #tpu.memory_space<vmem>> -> memref<128xi32, #tpu.memory_space<vmem>>
        %dma_wait3A_370 = arith.constant 0 : i32
        %dma_wait3A_371 = arith.constant 0 : i32
        %dma_wait3A_372 = tpu.memref_slice %arg13[%dma_wait3A_370, %dma_wait3A_371] : memref<10240x128xf32, #tpu.memory_space<vmem_shared>> -> memref<10240x128xf32, #tpu.memory_space<vmem_shared>>
        tpu.wait_indirect_dma semaphore(%run_scoped3A_360 : memref<!tpu.dma_semaphore, #tpu.memory_space<semaphore_mem>>) src(%arg11 : memref<128x128xf32, #tpu.memory_space<vmem>>) dst(%dma_wait3A_372 : memref<10240x128xf32, #tpu.memory_space<vmem_shared>>)
        tpu.yield
      }) : () -> ()
      %dma_start3A_229 = arith.constant 2 : i32
      %dma_start3A_230 = arith.constant 0 : i32
      %dma_start3A_231 = tpu.memref_slice %arg8[%dma_start3A_229, %dma_start3A_230] : memref<8x128xi32, #tpu.memory_space<vmem>> -> memref<1x128xi32, #tpu.memory_space<vmem>>
      %dma_start3A_232 = tpu.memref_squeeze %dma_start3A_231 : memref<1x128xi32, #tpu.memory_space<vmem>> -> memref<128xi32, #tpu.memory_space<vmem>>
      %dma_start3A_233 = arith.constant 0 : i32
      %dma_start3A_234 = arith.constant 0 : i32
      %dma_start3A_235 = tpu.memref_slice %arg2[%dma_start3A_233, %dma_start3A_234] : memref<10000x128xf32, #tpu.memory_space<hbm>> -> memref<10000x128xf32, #tpu.memory_space<hbm>>
      tpu.enqueue_indirect_dma source(%dma_start3A_235 : memref<10000x128xf32, #tpu.memory_space<hbm>>) target(%arg11 : memref<128x128xf32, #tpu.memory_space<vmem>>) offsets(%dma_start3A_232 : memref<128xi32, #tpu.memory_space<vmem>>) semaphore(%arg16 : memref<!tpu.dma_semaphore, #tpu.memory_space<semaphore_mem>>)
      %dma_wait3A_236 = arith.constant 1 : i32
      %dma_wait3A_237 = arith.constant 0 : i32
      %dma_wait3A_238 = tpu.memref_slice %arg8[%dma_wait3A_236, %dma_wait3A_237] : memref<8x128xi32, #tpu.memory_space<vmem>> -> memref<1x128xi32, #tpu.memory_space<vmem>>
      %dma_wait3A_239 = tpu.memref_squeeze %dma_wait3A_238 : memref<1x128xi32, #tpu.memory_space<vmem>> -> memref<128xi32, #tpu.memory_space<vmem>>
      %dma_wait3A_240 = arith.constant 0 : i32
      %dma_wait3A_241 = arith.constant 0 : i32
      %dma_wait3A_242 = tpu.memref_slice %arg2[%dma_wait3A_240, %dma_wait3A_241] : memref<10000x128xf32, #tpu.memory_space<hbm>> -> memref<10000x128xf32, #tpu.memory_space<hbm>>
      tpu.wait_indirect_dma semaphore(%arg17 : memref<!tpu.dma_semaphore, #tpu.memory_space<semaphore_mem>>) src(%dma_wait3A_242 : memref<10000x128xf32, #tpu.memory_space<hbm>>) dst(%arg12 : memref<128x128xf32, #tpu.memory_space<vmem>>)
      %run_scoped3A_243 = arith.constant 1 : i32
      "tpu.region"() ({
        %run_scoped3A_360 = tpu.sem_alloc : memref<!tpu.dma_semaphore, #tpu.memory_space<semaphore_mem>>
        %dma_start3A_361 = arith.constant 0 : i32
        %dma_start3A_362 = tpu.memref_slice %arg10[%run_scoped3A_243, %dma_start3A_361] : memref<8x128xi32, #tpu.memory_space<vmem>> -> memref<1x128xi32, #tpu.memory_space<vmem>>
        %dma_start3A_363 = tpu.memref_squeeze %dma_start3A_362 : memref<1x128xi32, #tpu.memory_space<vmem>> -> memref<128xi32, #tpu.memory_space<vmem>>
        %dma_start3A_364 = arith.constant 0 : i32
        %dma_start3A_365 = arith.constant 0 : i32
        %dma_start3A_366 = tpu.memref_slice %arg13[%dma_start3A_364, %dma_start3A_365] : memref<10240x128xf32, #tpu.memory_space<vmem_shared>> -> memref<10240x128xf32, #tpu.memory_space<vmem_shared>>
        tpu.enqueue_indirect_dma source(%arg12 : memref<128x128xf32, #tpu.memory_space<vmem>>) target(%dma_start3A_366 : memref<10240x128xf32, #tpu.memory_space<vmem_shared>>) offsets(%dma_start3A_363 : memref<128xi32, #tpu.memory_space<vmem>>) semaphore(%run_scoped3A_360 : memref<!tpu.dma_semaphore, #tpu.memory_space<semaphore_mem>>) {add = true}
        %dma_wait3A_367 = arith.constant 0 : i32
        %dma_wait3A_368 = tpu.memref_slice %arg10[%run_scoped3A_243, %dma_wait3A_367] : memref<8x128xi32, #tpu.memory_space<vmem>> -> memref<1x128xi32, #tpu.memory_space<vmem>>
        %dma_wait3A_369 = tpu.memref_squeeze %dma_wait3A_368 : memref<1x128xi32, #tpu.memory_space<vmem>> -> memref<128xi32, #tpu.memory_space<vmem>>
        %dma_wait3A_370 = arith.constant 0 : i32
        %dma_wait3A_371 = arith.constant 0 : i32
        %dma_wait3A_372 = tpu.memref_slice %arg13[%dma_wait3A_370, %dma_wait3A_371] : memref<10240x128xf32, #tpu.memory_space<vmem_shared>> -> memref<10240x128xf32, #tpu.memory_space<vmem_shared>>
        tpu.wait_indirect_dma semaphore(%run_scoped3A_360 : memref<!tpu.dma_semaphore, #tpu.memory_space<semaphore_mem>>) src(%arg12 : memref<128x128xf32, #tpu.memory_space<vmem>>) dst(%dma_wait3A_372 : memref<10240x128xf32, #tpu.memory_space<vmem_shared>>)
        tpu.yield
      }) : () -> ()
      %dma_start3A_244 = arith.constant 3 : i32
      %dma_start3A_245 = arith.constant 0 : i32
      %dma_start3A_246 = tpu.memref_slice %arg8[%dma_start3A_244, %dma_start3A_245] : memref<8x128xi32, #tpu.memory_space<vmem>> -> memref<1x128xi32, #tpu.memory_space<vmem>>
      %dma_start3A_247 = tpu.memref_squeeze %dma_start3A_246 : memref<1x128xi32, #tpu.memory_space<vmem>> -> memref<128xi32, #tpu.memory_space<vmem>>
      %dma_start3A_248 = arith.constant 0 : i32
      %dma_start3A_249 = arith.constant 0 : i32
      %dma_start3A_250 = tpu.memref_slice %arg2[%dma_start3A_248, %dma_start3A_249] : memref<10000x128xf32, #tpu.memory_space<hbm>> -> memref<10000x128xf32, #tpu.memory_space<hbm>>
      tpu.enqueue_indirect_dma source(%dma_start3A_250 : memref<10000x128xf32, #tpu.memory_space<hbm>>) target(%arg12 : memref<128x128xf32, #tpu.memory_space<vmem>>) offsets(%dma_start3A_247 : memref<128xi32, #tpu.memory_space<vmem>>) semaphore(%arg17 : memref<!tpu.dma_semaphore, #tpu.memory_space<semaphore_mem>>)
      %dma_wait3A_251 = arith.constant 2 : i32
      %dma_wait3A_252 = arith.constant 0 : i32
      %dma_wait3A_253 = tpu.memref_slice %arg8[%dma_wait3A_251, %dma_wait3A_252] : memref<8x128xi32, #tpu.memory_space<vmem>> -> memref<1x128xi32, #tpu.memory_space<vmem>>
      %dma_wait3A_254 = tpu.memref_squeeze %dma_wait3A_253 : memref<1x128xi32, #tpu.memory_space<vmem>> -> memref<128xi32, #tpu.memory_space<vmem>>
      %dma_wait3A_255 = arith.constant 0 : i32
      %dma_wait3A_256 = arith.constant 0 : i32
      %dma_wait3A_257 = tpu.memref_slice %arg2[%dma_wait3A_255, %dma_wait3A_256] : memref<10000x128xf32, #tpu.memory_space<hbm>> -> memref<10000x128xf32, #tpu.memory_space<hbm>>
      tpu.wait_indirect_dma semaphore(%arg16 : memref<!tpu.dma_semaphore, #tpu.memory_space<semaphore_mem>>) src(%dma_wait3A_257 : memref<10000x128xf32, #tpu.memory_space<hbm>>) dst(%arg11 : memref<128x128xf32, #tpu.memory_space<vmem>>)
      %run_scoped3A_258 = arith.constant 2 : i32
      "tpu.region"() ({
        %run_scoped3A_360 = tpu.sem_alloc : memref<!tpu.dma_semaphore, #tpu.memory_space<semaphore_mem>>
        %dma_start3A_361 = arith.constant 0 : i32
        %dma_start3A_362 = tpu.memref_slice %arg10[%run_scoped3A_258, %dma_start3A_361] : memref<8x128xi32, #tpu.memory_space<vmem>> -> memref<1x128xi32, #tpu.memory_space<vmem>>
        %dma_start3A_363 = tpu.memref_squeeze %dma_start3A_362 : memref<1x128xi32, #tpu.memory_space<vmem>> -> memref<128xi32, #tpu.memory_space<vmem>>
        %dma_start3A_364 = arith.constant 0 : i32
        %dma_start3A_365 = arith.constant 0 : i32
        %dma_start3A_366 = tpu.memref_slice %arg13[%dma_start3A_364, %dma_start3A_365] : memref<10240x128xf32, #tpu.memory_space<vmem_shared>> -> memref<10240x128xf32, #tpu.memory_space<vmem_shared>>
        tpu.enqueue_indirect_dma source(%arg11 : memref<128x128xf32, #tpu.memory_space<vmem>>) target(%dma_start3A_366 : memref<10240x128xf32, #tpu.memory_space<vmem_shared>>) offsets(%dma_start3A_363 : memref<128xi32, #tpu.memory_space<vmem>>) semaphore(%run_scoped3A_360 : memref<!tpu.dma_semaphore, #tpu.memory_space<semaphore_mem>>) {add = true}
        %dma_wait3A_367 = arith.constant 0 : i32
        %dma_wait3A_368 = tpu.memref_slice %arg10[%run_scoped3A_258, %dma_wait3A_367] : memref<8x128xi32, #tpu.memory_space<vmem>> -> memref<1x128xi32, #tpu.memory_space<vmem>>
        %dma_wait3A_369 = tpu.memref_squeeze %dma_wait3A_368 : memref<1x128xi32, #tpu.memory_space<vmem>> -> memref<128xi32, #tpu.memory_space<vmem>>
        %dma_wait3A_370 = arith.constant 0 : i32
        %dma_wait3A_371 = arith.constant 0 : i32
        %dma_wait3A_372 = tpu.memref_slice %arg13[%dma_wait3A_370, %dma_wait3A_371] : memref<10240x128xf32, #tpu.memory_space<vmem_shared>> -> memref<10240x128xf32, #tpu.memory_space<vmem_shared>>
        tpu.wait_indirect_dma semaphore(%run_scoped3A_360 : memref<!tpu.dma_semaphore, #tpu.memory_space<semaphore_mem>>) src(%arg11 : memref<128x128xf32, #tpu.memory_space<vmem>>) dst(%dma_wait3A_372 : memref<10240x128xf32, #tpu.memory_space<vmem_shared>>)
        tpu.yield
      }) : () -> ()
      %dma_start3A_259 = arith.constant 4 : i32
      %dma_start3A_260 = arith.constant 0 : i32
      %dma_start3A_261 = tpu.memref_slice %arg8[%dma_start3A_259, %dma_start3A_260] : memref<8x128xi32, #tpu.memory_space<vmem>> -> memref<1x128xi32, #tpu.memory_space<vmem>>
      %dma_start3A_262 = tpu.memref_squeeze %dma_start3A_261 : memref<1x128xi32, #tpu.memory_space<vmem>> -> memref<128xi32, #tpu.memory_space<vmem>>
      %dma_start3A_263 = arith.constant 0 : i32
      %dma_start3A_264 = arith.constant 0 : i32
      %dma_start3A_265 = tpu.memref_slice %arg2[%dma_start3A_263, %dma_start3A_264] : memref<10000x128xf32, #tpu.memory_space<hbm>> -> memref<10000x128xf32, #tpu.memory_space<hbm>>
      tpu.enqueue_indirect_dma source(%dma_start3A_265 : memref<10000x128xf32, #tpu.memory_space<hbm>>) target(%arg11 : memref<128x128xf32, #tpu.memory_space<vmem>>) offsets(%dma_start3A_262 : memref<128xi32, #tpu.memory_space<vmem>>) semaphore(%arg16 : memref<!tpu.dma_semaphore, #tpu.memory_space<semaphore_mem>>)
      %dma_wait3A_266 = arith.constant 3 : i32
      %dma_wait3A_267 = arith.constant 0 : i32
      %dma_wait3A_268 = tpu.memref_slice %arg8[%dma_wait3A_266, %dma_wait3A_267] : memref<8x128xi32, #tpu.memory_space<vmem>> -> memref<1x128xi32, #tpu.memory_space<vmem>>
      %dma_wait3A_269 = tpu.memref_squeeze %dma_wait3A_268 : memref<1x128xi32, #tpu.memory_space<vmem>> -> memref<128xi32, #tpu.memory_space<vmem>>
      %dma_wait3A_270 = arith.constant 0 : i32
      %dma_wait3A_271 = arith.constant 0 : i32
      %dma_wait3A_272 = tpu.memref_slice %arg2[%dma_wait3A_270, %dma_wait3A_271] : memref<10000x128xf32, #tpu.memory_space<hbm>> -> memref<10000x128xf32, #tpu.memory_space<hbm>>
      tpu.wait_indirect_dma semaphore(%arg17 : memref<!tpu.dma_semaphore, #tpu.memory_space<semaphore_mem>>) src(%dma_wait3A_272 : memref<10000x128xf32, #tpu.memory_space<hbm>>) dst(%arg12 : memref<128x128xf32, #tpu.memory_space<vmem>>)
      %run_scoped3A_273 = arith.constant 3 : i32
      "tpu.region"() ({
        %run_scoped3A_360 = tpu.sem_alloc : memref<!tpu.dma_semaphore, #tpu.memory_space<semaphore_mem>>
        %dma_start3A_361 = arith.constant 0 : i32
        %dma_start3A_362 = tpu.memref_slice %arg10[%run_scoped3A_273, %dma_start3A_361] : memref<8x128xi32, #tpu.memory_space<vmem>> -> memref<1x128xi32, #tpu.memory_space<vmem>>
        %dma_start3A_363 = tpu.memref_squeeze %dma_start3A_362 : memref<1x128xi32, #tpu.memory_space<vmem>> -> memref<128xi32, #tpu.memory_space<vmem>>
        %dma_start3A_364 = arith.constant 0 : i32
        %dma_start3A_365 = arith.constant 0 : i32
        %dma_start3A_366 = tpu.memref_slice %arg13[%dma_start3A_364, %dma_start3A_365] : memref<10240x128xf32, #tpu.memory_space<vmem_shared>> -> memref<10240x128xf32, #tpu.memory_space<vmem_shared>>
        tpu.enqueue_indirect_dma source(%arg12 : memref<128x128xf32, #tpu.memory_space<vmem>>) target(%dma_start3A_366 : memref<10240x128xf32, #tpu.memory_space<vmem_shared>>) offsets(%dma_start3A_363 : memref<128xi32, #tpu.memory_space<vmem>>) semaphore(%run_scoped3A_360 : memref<!tpu.dma_semaphore, #tpu.memory_space<semaphore_mem>>) {add = true}
        %dma_wait3A_367 = arith.constant 0 : i32
        %dma_wait3A_368 = tpu.memref_slice %arg10[%run_scoped3A_273, %dma_wait3A_367] : memref<8x128xi32, #tpu.memory_space<vmem>> -> memref<1x128xi32, #tpu.memory_space<vmem>>
        %dma_wait3A_369 = tpu.memref_squeeze %dma_wait3A_368 : memref<1x128xi32, #tpu.memory_space<vmem>> -> memref<128xi32, #tpu.memory_space<vmem>>
        %dma_wait3A_370 = arith.constant 0 : i32
        %dma_wait3A_371 = arith.constant 0 : i32
        %dma_wait3A_372 = tpu.memref_slice %arg13[%dma_wait3A_370, %dma_wait3A_371] : memref<10240x128xf32, #tpu.memory_space<vmem_shared>> -> memref<10240x128xf32, #tpu.memory_space<vmem_shared>>
        tpu.wait_indirect_dma semaphore(%run_scoped3A_360 : memref<!tpu.dma_semaphore, #tpu.memory_space<semaphore_mem>>) src(%arg12 : memref<128x128xf32, #tpu.memory_space<vmem>>) dst(%dma_wait3A_372 : memref<10240x128xf32, #tpu.memory_space<vmem_shared>>)
        tpu.yield
      }) : () -> ()
      %dma_start3A_274 = arith.constant 5 : i32
      %dma_start3A_275 = arith.constant 0 : i32
      %dma_start3A_276 = tpu.memref_slice %arg8[%dma_start3A_274, %dma_start3A_275] : memref<8x128xi32, #tpu.memory_space<vmem>> -> memref<1x128xi32, #tpu.memory_space<vmem>>
      %dma_start3A_277 = tpu.memref_squeeze %dma_start3A_276 : memref<1x128xi32, #tpu.memory_space<vmem>> -> memref<128xi32, #tpu.memory_space<vmem>>
      %dma_start3A_278 = arith.constant 0 : i32
      %dma_start3A_279 = arith.constant 0 : i32
      %dma_start3A_280 = tpu.memref_slice %arg2[%dma_start3A_278, %dma_start3A_279] : memref<10000x128xf32, #tpu.memory_space<hbm>> -> memref<10000x128xf32, #tpu.memory_space<hbm>>
      tpu.enqueue_indirect_dma source(%dma_start3A_280 : memref<10000x128xf32, #tpu.memory_space<hbm>>) target(%arg12 : memref<128x128xf32, #tpu.memory_space<vmem>>) offsets(%dma_start3A_277 : memref<128xi32, #tpu.memory_space<vmem>>) semaphore(%arg17 : memref<!tpu.dma_semaphore, #tpu.memory_space<semaphore_mem>>)
      %dma_wait3A_281 = arith.constant 4 : i32
      %dma_wait3A_282 = arith.constant 0 : i32
      %dma_wait3A_283 = tpu.memref_slice %arg8[%dma_wait3A_281, %dma_wait3A_282] : memref<8x128xi32, #tpu.memory_space<vmem>> -> memref<1x128xi32, #tpu.memory_space<vmem>>
      %dma_wait3A_284 = tpu.memref_squeeze %dma_wait3A_283 : memref<1x128xi32, #tpu.memory_space<vmem>> -> memref<128xi32, #tpu.memory_space<vmem>>
      %dma_wait3A_285 = arith.constant 0 : i32
      %dma_wait3A_286 = arith.constant 0 : i32
      %dma_wait3A_287 = tpu.memref_slice %arg2[%dma_wait3A_285, %dma_wait3A_286] : memref<10000x128xf32, #tpu.memory_space<hbm>> -> memref<10000x128xf32, #tpu.memory_space<hbm>>
      tpu.wait_indirect_dma semaphore(%arg16 : memref<!tpu.dma_semaphore, #tpu.memory_space<semaphore_mem>>) src(%dma_wait3A_287 : memref<10000x128xf32, #tpu.memory_space<hbm>>) dst(%arg11 : memref<128x128xf32, #tpu.memory_space<vmem>>)
      %run_scoped3A_288 = arith.constant 4 : i32
      "tpu.region"() ({
        %run_scoped3A_360 = tpu.sem_alloc : memref<!tpu.dma_semaphore, #tpu.memory_space<semaphore_mem>>
        %dma_start3A_361 = arith.constant 0 : i32
        %dma_start3A_362 = tpu.memref_slice %arg10[%run_scoped3A_288, %dma_start3A_361] : memref<8x128xi32, #tpu.memory_space<vmem>> -> memref<1x128xi32, #tpu.memory_space<vmem>>
        %dma_start3A_363 = tpu.memref_squeeze %dma_start3A_362 : memref<1x128xi32, #tpu.memory_space<vmem>> -> memref<128xi32, #tpu.memory_space<vmem>>
        %dma_start3A_364 = arith.constant 0 : i32
        %dma_start3A_365 = arith.constant 0 : i32
        %dma_start3A_366 = tpu.memref_slice %arg13[%dma_start3A_364, %dma_start3A_365] : memref<10240x128xf32, #tpu.memory_space<vmem_shared>> -> memref<10240x128xf32, #tpu.memory_space<vmem_shared>>
        tpu.enqueue_indirect_dma source(%arg11 : memref<128x128xf32, #tpu.memory_space<vmem>>) target(%dma_start3A_366 : memref<10240x128xf32, #tpu.memory_space<vmem_shared>>) offsets(%dma_start3A_363 : memref<128xi32, #tpu.memory_space<vmem>>) semaphore(%run_scoped3A_360 : memref<!tpu.dma_semaphore, #tpu.memory_space<semaphore_mem>>) {add = true}
        %dma_wait3A_367 = arith.constant 0 : i32
        %dma_wait3A_368 = tpu.memref_slice %arg10[%run_scoped3A_288, %dma_wait3A_367] : memref<8x128xi32, #tpu.memory_space<vmem>> -> memref<1x128xi32, #tpu.memory_space<vmem>>
        %dma_wait3A_369 = tpu.memref_squeeze %dma_wait3A_368 : memref<1x128xi32, #tpu.memory_space<vmem>> -> memref<128xi32, #tpu.memory_space<vmem>>
        %dma_wait3A_370 = arith.constant 0 : i32
        %dma_wait3A_371 = arith.constant 0 : i32
        %dma_wait3A_372 = tpu.memref_slice %arg13[%dma_wait3A_370, %dma_wait3A_371] : memref<10240x128xf32, #tpu.memory_space<vmem_shared>> -> memref<10240x128xf32, #tpu.memory_space<vmem_shared>>
        tpu.wait_indirect_dma semaphore(%run_scoped3A_360 : memref<!tpu.dma_semaphore, #tpu.memory_space<semaphore_mem>>) src(%arg11 : memref<128x128xf32, #tpu.memory_space<vmem>>) dst(%dma_wait3A_372 : memref<10240x128xf32, #tpu.memory_space<vmem_shared>>)
        tpu.yield
      }) : () -> ()
      %dma_start3A_289 = arith.constant 6 : i32
      %dma_start3A_290 = arith.constant 0 : i32
      %dma_start3A_291 = tpu.memref_slice %arg8[%dma_start3A_289, %dma_start3A_290] : memref<8x128xi32, #tpu.memory_space<vmem>> -> memref<1x128xi32, #tpu.memory_space<vmem>>
      %dma_start3A_292 = tpu.memref_squeeze %dma_start3A_291 : memref<1x128xi32, #tpu.memory_space<vmem>> -> memref<128xi32, #tpu.memory_space<vmem>>
      %dma_start3A_293 = arith.constant 0 : i32
      %dma_start3A_294 = arith.constant 0 : i32
      %dma_start3A_295 = tpu.memref_slice %arg2[%dma_start3A_293, %dma_start3A_294] : memref<10000x128xf32, #tpu.memory_space<hbm>> -> memref<10000x128xf32, #tpu.memory_space<hbm>>
      tpu.enqueue_indirect_dma source(%dma_start3A_295 : memref<10000x128xf32, #tpu.memory_space<hbm>>) target(%arg11 : memref<128x128xf32, #tpu.memory_space<vmem>>) offsets(%dma_start3A_292 : memref<128xi32, #tpu.memory_space<vmem>>) semaphore(%arg16 : memref<!tpu.dma_semaphore, #tpu.memory_space<semaphore_mem>>)
      %dma_wait3A_296 = arith.constant 5 : i32
      %dma_wait3A_297 = arith.constant 0 : i32
      %dma_wait3A_298 = tpu.memref_slice %arg8[%dma_wait3A_296, %dma_wait3A_297] : memref<8x128xi32, #tpu.memory_space<vmem>> -> memref<1x128xi32, #tpu.memory_space<vmem>>
      %dma_wait3A_299 = tpu.memref_squeeze %dma_wait3A_298 : memref<1x128xi32, #tpu.memory_space<vmem>> -> memref<128xi32, #tpu.memory_space<vmem>>
      %dma_wait3A_300 = arith.constant 0 : i32
      %dma_wait3A_301 = arith.constant 0 : i32
      %dma_wait3A_302 = tpu.memref_slice %arg2[%dma_wait3A_300, %dma_wait3A_301] : memref<10000x128xf32, #tpu.memory_space<hbm>> -> memref<10000x128xf32, #tpu.memory_space<hbm>>
      tpu.wait_indirect_dma semaphore(%arg17 : memref<!tpu.dma_semaphore, #tpu.memory_space<semaphore_mem>>) src(%dma_wait3A_302 : memref<10000x128xf32, #tpu.memory_space<hbm>>) dst(%arg12 : memref<128x128xf32, #tpu.memory_space<vmem>>)
      %run_scoped3A_303 = arith.constant 5 : i32
      "tpu.region"() ({
        %run_scoped3A_360 = tpu.sem_alloc : memref<!tpu.dma_semaphore, #tpu.memory_space<semaphore_mem>>
        %dma_start3A_361 = arith.constant 0 : i32
        %dma_start3A_362 = tpu.memref_slice %arg10[%run_scoped3A_303, %dma_start3A_361] : memref<8x128xi32, #tpu.memory_space<vmem>> -> memref<1x128xi32, #tpu.memory_space<vmem>>
        %dma_start3A_363 = tpu.memref_squeeze %dma_start3A_362 : memref<1x128xi32, #tpu.memory_space<vmem>> -> memref<128xi32, #tpu.memory_space<vmem>>
        %dma_start3A_364 = arith.constant 0 : i32
        %dma_start3A_365 = arith.constant 0 : i32
        %dma_start3A_366 = tpu.memref_slice %arg13[%dma_start3A_364, %dma_start3A_365] : memref<10240x128xf32, #tpu.memory_space<vmem_shared>> -> memref<10240x128xf32, #tpu.memory_space<vmem_shared>>
        tpu.enqueue_indirect_dma source(%arg12 : memref<128x128xf32, #tpu.memory_space<vmem>>) target(%dma_start3A_366 : memref<10240x128xf32, #tpu.memory_space<vmem_shared>>) offsets(%dma_start3A_363 : memref<128xi32, #tpu.memory_space<vmem>>) semaphore(%run_scoped3A_360 : memref<!tpu.dma_semaphore, #tpu.memory_space<semaphore_mem>>) {add = true}
        %dma_wait3A_367 = arith.constant 0 : i32
        %dma_wait3A_368 = tpu.memref_slice %arg10[%run_scoped3A_303, %dma_wait3A_367] : memref<8x128xi32, #tpu.memory_space<vmem>> -> memref<1x128xi32, #tpu.memory_space<vmem>>
        %dma_wait3A_369 = tpu.memref_squeeze %dma_wait3A_368 : memref<1x128xi32, #tpu.memory_space<vmem>> -> memref<128xi32, #tpu.memory_space<vmem>>
        %dma_wait3A_370 = arith.constant 0 : i32
        %dma_wait3A_371 = arith.constant 0 : i32
        %dma_wait3A_372 = tpu.memref_slice %arg13[%dma_wait3A_370, %dma_wait3A_371] : memref<10240x128xf32, #tpu.memory_space<vmem_shared>> -> memref<10240x128xf32, #tpu.memory_space<vmem_shared>>
        tpu.wait_indirect_dma semaphore(%run_scoped3A_360 : memref<!tpu.dma_semaphore, #tpu.memory_space<semaphore_mem>>) src(%arg12 : memref<128x128xf32, #tpu.memory_space<vmem>>) dst(%dma_wait3A_372 : memref<10240x128xf32, #tpu.memory_space<vmem_shared>>)
        tpu.yield
      }) : () -> ()
      %dma_start3A_304 = arith.constant 7 : i32
      %dma_start3A_305 = arith.constant 0 : i32
      %dma_start3A_306 = tpu.memref_slice %arg8[%dma_start3A_304, %dma_start3A_305] : memref<8x128xi32, #tpu.memory_space<vmem>> -> memref<1x128xi32, #tpu.memory_space<vmem>>
      %dma_start3A_307 = tpu.memref_squeeze %dma_start3A_306 : memref<1x128xi32, #tpu.memory_space<vmem>> -> memref<128xi32, #tpu.memory_space<vmem>>
      %dma_start3A_308 = arith.constant 0 : i32
      %dma_start3A_309 = arith.constant 0 : i32
      %dma_start3A_310 = tpu.memref_slice %arg2[%dma_start3A_308, %dma_start3A_309] : memref<10000x128xf32, #tpu.memory_space<hbm>> -> memref<10000x128xf32, #tpu.memory_space<hbm>>
      tpu.enqueue_indirect_dma source(%dma_start3A_310 : memref<10000x128xf32, #tpu.memory_space<hbm>>) target(%arg12 : memref<128x128xf32, #tpu.memory_space<vmem>>) offsets(%dma_start3A_307 : memref<128xi32, #tpu.memory_space<vmem>>) semaphore(%arg17 : memref<!tpu.dma_semaphore, #tpu.memory_space<semaphore_mem>>)
      %dma_wait3A_311 = arith.constant 6 : i32
      %dma_wait3A_312 = arith.constant 0 : i32
      %dma_wait3A_313 = tpu.memref_slice %arg8[%dma_wait3A_311, %dma_wait3A_312] : memref<8x128xi32, #tpu.memory_space<vmem>> -> memref<1x128xi32, #tpu.memory_space<vmem>>
      %dma_wait3A_314 = tpu.memref_squeeze %dma_wait3A_313 : memref<1x128xi32, #tpu.memory_space<vmem>> -> memref<128xi32, #tpu.memory_space<vmem>>
      %dma_wait3A_315 = arith.constant 0 : i32
      %dma_wait3A_316 = arith.constant 0 : i32
      %dma_wait3A_317 = tpu.memref_slice %arg2[%dma_wait3A_315, %dma_wait3A_316] : memref<10000x128xf32, #tpu.memory_space<hbm>> -> memref<10000x128xf32, #tpu.memory_space<hbm>>
      tpu.wait_indirect_dma semaphore(%arg16 : memref<!tpu.dma_semaphore, #tpu.memory_space<semaphore_mem>>) src(%dma_wait3A_317 : memref<10000x128xf32, #tpu.memory_space<hbm>>) dst(%arg11 : memref<128x128xf32, #tpu.memory_space<vmem>>)
      %run_scoped3A_318 = arith.constant 6 : i32
      "tpu.region"() ({
        %run_scoped3A_360 = tpu.sem_alloc : memref<!tpu.dma_semaphore, #tpu.memory_space<semaphore_mem>>
        %dma_start3A_361 = arith.constant 0 : i32
        %dma_start3A_362 = tpu.memref_slice %arg10[%run_scoped3A_318, %dma_start3A_361] : memref<8x128xi32, #tpu.memory_space<vmem>> -> memref<1x128xi32, #tpu.memory_space<vmem>>
        %dma_start3A_363 = tpu.memref_squeeze %dma_start3A_362 : memref<1x128xi32, #tpu.memory_space<vmem>> -> memref<128xi32, #tpu.memory_space<vmem>>
        %dma_start3A_364 = arith.constant 0 : i32
        %dma_start3A_365 = arith.constant 0 : i32
        %dma_start3A_366 = tpu.memref_slice %arg13[%dma_start3A_364, %dma_start3A_365] : memref<10240x128xf32, #tpu.memory_space<vmem_shared>> -> memref<10240x128xf32, #tpu.memory_space<vmem_shared>>
        tpu.enqueue_indirect_dma source(%arg11 : memref<128x128xf32, #tpu.memory_space<vmem>>) target(%dma_start3A_366 : memref<10240x128xf32, #tpu.memory_space<vmem_shared>>) offsets(%dma_start3A_363 : memref<128xi32, #tpu.memory_space<vmem>>) semaphore(%run_scoped3A_360 : memref<!tpu.dma_semaphore, #tpu.memory_space<semaphore_mem>>) {add = true}
        %dma_wait3A_367 = arith.constant 0 : i32
        %dma_wait3A_368 = tpu.memref_slice %arg10[%run_scoped3A_318, %dma_wait3A_367] : memref<8x128xi32, #tpu.memory_space<vmem>> -> memref<1x128xi32, #tpu.memory_space<vmem>>
        %dma_wait3A_369 = tpu.memref_squeeze %dma_wait3A_368 : memref<1x128xi32, #tpu.memory_space<vmem>> -> memref<128xi32, #tpu.memory_space<vmem>>
        %dma_wait3A_370 = arith.constant 0 : i32
        %dma_wait3A_371 = arith.constant 0 : i32
        %dma_wait3A_372 = tpu.memref_slice %arg13[%dma_wait3A_370, %dma_wait3A_371] : memref<10240x128xf32, #tpu.memory_space<vmem_shared>> -> memref<10240x128xf32, #tpu.memory_space<vmem_shared>>
        tpu.wait_indirect_dma semaphore(%run_scoped3A_360 : memref<!tpu.dma_semaphore, #tpu.memory_space<semaphore_mem>>) src(%arg11 : memref<128x128xf32, #tpu.memory_space<vmem>>) dst(%dma_wait3A_372 : memref<10240x128xf32, #tpu.memory_space<vmem_shared>>)
        tpu.yield
      }) : () -> ()
      %add3A_319 = arith.constant 1 : i32
      %add3A_320 = arith.addi %add3A_213, %add3A_319 : i32
      %mul3A_321 = arith.constant 8 : i32
      %mul3A_322 = arith.muli %add3A_320, %mul3A_321 : i32
      %add3A_323 = arith.addi %mul3A_2, %mul3A_322 : i32
      %dma_wait3A_324 = arith.constant 0 : i32
      %dma_wait3A_325 = tpu.memref_slice %arg3[%add3A_323, %dma_wait3A_324] : memref<2576x128xi32, #tpu.memory_space<hbm>> -> memref<8x128xi32, #tpu.memory_space<hbm>>
      %dma_wait3A_326 = arith.constant 0 : i32
      %dma_wait3A_327 = tpu.memref_slice %arg3[%add3A_323, %dma_wait3A_326] : memref<2576x128xi32, #tpu.memory_space<hbm>> -> memref<8x128xi32, #tpu.memory_space<hbm>>
      tpu.wait_dma2 semaphore(%arg14 : memref<!tpu.dma_semaphore, #tpu.memory_space<semaphore_mem>>) src(%dma_wait3A_327 : memref<8x128xi32, #tpu.memory_space<hbm>>) dst(%arg7 : memref<8x128xi32, #tpu.memory_space<vmem>>)
      %dma_wait3A_328 = arith.constant 0 : i32
      %dma_wait3A_329 = tpu.memref_slice %arg4[%add3A_323, %dma_wait3A_328] : memref<2576x128xi32, #tpu.memory_space<hbm>> -> memref<8x128xi32, #tpu.memory_space<hbm>>
      %dma_wait3A_330 = arith.constant 0 : i32
      %dma_wait3A_331 = tpu.memref_slice %arg4[%add3A_323, %dma_wait3A_330] : memref<2576x128xi32, #tpu.memory_space<hbm>> -> memref<8x128xi32, #tpu.memory_space<hbm>>
      tpu.wait_dma2 semaphore(%arg14 : memref<!tpu.dma_semaphore, #tpu.memory_space<semaphore_mem>>) src(%dma_wait3A_331 : memref<8x128xi32, #tpu.memory_space<hbm>>) dst(%arg9 : memref<8x128xi32, #tpu.memory_space<vmem>>)
      %dma_start3A_332 = arith.constant 0 : i32
      %dma_start3A_333 = arith.constant 0 : i32
      %dma_start3A_334 = tpu.memref_slice %arg7[%dma_start3A_332, %dma_start3A_333] : memref<8x128xi32, #tpu.memory_space<vmem>> -> memref<1x128xi32, #tpu.memory_space<vmem>>
      %dma_start3A_335 = tpu.memref_squeeze %dma_start3A_334 : memref<1x128xi32, #tpu.memory_space<vmem>> -> memref<128xi32, #tpu.memory_space<vmem>>
      %dma_start3A_336 = arith.constant 0 : i32
      %dma_start3A_337 = arith.constant 0 : i32
      %dma_start3A_338 = tpu.memref_slice %arg2[%dma_start3A_336, %dma_start3A_337] : memref<10000x128xf32, #tpu.memory_space<hbm>> -> memref<10000x128xf32, #tpu.memory_space<hbm>>
      tpu.enqueue_indirect_dma source(%dma_start3A_338 : memref<10000x128xf32, #tpu.memory_space<hbm>>) target(%arg11 : memref<128x128xf32, #tpu.memory_space<vmem>>) offsets(%dma_start3A_335 : memref<128xi32, #tpu.memory_space<vmem>>) semaphore(%arg16 : memref<!tpu.dma_semaphore, #tpu.memory_space<semaphore_mem>>)
      %dma_wait3A_339 = arith.constant 7 : i32
      %dma_wait3A_340 = arith.constant 0 : i32
      %dma_wait3A_341 = tpu.memref_slice %arg8[%dma_wait3A_339, %dma_wait3A_340] : memref<8x128xi32, #tpu.memory_space<vmem>> -> memref<1x128xi32, #tpu.memory_space<vmem>>
      %dma_wait3A_342 = tpu.memref_squeeze %dma_wait3A_341 : memref<1x128xi32, #tpu.memory_space<vmem>> -> memref<128xi32, #tpu.memory_space<vmem>>
      %dma_wait3A_343 = arith.constant 0 : i32
      %dma_wait3A_344 = arith.constant 0 : i32
      %dma_wait3A_345 = tpu.memref_slice %arg2[%dma_wait3A_343, %dma_wait3A_344] : memref<10000x128xf32, #tpu.memory_space<hbm>> -> memref<10000x128xf32, #tpu.memory_space<hbm>>
      tpu.wait_indirect_dma semaphore(%arg17 : memref<!tpu.dma_semaphore, #tpu.memory_space<semaphore_mem>>) src(%dma_wait3A_345 : memref<10000x128xf32, #tpu.memory_space<hbm>>) dst(%arg12 : memref<128x128xf32, #tpu.memory_space<vmem>>)
      %add3A_346 = arith.constant 2 : i32
      %add3A_347 = arith.addi %add3A_213, %add3A_346 : i32
      %mul3A_348 = arith.constant 8 : i32
      %mul3A_349 = arith.muli %add3A_347, %mul3A_348 : i32
      %add3A_350 = arith.addi %mul3A_2, %mul3A_349 : i32
      %dma_start3A_351 = arith.constant 0 : i32
      %dma_start3A_352 = tpu.memref_slice %arg3[%add3A_350, %dma_start3A_351] : memref<2576x128xi32, #tpu.memory_space<hbm>> -> memref<8x128xi32, #tpu.memory_space<hbm>>
      %dma_start3A_353 = arith.constant 0 : i32
      %dma_start3A_354 = tpu.memref_slice %arg3[%add3A_350, %dma_start3A_353] : memref<2576x128xi32, #tpu.memory_space<hbm>> -> memref<8x128xi32, #tpu.memory_space<hbm>>
      tpu.enqueue_dma source(%dma_start3A_354 : memref<8x128xi32, #tpu.memory_space<hbm>>) target(%arg8 : memref<8x128xi32, #tpu.memory_space<vmem>>) target_semaphore(%arg15 : memref<!tpu.dma_semaphore, #tpu.memory_space<semaphore_mem>>)
      %dma_start3A_355 = arith.constant 0 : i32
      %dma_start3A_356 = tpu.memref_slice %arg4[%add3A_350, %dma_start3A_355] : memref<2576x128xi32, #tpu.memory_space<hbm>> -> memref<8x128xi32, #tpu.memory_space<hbm>>
      %dma_start3A_357 = arith.constant 0 : i32
      %dma_start3A_358 = tpu.memref_slice %arg4[%add3A_350, %dma_start3A_357] : memref<2576x128xi32, #tpu.memory_space<hbm>> -> memref<8x128xi32, #tpu.memory_space<hbm>>
      tpu.enqueue_dma source(%dma_start3A_358 : memref<8x128xi32, #tpu.memory_space<hbm>>) target(%arg10 : memref<8x128xi32, #tpu.memory_space<vmem>>) target_semaphore(%arg15 : memref<!tpu.dma_semaphore, #tpu.memory_space<semaphore_mem>>)
      %run_scoped3A_359 = arith.constant 7 : i32
      "tpu.region"() ({
        %run_scoped3A_360 = tpu.sem_alloc : memref<!tpu.dma_semaphore, #tpu.memory_space<semaphore_mem>>
        %dma_start3A_361 = arith.constant 0 : i32
        %dma_start3A_362 = tpu.memref_slice %arg10[%run_scoped3A_359, %dma_start3A_361] : memref<8x128xi32, #tpu.memory_space<vmem>> -> memref<1x128xi32, #tpu.memory_space<vmem>>
        %dma_start3A_363 = tpu.memref_squeeze %dma_start3A_362 : memref<1x128xi32, #tpu.memory_space<vmem>> -> memref<128xi32, #tpu.memory_space<vmem>>
        %dma_start3A_364 = arith.constant 0 : i32
        %dma_start3A_365 = arith.constant 0 : i32
        %dma_start3A_366 = tpu.memref_slice %arg13[%dma_start3A_364, %dma_start3A_365] : memref<10240x128xf32, #tpu.memory_space<vmem_shared>> -> memref<10240x128xf32, #tpu.memory_space<vmem_shared>>
        tpu.enqueue_indirect_dma source(%arg12 : memref<128x128xf32, #tpu.memory_space<vmem>>) target(%dma_start3A_366 : memref<10240x128xf32, #tpu.memory_space<vmem_shared>>) offsets(%dma_start3A_363 : memref<128xi32, #tpu.memory_space<vmem>>) semaphore(%run_scoped3A_360 : memref<!tpu.dma_semaphore, #tpu.memory_space<semaphore_mem>>) {add = true}
        %dma_wait3A_367 = arith.constant 0 : i32
        %dma_wait3A_368 = tpu.memref_slice %arg10[%run_scoped3A_359, %dma_wait3A_367] : memref<8x128xi32, #tpu.memory_space<vmem>> -> memref<1x128xi32, #tpu.memory_space<vmem>>
        %dma_wait3A_369 = tpu.memref_squeeze %dma_wait3A_368 : memref<1x128xi32, #tpu.memory_space<vmem>> -> memref<128xi32, #tpu.memory_space<vmem>>
        %dma_wait3A_370 = arith.constant 0 : i32
        %dma_wait3A_371 = arith.constant 0 : i32
        %dma_wait3A_372 = tpu.memref_slice %arg13[%dma_wait3A_370, %dma_wait3A_371] : memref<10240x128xf32, #tpu.memory_space<vmem_shared>> -> memref<10240x128xf32, #tpu.memory_space<vmem_shared>>
        tpu.wait_indirect_dma semaphore(%run_scoped3A_360 : memref<!tpu.dma_semaphore, #tpu.memory_space<semaphore_mem>>) src(%arg12 : memref<128x128xf32, #tpu.memory_space<vmem>>) dst(%dma_wait3A_372 : memref<10240x128xf32, #tpu.memory_space<vmem_shared>>)
        tpu.yield
      }) : () -> ()
    }
    %scan3A_43 = arith.constant 5 : i32
    %dma_wait3A_44 = arith.constant 0 : i32
    %dma_wait3A_45 = arith.constant 0 : i32
    %dma_wait3A_46 = tpu.memref_slice %arg7[%dma_wait3A_44, %dma_wait3A_45] : memref<8x128xi32, #tpu.memory_space<vmem>> -> memref<1x128xi32, #tpu.memory_space<vmem>>
    %dma_wait3A_47 = tpu.memref_squeeze %dma_wait3A_46 : memref<1x128xi32, #tpu.memory_space<vmem>> -> memref<128xi32, #tpu.memory_space<vmem>>
    %dma_wait3A_48 = arith.constant 0 : i32
    %dma_wait3A_49 = arith.constant 0 : i32
    %dma_wait3A_50 = tpu.memref_slice %arg2[%dma_wait3A_48, %dma_wait3A_49] : memref<10000x128xf32, #tpu.memory_space<hbm>> -> memref<10000x128xf32, #tpu.memory_space<hbm>>
    tpu.wait_indirect_dma semaphore(%arg16 : memref<!tpu.dma_semaphore, #tpu.memory_space<semaphore_mem>>) src(%dma_wait3A_50 : memref<10000x128xf32, #tpu.memory_space<hbm>>) dst(%arg11 : memref<128x128xf32, #tpu.memory_space<vmem>>)
    %add3A_51 = arith.constant 88 : i32
    %add3A_52 = arith.addi %mul3A_2, %add3A_51 : i32
    %dma_wait3A_53 = arith.constant 0 : i32
    %dma_wait3A_54 = tpu.memref_slice %arg3[%add3A_52, %dma_wait3A_53] : memref<2576x128xi32, #tpu.memory_space<hbm>> -> memref<8x128xi32, #tpu.memory_space<hbm>>
    %dma_wait3A_55 = arith.constant 0 : i32
    %dma_wait3A_56 = tpu.memref_slice %arg3[%add3A_52, %dma_wait3A_55] : memref<2576x128xi32, #tpu.memory_space<hbm>> -> memref<8x128xi32, #tpu.memory_space<hbm>>
    tpu.wait_dma2 semaphore(%arg15 : memref<!tpu.dma_semaphore, #tpu.memory_space<semaphore_mem>>) src(%dma_wait3A_56 : memref<8x128xi32, #tpu.memory_space<hbm>>) dst(%arg8 : memref<8x128xi32, #tpu.memory_space<vmem>>)
    %dma_wait3A_57 = arith.constant 0 : i32
    %dma_wait3A_58 = tpu.memref_slice %arg4[%add3A_52, %dma_wait3A_57] : memref<2576x128xi32, #tpu.memory_space<hbm>> -> memref<8x128xi32, #tpu.memory_space<hbm>>
    %dma_wait3A_59 = arith.constant 0 : i32
    %dma_wait3A_60 = tpu.memref_slice %arg4[%add3A_52, %dma_wait3A_59] : memref<2576x128xi32, #tpu.memory_space<hbm>> -> memref<8x128xi32, #tpu.memory_space<hbm>>
    tpu.wait_dma2 semaphore(%arg15 : memref<!tpu.dma_semaphore, #tpu.memory_space<semaphore_mem>>) src(%dma_wait3A_60 : memref<8x128xi32, #tpu.memory_space<hbm>>) dst(%arg10 : memref<8x128xi32, #tpu.memory_space<vmem>>)
    %barrier3A_61 = arith.constant 0 : index
    tpu.barrier barrier_id(%barrier3A_61)
    "tpu.region"() ({
      %run_scoped3A = tpu.sem_alloc : memref<!tpu.dma_semaphore, #tpu.memory_space<semaphore_mem>>
      %dma_start3A_62 = arith.constant 0 : i32
      %dma_start3A_63 = tpu.memref_slice %arg6[%arg0, %mul3A_13, %dma_start3A_62] : memref<2x10240x128xf32, #tpu.memory_space<hbm>> -> memref<1x640x128xf32, #tpu.memory_space<hbm>>
      %dma_start3A_64 = tpu.memref_squeeze %dma_start3A_63 : memref<1x640x128xf32, #tpu.memory_space<hbm>> -> memref<640x128xf32, #tpu.memory_space<hbm>>
      %dma_start3A_65 = arith.constant 0 : i32
      %dma_start3A_66 = tpu.memref_slice %arg13[%mul3A_13, %dma_start3A_65] : memref<10240x128xf32, #tpu.memory_space<vmem_shared>> -> memref<640x128xf32, #tpu.memory_space<vmem_shared>>
      tpu.enqueue_dma source(%dma_start3A_66 : memref<640x128xf32, #tpu.memory_space<vmem_shared>>) target(%dma_start3A_64 : memref<640x128xf32, #tpu.memory_space<hbm>>) target_semaphore(%run_scoped3A : memref<!tpu.dma_semaphore, #tpu.memory_space<semaphore_mem>>)
      %dma_wait3A_67 = arith.constant 0 : i32
      %dma_wait3A_68 = tpu.memref_slice %arg6[%arg0, %mul3A_13, %dma_wait3A_67] : memref<2x10240x128xf32, #tpu.memory_space<hbm>> -> memref<1x640x128xf32, #tpu.memory_space<hbm>>
      %dma_wait3A_69 = tpu.memref_squeeze %dma_wait3A_68 : memref<1x640x128xf32, #tpu.memory_space<hbm>> -> memref<640x128xf32, #tpu.memory_space<hbm>>
      %dma_wait3A_70 = arith.constant 0 : i32
      %dma_wait3A_71 = tpu.memref_slice %arg13[%mul3A_13, %dma_wait3A_70] : memref<10240x128xf32, #tpu.memory_space<vmem_shared>> -> memref<640x128xf32, #tpu.memory_space<vmem_shared>>
      tpu.wait_dma2 semaphore(%run_scoped3A : memref<!tpu.dma_semaphore, #tpu.memory_space<semaphore_mem>>) src(%dma_wait3A_71 : memref<640x128xf32, #tpu.memory_space<vmem_shared>>) dst(%dma_wait3A_69 : memref<640x128xf32, #tpu.memory_space<hbm>>)
      tpu.yield
    }) : () -> ()
    return
  }
}

module attributes {stable_mosaic.version = 14 : i64} {
  func.func @_deg_reduce_body(%arg0: i32, %arg1: memref<32x80x128xf32, #tpu.memory_space<vmem>>, %arg2: memref<80x128xf32, #tpu.memory_space<vmem>>) attributes {dimension_semantics = [#tpu.dimension_semantics<arbitrary>], iteration_bounds = array<i64: 1>, scalar_prefetch = 0 : i64, scratch_operands = 0 : i64, tpu.core_type = #tpu.core_type<tc>, window_params = [{pipeline_mode = #tpu.pipeline_mode<synchronous>, transform_indices = @transform_0, window_bounds = array<i64: 32, 80, 128>}, {pipeline_mode = #tpu.pipeline_mode<synchronous>, transform_indices = @transform_1, window_bounds = array<i64: 80, 128>}]} {
    %get3A = arith.constant 0 : index
    %get3A_0 = arith.constant 0 : index
    %get3A_1 = arith.constant 0 : index
    %get3A_2 = vector.load %arg1[%get3A, %get3A_0, %get3A_1] : memref<32x80x128xf32, #tpu.memory_space<vmem>>, vector<32x80x128xf32>
    %reduce_sum3A = arith.constant dense<0.000000e+00> : vector<80x128xf32>
    %reduce_sum3A_3 = vector.multi_reduction <add>, %get3A_2, %reduce_sum3A [0] : vector<32x80x128xf32> to vector<80x128xf32>
    %swap3A = arith.constant 0 : index
    %swap3A_4 = arith.constant 0 : index
    %swap3A_5 = vector.load %arg2[%swap3A, %swap3A_4] : memref<80x128xf32, #tpu.memory_space<vmem>>, vector<80x128xf32>
    tpu.vector_store %arg2[%swap3A, %swap3A_4], %reduce_sum3A_3 {strides = array<i32>} : memref<80x128xf32, #tpu.memory_space<vmem>>, vector<80x128xf32>,
    return
  }
  func.func @transform_0(%arg0: i32) -> (i32, i32, i32) {
    %c0_i32 = arith.constant 0 : i32
    %c0_i32_0 = arith.constant 0 : i32
    %c0_i32_1 = arith.constant 0 : i32
    %c0_i32_2 = arith.constant 0 : i32
    return %c0_i32, %c0_i32_0, %c0_i32_1 : i32, i32, i32
  }
  func.func @transform_1(%arg0: i32) -> (i32, i32) {
    %c0_i32 = arith.constant 0 : i32
    %c0_i32_0 = arith.constant 0 : i32
    %c0_i32_1 = arith.constant 0 : i32
    return %c0_i32, %c0_i32_0 : i32, i32
  }
}

module attributes {stable_mosaic.version = 14 : i64} {
  func.func @_tc1_body(%arg0: i32, %arg1: memref<2x1280x128xf32, #tpu.memory_space<vmem>>, %arg2: memref<1280x1xf32, #tpu.memory_space<vmem>>, %arg3: memref<1280x128xf32, #tpu.memory_space<vmem>>, %arg4: memref<128x128xf32, #tpu.memory_space<vmem>>, %arg5: memref<128x128xf32, #tpu.memory_space<vmem>>, %arg6: memref<1x128xf32, #tpu.memory_space<vmem>>, %arg7: memref<1280x128xf32, #tpu.memory_space<vmem>>) attributes {dimension_semantics = [#tpu.dimension_semantics<arbitrary>], iteration_bounds = array<i64: 8>, scalar_prefetch = 0 : i64, scratch_operands = 0 : i64, tpu.core_type = #tpu.core_type<tc>, window_params = [{transform_indices = @transform_0, window_bounds = array<i64: 2, 1280, 128>}, {transform_indices = @transform_1, window_bounds = array<i64: 1280, 1>}, {transform_indices = @transform_2, window_bounds = array<i64: 1280, 128>}, {pipeline_mode = #tpu.pipeline_mode<synchronous>, transform_indices = @transform_3, window_bounds = array<i64: 128, 128>}, {pipeline_mode = #tpu.pipeline_mode<synchronous>, transform_indices = @transform_4, window_bounds = array<i64: 128, 128>}, {pipeline_mode = #tpu.pipeline_mode<synchronous>, transform_indices = @transform_5, window_bounds = array<i64: 1, 128>}, {transform_indices = @transform_6, window_bounds = array<i64: 1280, 128>}]} {
    %get3A = arith.constant 0 : index
    %get3A_0 = arith.constant 0 : index
    %get3A_1 = arith.constant 0 : index
    %get3A_2 = vector.load %arg1[%get3A, %get3A_0, %get3A_1] : memref<2x1280x128xf32, #tpu.memory_space<vmem>>, vector<1x1280x128xf32>
    %get3A_3 = vector.shape_cast %get3A_2 : vector<1x1280x128xf32> to vector<1280x128xf32>
    %get3A_4 = arith.constant 1 : index
    %get3A_5 = arith.constant 0 : index
    %get3A_6 = arith.constant 0 : index
    %get3A_7 = vector.load %arg1[%get3A_4, %get3A_5, %get3A_6] : memref<2x1280x128xf32, #tpu.memory_space<vmem>>, vector<1x1280x128xf32>
    %get3A_8 = vector.shape_cast %get3A_7 : vector<1x1280x128xf32> to vector<1280x128xf32>
    %add3A = arith.addf %get3A_3, %get3A_8 : vector<1280x128xf32>
    %get3A_9 = arith.constant 0 : index
    %get3A_10 = arith.constant 0 : index
    %get3A_11 = vector.load %arg2[%get3A_9, %get3A_10] : memref<1280x1xf32, #tpu.memory_space<vmem>>, vector<1280x1xf32>
    %max3A = arith.constant 1.000000e+00 : f32
    %max3A_12 = vector.broadcast %max3A : f32 to vector<1280x1xf32>
    %max3A_13 = arith.maximumf %get3A_11, %max3A_12 : vector<1280x1xf32>
    %div3A = vector.broadcast %max3A_13 : vector<1280x1xf32> to vector<1280x128xf32>
    %div3A_14 = arith.divf %add3A, %div3A : vector<1280x128xf32>
    %get3A_15 = arith.constant 0 : index
    %get3A_16 = arith.constant 0 : index
    %get3A_17 = vector.load %arg3[%get3A_15, %get3A_16] : memref<1280x128xf32, #tpu.memory_space<vmem>>, vector<1280x128xf32>
    %get3A_18 = arith.constant 0 : index
    %get3A_19 = arith.constant 0 : index
    %get3A_20 = vector.load %arg4[%get3A_18, %get3A_19] : memref<128x128xf32, #tpu.memory_space<vmem>>, vector<128x128xf32>
    %dot_general3A = arith.constant dense<0.000000e+00> : vector<1280x128xf32>
    %dot_general3A_21 = tpu.matmul %div3A_14, %get3A_20, %dot_general3A {dimension_numbers = #tpu.dot_dimension_numbers<[1], [0], [0], [1], [0, 0, 1, 1], [], []>, transpose_lhs_hint = false} : vector<1280x128xf32>, vector<128x128xf32>, vector<1280x128xf32> -> vector<1280x128xf32>
    %get3A_22 = arith.constant 0 : index
    %get3A_23 = arith.constant 0 : index
    %get3A_24 = vector.load %arg5[%get3A_22, %get3A_23] : memref<128x128xf32, #tpu.memory_space<vmem>>, vector<128x128xf32>
    %dot_general3A_25 = arith.constant dense<0.000000e+00> : vector<1280x128xf32>
    %dot_general3A_26 = tpu.matmul %get3A_17, %get3A_24, %dot_general3A_25 {dimension_numbers = #tpu.dot_dimension_numbers<[1], [0], [0], [1], [0, 0, 1, 1], [], []>, transpose_lhs_hint = false} : vector<1280x128xf32>, vector<128x128xf32>, vector<1280x128xf32> -> vector<1280x128xf32>
    %add3A_27 = arith.addf %dot_general3A_21, %dot_general3A_26 : vector<1280x128xf32>
    %get3A_28 = arith.constant 0 : index
    %get3A_29 = arith.constant 0 : index
    %get3A_30 = vector.load %arg6[%get3A_28, %get3A_29] : memref<1x128xf32, #tpu.memory_space<vmem>>, vector<1x128xf32>
    %add3A_31 = vector.broadcast %get3A_30 : vector<1x128xf32> to vector<1280x128xf32>
    %add3A_32 = arith.addf %add3A_27, %add3A_31 : vector<1280x128xf32>
    %max3A_33 = arith.constant 0.000000e+00 : f32
    %max3A_34 = vector.broadcast %max3A_33 : f32 to vector<1280x128xf32>
    %max3A_35 = arith.maximumf %add3A_32, %max3A_34 : vector<1280x128xf32>
    %add3A_36 = arith.addf %get3A_17, %max3A_35 : vector<1280x128xf32>
    %swap3A = arith.constant 0 : index
    %swap3A_37 = arith.constant 0 : index
    %swap3A_38 = vector.load %arg7[%swap3A, %swap3A_37] : memref<1280x128xf32, #tpu.memory_space<vmem>>, vector<1280x128xf32>
    tpu.vector_store %arg7[%swap3A, %swap3A_37], %add3A_36 {strides = array<i32>} : memref<1280x128xf32, #tpu.memory_space<vmem>>, vector<1280x128xf32>,
    return
  }
  func.func @transform_0(%arg0: i32) -> (i32, i32, i32) {
    %c0_i32 = arith.constant 0 : i32
    %c0_i32_0 = arith.constant 0 : i32
    %c0_i32_1 = arith.constant 0 : i32
    return %c0_i32, %arg0, %c0_i32_0 : i32, i32, i32
  }
  func.func @transform_1(%arg0: i32) -> (i32, i32) {
    %c0_i32 = arith.constant 0 : i32
    %c0_i32_0 = arith.constant 0 : i32
    return %arg0, %c0_i32 : i32, i32
  }
  func.func @transform_2(%arg0: i32) -> (i32, i32) {
    %c0_i32 = arith.constant 0 : i32
    %c0_i32_0 = arith.constant 0 : i32
    return %arg0, %c0_i32 : i32, i32
  }
  func.func @transform_3(%arg0: i32) -> (i32, i32) {
    %c0_i32 = arith.constant 0 : i32
    %c0_i32_0 = arith.constant 0 : i32
    %c0_i32_1 = arith.constant 0 : i32
    return %c0_i32, %c0_i32_0 : i32, i32
  }
  func.func @transform_4(%arg0: i32) -> (i32, i32) {
    %c0_i32 = arith.constant 0 : i32
    %c0_i32_0 = arith.constant 0 : i32
    %c0_i32_1 = arith.constant 0 : i32
    return %c0_i32, %c0_i32_0 : i32, i32
  }
  func.func @transform_5(%arg0: i32) -> (i32, i32) {
    %c0_i32 = arith.constant 0 : i32
    %c0_i32_0 = arith.constant 0 : i32
    %c0_i32_1 = arith.constant 0 : i32
    return %c0_i32, %c0_i32_0 : i32, i32
  }
  func.func @transform_6(%arg0: i32) -> (i32, i32) {
    %c0_i32 = arith.constant 0 : i32
    %c0_i32_0 = arith.constant 0 : i32
    return %arg0, %c0_i32 : i32, i32
  }
}

module attributes {stable_mosaic.version = 14 : i64} {
  func.func @_tc2_body(%arg0: i32, %arg1: memref<2x1280x128xf32, #tpu.memory_space<vmem>>, %arg2: memref<1280x1xf32, #tpu.memory_space<vmem>>, %arg3: memref<1280x128xf32, #tpu.memory_space<vmem>>, %arg4: memref<1280x128xf32, #tpu.memory_space<vmem>>, %arg5: memref<128x128xf32, #tpu.memory_space<vmem>>, %arg6: memref<128x128xf32, #tpu.memory_space<vmem>>, %arg7: memref<1x128xf32, #tpu.memory_space<vmem>>, %arg8: memref<128x128xf32, #tpu.memory_space<vmem>>, %arg9: memref<1x128xf32, #tpu.memory_space<vmem>>, %arg10: memref<1280x128xf32, #tpu.memory_space<vmem>>) attributes {dimension_semantics = [#tpu.dimension_semantics<arbitrary>], iteration_bounds = array<i64: 8>, scalar_prefetch = 0 : i64, scratch_operands = 0 : i64, tpu.core_type = #tpu.core_type<tc>, window_params = [{transform_indices = @transform_0, window_bounds = array<i64: 2, 1280, 128>}, {transform_indices = @transform_1, window_bounds = array<i64: 1280, 1>}, {transform_indices = @transform_2, window_bounds = array<i64: 1280, 128>}, {transform_indices = @transform_3, window_bounds = array<i64: 1280, 128>}, {pipeline_mode = #tpu.pipeline_mode<synchronous>, transform_indices = @transform_4, window_bounds = array<i64: 128, 128>}, {pipeline_mode = #tpu.pipeline_mode<synchronous>, transform_indices = @transform_5, window_bounds = array<i64: 128, 128>}, {pipeline_mode = #tpu.pipeline_mode<synchronous>, transform_indices = @transform_6, window_bounds = array<i64: 1, 128>}, {pipeline_mode = #tpu.pipeline_mode<synchronous>, transform_indices = @transform_7, window_bounds = array<i64: 128, 128>}, {pipeline_mode = #tpu.pipeline_mode<synchronous>, transform_indices = @transform_8, window_bounds = array<i64: 1, 128>}, {transform_indices = @transform_9, window_bounds = array<i64: 1280, 128>}]} {
    %get3A = arith.constant 0 : index
    %get3A_0 = arith.constant 0 : index
    %get3A_1 = arith.constant 0 : index
    %get3A_2 = vector.load %arg1[%get3A, %get3A_0, %get3A_1] : memref<2x1280x128xf32, #tpu.memory_space<vmem>>, vector<1x1280x128xf32>
    %get3A_3 = vector.shape_cast %get3A_2 : vector<1x1280x128xf32> to vector<1280x128xf32>
    %get3A_4 = arith.constant 1 : index
    %get3A_5 = arith.constant 0 : index
    %get3A_6 = arith.constant 0 : index
    %get3A_7 = vector.load %arg1[%get3A_4, %get3A_5, %get3A_6] : memref<2x1280x128xf32, #tpu.memory_space<vmem>>, vector<1x1280x128xf32>
    %get3A_8 = vector.shape_cast %get3A_7 : vector<1x1280x128xf32> to vector<1280x128xf32>
    %add3A = arith.addf %get3A_3, %get3A_8 : vector<1280x128xf32>
    %get3A_9 = arith.constant 0 : index
    %get3A_10 = arith.constant 0 : index
    %get3A_11 = vector.load %arg2[%get3A_9, %get3A_10] : memref<1280x1xf32, #tpu.memory_space<vmem>>, vector<1280x1xf32>
    %max3A = arith.constant 1.000000e+00 : f32
    %max3A_12 = vector.broadcast %max3A : f32 to vector<1280x1xf32>
    %max3A_13 = arith.maximumf %get3A_11, %max3A_12 : vector<1280x1xf32>
    %div3A = vector.broadcast %max3A_13 : vector<1280x1xf32> to vector<1280x128xf32>
    %div3A_14 = arith.divf %add3A, %div3A : vector<1280x128xf32>
    %get3A_15 = arith.constant 0 : index
    %get3A_16 = arith.constant 0 : index
    %get3A_17 = vector.load %arg3[%get3A_15, %get3A_16] : memref<1280x128xf32, #tpu.memory_space<vmem>>, vector<1280x128xf32>
    %get3A_18 = arith.constant 0 : index
    %get3A_19 = arith.constant 0 : index
    %get3A_20 = vector.load %arg5[%get3A_18, %get3A_19] : memref<128x128xf32, #tpu.memory_space<vmem>>, vector<128x128xf32>
    %dot_general3A = arith.constant dense<0.000000e+00> : vector<1280x128xf32>
    %dot_general3A_21 = tpu.matmul %div3A_14, %get3A_20, %dot_general3A {dimension_numbers = #tpu.dot_dimension_numbers<[1], [0], [0], [1], [0, 0, 1, 1], [], []>, transpose_lhs_hint = false} : vector<1280x128xf32>, vector<128x128xf32>, vector<1280x128xf32> -> vector<1280x128xf32>
    %get3A_22 = arith.constant 0 : index
    %get3A_23 = arith.constant 0 : index
    %get3A_24 = vector.load %arg6[%get3A_22, %get3A_23] : memref<128x128xf32, #tpu.memory_space<vmem>>, vector<128x128xf32>
    %dot_general3A_25 = arith.constant dense<0.000000e+00> : vector<1280x128xf32>
    %dot_general3A_26 = tpu.matmul %get3A_17, %get3A_24, %dot_general3A_25 {dimension_numbers = #tpu.dot_dimension_numbers<[1], [0], [0], [1], [0, 0, 1, 1], [], []>, transpose_lhs_hint = false} : vector<1280x128xf32>, vector<128x128xf32>, vector<1280x128xf32> -> vector<1280x128xf32>
    %add3A_27 = arith.addf %dot_general3A_21, %dot_general3A_26 : vector<1280x128xf32>
    %get3A_28 = arith.constant 0 : index
    %get3A_29 = arith.constant 0 : index
    %get3A_30 = vector.load %arg7[%get3A_28, %get3A_29] : memref<1x128xf32, #tpu.memory_space<vmem>>, vector<1x128xf32>
    %add3A_31 = vector.broadcast %get3A_30 : vector<1x128xf32> to vector<1280x128xf32>
    %add3A_32 = arith.addf %add3A_27, %add3A_31 : vector<1280x128xf32>
    %max3A_33 = arith.constant 0.000000e+00 : f32
    %max3A_34 = vector.broadcast %max3A_33 : f32 to vector<1280x128xf32>
    %max3A_35 = arith.maximumf %add3A_32, %max3A_34 : vector<1280x128xf32>
    %get3A_36 = arith.constant 0 : index
    %get3A_37 = arith.constant 0 : index
    %get3A_38 = vector.load %arg4[%get3A_36, %get3A_37] : memref<1280x128xf32, #tpu.memory_space<vmem>>, vector<1280x128xf32>
    %get3A_39 = arith.constant 0 : index
    %get3A_40 = arith.constant 0 : index
    %get3A_41 = vector.load %arg8[%get3A_39, %get3A_40] : memref<128x128xf32, #tpu.memory_space<vmem>>, vector<128x128xf32>
    %dot_general3A_42 = arith.constant dense<0.000000e+00> : vector<1280x128xf32>
    %dot_general3A_43 = tpu.matmul %get3A_38, %get3A_41, %dot_general3A_42 {dimension_numbers = #tpu.dot_dimension_numbers<[1], [0], [0], [1], [0, 0, 1, 1], [], []>, transpose_lhs_hint = false} : vector<1280x128xf32>, vector<128x128xf32>, vector<1280x128xf32> -> vector<1280x128xf32>
    %add3A_44 = arith.addf %max3A_35, %dot_general3A_43 : vector<1280x128xf32>
    %get3A_45 = arith.constant 0 : index
    %get3A_46 = arith.constant 0 : index
    %get3A_47 = vector.load %arg9[%get3A_45, %get3A_46] : memref<1x128xf32, #tpu.memory_space<vmem>>, vector<1x128xf32>
    %add3A_48 = vector.broadcast %get3A_47 : vector<1x128xf32> to vector<1280x128xf32>
    %add3A_49 = arith.addf %add3A_44, %add3A_48 : vector<1280x128xf32>
    %get3A_50 = arith.constant 0 : index
    %get3A_51 = arith.constant 0 : index
    %get3A_52 = vector.load %arg2[%get3A_50, %get3A_51] : memref<1280x1xf32, #tpu.memory_space<vmem>>, vector<1280x1xf32>
    %add3A_53 = arith.constant 1.000000e+00 : f32
    %add3A_54 = vector.broadcast %add3A_53 : f32 to vector<1280x1xf32>
    %add3A_55 = arith.addf %get3A_52, %add3A_54 : vector<1280x1xf32>
    %rsqrt3A = math.rsqrt %add3A_55 : vector<1280x1xf32>
    %mul3A = vector.broadcast %rsqrt3A : vector<1280x1xf32> to vector<1280x128xf32>
    %mul3A_56 = arith.mulf %add3A_49, %mul3A : vector<1280x128xf32>
    %swap3A = arith.constant 0 : index
    %swap3A_57 = arith.constant 0 : index
    %swap3A_58 = vector.load %arg10[%swap3A, %swap3A_57] : memref<1280x128xf32, #tpu.memory_space<vmem>>, vector<1280x128xf32>
    tpu.vector_store %arg10[%swap3A, %swap3A_57], %mul3A_56 {strides = array<i32>} : memref<1280x128xf32, #tpu.memory_space<vmem>>, vector<1280x128xf32>,
    return
  }
  func.func @transform_0(%arg0: i32) -> (i32, i32, i32) {
    %c0_i32 = arith.constant 0 : i32
    %c0_i32_0 = arith.constant 0 : i32
    %c0_i32_1 = arith.constant 0 : i32
    return %c0_i32, %arg0, %c0_i32_0 : i32, i32, i32
  }
  func.func @transform_1(%arg0: i32) -> (i32, i32) {
    %c0_i32 = arith.constant 0 : i32
    %c0_i32_0 = arith.constant 0 : i32
    return %arg0, %c0_i32 : i32, i32
  }
  func.func @transform_2(%arg0: i32) -> (i32, i32) {
    %c0_i32 = arith.constant 0 : i32
    %c0_i32_0 = arith.constant 0 : i32
    return %arg0, %c0_i32 : i32, i32
  }
  func.func @transform_3(%arg0: i32) -> (i32, i32) {
    %c0_i32 = arith.constant 0 : i32
    %c0_i32_0 = arith.constant 0 : i32
    return %arg0, %c0_i32 : i32, i32
  }
  func.func @transform_4(%arg0: i32) -> (i32, i32) {
    %c0_i32 = arith.constant 0 : i32
    %c0_i32_0 = arith.constant 0 : i32
    %c0_i32_1 = arith.constant 0 : i32
    return %c0_i32, %c0_i32_0 : i32, i32
  }
  func.func @transform_5(%arg0: i32) -> (i32, i32) {
    %c0_i32 = arith.constant 0 : i32
    %c0_i32_0 = arith.constant 0 : i32
    %c0_i32_1 = arith.constant 0 : i32
    return %c0_i32, %c0_i32_0 : i32, i32
  }
  func.func @transform_6(%arg0: i32) -> (i32, i32) {
    %c0_i32 = arith.constant 0 : i32
    %c0_i32_0 = arith.constant 0 : i32
    %c0_i32_1 = arith.constant 0 : i32
    return %c0_i32, %c0_i32_0 : i32, i32
  }
  func.func @transform_7(%arg0: i32) -> (i32, i32) {
    %c0_i32 = arith.constant 0 : i32
    %c0_i32_0 = arith.constant 0 : i32
    %c0_i32_1 = arith.constant 0 : i32
    return %c0_i32, %c0_i32_0 : i32, i32
  }
  func.func @transform_8(%arg0: i32) -> (i32, i32) {
    %c0_i32 = arith.constant 0 : i32
    %c0_i32_0 = arith.constant 0 : i32
    %c0_i32_1 = arith.constant 0 : i32
    return %c0_i32, %c0_i32_0 : i32, i32
  }
  func.func @transform_9(%arg0: i32) -> (i32, i32) {
    %c0_i32 = arith.constant 0 : i32
    %c0_i32_0 = arith.constant 0 : i32
    return %arg0, %c0_i32 : i32, i32
  }
}

module attributes {stable_mosaic.version = 14 : i64} {
  func.func @_tc3_body(%arg0: i32, %arg1: memref<2x1280x128xf32, #tpu.memory_space<vmem>>, %arg2: memref<1280x1xf32, #tpu.memory_space<vmem>>, %arg3: memref<1280x128xf32, #tpu.memory_space<vmem>>, %arg4: memref<128x128xf32, #tpu.memory_space<vmem>>, %arg5: memref<1x128xf32, #tpu.memory_space<vmem>>, %arg6: memref<1280x64xf32, #tpu.memory_space<vmem>>, %arg7: memref<1280x64xf32, #tpu.memory_space<vmem>>) attributes {dimension_semantics = [#tpu.dimension_semantics<arbitrary>], iteration_bounds = array<i64: 8>, scalar_prefetch = 0 : i64, scratch_operands = 0 : i64, tpu.core_type = #tpu.core_type<tc>, window_params = [{transform_indices = @transform_0, window_bounds = array<i64: 2, 1280, 128>}, {transform_indices = @transform_1, window_bounds = array<i64: 1280, 1>}, {transform_indices = @transform_2, window_bounds = array<i64: 1280, 128>}, {pipeline_mode = #tpu.pipeline_mode<synchronous>, transform_indices = @transform_3, window_bounds = array<i64: 128, 128>}, {pipeline_mode = #tpu.pipeline_mode<synchronous>, transform_indices = @transform_4, window_bounds = array<i64: 1, 128>}, {transform_indices = @transform_5, window_bounds = array<i64: 1280, 64>}, {transform_indices = @transform_6, window_bounds = array<i64: 1280, 64>}]} {
    %get3A = arith.constant 0 : index
    %get3A_0 = arith.constant 0 : index
    %get3A_1 = arith.constant 0 : index
    %get3A_2 = vector.load %arg1[%get3A, %get3A_0, %get3A_1] : memref<2x1280x128xf32, #tpu.memory_space<vmem>>, vector<1x1280x128xf32>
    %get3A_3 = vector.shape_cast %get3A_2 : vector<1x1280x128xf32> to vector<1280x128xf32>
    %get3A_4 = arith.constant 1 : index
    %get3A_5 = arith.constant 0 : index
    %get3A_6 = arith.constant 0 : index
    %get3A_7 = vector.load %arg1[%get3A_4, %get3A_5, %get3A_6] : memref<2x1280x128xf32, #tpu.memory_space<vmem>>, vector<1x1280x128xf32>
    %get3A_8 = vector.shape_cast %get3A_7 : vector<1x1280x128xf32> to vector<1280x128xf32>
    %add3A = arith.addf %get3A_3, %get3A_8 : vector<1280x128xf32>
    %get3A_9 = arith.constant 0 : index
    %get3A_10 = arith.constant 0 : index
    %get3A_11 = vector.load %arg3[%get3A_9, %get3A_10] : memref<1280x128xf32, #tpu.memory_space<vmem>>, vector<1280x128xf32>
    %add3A_12 = arith.addf %add3A, %get3A_11 : vector<1280x128xf32>
    %get3A_13 = arith.constant 0 : index
    %get3A_14 = arith.constant 0 : index
    %get3A_15 = vector.load %arg2[%get3A_13, %get3A_14] : memref<1280x1xf32, #tpu.memory_space<vmem>>, vector<1280x1xf32>
    %add3A_16 = arith.constant 1.000000e+00 : f32
    %add3A_17 = vector.broadcast %add3A_16 : f32 to vector<1280x1xf32>
    %add3A_18 = arith.addf %get3A_15, %add3A_17 : vector<1280x1xf32>
    %rsqrt3A = math.rsqrt %add3A_18 : vector<1280x1xf32>
    %mul3A = vector.broadcast %rsqrt3A : vector<1280x1xf32> to vector<1280x128xf32>
    %mul3A_19 = arith.mulf %add3A_12, %mul3A : vector<1280x128xf32>
    %get3A_20 = arith.constant 0 : index
    %get3A_21 = arith.constant 0 : index
    %get3A_22 = vector.load %arg4[%get3A_20, %get3A_21] : memref<128x128xf32, #tpu.memory_space<vmem>>, vector<128x128xf32>
    %dot_general3A = arith.constant dense<0.000000e+00> : vector<1280x128xf32>
    %dot_general3A_23 = tpu.matmul %mul3A_19, %get3A_22, %dot_general3A {dimension_numbers = #tpu.dot_dimension_numbers<[1], [0], [0], [1], [0, 0, 1, 1], [], []>, transpose_lhs_hint = false} : vector<1280x128xf32>, vector<128x128xf32>, vector<1280x128xf32> -> vector<1280x128xf32>
    %get3A_24 = arith.constant 0 : index
    %get3A_25 = arith.constant 0 : index
    %get3A_26 = vector.load %arg5[%get3A_24, %get3A_25] : memref<1x128xf32, #tpu.memory_space<vmem>>, vector<1x128xf32>
    %add3A_27 = vector.broadcast %get3A_26 : vector<1x128xf32> to vector<1280x128xf32>
    %add3A_28 = arith.addf %dot_general3A_23, %add3A_27 : vector<1280x128xf32>
    %slice3A = vector.extract_strided_slice %add3A_28 {offsets = [0, 0], sizes = [1280, 64], strides = [1, 1]} : vector<1280x128xf32> to vector<1280x64xf32>
    %swap3A = arith.constant 0 : index
    %swap3A_29 = arith.constant 0 : index
    %swap3A_30 = vector.load %arg6[%swap3A, %swap3A_29] : memref<1280x64xf32, #tpu.memory_space<vmem>>, vector<1280x64xf32>
    tpu.vector_store %arg6[%swap3A, %swap3A_29], %slice3A {strides = array<i32>} : memref<1280x64xf32, #tpu.memory_space<vmem>>, vector<1280x64xf32>,
    %slice3A_31 = vector.extract_strided_slice %add3A_28 {offsets = [0, 64], sizes = [1280, 64], strides = [1, 1]} : vector<1280x128xf32> to vector<1280x64xf32>
    %swap3A_32 = arith.constant 0 : index
    %swap3A_33 = arith.constant 0 : index
    %swap3A_34 = vector.load %arg7[%swap3A_32, %swap3A_33] : memref<1280x64xf32, #tpu.memory_space<vmem>>, vector<1280x64xf32>
    tpu.vector_store %arg7[%swap3A_32, %swap3A_33], %slice3A_31 {strides = array<i32>} : memref<1280x64xf32, #tpu.memory_space<vmem>>, vector<1280x64xf32>,
    return
  }
  func.func @transform_0(%arg0: i32) -> (i32, i32, i32) {
    %c0_i32 = arith.constant 0 : i32
    %c0_i32_0 = arith.constant 0 : i32
    %c0_i32_1 = arith.constant 0 : i32
    return %c0_i32, %arg0, %c0_i32_0 : i32, i32, i32
  }
  func.func @transform_1(%arg0: i32) -> (i32, i32) {
    %c0_i32 = arith.constant 0 : i32
    %c0_i32_0 = arith.constant 0 : i32
    return %arg0, %c0_i32 : i32, i32
  }
  func.func @transform_2(%arg0: i32) -> (i32, i32) {
    %c0_i32 = arith.constant 0 : i32
    %c0_i32_0 = arith.constant 0 : i32
    return %arg0, %c0_i32 : i32, i32
  }
  func.func @transform_3(%arg0: i32) -> (i32, i32) {
    %c0_i32 = arith.constant 0 : i32
    %c0_i32_0 = arith.constant 0 : i32
    %c0_i32_1 = arith.constant 0 : i32
    return %c0_i32, %c0_i32_0 : i32, i32
  }
  func.func @transform_4(%arg0: i32) -> (i32, i32) {
    %c0_i32 = arith.constant 0 : i32
    %c0_i32_0 = arith.constant 0 : i32
    %c0_i32_1 = arith.constant 0 : i32
    return %c0_i32, %c0_i32_0 : i32, i32
  }
  func.func @transform_5(%arg0: i32) -> (i32, i32) {
    %c0_i32 = arith.constant 0 : i32
    %c0_i32_0 = arith.constant 0 : i32
    return %arg0, %c0_i32 : i32, i32
  }
  func.func @transform_6(%arg0: i32) -> (i32, i32) {
    %c0_i32 = arith.constant 0 : i32
    %c0_i32_0 = arith.constant 0 : i32
    return %arg0, %c0_i32 : i32, i32
  }
}

</mosaic_0001>

<sc_bundles>
// kernel: kernel.10.cloned.1.call-start
scs
__scs_entry_jumppad:
0x0: {  	(pc) =	sbr.rel $0x88, $3  }
0x1: {  	(tag) =	ssettag $0x0;
	lr =	simm.s32 $0x1  }
0x2: {  	[smem:$0x3F93] =	sst lr;
	_ =	strace $0xD0000000  }
0x3: {  	_ = 	snop  }
0x4: {  	_ = 	snop  }
0x5: {  	_ = 	snop  }
0x6: {  	_ = 	snop  }
0x7: {  	_ = 	snop  }
__scs_overlays_trampoline_lowered:
0x8: {  	[smem:$0x3FA2] =	sst s0  }
0x9: {  	[smem:$0x3FA3] =	sst s1  }
0xa: {  	[smem:$0x3FA4] =	sst s2  }
0xb: {  	[smem:$0x3FA5] =	sst s3  }
0xc: {  	[smem:$0x3FA6] =	sst s4  }
0xd: {  	[smem:$0x3FA7] =	sst s5  }
0xe: {  	[smem:$0x3FA8] =	sst s6  }
0xf: {  	[smem:$0x3FA9] =	sst s7  }
0x10: {  	[smem:$0x3FAA] =	sst s8  }
0x11: {  	[smem:$0x3FAB] =	sst s9;
	s0 =	simm.s32 @!p0 $0x0  }
0x12: {  	s1 =	sld [smem:$0x3F91];
	s0 =	simm.s32 @p0 $0x1  }
0x13: {  	[smem:$0x3FAC] =	sst s0;
	s0 =	simm.s32 @!p1 $0x0  }
0x14: {  	s2 =	sld [smem:$0x3F90];
	s0 =	simm.s32 @p1 $0x1  }
0x15: {  	[smem:$0x3FAD] =	sst s0;
	s0 =	simm.s32 @!p2 $0x0  }
0x16: {  	s3 =	sld [smem:$0x3FDB];
	s0 =	simm.s32 @p2 $0x1  }
0x17: {  	s4 =	simm.s32 $0x1BF5;
	[smem:$0x3FAF] =	sst s0  }
0x18: {  	s0 =	sld [smem:$0x3F92];
	_ =	swait.ge [sflag:s4], $0x0  }
0x19: {  	s7 =	sld [smem:$0x3F93]  }
0x1a: {  	s8 =	sadd.s32 $0xFFFFE003, lr  }
0x1b: {  	s9 =	sadd.s32 $0xFFFFFEF7, lr;
	s5 =	simm.s32 $0xFFFFFFFF;
	p2 =	slt.u32 s8, $0xFFFFF086  }
0x1c: {  	p1 =	slt.u32 s9, $0xF7A;
	s5 =	simm.s32 @!p2 $0x0  }
0x1d: {  	s5 =	simm.s32 @p1 $0x1;
	p0 =	seq.s32 s7, s2  }
0x1e: {  	s7 =	smul.u32 @!p0 $0xF7A, s2;
	p2 =	seq.s32 @!p0 s5, $0x0  }
0x1f: {  	s9 =	smul.u32 $0xF7A, s1;
	s8 =	simm.s32 @!p0 $0x1BF5;
	p2 =	por !p2, p0  }
0x20: {  	[sflag:s8] =	ssyncset.s32 @!p0 $0xFFFFF086;
	s6 =	sadd.s32 @!p0 s3, s7;
	s7 =	simm.s32 @!p0 $0x108  }
0x21: {  	s3 =	sadd.s32 s3, s9;
	s6 =	sadd.s32 @!p0 $0x88, s6;
	s7 =	simm.s32 @p2 $0x1082  }
0x22: {  	[simem:s7], [sflag:s8] =	dma.local @!p0 [hbm:s6], $0xF7A  }
0x23: {  	s9 =	sor.u32 $0xD0000000, s2;
	s6 =	simm.s32 $0x108;
	_ =	swait.ge @!p0 [sflag:s8], $0x0  }
0x24: {  	s3 =	sadd.s32 $0x88, s3;
	s6 =	simm.s32 @!p1 $0x1082;
	[sflag:s4] =	ssyncset.s32 $0xFFFFF086  }
0x25: {  	[simem:s6], [sflag:s4] =	dma.local [hbm:s3], $0xF7A  }
0x26: {  	[smem:$0x3F93] =	sst s1;
	(tag) =	ssettag s2;
	_ =	strace s9  }
0x27: {  	s1 =	sld [smem:$0x3FA3]  }
0x28: {  	s2 =	sld [smem:$0x3FA4]  }
0x29: {  	s4 =	sld [smem:$0x3FA6]  }
0x2a: {  	p0 =	seq.s32 s5, $0x0;
	s5 =	sld [smem:$0x3FA7]  }
0x2b: {  	s6 =	sld [smem:$0x3FA8]  }
0x2c: {  	s7 =	sld [smem:$0x3FA9]  }
0x2d: {  	s3 =	simm.s32 $0x108;
	s8 =	sld [smem:$0x3FAA]  }
0x2e: {  	s3 =	simm.s32 @!p0 $0x1082;
	s9 =	sld [smem:$0x3FAB]  }
0x2f: {  	lr =	sadd.s32 s0, s3;
	s0 =	sld [smem:$0x3FA2]  }
0x30: {  	s3 =	sld [smem:$0x3FA5]  }
0x31: {  	[smem:$0x3FAE] =	sst s10  }
0x32: {  	s10 =	sld [smem:$0x3FAC];
	_ =	sdelay $0x3  }
0x33: {  	p0 =	seq.s32 s10, $0x1;
	s10 =	sld [smem:$0x3FAE];
	_ =	sdelay $0x3  }
0x34: {  	[smem:$0x3FAE] =	sst s10  }
0x35: {  	s10 =	sld [smem:$0x3FAD];
	_ =	sdelay $0x3  }
0x36: {  	p1 =	seq.s32 s10, $0x1;
	s10 =	sld [smem:$0x3FAE];
	_ =	sdelay $0x3  }
0x37: {  	[smem:$0x3FAE] =	sst s10  }
0x38: {  	s10 =	sld [smem:$0x3FAF]  }
0x39: {  	_ = 	snop;
	(pc) =	sbr.ind lr, $3  }
0x3a: {  	_ = 	snop  }
0x3b: {  	_ = 	snop  }
0x3c: {  	p2 =	seq.s32 s10, $0x1;
	s10 =	sld [smem:$0x3FAE]  }
0x3d: {  	_ =	shalt  }
0x3e: {  	_ =	shalt  }
0x3f: {  	_ =	shalt  }
0x40: {  	_ =	shalt  }
0x41: {  	_ =	shalt  }
0x42: {  	_ =	shalt  }
0x43: {  	_ =	shalt  }
0x44: {  	_ =	shalt  }
0x45: {  	_ =	shalt  }
0x46: {  	_ =	shalt  }
0x47: {  	_ =	shalt  }
0x48: {  	_ =	shalt  }
0x49: {  	_ =	shalt  }
0x4a: {  	_ =	shalt  }
0x4b: {  	_ =	shalt  }
0x4c: {  	_ =	shalt  }
0x4d: {  	_ =	shalt  }
0x4e: {  	_ =	shalt  }
0x4f: {  	_ =	shalt  }
0x50: {  	_ =	shalt  }
0x51: {  	_ =	shalt  }
0x52: {  	_ =	shalt  }
0x53: {  	_ =	shalt  }
0x54: {  	_ =	shalt  }
0x55: {  	_ =	shalt  }
0x56: {  	_ =	shalt  }
0x57: {  	_ =	shalt  }
0x58: {  	_ =	shalt  }
0x59: {  	_ =	shalt  }
0x5a: {  	_ =	shalt  }
0x5b: {  	_ =	shalt  }
0x5c: {  	_ =	shalt  }
0x5d: {  	_ =	shalt  }
0x5e: {  	_ =	shalt  }
0x5f: {  	_ =	shalt  }
0x60: {  	_ =	shalt  }
0x61: {  	_ =	shalt  }
0x62: {  	_ =	shalt  }
0x63: {  	_ =	shalt  }
0x64: {  	_ =	shalt  }
0x65: {  	_ =	shalt  }
0x66: {  	_ =	shalt  }
0x67: {  	_ =	shalt  }
0x68: {  	_ =	shalt  }
0x69: {  	_ =	shalt  }
0x6a: {  	_ =	shalt  }
0x6b: {  	_ =	shalt  }
0x6c: {  	_ =	shalt  }
0x6d: {  	_ =	shalt  }
0x6e: {  	_ =	shalt  }
0x6f: {  	_ =	shalt  }
0x70: {  	_ =	shalt  }
0x71: {  	_ =	shalt  }
0x72: {  	_ =	shalt  }
0x73: {  	_ =	shalt  }
0x74: {  	_ =	shalt  }
0x75: {  	_ =	shalt  }
0x76: {  	_ =	shalt  }
0x77: {  	_ =	shalt  }
0x78: {  	_ =	shalt  }
0x79: {  	_ =	shalt  }
0x7a: {  	_ =	shalt  }
0x7b: {  	_ =	shalt  }
0x7c: {  	_ =	shalt  }
0x7d: {  	_ =	shalt  }
0x7e: {  	_ =	shalt  }
0x7f: {  	_ =	shalt  }
0x80: {  	_ =	shalt  }
0x81: {  	_ =	shalt  }
0x82: {  	_ =	shalt  }
0x83: {  	_ =	shalt  }
0x84: {  	_ =	shalt  }
0x85: {  	_ =	shalt  }
0x86: {  	_ =	shalt  }
0x87: {  	_ =	shalt  }
.Lfunc_end0:
.L_simem_size_0:
called_computation_lowered:
.L_overlay_start_0:
0x88: {  	s2 =	sld [smem:$0x3FD9]  }
0x89: {  	s3 =	sld [smem:$0x3FFE];
	_ =	sdelay $0x1  }
0x8a: {  	s1 =	srdreg.scid  }
0x8b: {  	s0 =	sand.u32 $0x1, s1  }
0x8c: {  	s14 =	sshll.u32 s0, $0xA;
	s2 =	sadd.s32 s3, s2  }
0x8d: {  	s2 =	sadd.s32 s2, s14  }
0x8e: {  	[smem:$0x3FBA] =	sst s2  }
0x8f: {  	_ = 	snop  }
0x90: {  	s2 =	sld [smem:$0x3FD0];
	_ =	sdelay $0x2  }
0x91: {  	s15 =	simm.s32 $0xB;
	s4 =	simm.s32 $0x10  }
0x92: {  	[smem:s4], [sflag:s15] =	dma.local [hbm:s2], $0x1  }
0x93: {  	_ =	swait.eq [sflag:s15], $0x1  }
0x94: {  	[sflag:s15] =	ssyncset.done $0x0  }
0x95: {  	[sflag:s15] =	ssyncadd.s32 $0xFFFFFFFF  }
0x96: {  	s16 =	sld [smem:$0x10];
	(tm) =	ssettm $0x1  }
0x97: {  	s17 =	sld [smem:$0x3FFB];
	_ =	sdelay $0x3  }
0x98: {  	_ =	strace s17  }
0x99: {  	s3 =	sld [smem:$0x3FFC];
	_ =	sdelay $0x3  }
0x9a: {  	_ =	strace s3  }
0x9b: {  	s3 =	sld [smem:$0x3FFD];
	_ =	sdelay $0x3  }
0x9c: {  	_ =	strace s3  }
0x9d: {  	_ =	strace $0x8FFFFFFF  }
0x9e: {  	s18 =	sld [smem:$0x3FDB];
	_ =	sdelay $0x1  }
0x9f: {  	s19 =	simm.s32 $_scs_section_size  }
0xa0: {  	s5 =	simm.s32 $_size__tile_overlayer_lowered;
	s6 =	simm.s32 $_tile_overlayer_lowered  }
0xa1: {  	s22 =	simm.s32 $0x1BFF;
	s21 =	sshll.u32 s6, $0x1;
	s3 =	sadd.s32 s19, s18  }
0xa2: {  	s7 =	simm.s32 $0x0;
	s20 =	sshll.u32 s5, $0x1;
	s5 =	sadd.s32 s21, s3  }
0xa3: {  	[timem:s7], [sflag:s22] =	dma.local [hbm:s5], s20  }
0xa4: {  	_ =	swait.ge [sflag:s22], s20  }
0xa5: {  	s4 =	ssub.s32 $0x0, s20;
	[sflag:s22] =	ssyncset.done $0x0  }
0xa6: {  	[sflag:s22] =	ssyncadd.s32 s4;
	_ =	sdelay $0x1  }
0xa7: {  	s23 =	simm.s32 $0x1B8B  }
0xa8: {  	_ =	swait.ge [sflag:s23], $0x1  }
0xa9: {  	[sflag:s23] =	ssyncset.done $0x0  }
0xaa: {  	s25 =	simm.s32 $0x1B8E;
	s24 =	sld [smem:$0x3FFE];
	[sflag:s23] =	ssyncadd.s32 $0xFFFFFFFF  }
0xab: {  	s26 =	simm.s32 $execute0_lowered;
	[smem:$0x3FD2] =	sst s25  }
0xac: {  	s5 =	sshll.u32 s26, $0x1;
	_ =	strace $0x80000046;
	[dreg:$0x1] =	wrdreg $0xFFFFFFFF  }
0xad: {  	s28 =	simm.s32 $_size_execute0_lowered;
	s3 =	sadd.s32 s3, s5;
	[dreg:$0x0] =	wrdreg $0x0  }
0xae: {  	s5 =	sshll.u32 s28, $0x1;
	[dreg:$0x2] =	wrdreg s3  }
0xaf: {  	[dreg:$0x3] =	wrdreg s5  }
0xb0: {  	[dreg:$0x4] =	wrdreg $0xC0  }
0xb1: {  	_ =	task [dreg:s7], $0x5FFFF  }
0xb2: {  	[dreg:$0x1] =	wrdreg $0xFFFFFFFF  }
0xb3: {  	[dreg:$0x0] =	wrdreg $0x60  }
0xb4: {  	[dreg:$0x2] =	wrdreg s16  }
0xb5: {  	[dreg:$0x3] =	wrdreg s24  }
0xb6: {  	[dreg:$0x4] =	wrdreg $0x9  }
0xb7: {  	_ =	task.clear_ibuf [dreg:s7], $0x5FFFF;
	_ =	strace $0x90000046  }
0xb8: {  	s29 =	simm.s32 $0x9;
	_ =	strace $0x80000048  }
0xb9: {  	_ =	swait.ge [sflag:s29], $0x1  }
0xba: {  	[sflag:s29] =	ssyncadd.s32 $0xFFFFFFFF  }
0xbb: {  	_ =	strace $0x90000048  }
0xbc: {  	_ =	sfence  }
0xbd: {  	s30 =	sld [smem:$0x0];
	_ =	sdelay $0x2  }
0xbe: {  	s31 =	sshll.u32 s1, $0xD;
	s1 =	sshrl.u32 s1, $0x2  }
0xbf: {  	s3 =	sand.u32 $0x4000, s31;
	s1 =	sadd.s32 s1, s30  }
0xc0: {  	s0 =	sor.u32 s3, s0;
	s1 =	sshll.u32 s1, $0x11  }
0xc1: {  	s0 =	sor.u32 s1, s0  }
0xc2: {  	s0 =	sadd.s32 $0x8F2B, s0  }
0xc3: {  	[sflag:s0] =	ssyncadd.remote.s32 $0x1  }
0xc4: {  	_ =	sfence.sel $0xFFFF  }
0xc5: {  	[dreg:$0x0] =	wrdreg $0xFFFFFFFF;
	(pc) =	sbr.abs _section_cstart, $3  }
0xc6: {  	[dreg:$0x1] =	wrdreg $0xFFFFFFFF  }
0xc7: {  	_ =	task.clear_ibuf [dreg:s7], $0x2FFFF;
	_ =	strace $0x9FFFFFFF  }
0xc8: {  	(tm) =	ssettm $0x7FFFFFFF  }
0xc9: {  	_ =	shalt  }
tec
execute0_lowered:
.L_overlay_start_1:
0x0: {  	(tag) =	ssettag $0x1  }
0x1: {  	s4 =	rddreg [dreg:$0x0]  }
0x2: {  	s0 =	srdreg.scid;
	s5 =	rddreg [dreg:$0x1]  }
0x3: {  	s2 =	simm.s32 $0x0;
	s3 =	sand.u32 $0x1, s0;
	s0 =	rddreg [dreg:$0x2]  }
0x4: {  	s1 =	stileid.u32;
	[smem:$0x7FF] =	sst s2  }
0x5: {  	s10 =	smul.u32 $0x500, s1;
	s6 =	sshll.u32 s3, $0x4;
	_ =	strace $0x80000047  }
0x6: {  	s7 =	ssub.s32 $0x2, s3;
	s8 =	smul.u32 $0x5000, s3;
	s6 =	sor.u32 s1, s6  }
0x7: {  	s3 =	sadd.s32 $0x3600, s5;
	s9 =	sshrl.u32 s7, $0x1;
	s6 =	smul.u32 $0x500, s6  }
0x8: {  	s30 =	ssub.s32 s7, s9;
	s31 =	sadd.s32 s8, s4;
	s7 =	simm.s32 $0x400  }
0x9: {  	s8 =	simm.s32 $0x1;
	s9 =	simm.s32 $0x0;
	s6 =	sadd.s32 s6, s5  }
0xa: {  	v0 =	vimm.f32 $1.000000000e+00;
	s5 =	smax.u32 s30, $0x1;
	s4 =	sadd.s32 $0x2B600, s6;
	s6 =	sadd.s32 s10, s31  }
.LBB2_1:
0xb: {  	[tilespmem:s7], [sflag:$0x1] =	stream.linear.gather [hbm4b:s3+s2], $0x2800, $0x38;
	[tilespmem:$0x2C00] =	vst v63  }
0xc: {  	_ =	swait.ge [sflag:s8], $0x2800  }
0xd: {  	[sflag:s8] =	ssyncset.done $0x0  }
0xe: {  	s10 =	simm.s32 $0x0;
	[sflag:s8] =	ssyncadd.s32 $0xFFFFD800  }
.LBB2_2:
0xf: {  	s11 =	sadd.s32 s10, s6  }
0x10: {  	[tilespmem:s2], [sflag:$0x1] =	stream.linear.gather [hbm4b:s11+s2], $0x400, $0x38;
	[tilespmem:$0x2C00] =	vst v63  }
0x11: {  	_ =	swait.ge [sflag:s8], $0x400  }
0x12: {  	[sflag:s8] =	ssyncset.done $0x0  }
0x13: {  	[sflag:s8] =	ssyncadd.s32 $0xFFFFFC00  }
0x14: {  	v1 =	vld [tilespmem:$0x0];
	_ =	sdelay $0x7  }
0x15: {  	[tilespmem:v1+s7+$0x0] =	vst.idx.add.f32.msk $0xffff, v0  }
0x16: {  	v1 =	vld [tilespmem:$0x10];
	_ =	sdelay $0x7  }
0x17: {  	[tilespmem:v1+s7+$0x0] =	vst.idx.add.f32.msk $0xffff, v0  }
0x18: {  	v1 =	vld [tilespmem:$0x20];
	_ =	sdelay $0x7  }
0x19: {  	[tilespmem:v1+s7+$0x0] =	vst.idx.add.f32.msk $0xffff, v0  }
0x1a: {  	v1 =	vld [tilespmem:$0x30];
	_ =	sdelay $0x7  }
0x1b: {  	[tilespmem:v1+s7+$0x0] =	vst.idx.add.f32.msk $0xffff, v0  }
0x1c: {  	v1 =	vld [tilespmem:$0x40];
	_ =	sdelay $0x7  }
0x1d: {  	[tilespmem:v1+s7+$0x0] =	vst.idx.add.f32.msk $0xffff, v0  }
0x1e: {  	v1 =	vld [tilespmem:$0x50];
	_ =	sdelay $0x7  }
0x1f: {  	[tilespmem:v1+s7+$0x0] =	vst.idx.add.f32.msk $0xffff, v0  }
0x20: {  	v1 =	vld [tilespmem:$0x60];
	_ =	sdelay $0x7  }
0x21: {  	[tilespmem:v1+s7+$0x0] =	vst.idx.add.f32.msk $0xffff, v0  }
0x22: {  	v1 =	vld [tilespmem:$0x70];
	_ =	sdelay $0x7  }
0x23: {  	[tilespmem:v1+s7+$0x0] =	vst.idx.add.f32.msk $0xffff, v0  }
0x24: {  	v1 =	vld [tilespmem:$0x80];
	_ =	sdelay $0x7  }
0x25: {  	[tilespmem:v1+s7+$0x0] =	vst.idx.add.f32.msk $0xffff, v0  }
0x26: {  	v1 =	vld [tilespmem:$0x90];
	_ =	sdelay $0x7  }
0x27: {  	[tilespmem:v1+s7+$0x0] =	vst.idx.add.f32.msk $0xffff, v0  }
0x28: {  	v1 =	vld [tilespmem:$0xA0];
	_ =	sdelay $0x7  }
0x29: {  	[tilespmem:v1+s7+$0x0] =	vst.idx.add.f32.msk $0xffff, v0  }
0x2a: {  	v1 =	vld [tilespmem:$0xB0];
	_ =	sdelay $0x7  }
0x2b: {  	[tilespmem:v1+s7+$0x0] =	vst.idx.add.f32.msk $0xffff, v0  }
0x2c: {  	v1 =	vld [tilespmem:$0xC0];
	_ =	sdelay $0x7  }
0x2d: {  	[tilespmem:v1+s7+$0x0] =	vst.idx.add.f32.msk $0xffff, v0  }
0x2e: {  	v1 =	vld [tilespmem:$0xD0];
	_ =	sdelay $0x7  }
0x2f: {  	[tilespmem:v1+s7+$0x0] =	vst.idx.add.f32.msk $0xffff, v0  }
0x30: {  	v1 =	vld [tilespmem:$0xE0];
	_ =	sdelay $0x7  }
0x31: {  	[tilespmem:v1+s7+$0x0] =	vst.idx.add.f32.msk $0xffff, v0  }
0x32: {  	v1 =	vld [tilespmem:$0xF0];
	_ =	sdelay $0x7  }
0x33: {  	[tilespmem:v1+s7+$0x0] =	vst.idx.add.f32.msk $0xffff, v0  }
0x34: {  	v1 =	vld [tilespmem:$0x100];
	_ =	sdelay $0x7  }
0x35: {  	[tilespmem:v1+s7+$0x0] =	vst.idx.add.f32.msk $0xffff, v0  }
0x36: {  	v1 =	vld [tilespmem:$0x110];
	_ =	sdelay $0x7  }
0x37: {  	[tilespmem:v1+s7+$0x0] =	vst.idx.add.f32.msk $0xffff, v0  }
0x38: {  	v1 =	vld [tilespmem:$0x120];
	_ =	sdelay $0x7  }
0x39: {  	[tilespmem:v1+s7+$0x0] =	vst.idx.add.f32.msk $0xffff, v0  }
0x3a: {  	v1 =	vld [tilespmem:$0x130];
	_ =	sdelay $0x7  }
0x3b: {  	[tilespmem:v1+s7+$0x0] =	vst.idx.add.f32.msk $0xffff, v0  }
0x3c: {  	v1 =	vld [tilespmem:$0x140];
	_ =	sdelay $0x7  }
0x3d: {  	[tilespmem:v1+s7+$0x0] =	vst.idx.add.f32.msk $0xffff, v0  }
0x3e: {  	v1 =	vld [tilespmem:$0x150];
	_ =	sdelay $0x7  }
0x3f: {  	[tilespmem:v1+s7+$0x0] =	vst.idx.add.f32.msk $0xffff, v0  }
0x40: {  	v1 =	vld [tilespmem:$0x160];
	_ =	sdelay $0x7  }
0x41: {  	[tilespmem:v1+s7+$0x0] =	vst.idx.add.f32.msk $0xffff, v0  }
0x42: {  	v1 =	vld [tilespmem:$0x170];
	_ =	sdelay $0x7  }
0x43: {  	[tilespmem:v1+s7+$0x0] =	vst.idx.add.f32.msk $0xffff, v0  }
0x44: {  	v1 =	vld [tilespmem:$0x180];
	_ =	sdelay $0x7  }
0x45: {  	[tilespmem:v1+s7+$0x0] =	vst.idx.add.f32.msk $0xffff, v0  }
0x46: {  	v1 =	vld [tilespmem:$0x190];
	_ =	sdelay $0x7  }
0x47: {  	[tilespmem:v1+s7+$0x0] =	vst.idx.add.f32.msk $0xffff, v0  }
0x48: {  	v1 =	vld [tilespmem:$0x1A0];
	_ =	sdelay $0x7  }
0x49: {  	[tilespmem:v1+s7+$0x0] =	vst.idx.add.f32.msk $0xffff, v0  }
0x4a: {  	v1 =	vld [tilespmem:$0x1B0];
	_ =	sdelay $0x7  }
0x4b: {  	[tilespmem:v1+s7+$0x0] =	vst.idx.add.f32.msk $0xffff, v0  }
0x4c: {  	v1 =	vld [tilespmem:$0x1C0];
	_ =	sdelay $0x7  }
0x4d: {  	[tilespmem:v1+s7+$0x0] =	vst.idx.add.f32.msk $0xffff, v0  }
0x4e: {  	v1 =	vld [tilespmem:$0x1D0];
	_ =	sdelay $0x7  }
0x4f: {  	[tilespmem:v1+s7+$0x0] =	vst.idx.add.f32.msk $0xffff, v0  }
0x50: {  	v1 =	vld [tilespmem:$0x1E0];
	_ =	sdelay $0x7  }
0x51: {  	[tilespmem:v1+s7+$0x0] =	vst.idx.add.f32.msk $0xffff, v0  }
0x52: {  	v1 =	vld [tilespmem:$0x1F0];
	_ =	sdelay $0x7  }
0x53: {  	[tilespmem:v1+s7+$0x0] =	vst.idx.add.f32.msk $0xffff, v0  }
0x54: {  	v1 =	vld [tilespmem:$0x200];
	_ =	sdelay $0x7  }
0x55: {  	[tilespmem:v1+s7+$0x0] =	vst.idx.add.f32.msk $0xffff, v0  }
0x56: {  	v1 =	vld [tilespmem:$0x210];
	_ =	sdelay $0x7  }
0x57: {  	[tilespmem:v1+s7+$0x0] =	vst.idx.add.f32.msk $0xffff, v0  }
0x58: {  	v1 =	vld [tilespmem:$0x220];
	_ =	sdelay $0x7  }
0x59: {  	[tilespmem:v1+s7+$0x0] =	vst.idx.add.f32.msk $0xffff, v0  }
0x5a: {  	v1 =	vld [tilespmem:$0x230];
	_ =	sdelay $0x7  }
0x5b: {  	[tilespmem:v1+s7+$0x0] =	vst.idx.add.f32.msk $0xffff, v0  }
0x5c: {  	v1 =	vld [tilespmem:$0x240];
	_ =	sdelay $0x7  }
0x5d: {  	[tilespmem:v1+s7+$0x0] =	vst.idx.add.f32.msk $0xffff, v0  }
0x5e: {  	v1 =	vld [tilespmem:$0x250];
	_ =	sdelay $0x7  }
0x5f: {  	[tilespmem:v1+s7+$0x0] =	vst.idx.add.f32.msk $0xffff, v0  }
0x60: {  	v1 =	vld [tilespmem:$0x260];
	_ =	sdelay $0x7  }
0x61: {  	[tilespmem:v1+s7+$0x0] =	vst.idx.add.f32.msk $0xffff, v0  }
0x62: {  	v1 =	vld [tilespmem:$0x270];
	_ =	sdelay $0x7  }
0x63: {  	[tilespmem:v1+s7+$0x0] =	vst.idx.add.f32.msk $0xffff, v0  }
0x64: {  	v1 =	vld [tilespmem:$0x280];
	_ =	sdelay $0x7  }
0x65: {  	[tilespmem:v1+s7+$0x0] =	vst.idx.add.f32.msk $0xffff, v0  }
0x66: {  	v1 =	vld [tilespmem:$0x290];
	_ =	sdelay $0x7  }
0x67: {  	[tilespmem:v1+s7+$0x0] =	vst.idx.add.f32.msk $0xffff, v0  }
0x68: {  	v1 =	vld [tilespmem:$0x2A0];
	_ =	sdelay $0x7  }
0x69: {  	[tilespmem:v1+s7+$0x0] =	vst.idx.add.f32.msk $0xffff, v0  }
0x6a: {  	v1 =	vld [tilespmem:$0x2B0];
	_ =	sdelay $0x7  }
0x6b: {  	[tilespmem:v1+s7+$0x0] =	vst.idx.add.f32.msk $0xffff, v0  }
0x6c: {  	v1 =	vld [tilespmem:$0x2C0];
	_ =	sdelay $0x7  }
0x6d: {  	[tilespmem:v1+s7+$0x0] =	vst.idx.add.f32.msk $0xffff, v0  }
0x6e: {  	v1 =	vld [tilespmem:$0x2D0];
	_ =	sdelay $0x7  }
0x6f: {  	[tilespmem:v1+s7+$0x0] =	vst.idx.add.f32.msk $0xffff, v0  }
0x70: {  	v1 =	vld [tilespmem:$0x2E0];
	_ =	sdelay $0x7  }
0x71: {  	[tilespmem:v1+s7+$0x0] =	vst.idx.add.f32.msk $0xffff, v0  }
0x72: {  	v1 =	vld [tilespmem:$0x2F0];
	_ =	sdelay $0x7  }
0x73: {  	[tilespmem:v1+s7+$0x0] =	vst.idx.add.f32.msk $0xffff, v0  }
0x74: {  	v1 =	vld [tilespmem:$0x300];
	_ =	sdelay $0x7  }
0x75: {  	[tilespmem:v1+s7+$0x0] =	vst.idx.add.f32.msk $0xffff, v0  }
0x76: {  	v1 =	vld [tilespmem:$0x310];
	_ =	sdelay $0x7  }
0x77: {  	[tilespmem:v1+s7+$0x0] =	vst.idx.add.f32.msk $0xffff, v0  }
0x78: {  	v1 =	vld [tilespmem:$0x320];
	_ =	sdelay $0x7  }
0x79: {  	[tilespmem:v1+s7+$0x0] =	vst.idx.add.f32.msk $0xffff, v0  }
0x7a: {  	v1 =	vld [tilespmem:$0x330];
	_ =	sdelay $0x7  }
0x7b: {  	[tilespmem:v1+s7+$0x0] =	vst.idx.add.f32.msk $0xffff, v0  }
0x7c: {  	v1 =	vld [tilespmem:$0x340];
	_ =	sdelay $0x7  }
0x7d: {  	[tilespmem:v1+s7+$0x0] =	vst.idx.add.f32.msk $0xffff, v0  }
0x7e: {  	v1 =	vld [tilespmem:$0x350];
	_ =	sdelay $0x7  }
0x7f: {  	[tilespmem:v1+s7+$0x0] =	vst.idx.add.f32.msk $0xffff, v0  }
0x80: {  	v1 =	vld [tilespmem:$0x360];
	_ =	sdelay $0x7  }
0x81: {  	[tilespmem:v1+s7+$0x0] =	vst.idx.add.f32.msk $0xffff, v0  }
0x82: {  	v1 =	vld [tilespmem:$0x370];
	_ =	sdelay $0x7  }
0x83: {  	[tilespmem:v1+s7+$0x0] =	vst.idx.add.f32.msk $0xffff, v0  }
0x84: {  	v1 =	vld [tilespmem:$0x380];
	_ =	sdelay $0x7  }
0x85: {  	[tilespmem:v1+s7+$0x0] =	vst.idx.add.f32.msk $0xffff, v0  }
0x86: {  	v1 =	vld [tilespmem:$0x390];
	_ =	sdelay $0x7  }
0x87: {  	[tilespmem:v1+s7+$0x0] =	vst.idx.add.f32.msk $0xffff, v0  }
0x88: {  	v1 =	vld [tilespmem:$0x3A0];
	_ =	sdelay $0x7  }
0x89: {  	[tilespmem:v1+s7+$0x0] =	vst.idx.add.f32.msk $0xffff, v0  }
0x8a: {  	v1 =	vld [tilespmem:$0x3B0];
	_ =	sdelay $0x7  }
0x8b: {  	[tilespmem:v1+s7+$0x0] =	vst.idx.add.f32.msk $0xffff, v0  }
0x8c: {  	v1 =	vld [tilespmem:$0x3C0];
	_ =	sdelay $0x7  }
0x8d: {  	[tilespmem:v1+s7+$0x0] =	vst.idx.add.f32.msk $0xffff, v0  }
0x8e: {  	v1 =	vld [tilespmem:$0x3D0];
	_ =	sdelay $0x7  }
0x8f: {  	[tilespmem:v1+s7+$0x0] =	vst.idx.add.f32.msk $0xffff, v0  }
0x90: {  	v1 =	vld [tilespmem:$0x3E0];
	_ =	sdelay $0x7  }
0x91: {  	[tilespmem:v1+s7+$0x0] =	vst.idx.add.f32.msk $0xffff, v0  }
0x92: {  	v1 =	vld [tilespmem:$0x3F0];
	_ =	sdelay $0x2  }
0x93: {  	p0 =	sne.s32 s10, $0x480  }
.Ltmp0:
0x94: {  	_ = 	snop;
	(pc) =	sbr.rel @p0 .LBB2_2-.Ltmp0, $2  }
0x95: {  	_ =	sdelay $0x2  }
0x96: {  	s10 =	sadd.s32 $0x80, s10;
	[tilespmem:v1+s7+$0x0] =	vst.idx.add.f32.msk $0xffff, v0  }
0x97: {  	s9 =	sadd.s32 $0x1, s9  }
0x98: {  	p0 =	sne.s32 s9, s5  }
.Ltmp1:
0x99: {  	_ = 	snop;
	(pc) =	sbr.rel @p0 .LBB2_1-.Ltmp1, $4  }
0x9a: {  	[hbm4b:s4+s2] =	stream.linear.scatter [tilespmem:s7], [sflag:$0x1], $0x2800, $0x38;
	[tilespmem:$0x2C00] =	vst v63  }
0x9b: {  	_ =	swait.ge [sflag:s8], $0x2800  }
0x9c: {  	[sflag:s8] =	ssyncset.done $0x0  }
0x9d: {  	[sflag:s8] =	ssyncadd.s32 $0xFFFFD800  }
0x9e: {  	_ =	sfence.sel $0x180000  }
0x9f: {  	[bflag:$0x0] =	sbarrier.arrive $0xFFFF  }
0xa0: {  	p0 =	sne.s32 s1, $0x0;
	_ =	strace $0x90000047  }
0xa1: {  	s0 =	sadd.s32 @!p0 $0x100000, s0;
	[bflag:$0x2] =	sbarrier.arrive $0xFFFF  }
0xa2: {  	[sflag:s0] =	ssyncadd.tile.s32 @!p0 $0x1;
	_ =	shalt  }
.Lfunc_end2:
_tile_overlayer_lowered:
.L_overlay_start_2:
0xa3: {  	(tag) =	ssettag $0x2  }
0xa4: {  	s0 =	rddreg [dreg:$0x0];
	s2 =	stileid.u32  }
0xa5: {  	s1 =	rddreg [dreg:$0x1];
	p0 =	sne.s32 s2, $0x0  }
0xa6: {  	s3 =	rddreg [dreg:$0x2];
	[bflag:$0x3] =	sbarrier.arrive $0xFFFF;
	s2 =	simm.s32 @!p0 $0x1C01  }
0xa7: {  	[timem:s3], [sflag:s2] =	dma.local @!p0 [hbm:s0], s1  }
0xa8: {  	s0 =	simm.s32 @!p0 $0x1  }
0xa9: {  	_ =	swait.ge @!p0 [sflag:s0], s1  }
0xaa: {  	s1 =	ssub.s32 @!p0 $0x0, s1;
	[sflag:s0] =	ssyncset.done @!p0 $0x0  }
0xab: {  	[sflag:s0] =	ssyncadd.s32 @!p0 s1  }
0xac: {  	[bflag:$0x3] =	sbarrier.arrive $0xFFFF  }
0xad: {  	_ =	shalt  }

// kernel: kernel.13.cloned.1.call-start
scs
__scs_entry_jumppad:
0x0: {  	(pc) =	sbr.rel $0x88, $3  }
0x1: {  	(tag) =	ssettag $0x0;
	lr =	simm.s32 $0x1  }
0x2: {  	[smem:$0x3F93] =	sst lr;
	_ =	strace $0xD0000000  }
0x3: {  	_ = 	snop  }
0x4: {  	_ = 	snop  }
0x5: {  	_ = 	snop  }
0x6: {  	_ = 	snop  }
0x7: {  	_ = 	snop  }
__scs_overlays_trampoline_lowered:
0x8: {  	[smem:$0x3FA2] =	sst s0  }
0x9: {  	[smem:$0x3FA3] =	sst s1  }
0xa: {  	[smem:$0x3FA4] =	sst s2  }
0xb: {  	[smem:$0x3FA5] =	sst s3  }
0xc: {  	[smem:$0x3FA6] =	sst s4  }
0xd: {  	[smem:$0x3FA7] =	sst s5  }
0xe: {  	[smem:$0x3FA8] =	sst s6  }
0xf: {  	[smem:$0x3FA9] =	sst s7  }
0x10: {  	[smem:$0x3FAA] =	sst s8  }
0x11: {  	[smem:$0x3FAB] =	sst s9;
	s0 =	simm.s32 @!p0 $0x0  }
0x12: {  	s1 =	sld [smem:$0x3F91];
	s0 =	simm.s32 @p0 $0x1  }
0x13: {  	[smem:$0x3FAC] =	sst s0;
	s0 =	simm.s32 @!p1 $0x0  }
0x14: {  	s2 =	sld [smem:$0x3F90];
	s0 =	simm.s32 @p1 $0x1  }
0x15: {  	[smem:$0x3FAD] =	sst s0;
	s0 =	simm.s32 @!p2 $0x0  }
0x16: {  	s3 =	sld [smem:$0x3FDB];
	s0 =	simm.s32 @p2 $0x1  }
0x17: {  	s4 =	simm.s32 $0x1BF5;
	[smem:$0x3FAF] =	sst s0  }
0x18: {  	s0 =	sld [smem:$0x3F92];
	_ =	swait.ge [sflag:s4], $0x0  }
0x19: {  	s7 =	sld [smem:$0x3F93]  }
0x1a: {  	s8 =	sadd.s32 $0xFFFFE003, lr  }
0x1b: {  	s9 =	sadd.s32 $0xFFFFFEF7, lr;
	s5 =	simm.s32 $0xFFFFFFFF;
	p2 =	slt.u32 s8, $0xFFFFF086  }
0x1c: {  	p1 =	slt.u32 s9, $0xF7A;
	s5 =	simm.s32 @!p2 $0x0  }
0x1d: {  	s5 =	simm.s32 @p1 $0x1;
	p0 =	seq.s32 s7, s2  }
0x1e: {  	s7 =	smul.u32 @!p0 $0xF7A, s2;
	p2 =	seq.s32 @!p0 s5, $0x0  }
0x1f: {  	s9 =	smul.u32 $0xF7A, s1;
	s8 =	simm.s32 @!p0 $0x1BF5;
	p2 =	por !p2, p0  }
0x20: {  	[sflag:s8] =	ssyncset.s32 @!p0 $0xFFFFF086;
	s6 =	sadd.s32 @!p0 s3, s7;
	s7 =	simm.s32 @!p0 $0x108  }
0x21: {  	s3 =	sadd.s32 s3, s9;
	s6 =	sadd.s32 @!p0 $0x88, s6;
	s7 =	simm.s32 @p2 $0x1082  }
0x22: {  	[simem:s7], [sflag:s8] =	dma.local @!p0 [hbm:s6], $0xF7A  }
0x23: {  	s9 =	sor.u32 $0xD0000000, s2;
	s6 =	simm.s32 $0x108;
	_ =	swait.ge @!p0 [sflag:s8], $0x0  }
0x24: {  	s3 =	sadd.s32 $0x88, s3;
	s6 =	simm.s32 @!p1 $0x1082;
	[sflag:s4] =	ssyncset.s32 $0xFFFFF086  }
0x25: {  	[simem:s6], [sflag:s4] =	dma.local [hbm:s3], $0xF7A  }
0x26: {  	[smem:$0x3F93] =	sst s1;
	(tag) =	ssettag s2;
	_ =	strace s9  }
0x27: {  	s1 =	sld [smem:$0x3FA3]  }
0x28: {  	s2 =	sld [smem:$0x3FA4]  }
0x29: {  	s4 =	sld [smem:$0x3FA6]  }
0x2a: {  	p0 =	seq.s32 s5, $0x0;
	s5 =	sld [smem:$0x3FA7]  }
0x2b: {  	s6 =	sld [smem:$0x3FA8]  }
0x2c: {  	s7 =	sld [smem:$0x3FA9]  }
0x2d: {  	s3 =	simm.s32 $0x108;
	s8 =	sld [smem:$0x3FAA]  }
0x2e: {  	s3 =	simm.s32 @!p0 $0x1082;
	s9 =	sld [smem:$0x3FAB]  }
0x2f: {  	lr =	sadd.s32 s0, s3;
	s0 =	sld [smem:$0x3FA2]  }
0x30: {  	s3 =	sld [smem:$0x3FA5]  }
0x31: {  	[smem:$0x3FAE] =	sst s10  }
0x32: {  	s10 =	sld [smem:$0x3FAC];
	_ =	sdelay $0x3  }
0x33: {  	p0 =	seq.s32 s10, $0x1;
	s10 =	sld [smem:$0x3FAE];
	_ =	sdelay $0x3  }
0x34: {  	[smem:$0x3FAE] =	sst s10  }
0x35: {  	s10 =	sld [smem:$0x3FAD];
	_ =	sdelay $0x3  }
0x36: {  	p1 =	seq.s32 s10, $0x1;
	s10 =	sld [smem:$0x3FAE];
	_ =	sdelay $0x3  }
0x37: {  	[smem:$0x3FAE] =	sst s10  }
0x38: {  	s10 =	sld [smem:$0x3FAF]  }
0x39: {  	_ = 	snop;
	(pc) =	sbr.ind lr, $3  }
0x3a: {  	_ = 	snop  }
0x3b: {  	_ = 	snop  }
0x3c: {  	p2 =	seq.s32 s10, $0x1;
	s10 =	sld [smem:$0x3FAE]  }
0x3d: {  	_ =	shalt  }
0x3e: {  	_ =	shalt  }
0x3f: {  	_ =	shalt  }
0x40: {  	_ =	shalt  }
0x41: {  	_ =	shalt  }
0x42: {  	_ =	shalt  }
0x43: {  	_ =	shalt  }
0x44: {  	_ =	shalt  }
0x45: {  	_ =	shalt  }
0x46: {  	_ =	shalt  }
0x47: {  	_ =	shalt  }
0x48: {  	_ =	shalt  }
0x49: {  	_ =	shalt  }
0x4a: {  	_ =	shalt  }
0x4b: {  	_ =	shalt  }
0x4c: {  	_ =	shalt  }
0x4d: {  	_ =	shalt  }
0x4e: {  	_ =	shalt  }
0x4f: {  	_ =	shalt  }
0x50: {  	_ =	shalt  }
0x51: {  	_ =	shalt  }
0x52: {  	_ =	shalt  }
0x53: {  	_ =	shalt  }
0x54: {  	_ =	shalt  }
0x55: {  	_ =	shalt  }
0x56: {  	_ =	shalt  }
0x57: {  	_ =	shalt  }
0x58: {  	_ =	shalt  }
0x59: {  	_ =	shalt  }
0x5a: {  	_ =	shalt  }
0x5b: {  	_ =	shalt  }
0x5c: {  	_ =	shalt  }
0x5d: {  	_ =	shalt  }
0x5e: {  	_ =	shalt  }
0x5f: {  	_ =	shalt  }
0x60: {  	_ =	shalt  }
0x61: {  	_ =	shalt  }
0x62: {  	_ =	shalt  }
0x63: {  	_ =	shalt  }
0x64: {  	_ =	shalt  }
0x65: {  	_ =	shalt  }
0x66: {  	_ =	shalt  }
0x67: {  	_ =	shalt  }
0x68: {  	_ =	shalt  }
0x69: {  	_ =	shalt  }
0x6a: {  	_ =	shalt  }
0x6b: {  	_ =	shalt  }
0x6c: {  	_ =	shalt  }
0x6d: {  	_ =	shalt  }
0x6e: {  	_ =	shalt  }
0x6f: {  	_ =	shalt  }
0x70: {  	_ =	shalt  }
0x71: {  	_ =	shalt  }
0x72: {  	_ =	shalt  }
0x73: {  	_ =	shalt  }
0x74: {  	_ =	shalt  }
0x75: {  	_ =	shalt  }
0x76: {  	_ =	shalt  }
0x77: {  	_ =	shalt  }
0x78: {  	_ =	shalt  }
0x79: {  	_ =	shalt  }
0x7a: {  	_ =	shalt  }
0x7b: {  	_ =	shalt  }
0x7c: {  	_ =	shalt  }
0x7d: {  	_ =	shalt  }
0x7e: {  	_ =	shalt  }
0x7f: {  	_ =	shalt  }
0x80: {  	_ =	shalt  }
0x81: {  	_ =	shalt  }
0x82: {  	_ =	shalt  }
0x83: {  	_ =	shalt  }
0x84: {  	_ =	shalt  }
0x85: {  	_ =	shalt  }
0x86: {  	_ =	shalt  }
0x87: {  	_ =	shalt  }
.Lfunc_end0:
.L_simem_size_0:
called_computation.1_lowered:
.L_overlay_start_0:
0x88: {  	s2 =	sld [smem:$0x3FD9]  }
0x89: {  	s3 =	sld [smem:$0x3FFE];
	_ =	sdelay $0x1  }
0x8a: {  	s1 =	srdreg.scid  }
0x8b: {  	s0 =	sand.u32 $0x1, s1  }
0x8c: {  	s15 =	sshll.u32 s0, $0xA;
	s2 =	sadd.s32 s3, s2  }
0x8d: {  	s2 =	sadd.s32 s2, s15  }
0x8e: {  	[smem:$0x3FBA] =	sst s2  }
0x8f: {  	_ = 	snop  }
0x90: {  	s2 =	sld [smem:$0x3FD0];
	_ =	sdelay $0x2  }
0x91: {  	s5 =	simm.s32 $0xB;
	s4 =	simm.s32 $0x10;
	s16 =	sld [smem:$0x3FC9]  }
0x92: {  	[smem:s4], [sflag:s5] =	dma.local [hbm:s2], $0x1  }
0x93: {  	_ =	swait.eq [sflag:s5], $0x1  }
0x94: {  	[sflag:s5] =	ssyncset.done $0x0  }
0x95: {  	s17 =	sld [smem:$0x10];
	[sflag:s5] =	ssyncadd.s32 $0xFFFFFFFF  }
0x96: {  	s18 =	sld [smem:$0x11];
	(tm) =	ssettm $0x1  }
0x97: {  	s19 =	sld [smem:$0x3FFB];
	_ =	sdelay $0x3  }
0x98: {  	_ =	strace s19  }
0x99: {  	s2 =	sld [smem:$0x3FFC];
	_ =	sdelay $0x3  }
0x9a: {  	_ =	strace s2  }
0x9b: {  	s2 =	sld [smem:$0x3FFD];
	_ =	sdelay $0x3  }
0x9c: {  	_ =	strace s2  }
0x9d: {  	_ =	strace $0x8FFFFFFF  }
0x9e: {  	s20 =	sld [smem:$0x3FDB];
	_ =	sdelay $0x1  }
0x9f: {  	s6 =	simm.s32 $_scs_section_size  }
0xa0: {  	s7 =	simm.s32 $_size__tile_overlayer_lowered;
	s8 =	simm.s32 $_tile_overlayer_lowered  }
0xa1: {  	s9 =	simm.s32 $0x1BFF;
	s21 =	sshll.u32 s8, $0x1;
	s6 =	sadd.s32 s6, s20  }
0xa2: {  	s22 =	simm.s32 $0x0;
	s7 =	sshll.u32 s7, $0x1;
	s8 =	sadd.s32 s21, s6  }
0xa3: {  	[timem:s22], [sflag:s9] =	dma.local [hbm:s8], s7  }
0xa4: {  	_ =	swait.ge [sflag:s9], s7  }
0xa5: {  	s7 =	ssub.s32 $0x0, s7;
	[sflag:s9] =	ssyncset.done $0x0  }
0xa6: {  	[sflag:s9] =	ssyncadd.s32 s7;
	_ =	sdelay $0x1  }
0xa7: {  	s23 =	simm.s32 $0x1B8B  }
0xa8: {  	_ =	swait.ge [sflag:s23], $0x1  }
0xa9: {  	[sflag:s23] =	ssyncset.done $0x0  }
0xaa: {  	[sflag:s23] =	ssyncadd.s32 $0xFFFFFFFF  }
0xab: {  	s7 =	sld [smem:$0x0]  }
0xac: {  	s8 =	sand.u32 $0xFFFFFFFE, s1  }
0xad: {  	p0 =	sne.s32 s1, s8  }
0xae: {  	s8 =	sshll.u32 @p0 s8, $0xE  }
0xaf: {  	s8 =	sadd.s32 @p0 $0x11B8D, s8;
	s9 =	sshll.u32 @p0 s7, $0x11  }
0xb0: {  	s8 =	sor.u32 @p0 s9, s8  }
0xb1: {  	[sflag:s8] =	ssyncadd.remote.s32 @p0 $0x1;
	_ =	sdelay $0x1  }
0xb2: {  	s8 =	simm.s32 @p0 $0x1B8D  }
0xb3: {  	_ =	swait.eq @p0 [sflag:s8], $0x1  }
0xb4: {  	[sflag:s8] =	ssyncadd.s32 @p0 $0xFFFFFFFF  }
0xb5: {  	s9 =	sshll.u32 @!p0 s1, $0xE  }
0xb6: {  	s9 =	sor.u32 @!p0 $0x4000, s9;
	s8 =	simm.s32 @!p0 $0x1B8D  }
0xb7: {  	s7 =	sshll.u32 @!p0 s7, $0x11;
	s9 =	sadd.s32 @!p0 $0x11B8D, s9;
	_ =	swait.eq @!p0 [sflag:s8], $0x1  }
0xb8: {  	s7 =	sor.u32 @!p0 s7, s9;
	[sflag:s8] =	ssyncadd.s32 @!p0 $0xFFFFFFFF  }
0xb9: {  	s25 =	simm.s32 $0x1B8E;
	s24 =	sld [smem:$0x3FFE];
	[sflag:s7] =	ssyncadd.remote.s32 @!p0 $0x1  }
0xba: {  	s26 =	simm.s32 $execute0_lowered;
	[smem:$0x3FD2] =	sst s25  }
0xbb: {  	s8 =	sshll.u32 s26, $0x1;
	_ =	strace $0x80000049;
	[dreg:$0x1] =	wrdreg $0xFFFFFFFF  }
0xbc: {  	s28 =	simm.s32 $_size_execute0_lowered;
	s6 =	sadd.s32 s6, s8;
	[dreg:$0x0] =	wrdreg $0x0  }
0xbd: {  	s8 =	sshll.u32 s28, $0x1;
	[dreg:$0x2] =	wrdreg s6  }
0xbe: {  	[dreg:$0x3] =	wrdreg s8  }
0xbf: {  	[dreg:$0x4] =	wrdreg $0xC0  }
0xc0: {  	_ =	task [dreg:s22], $0x5FFFF  }
0xc1: {  	[dreg:$0x1] =	wrdreg $0xFFFFFFFF  }
0xc2: {  	[dreg:$0x0] =	wrdreg $0x60  }
0xc3: {  	[dreg:$0x2] =	wrdreg s16  }
0xc4: {  	[dreg:$0x3] =	wrdreg s18  }
0xc5: {  	[dreg:$0x4] =	wrdreg s17  }
0xc6: {  	[dreg:$0x5] =	wrdreg s24  }
0xc7: {  	[dreg:$0x6] =	wrdreg $0x90000  }
0xc8: {  	[dreg:$0x7] =	wrdreg $0xA  }
0xc9: {  	_ =	task.clear_ibuf [dreg:s22], $0x8FFFF;
	_ =	strace $0x90000049  }
0xca: {  	s29 =	simm.s32 $0xA;
	_ =	strace $0x8000004B  }
0xcb: {  	_ =	swait.ge [sflag:s29], $0x1  }
0xcc: {  	[sflag:s29] =	ssyncadd.s32 $0xFFFFFFFF  }
0xcd: {  	_ =	strace $0x9000004B  }
0xce: {  	_ =	sfence  }
0xcf: {  	s30 =	sld [smem:$0x0];
	_ =	sdelay $0x2  }
0xd0: {  	s31 =	sshll.u32 s1, $0xD;
	s1 =	sshrl.u32 s1, $0x2  }
0xd1: {  	s4 =	sand.u32 $0x4000, s31;
	s1 =	sadd.s32 s1, s30  }
0xd2: {  	s0 =	sor.u32 s4, s0;
	s1 =	sshll.u32 s1, $0x11  }
0xd3: {  	s0 =	sor.u32 s1, s0  }
0xd4: {  	s0 =	sadd.s32 $0x8F2B, s0  }
0xd5: {  	[sflag:s0] =	ssyncadd.remote.s32 $0x1  }
0xd6: {  	_ =	sfence.sel $0xFFFF  }
0xd7: {  	[dreg:$0x0] =	wrdreg $0xFFFFFFFF;
	(pc) =	sbr.abs _section_cstart, $3  }
0xd8: {  	[dreg:$0x1] =	wrdreg $0xFFFFFFFF  }
0xd9: {  	_ =	task.clear_ibuf [dreg:s22], $0x2FFFF;
	_ =	strace $0x9FFFFFFF  }
0xda: {  	(tm) =	ssettm $0x7FFFFFFF  }
0xdb: {  	_ =	shalt  }
tec
execute0_lowered:
.L_overlay_start_1:
0x0: {  	(tag) =	ssettag $0x1  }
0x1: {  	s1 =	rddreg [dreg:$0x0]  }
0x2: {  	s0 =	rddreg [dreg:$0x1]  }
0x3: {  	s2 =	rddreg [dreg:$0x2]  }
0x4: {  	s5 =	rddreg [dreg:$0x3]  }
0x5: {  	s3 =	rddreg [dreg:$0x4];
	s12 =	stileid.u32  }
0x6: {  	s6 =	srdreg.scid;
	s4 =	simm.s32 $0x0;
	s25 =	simm.s32 $0x100  }
0x7: {  	s26 =	simm.s32 $0x880;
	s28 =	simm.s32 $0xD80;
	s7 =	smul.u32 $0x14000, s12  }
0x8: {  	s29 =	simm.s32 $0x680;
	s30 =	simm.s32 $0xE00;
	s15 =	smul.u32 $0x50000, s12  }
0x9: {  	s31 =	simm.s32 $0x700;
	s6 =	sand.u32 $0x1, s6;
	s18 =	smul.u32 $0x500, s12  }
0xa: {  	[smem:$0x7FF] =	sst s4;
	s21 =	sshll.u32 s12, $0x6;
	s8 =	smul.u32 $0x140000, s6  }
0xb: {  	_ =	strace $0x8000004A;
	s10 =	sshll.u32 s6, $0x4;
	s13 =	ssub.s32 $0x2, s6  }
0xc: {  	s6 =	smul.u32 $0x5000, s6;
	s23 =	sor.u32 $0x1C05, s21;
	[dreg:$0x8] =	wrdreg s25  }
0xd: {  	[dreg:$0x9] =	wrdreg s26;
	s21 =	simm.s32 $0xB00;
	s25 =	simm.s32 $0xC80  }
0xe: {  	s26 =	simm.s32 $0x580;
	s9 =	sshrl.u32 s7, $0x3;
	s11 =	sor.u32 s12, s10  }
0xf: {  	s14 =	sshrl.u32 s13, $0x1;
	s10 =	simm.s32 $0x900;
	[dreg:$0x13] =	wrdreg s21  }
0x10: {  	s12 =	simm.s32 $0x200;
	s21 =	simm.s32 $0x5000;
	[dreg:$0x17] =	wrdreg s25  }
0x11: {  	[dreg:$0x18] =	wrdreg s26;
	s25 =	simm.s32 $0xD00;
	s26 =	simm.s32 $0x600  }
0x12: {  	s9 =	sadd.s32 s9, s5;
	s7 =	sadd.s32 s7, s8;
	s11 =	smul.u32 $0x500, s11  }
0x13: {  	s8 =	sshrl.u32 s15, $0x2;
	s20 =	sadd.s32 s6, s0;
	[dreg:$0xb] =	wrdreg s10  }
0x14: {  	s6 =	sadd.s32 s6, s2;
	[dreg:$0xc] =	wrdreg s12;
	s15 =	simm.s32 $0x980  }
0x15: {  	s7 =	sshrl.u32 s7, $0x3;
	s19 =	sadd.s32 $0x3600, s9;
	[dreg:$0xd] =	wrdreg s15  }
0x16: {  	s22 =	sadd.s32 s18, s20;
	s6 =	sadd.s32 s18, s6;
	[dreg:$0x1b] =	wrdreg s19  }
0x17: {  	s9 =	smov.u32 s23;
	s15 =	simm.s32 $0x5;
	[dreg:$0x6] =	wrdreg s22  }
0x18: {  	s18 =	simm.s32 $0x300;
	s20 =	simm.s32 $0x380;
	[dreg:$0x7] =	wrdreg s6  }
0x19: {  	s23 =	simm.s32 $0x480;
	s5 =	sadd.s32 s7, s5;
	[dreg:$0x10] =	wrdreg s18  }
0x1a: {  	s7 =	ssub.s32 s13, s14;
	s16 =	sadd.s32 s0, s11;
	[dreg:$0x12] =	wrdreg s20  }
0x1b: {  	s17 =	sadd.s32 s2, s11;
	s14 =	sadd.s32 s8, s3;
	[dreg:$0x15] =	wrdreg s23  }
0x1c: {  	s24 =	sor.u32 $0x80, s11;
	s6 =	simm.s32 $0x180;
	[dreg:$0x19] =	wrdreg s16  }
0x1d: {  	s13 =	simm.s32 $0x800;
	s19 =	simm.s32 $0xA80;
	[dreg:$0x1a] =	wrdreg s17  }
0x1e: {  	s18 =	simm.s32 $0xC00;
	s20 =	simm.s32 $0x1000;
	[dreg:$0xa] =	wrdreg s6  }
0x1f: {  	s22 =	simm.s32 $0xB80;
	s23 =	simm.s32 $0x4;
	[dreg:$0x11] =	wrdreg s19  }
0x20: {  	s0 =	sadd.s32 s0, s24;
	s2 =	sadd.s32 s2, s24;
	[dreg:$0x14] =	wrdreg s22  }
0x21: {  	s8 =	sadd.s32 $0x35600, s5;
	s11 =	smax.u32 s7, $0x1;
	[dreg:$0x1c] =	wrdreg s0  }
0x22: {  	s10 =	sshrl.u32 s14, $0x3;
	s16 =	simm.s32 $0x280;
	[dreg:$0x1d] =	wrdreg s2  }
0x23: {  	s17 =	simm.s32 $0xA00;
	s19 =	simm.s32 $0x80;
	[dreg:$0x1e] =	wrdreg s8  }
0x24: {  	s22 =	simm.s32 $0x3;
	s24 =	simm.s32 $0x500;
	[dreg:$0x1f] =	wrdreg s11  }
0x25: {  	s5 =	simm.s32 $0xF00;
	s6 =	simm.s32 $0xF80;
	[dreg:$0xe] =	wrdreg s16  }
0x26: {  	s7 =	simm.s32 $0x0;
	s16 =	simm.s32 $0x1;
	[dreg:$0xf] =	wrdreg s17  }
0x27: {  	s17 =	simm.s32 $0x400;
	[dreg:$0x16] =	wrdreg s24;
	s24 =	simm.s32 $0x2  }
0x28: {  	s0 =	simm.s32 $0xE80;
	s2 =	simm.s32 $0x780;
	[smem:$0x7FD] =	sst s10  }
.LBB2_1:
0x29: {  	s8 =	rddreg [dreg:$0x19]  }
0x2a: {  	s11 =	rddreg [dreg:$0x1a]  }
0x2b: {  	[tilespmem:s4], [sflag:$0x1] =	stream.linear.gather [hbm4b:s8+s4], $0x400, $0x38;
	[tilespmem:$0x1D000] =	vst v63  }
0x2c: {  	s12 =	rddreg [dreg:$0x1b]  }
0x2d: {  	[tilespmem:s13], [sflag:$0x1] =	stream.linear.gather [hbm4b:s11+s4], $0x400, $0x38;
	[tilespmem:$0x1D000] =	vst v63  }
0x2e: {  	[spmem:s10], [sflag:s9] =	dma.local [hbm:s12], $0x2800  }
0x2f: {  	_ =	swait.ge [sflag:s15], $0x2800  }
0x30: {  	[sflag:s15] =	ssyncset.done $0x0  }
0x31: {  	[sflag:s15] =	ssyncadd.s32 $0xFFFFD800  }
0x32: {  	[bflag:$0x0] =	sbarrier.arrive $0xFFFF  }
0x33: {  	_ =	swait.ge [sflag:s16], $0x400  }
0x34: {  	[sflag:s16] =	ssyncset.done $0x0  }
0x35: {  	[sflag:s16] =	ssyncadd.s32 $0xFFFFFC00  }
0x36: {  	_ =	swait.ge [sflag:s16], $0x400  }
0x37: {  	[sflag:s16] =	ssyncset.done $0x0  }
0x38: {  	s14 =	smov.u32 s9;
	s9 =	rddreg [dreg:$0x1c];
	[sflag:s16] =	ssyncadd.s32 $0xFFFFFC00  }
0x39: {  	[tilespmem:s17], [sflag:$0x2] =	stream.linear.gather [hbm4b:s9+s4], $0x400, $0x38;
	[tilespmem:$0x1D000] =	vst v63  }
0x3a: {  	s10 =	rddreg [dreg:$0x1d]  }
0x3b: {  	[tilespmem:s18], [sflag:$0x2] =	stream.linear.gather [hbm4b:s10+s4], $0x400, $0x38;
	[tilespmem:$0x1D000] =	vst v63  }
0x3c: {  	_ = 	snop  }
0x3d: {  	[tilespmem:s20], [sflag:$0x3] =	stream.indirect.gather [hbm4b:s1+s19], $0x80, s4, s19, $0xb8;
	[tilespmem:$0x1D000] =	vst v63  }
0x3e: {  	_ = 	snop  }
0x3f: {  	[tilespmem:s21], [sflag:$0x4] =	stream.indirect.gather [hbm4b:s1+s19], $0x80, s19, s19, $0xb8;
	[tilespmem:$0x1D000] =	vst v63  }
0x40: {  	_ =	swait.ge [sflag:s22], $0x4000  }
0x41: {  	[sflag:s22] =	ssyncset.done $0x0  }
0x42: {  	[sflag:s22] =	ssyncadd.s32 $0xFFFFC000  }
0x43: {  	[spmem:s3] =	stream.indirect.scatter.add.f32 [tilespmem:s20], [sflag:$0x5], $0x80, s13, s19, $0xb8;
	[tilespmem:$0x1D000] =	vst v63  }
0x44: {  	_ =	swait.ge [sflag:s15], $0x4000  }
0x45: {  	[sflag:s15] =	ssyncset.done $0x0  }
0x46: {  	s11 =	rddreg [dreg:$0x8];
	[sflag:s15] =	ssyncadd.s32 $0xFFFFC000  }
0x47: {  	[tilespmem:s20], [sflag:$0x3] =	stream.indirect.gather [hbm4b:s1+s19], $0x80, s11, s19, $0xb8;
	[tilespmem:$0x1D000] =	vst v63  }
0x48: {  	_ =	swait.ge [sflag:s23], $0x4000  }
0x49: {  	[sflag:s23] =	ssyncset.done $0x0  }
0x4a: {  	s12 =	rddreg [dreg:$0x9];
	[sflag:s23] =	ssyncadd.s32 $0xFFFFC000  }
0x4b: {  	[spmem:s3] =	stream.indirect.scatter.add.f32 [tilespmem:s21], [sflag:$0x5], $0x80, s12, s19, $0xb8;
	[tilespmem:$0x1D000] =	vst v63  }
0x4c: {  	_ =	swait.ge [sflag:s15], $0x4000  }
0x4d: {  	[sflag:s15] =	ssyncset.done $0x0  }
0x4e: {  	s8 =	rddreg [dreg:$0xa];
	[sflag:s15] =	ssyncadd.s32 $0xFFFFC000  }
0x4f: {  	[tilespmem:s21], [sflag:$0x4] =	stream.indirect.gather [hbm4b:s1+s19], $0x80, s8, s19, $0xb8;
	[tilespmem:$0x1D000] =	vst v63  }
0x50: {  	_ =	swait.ge [sflag:s22], $0x4000  }
0x51: {  	[sflag:s22] =	ssyncset.done $0x0  }
0x52: {  	s10 =	rddreg [dreg:$0xb];
	[sflag:s22] =	ssyncadd.s32 $0xFFFFC000  }
0x53: {  	[spmem:s3] =	stream.indirect.scatter.add.f32 [tilespmem:s20], [sflag:$0x5], $0x80, s10, s19, $0xb8;
	[tilespmem:$0x1D000] =	vst v63  }
0x54: {  	_ =	swait.ge [sflag:s15], $0x4000  }
0x55: {  	[sflag:s15] =	ssyncset.done $0x0  }
0x56: {  	s11 =	rddreg [dreg:$0xc];
	[sflag:s15] =	ssyncadd.s32 $0xFFFFC000  }
0x57: {  	[tilespmem:s20], [sflag:$0x3] =	stream.indirect.gather [hbm4b:s1+s19], $0x80, s11, s19, $0xb8;
	[tilespmem:$0x1D000] =	vst v63  }
0x58: {  	_ =	swait.ge [sflag:s23], $0x4000  }
0x59: {  	[sflag:s23] =	ssyncset.done $0x0  }
0x5a: {  	s12 =	rddreg [dreg:$0xd];
	[sflag:s23] =	ssyncadd.s32 $0xFFFFC000  }
0x5b: {  	[spmem:s3] =	stream.indirect.scatter.add.f32 [tilespmem:s21], [sflag:$0x5], $0x80, s12, s19, $0xb8;
	[tilespmem:$0x1D000] =	vst v63  }
0x5c: {  	_ =	swait.ge [sflag:s15], $0x4000  }
0x5d: {  	[sflag:s15] =	ssyncset.done $0x0  }
0x5e: {  	s8 =	rddreg [dreg:$0xe];
	[sflag:s15] =	ssyncadd.s32 $0xFFFFC000  }
0x5f: {  	[tilespmem:s21], [sflag:$0x4] =	stream.indirect.gather [hbm4b:s1+s19], $0x80, s8, s19, $0xb8;
	[tilespmem:$0x1D000] =	vst v63  }
0x60: {  	_ =	swait.ge [sflag:s22], $0x4000  }
0x61: {  	[sflag:s22] =	ssyncset.done $0x0  }
0x62: {  	s10 =	rddreg [dreg:$0xf];
	[sflag:s22] =	ssyncadd.s32 $0xFFFFC000  }
0x63: {  	[spmem:s3] =	stream.indirect.scatter.add.f32 [tilespmem:s20], [sflag:$0x5], $0x80, s10, s19, $0xb8;
	[tilespmem:$0x1D000] =	vst v63  }
0x64: {  	_ =	swait.ge [sflag:s15], $0x4000  }
0x65: {  	[sflag:s15] =	ssyncset.done $0x0  }
0x66: {  	s11 =	rddreg [dreg:$0x10];
	[sflag:s15] =	ssyncadd.s32 $0xFFFFC000  }
0x67: {  	[tilespmem:s20], [sflag:$0x3] =	stream.indirect.gather [hbm4b:s1+s19], $0x80, s11, s19, $0xb8;
	[tilespmem:$0x1D000] =	vst v63  }
0x68: {  	_ =	swait.ge [sflag:s23], $0x4000  }
0x69: {  	[sflag:s23] =	ssyncset.done $0x0  }
0x6a: {  	s12 =	rddreg [dreg:$0x11];
	[sflag:s23] =	ssyncadd.s32 $0xFFFFC000  }
0x6b: {  	[spmem:s3] =	stream.indirect.scatter.add.f32 [tilespmem:s21], [sflag:$0x5], $0x80, s12, s19, $0xb8;
	[tilespmem:$0x1D000] =	vst v63  }
0x6c: {  	_ =	swait.ge [sflag:s15], $0x4000  }
0x6d: {  	[sflag:s15] =	ssyncset.done $0x0  }
0x6e: {  	s8 =	rddreg [dreg:$0x12];
	[sflag:s15] =	ssyncadd.s32 $0xFFFFC000  }
0x6f: {  	[tilespmem:s21], [sflag:$0x4] =	stream.indirect.gather [hbm4b:s1+s19], $0x80, s8, s19, $0xb8;
	[tilespmem:$0x1D000] =	vst v63  }
0x70: {  	_ =	swait.ge [sflag:s22], $0x4000  }
0x71: {  	[sflag:s22] =	ssyncset.done $0x0  }
0x72: {  	s10 =	rddreg [dreg:$0x13];
	[sflag:s22] =	ssyncadd.s32 $0xFFFFC000  }
0x73: {  	[spmem:s3] =	stream.indirect.scatter.add.f32 [tilespmem:s20], [sflag:$0x5], $0x80, s10, s19, $0xb8;
	[tilespmem:$0x1D000] =	vst v63  }
0x74: {  	_ =	swait.ge [sflag:s15], $0x4000  }
0x75: {  	[sflag:s15] =	ssyncset.done $0x0  }
0x76: {  	[sflag:s15] =	ssyncadd.s32 $0xFFFFC000  }
0x77: {  	_ =	swait.ge [sflag:s24], $0x400  }
0x78: {  	[sflag:s24] =	ssyncset.done $0x0  }
0x79: {  	[sflag:s24] =	ssyncadd.s32 $0xFFFFFC00  }
0x7a: {  	_ =	swait.ge [sflag:s24], $0x400  }
0x7b: {  	[sflag:s24] =	ssyncset.done $0x0  }
0x7c: {  	[sflag:s24] =	ssyncadd.s32 $0xFFFFFC00  }
0x7d: {  	[tilespmem:s20], [sflag:$0x3] =	stream.indirect.gather [hbm4b:s1+s19], $0x80, s17, s19, $0xb8;
	[tilespmem:$0x1D000] =	vst v63  }
0x7e: {  	_ =	swait.ge [sflag:s23], $0x4000  }
0x7f: {  	s11 =	rddreg [dreg:$0x6]  }
0x80: {  	s12 =	rddreg [dreg:$0x7];
	[sflag:s23] =	ssyncset.done $0x0;
	s9 =	sadd.s32 $0x0, s11  }
0x81: {  	[sflag:s23] =	ssyncadd.s32 $0xFFFFC000;
	s10 =	sadd.s32 $0x0, s12;
	s11 =	sadd.s32 $0x100, s9  }
0x82: {  	[tilespmem:s4], [sflag:$0x1] =	stream.linear.gather [hbm4b:s11+s4], $0x400, $0x38;
	[tilespmem:$0x1D000] =	vst v63  }
0x83: {  	s12 =	sadd.s32 $0x100, s10  }
0x84: {  	[tilespmem:s13], [sflag:$0x1] =	stream.linear.gather [hbm4b:s12+s4], $0x400, $0x38;
	[tilespmem:$0x1D000] =	vst v63  }
0x85: {  	s8 =	rddreg [dreg:$0x14]  }
0x86: {  	[spmem:s3] =	stream.indirect.scatter.add.f32 [tilespmem:s21], [sflag:$0x5], $0x80, s8, s19, $0xb8;
	[tilespmem:$0x1D000] =	vst v63  }
0x87: {  	_ =	swait.ge [sflag:s15], $0x4000  }
0x88: {  	[sflag:s15] =	ssyncset.done $0x0  }
0x89: {  	s12 =	rddreg [dreg:$0x15];
	[sflag:s15] =	ssyncadd.s32 $0xFFFFC000  }
0x8a: {  	[tilespmem:s21], [sflag:$0x4] =	stream.indirect.gather [hbm4b:s1+s19], $0x80, s12, s19, $0xb8;
	[tilespmem:$0x1D000] =	vst v63  }
0x8b: {  	_ =	swait.ge [sflag:s22], $0x4000  }
0x8c: {  	[sflag:s22] =	ssyncset.done $0x0  }
0x8d: {  	[sflag:s22] =	ssyncadd.s32 $0xFFFFC000  }
0x8e: {  	[spmem:s3] =	stream.indirect.scatter.add.f32 [tilespmem:s20], [sflag:$0x5], $0x80, s18, s19, $0xb8;
	[tilespmem:$0x1D000] =	vst v63  }
0x8f: {  	_ =	swait.ge [sflag:s15], $0x4000  }
0x90: {  	[sflag:s15] =	ssyncset.done $0x0  }
0x91: {  	s8 =	rddreg [dreg:$0x16];
	[sflag:s15] =	ssyncadd.s32 $0xFFFFC000  }
0x92: {  	[tilespmem:s20], [sflag:$0x3] =	stream.indirect.gather [hbm4b:s1+s19], $0x80, s8, s19, $0xb8;
	[tilespmem:$0x1D000] =	vst v63  }
0x93: {  	_ =	swait.ge [sflag:s23], $0x4000  }
0x94: {  	[sflag:s23] =	ssyncset.done $0x0  }
0x95: {  	s12 =	rddreg [dreg:$0x17];
	[sflag:s23] =	ssyncadd.s32 $0xFFFFC000  }
0x96: {  	[spmem:s3] =	stream.indirect.scatter.add.f32 [tilespmem:s21], [sflag:$0x5], $0x80, s12, s19, $0xb8;
	[tilespmem:$0x1D000] =	vst v63  }
0x97: {  	_ =	swait.ge [sflag:s15], $0x4000  }
0x98: {  	[sflag:s15] =	ssyncset.done $0x0  }
0x99: {  	s8 =	rddreg [dreg:$0x18];
	[sflag:s15] =	ssyncadd.s32 $0xFFFFC000  }
0x9a: {  	[tilespmem:s21], [sflag:$0x4] =	stream.indirect.gather [hbm4b:s1+s19], $0x80, s8, s19, $0xb8;
	[tilespmem:$0x1D000] =	vst v63  }
0x9b: {  	_ =	swait.ge [sflag:s22], $0x4000  }
0x9c: {  	[sflag:s22] =	ssyncset.done $0x0  }
0x9d: {  	[sflag:s22] =	ssyncadd.s32 $0xFFFFC000  }
0x9e: {  	[spmem:s3] =	stream.indirect.scatter.add.f32 [tilespmem:s20], [sflag:$0x5], $0x80, s25, s19, $0xb8;
	[tilespmem:$0x1D000] =	vst v63  }
0x9f: {  	_ =	swait.ge [sflag:s15], $0x4000  }
0xa0: {  	[sflag:s15] =	ssyncset.done $0x0  }
0xa1: {  	[sflag:s15] =	ssyncadd.s32 $0xFFFFC000  }
0xa2: {  	[tilespmem:s20], [sflag:$0x3] =	stream.indirect.gather [hbm4b:s1+s19], $0x80, s26, s19, $0xb8;
	[tilespmem:$0x1D000] =	vst v63  }
0xa3: {  	_ =	swait.ge [sflag:s23], $0x4000  }
0xa4: {  	[sflag:s23] =	ssyncset.done $0x0  }
0xa5: {  	[sflag:s23] =	ssyncadd.s32 $0xFFFFC000  }
0xa6: {  	[spmem:s3] =	stream.indirect.scatter.add.f32 [tilespmem:s21], [sflag:$0x5], $0x80, s28, s19, $0xb8;
	[tilespmem:$0x1D000] =	vst v63  }
0xa7: {  	_ =	swait.ge [sflag:s15], $0x4000  }
0xa8: {  	[sflag:s15] =	ssyncset.done $0x0  }
0xa9: {  	[sflag:s15] =	ssyncadd.s32 $0xFFFFC000  }
0xaa: {  	[tilespmem:s21], [sflag:$0x4] =	stream.indirect.gather [hbm4b:s1+s19], $0x80, s29, s19, $0xb8;
	[tilespmem:$0x1D000] =	vst v63  }
0xab: {  	_ =	swait.ge [sflag:s22], $0x4000  }
0xac: {  	[sflag:s22] =	ssyncset.done $0x0  }
0xad: {  	[sflag:s22] =	ssyncadd.s32 $0xFFFFC000  }
0xae: {  	[spmem:s3] =	stream.indirect.scatter.add.f32 [tilespmem:s20], [sflag:$0x5], $0x80, s30, s19, $0xb8;
	[tilespmem:$0x1D000] =	vst v63  }
0xaf: {  	_ =	swait.ge [sflag:s15], $0x4000  }
0xb0: {  	[sflag:s15] =	ssyncset.done $0x0  }
0xb1: {  	[sflag:s15] =	ssyncadd.s32 $0xFFFFC000  }
0xb2: {  	[tilespmem:s20], [sflag:$0x3] =	stream.indirect.gather [hbm4b:s1+s19], $0x80, s31, s19, $0xb8;
	[tilespmem:$0x1D000] =	vst v63  }
0xb3: {  	_ =	swait.ge [sflag:s23], $0x4000  }
0xb4: {  	[sflag:s23] =	ssyncset.done $0x0  }
0xb5: {  	[sflag:s23] =	ssyncadd.s32 $0xFFFFC000  }
0xb6: {  	[spmem:s3] =	stream.indirect.scatter.add.f32 [tilespmem:s21], [sflag:$0x5], $0x80, s0, s19, $0xb8;
	[tilespmem:$0x1D000] =	vst v63  }
0xb7: {  	_ =	swait.ge [sflag:s15], $0x4000  }
0xb8: {  	[sflag:s15] =	ssyncset.done $0x0  }
0xb9: {  	[sflag:s15] =	ssyncadd.s32 $0xFFFFC000  }
0xba: {  	[tilespmem:s21], [sflag:$0x4] =	stream.indirect.gather [hbm4b:s1+s19], $0x80, s2, s19, $0xb8;
	[tilespmem:$0x1D000] =	vst v63  }
0xbb: {  	_ =	swait.ge [sflag:s22], $0x4000  }
0xbc: {  	[sflag:s22] =	ssyncset.done $0x0  }
0xbd: {  	[sflag:s22] =	ssyncadd.s32 $0xFFFFC000  }
0xbe: {  	[spmem:s3] =	stream.indirect.scatter.add.f32 [tilespmem:s20], [sflag:$0x5], $0x80, s5, s19, $0xb8;
	[tilespmem:$0x1D000] =	vst v63  }
0xbf: {  	_ =	swait.ge [sflag:s15], $0x4000  }
0xc0: {  	[sflag:s15] =	ssyncset.done $0x0  }
0xc1: {  	[sflag:s15] =	ssyncadd.s32 $0xFFFFC000  }
0xc2: {  	_ =	swait.ge [sflag:s16], $0x400  }
0xc3: {  	[sflag:s16] =	ssyncset.done $0x0  }
0xc4: {  	[sflag:s16] =	ssyncadd.s32 $0xFFFFFC00  }
0xc5: {  	_ =	swait.ge [sflag:s16], $0x400  }
0xc6: {  	[sflag:s16] =	ssyncset.done $0x0  }
0xc7: {  	[sflag:s16] =	ssyncadd.s32 $0xFFFFFC00  }
0xc8: {  	[tilespmem:s20], [sflag:$0x3] =	stream.indirect.gather [hbm4b:s1+s19], $0x80, s4, s19, $0xb8;
	[tilespmem:$0x1D000] =	vst v63  }
0xc9: {  	_ =	swait.ge [sflag:s23], $0x4000  }
0xca: {  	[sflag:s23] =	ssyncset.done $0x0  }
0xcb: {  	s9 =	sadd.s32 $0x180, s9;
	[sflag:s23] =	ssyncadd.s32 $0xFFFFC000  }
0xcc: {  	[tilespmem:s17], [sflag:$0x2] =	stream.linear.gather [hbm4b:s9+s4], $0x400, $0x38;
	[tilespmem:$0x1D000] =	vst v63  }
0xcd: {  	s12 =	sadd.s32 $0x180, s10  }
0xce: {  	[tilespmem:s18], [sflag:$0x2] =	stream.linear.gather [hbm4b:s12+s4], $0x400, $0x38;
	[tilespmem:$0x1D000] =	vst v63  }
0xcf: {  	_ = 	snop  }
0xd0: {  	[spmem:s3] =	stream.indirect.scatter.add.f32 [tilespmem:s21], [sflag:$0x5], $0x80, s6, s19, $0xb8;
	[tilespmem:$0x1D000] =	vst v63  }
0xd1: {  	s9 =	simm.s32 $0x100;
	_ =	swait.ge [sflag:s15], $0x4000  }
.LBB2_2:
0xd2: {  	[sflag:s15] =	ssyncset.done $0x0  }
0xd3: {  	[sflag:s15] =	ssyncadd.s32 $0xFFFFC000  }
0xd4: {  	[tilespmem:s21], [sflag:$0x4] =	stream.indirect.gather [hbm4b:s1+s19], $0x80, s19, s19, $0xb8;
	[tilespmem:$0x1D000] =	vst v63  }
0xd5: {  	_ =	swait.ge [sflag:s22], $0x4000  }
0xd6: {  	[sflag:s22] =	ssyncset.done $0x0  }
0xd7: {  	[sflag:s22] =	ssyncadd.s32 $0xFFFFC000  }
0xd8: {  	[spmem:s3] =	stream.indirect.scatter.add.f32 [tilespmem:s20], [sflag:$0x5], $0x80, s13, s19, $0xb8;
	[tilespmem:$0x1D000] =	vst v63  }
0xd9: {  	_ =	swait.ge [sflag:s15], $0x4000  }
0xda: {  	[sflag:s15] =	ssyncset.done $0x0  }
0xdb: {  	s11 =	rddreg [dreg:$0x8];
	[sflag:s15] =	ssyncadd.s32 $0xFFFFC000  }
0xdc: {  	[tilespmem:s20], [sflag:$0x3] =	stream.indirect.gather [hbm4b:s1+s19], $0x80, s11, s19, $0xb8;
	[tilespmem:$0x1D000] =	vst v63  }
0xdd: {  	_ =	swait.ge [sflag:s23], $0x4000  }
0xde: {  	[sflag:s23] =	ssyncset.done $0x0  }
0xdf: {  	s12 =	rddreg [dreg:$0x9];
	[sflag:s23] =	ssyncadd.s32 $0xFFFFC000  }
0xe0: {  	[spmem:s3] =	stream.indirect.scatter.add.f32 [tilespmem:s21], [sflag:$0x5], $0x80, s12, s19, $0xb8;
	[tilespmem:$0x1D000] =	vst v63  }
0xe1: {  	_ =	swait.ge [sflag:s15], $0x4000  }
0xe2: {  	[sflag:s15] =	ssyncset.done $0x0  }
0xe3: {  	s8 =	rddreg [dreg:$0xa];
	[sflag:s15] =	ssyncadd.s32 $0xFFFFC000  }
0xe4: {  	[tilespmem:s21], [sflag:$0x4] =	stream.indirect.gather [hbm4b:s1+s19], $0x80, s8, s19, $0xb8;
	[tilespmem:$0x1D000] =	vst v63  }
0xe5: {  	_ =	swait.ge [sflag:s22], $0x4000  }
0xe6: {  	[sflag:s22] =	ssyncset.done $0x0  }
0xe7: {  	s12 =	rddreg [dreg:$0xb];
	[sflag:s22] =	ssyncadd.s32 $0xFFFFC000  }
0xe8: {  	[spmem:s3] =	stream.indirect.scatter.add.f32 [tilespmem:s20], [sflag:$0x5], $0x80, s12, s19, $0xb8;
	[tilespmem:$0x1D000] =	vst v63  }
0xe9: {  	_ =	swait.ge [sflag:s15], $0x4000  }
0xea: {  	[sflag:s15] =	ssyncset.done $0x0  }
0xeb: {  	s8 =	rddreg [dreg:$0xc];
	[sflag:s15] =	ssyncadd.s32 $0xFFFFC000  }
0xec: {  	[tilespmem:s20], [sflag:$0x3] =	stream.indirect.gather [hbm4b:s1+s19], $0x80, s8, s19, $0xb8;
	[tilespmem:$0x1D000] =	vst v63  }
0xed: {  	_ =	swait.ge [sflag:s23], $0x4000  }
0xee: {  	[sflag:s23] =	ssyncset.done $0x0  }
0xef: {  	s12 =	rddreg [dreg:$0xd];
	[sflag:s23] =	ssyncadd.s32 $0xFFFFC000  }
0xf0: {  	[spmem:s3] =	stream.indirect.scatter.add.f32 [tilespmem:s21], [sflag:$0x5], $0x80, s12, s19, $0xb8;
	[tilespmem:$0x1D000] =	vst v63  }
0xf1: {  	_ =	swait.ge [sflag:s15], $0x4000  }
0xf2: {  	[sflag:s15] =	ssyncset.done $0x0  }
0xf3: {  	s8 =	rddreg [dreg:$0xe];
	[sflag:s15] =	ssyncadd.s32 $0xFFFFC000  }
0xf4: {  	[tilespmem:s21], [sflag:$0x4] =	stream.indirect.gather [hbm4b:s1+s19], $0x80, s8, s19, $0xb8;
	[tilespmem:$0x1D000] =	vst v63  }
0xf5: {  	_ =	swait.ge [sflag:s22], $0x4000  }
0xf6: {  	[sflag:s22] =	ssyncset.done $0x0  }
0xf7: {  	s12 =	rddreg [dreg:$0xf];
	[sflag:s22] =	ssyncadd.s32 $0xFFFFC000  }
0xf8: {  	[spmem:s3] =	stream.indirect.scatter.add.f32 [tilespmem:s20], [sflag:$0x5], $0x80, s12, s19, $0xb8;
	[tilespmem:$0x1D000] =	vst v63  }
0xf9: {  	_ =	swait.ge [sflag:s15], $0x4000  }
0xfa: {  	[sflag:s15] =	ssyncset.done $0x0  }
0xfb: {  	s8 =	rddreg [dreg:$0x10];
	[sflag:s15] =	ssyncadd.s32 $0xFFFFC000  }
0xfc: {  	[tilespmem:s20], [sflag:$0x3] =	stream.indirect.gather [hbm4b:s1+s19], $0x80, s8, s19, $0xb8;
	[tilespmem:$0x1D000] =	vst v63  }
0xfd: {  	_ =	swait.ge [sflag:s23], $0x4000  }
0xfe: {  	[sflag:s23] =	ssyncset.done $0x0  }
0xff: {  	s12 =	rddreg [dreg:$0x11];
	[sflag:s23] =	ssyncadd.s32 $0xFFFFC000  }
0x100: {  	[spmem:s3] =	stream.indirect.scatter.add.f32 [tilespmem:s21], [sflag:$0x5], $0x80, s12, s19, $0xb8;
	[tilespmem:$0x1D000] =	vst v63  }
0x101: {  	_ =	swait.ge [sflag:s15], $0x4000  }
0x102: {  	[sflag:s15] =	ssyncset.done $0x0  }
0x103: {  	s8 =	rddreg [dreg:$0x12];
	[sflag:s15] =	ssyncadd.s32 $0xFFFFC000  }
0x104: {  	[tilespmem:s21], [sflag:$0x4] =	stream.indirect.gather [hbm4b:s1+s19], $0x80, s8, s19, $0xb8;
	[tilespmem:$0x1D000] =	vst v63  }
0x105: {  	_ =	swait.ge [sflag:s22], $0x4000  }
0x106: {  	[sflag:s22] =	ssyncset.done $0x0  }
0x107: {  	s12 =	rddreg [dreg:$0x13];
	[sflag:s22] =	ssyncadd.s32 $0xFFFFC000  }
0x108: {  	[spmem:s3] =	stream.indirect.scatter.add.f32 [tilespmem:s20], [sflag:$0x5], $0x80, s12, s19, $0xb8;
	[tilespmem:$0x1D000] =	vst v63  }
0x109: {  	_ =	swait.ge [sflag:s15], $0x4000  }
0x10a: {  	[sflag:s15] =	ssyncset.done $0x0  }
0x10b: {  	[sflag:s15] =	ssyncadd.s32 $0xFFFFC000  }
0x10c: {  	_ =	swait.ge [sflag:s24], $0x400  }
0x10d: {  	[sflag:s24] =	ssyncset.done $0x0  }
0x10e: {  	[sflag:s24] =	ssyncadd.s32 $0xFFFFFC00  }
0x10f: {  	_ =	swait.ge [sflag:s24], $0x400  }
0x110: {  	[sflag:s24] =	ssyncset.done $0x0  }
0x111: {  	[sflag:s24] =	ssyncadd.s32 $0xFFFFFC00  }
0x112: {  	[tilespmem:s20], [sflag:$0x3] =	stream.indirect.gather [hbm4b:s1+s19], $0x80, s17, s19, $0xb8;
	[tilespmem:$0x1D000] =	vst v63  }
0x113: {  	_ =	swait.ge [sflag:s23], $0x4000  }
0x114: {  	s10 =	smov.u32 s9;
	s8 =	rddreg [dreg:$0x6]  }
0x115: {  	s12 =	rddreg [dreg:$0x7];
	[sflag:s23] =	ssyncset.done $0x0;
	s11 =	sadd.s32 s10, s8  }
0x116: {  	[sflag:s23] =	ssyncadd.s32 $0xFFFFC000;
	s10 =	sadd.s32 s10, s12;
	s8 =	sadd.s32 $0x100, s11  }
0x117: {  	[tilespmem:s4], [sflag:$0x1] =	stream.linear.gather [hbm4b:s8+s4], $0x400, $0x38;
	[tilespmem:$0x1D000] =	vst v63  }
0x118: {  	s12 =	sadd.s32 $0x100, s10  }
0x119: {  	[tilespmem:s13], [sflag:$0x1] =	stream.linear.gather [hbm4b:s12+s4], $0x400, $0x38;
	[tilespmem:$0x1D000] =	vst v63  }
0x11a: {  	s8 =	rddreg [dreg:$0x14]  }
0x11b: {  	[spmem:s3] =	stream.indirect.scatter.add.f32 [tilespmem:s21], [sflag:$0x5], $0x80, s8, s19, $0xb8;
	[tilespmem:$0x1D000] =	vst v63  }
0x11c: {  	_ =	swait.ge [sflag:s15], $0x4000  }
0x11d: {  	[sflag:s15] =	ssyncset.done $0x0  }
0x11e: {  	s12 =	rddreg [dreg:$0x15];
	[sflag:s15] =	ssyncadd.s32 $0xFFFFC000  }
0x11f: {  	[tilespmem:s21], [sflag:$0x4] =	stream.indirect.gather [hbm4b:s1+s19], $0x80, s12, s19, $0xb8;
	[tilespmem:$0x1D000] =	vst v63  }
0x120: {  	_ =	swait.ge [sflag:s22], $0x4000  }
0x121: {  	[sflag:s22] =	ssyncset.done $0x0  }
0x122: {  	[sflag:s22] =	ssyncadd.s32 $0xFFFFC000  }
0x123: {  	[spmem:s3] =	stream.indirect.scatter.add.f32 [tilespmem:s20], [sflag:$0x5], $0x80, s18, s19, $0xb8;
	[tilespmem:$0x1D000] =	vst v63  }
0x124: {  	_ =	swait.ge [sflag:s15], $0x4000  }
0x125: {  	[sflag:s15] =	ssyncset.done $0x0  }
0x126: {  	s12 =	rddreg [dreg:$0x16];
	[sflag:s15] =	ssyncadd.s32 $0xFFFFC000  }
0x127: {  	[tilespmem:s20], [sflag:$0x3] =	stream.indirect.gather [hbm4b:s1+s19], $0x80, s12, s19, $0xb8;
	[tilespmem:$0x1D000] =	vst v63  }
0x128: {  	_ =	swait.ge [sflag:s23], $0x4000  }
0x129: {  	[sflag:s23] =	ssyncset.done $0x0  }
0x12a: {  	s12 =	rddreg [dreg:$0x17];
	[sflag:s23] =	ssyncadd.s32 $0xFFFFC000  }
0x12b: {  	[spmem:s3] =	stream.indirect.scatter.add.f32 [tilespmem:s21], [sflag:$0x5], $0x80, s12, s19, $0xb8;
	[tilespmem:$0x1D000] =	vst v63  }
0x12c: {  	_ =	swait.ge [sflag:s15], $0x4000  }
0x12d: {  	[sflag:s15] =	ssyncset.done $0x0  }
0x12e: {  	s12 =	rddreg [dreg:$0x18];
	[sflag:s15] =	ssyncadd.s32 $0xFFFFC000  }
0x12f: {  	[tilespmem:s21], [sflag:$0x4] =	stream.indirect.gather [hbm4b:s1+s19], $0x80, s12, s19, $0xb8;
	[tilespmem:$0x1D000] =	vst v63  }
0x130: {  	_ =	swait.ge [sflag:s22], $0x4000  }
0x131: {  	[sflag:s22] =	ssyncset.done $0x0  }
0x132: {  	[sflag:s22] =	ssyncadd.s32 $0xFFFFC000  }
0x133: {  	[spmem:s3] =	stream.indirect.scatter.add.f32 [tilespmem:s20], [sflag:$0x5], $0x80, s25, s19, $0xb8;
	[tilespmem:$0x1D000] =	vst v63  }
0x134: {  	_ =	swait.ge [sflag:s15], $0x4000  }
0x135: {  	[sflag:s15] =	ssyncset.done $0x0  }
0x136: {  	[sflag:s15] =	ssyncadd.s32 $0xFFFFC000  }
0x137: {  	[tilespmem:s20], [sflag:$0x3] =	stream.indirect.gather [hbm4b:s1+s19], $0x80, s26, s19, $0xb8;
	[tilespmem:$0x1D000] =	vst v63  }
0x138: {  	_ =	swait.ge [sflag:s23], $0x4000  }
0x139: {  	[sflag:s23] =	ssyncset.done $0x0  }
0x13a: {  	[sflag:s23] =	ssyncadd.s32 $0xFFFFC000  }
0x13b: {  	[spmem:s3] =	stream.indirect.scatter.add.f32 [tilespmem:s21], [sflag:$0x5], $0x80, s28, s19, $0xb8;
	[tilespmem:$0x1D000] =	vst v63  }
0x13c: {  	_ =	swait.ge [sflag:s15], $0x4000  }
0x13d: {  	[sflag:s15] =	ssyncset.done $0x0  }
0x13e: {  	[sflag:s15] =	ssyncadd.s32 $0xFFFFC000  }
0x13f: {  	[tilespmem:s21], [sflag:$0x4] =	stream.indirect.gather [hbm4b:s1+s19], $0x80, s29, s19, $0xb8;
	[tilespmem:$0x1D000] =	vst v63  }
0x140: {  	_ =	swait.ge [sflag:s22], $0x4000  }
0x141: {  	[sflag:s22] =	ssyncset.done $0x0  }
0x142: {  	[sflag:s22] =	ssyncadd.s32 $0xFFFFC000  }
0x143: {  	[spmem:s3] =	stream.indirect.scatter.add.f32 [tilespmem:s20], [sflag:$0x5], $0x80, s30, s19, $0xb8;
	[tilespmem:$0x1D000] =	vst v63  }
0x144: {  	_ =	swait.ge [sflag:s15], $0x4000  }
0x145: {  	[sflag:s15] =	ssyncset.done $0x0  }
0x146: {  	[sflag:s15] =	ssyncadd.s32 $0xFFFFC000  }
0x147: {  	[tilespmem:s20], [sflag:$0x3] =	stream.indirect.gather [hbm4b:s1+s19], $0x80, s31, s19, $0xb8;
	[tilespmem:$0x1D000] =	vst v63  }
0x148: {  	_ =	swait.ge [sflag:s23], $0x4000  }
0x149: {  	[sflag:s23] =	ssyncset.done $0x0  }
0x14a: {  	[sflag:s23] =	ssyncadd.s32 $0xFFFFC000  }
0x14b: {  	[spmem:s3] =	stream.indirect.scatter.add.f32 [tilespmem:s21], [sflag:$0x5], $0x80, s0, s19, $0xb8;
	[tilespmem:$0x1D000] =	vst v63  }
0x14c: {  	_ =	swait.ge [sflag:s15], $0x4000  }
0x14d: {  	[sflag:s15] =	ssyncset.done $0x0  }
0x14e: {  	[sflag:s15] =	ssyncadd.s32 $0xFFFFC000  }
0x14f: {  	[tilespmem:s21], [sflag:$0x4] =	stream.indirect.gather [hbm4b:s1+s19], $0x80, s2, s19, $0xb8;
	[tilespmem:$0x1D000] =	vst v63  }
0x150: {  	_ =	swait.ge [sflag:s22], $0x4000  }
0x151: {  	[sflag:s22] =	ssyncset.done $0x0  }
0x152: {  	[sflag:s22] =	ssyncadd.s32 $0xFFFFC000  }
0x153: {  	[spmem:s3] =	stream.indirect.scatter.add.f32 [tilespmem:s20], [sflag:$0x5], $0x80, s5, s19, $0xb8;
	[tilespmem:$0x1D000] =	vst v63  }
0x154: {  	_ =	swait.ge [sflag:s15], $0x4000  }
0x155: {  	[sflag:s15] =	ssyncset.done $0x0  }
0x156: {  	[sflag:s15] =	ssyncadd.s32 $0xFFFFC000  }
0x157: {  	_ =	swait.ge [sflag:s16], $0x400  }
0x158: {  	[sflag:s16] =	ssyncset.done $0x0  }
0x159: {  	[sflag:s16] =	ssyncadd.s32 $0xFFFFFC00  }
0x15a: {  	_ =	swait.ge [sflag:s16], $0x400  }
0x15b: {  	[sflag:s16] =	ssyncset.done $0x0  }
0x15c: {  	[sflag:s16] =	ssyncadd.s32 $0xFFFFFC00  }
0x15d: {  	[tilespmem:s20], [sflag:$0x3] =	stream.indirect.gather [hbm4b:s1+s19], $0x80, s4, s19, $0xb8;
	[tilespmem:$0x1D000] =	vst v63  }
0x15e: {  	_ =	swait.ge [sflag:s23], $0x4000  }
0x15f: {  	[sflag:s23] =	ssyncset.done $0x0  }
0x160: {  	p0 =	sne.s32 s9, $0x400;
	s12 =	sadd.s32 $0x180, s11;
	[sflag:s23] =	ssyncadd.s32 $0xFFFFC000  }
0x161: {  	[tilespmem:s17], [sflag:$0x2] =	stream.linear.gather [hbm4b:s12+s4], $0x400, $0x38;
	[tilespmem:$0x1D000] =	vst v63  }
.Ltmp0:
0x162: {  	s10 =	sadd.s32 $0x180, s10;
	(pc) =	sbr.rel @p0 .LBB2_2-.Ltmp0, $4  }
0x163: {  	[tilespmem:s18], [sflag:$0x2] =	stream.linear.gather [hbm4b:s10+s4], $0x400, $0x38;
	[tilespmem:$0x1D000] =	vst v63  }
0x164: {  	_ = 	snop  }
0x165: {  	[spmem:s3] =	stream.indirect.scatter.add.f32 [tilespmem:s21], [sflag:$0x5], $0x80, s6, s19, $0xb8;
	[tilespmem:$0x1D000] =	vst v63  }
0x166: {  	s9 =	sadd.s32 $0x100, s9;
	_ =	swait.ge [sflag:s15], $0x4000  }
0x167: {  	[sflag:s15] =	ssyncset.done $0x0  }
0x168: {  	[sflag:s15] =	ssyncadd.s32 $0xFFFFC000  }
0x169: {  	_ =	swait.ge [sflag:s22], $0x4000  }
0x16a: {  	[sflag:s22] =	ssyncset.done $0x0  }
0x16b: {  	[sflag:s22] =	ssyncadd.s32 $0xFFFFC000  }
0x16c: {  	_ =	swait.ge [sflag:s24], $0x400  }
0x16d: {  	[sflag:s24] =	ssyncset.done $0x0  }
0x16e: {  	[sflag:s24] =	ssyncadd.s32 $0xFFFFFC00  }
0x16f: {  	_ =	swait.ge [sflag:s24], $0x400  }
0x170: {  	[sflag:s24] =	ssyncset.done $0x0  }
0x171: {  	[sflag:s24] =	ssyncadd.s32 $0xFFFFFC00  }
0x172: {  	[bflag:$0x0] =	sbarrier.arrive $0xFFFF  }
0x173: {  	s10 =	sld [smem:$0x7FD];
	_ =	sdelay $0x1  }
0x174: {  	s8 =	rddreg [dreg:$0x1e]  }
0x175: {  	[hbm:s8], [sflag:s14] =	dma.local [spmem:s10], $0x2800  }
0x176: {  	_ =	swait.ge [sflag:s15], $0x2800  }
0x177: {  	s9 =	smov.u32 s14;
	s7 =	sadd.s32 $0x1, s7;
	s14 =	rddreg [dreg:$0x1f]  }
0x178: {  	p0 =	sne.s32 s7, s14  }
.Ltmp1:
0x179: {  	_ = 	snop;
	(pc) =	sbr.rel @p0 .LBB2_1-.Ltmp1, $3  }
0x17a: {  	_ =	sdelay $0x1  }
0x17b: {  	[sflag:s15] =	ssyncset.done $0x0  }
0x17c: {  	[sflag:s15] =	ssyncadd.s32 $0xFFFFD800  }
0x17d: {  	_ =	sfence.sel $0x180000  }
0x17e: {  	[bflag:$0x0] =	sbarrier.arrive $0xFFFF  }
0x17f: {  	_ =	strace $0x9000004A  }
0x180: {  	s0 =	stileid.u32;
	[bflag:$0x2] =	sbarrier.arrive $0xFFFF  }
0x181: {  	p0 =	sne.s32 s0, $0x0;
	s0 =	rddreg [dreg:$0x5]  }
0x182: {  	s0 =	sadd.s32 @!p0 $0x100000, s0  }
0x183: {  	[sflag:s0] =	ssyncadd.tile.s32 @!p0 $0x1;
	_ =	shalt  }
.Lfunc_end2:
_tile_overlayer_lowered:
.L_overlay_start_2:
0x184: {  	(tag) =	ssettag $0x2  }
0x185: {  	s0 =	rddreg [dreg:$0x0];
	s2 =	stileid.u32  }
0x186: {  	s1 =	rddreg [dreg:$0x1];
	p0 =	sne.s32 s2, $0x0  }
0x187: {  	s3 =	rddreg [dreg:$0x2];
	[bflag:$0x3] =	sbarrier.arrive $0xFFFF;
	s2 =	simm.s32 @!p0 $0x1C05  }
0x188: {  	[timem:s3], [sflag:s2] =	dma.local @!p0 [hbm:s0], s1  }
0x189: {  	s0 =	simm.s32 @!p0 $0x5  }
0x18a: {  	_ =	swait.ge @!p0 [sflag:s0], s1  }
0x18b: {  	s1 =	ssub.s32 @!p0 $0x0, s1;
	[sflag:s0] =	ssyncset.done @!p0 $0x0  }
0x18c: {  	[sflag:s0] =	ssyncadd.s32 @!p0 s1  }
0x18d: {  	[bflag:$0x3] =	sbarrier.arrive $0xFFFF  }
0x18e: {  	_ =	shalt  }

// kernel: kernel.16.cloned.1.call-start
scs
__scs_entry_jumppad:
0x0: {  	(pc) =	sbr.rel $0x88, $3  }
0x1: {  	(tag) =	ssettag $0x0;
	lr =	simm.s32 $0x1  }
0x2: {  	[smem:$0x3F93] =	sst lr;
	_ =	strace $0xD0000000  }
0x3: {  	_ = 	snop  }
0x4: {  	_ = 	snop  }
0x5: {  	_ = 	snop  }
0x6: {  	_ = 	snop  }
0x7: {  	_ = 	snop  }
__scs_overlays_trampoline_lowered:
0x8: {  	[smem:$0x3FA2] =	sst s0  }
0x9: {  	[smem:$0x3FA3] =	sst s1  }
0xa: {  	[smem:$0x3FA4] =	sst s2  }
0xb: {  	[smem:$0x3FA5] =	sst s3  }
0xc: {  	[smem:$0x3FA6] =	sst s4  }
0xd: {  	[smem:$0x3FA7] =	sst s5  }
0xe: {  	[smem:$0x3FA8] =	sst s6  }
0xf: {  	[smem:$0x3FA9] =	sst s7  }
0x10: {  	[smem:$0x3FAA] =	sst s8  }
0x11: {  	[smem:$0x3FAB] =	sst s9;
	s0 =	simm.s32 @!p0 $0x0  }
0x12: {  	s1 =	sld [smem:$0x3F91];
	s0 =	simm.s32 @p0 $0x1  }
0x13: {  	[smem:$0x3FAC] =	sst s0;
	s0 =	simm.s32 @!p1 $0x0  }
0x14: {  	s2 =	sld [smem:$0x3F90];
	s0 =	simm.s32 @p1 $0x1  }
0x15: {  	[smem:$0x3FAD] =	sst s0;
	s0 =	simm.s32 @!p2 $0x0  }
0x16: {  	s3 =	sld [smem:$0x3FDB];
	s0 =	simm.s32 @p2 $0x1  }
0x17: {  	s4 =	simm.s32 $0x1BF5;
	[smem:$0x3FAF] =	sst s0  }
0x18: {  	s0 =	sld [smem:$0x3F92];
	_ =	swait.ge [sflag:s4], $0x0  }
0x19: {  	s7 =	sld [smem:$0x3F93]  }
0x1a: {  	s8 =	sadd.s32 $0xFFFFE003, lr  }
0x1b: {  	s9 =	sadd.s32 $0xFFFFFEF7, lr;
	s5 =	simm.s32 $0xFFFFFFFF;
	p2 =	slt.u32 s8, $0xFFFFF086  }
0x1c: {  	p1 =	slt.u32 s9, $0xF7A;
	s5 =	simm.s32 @!p2 $0x0  }
0x1d: {  	s5 =	simm.s32 @p1 $0x1;
	p0 =	seq.s32 s7, s2  }
0x1e: {  	s7 =	smul.u32 @!p0 $0xF7A, s2;
	p2 =	seq.s32 @!p0 s5, $0x0  }
0x1f: {  	s9 =	smul.u32 $0xF7A, s1;
	s8 =	simm.s32 @!p0 $0x1BF5;
	p2 =	por !p2, p0  }
0x20: {  	[sflag:s8] =	ssyncset.s32 @!p0 $0xFFFFF086;
	s6 =	sadd.s32 @!p0 s3, s7;
	s7 =	simm.s32 @!p0 $0x108  }
0x21: {  	s3 =	sadd.s32 s3, s9;
	s6 =	sadd.s32 @!p0 $0x88, s6;
	s7 =	simm.s32 @p2 $0x1082  }
0x22: {  	[simem:s7], [sflag:s8] =	dma.local @!p0 [hbm:s6], $0xF7A  }
0x23: {  	s9 =	sor.u32 $0xD0000000, s2;
	s6 =	simm.s32 $0x108;
	_ =	swait.ge @!p0 [sflag:s8], $0x0  }
0x24: {  	s3 =	sadd.s32 $0x88, s3;
	s6 =	simm.s32 @!p1 $0x1082;
	[sflag:s4] =	ssyncset.s32 $0xFFFFF086  }
0x25: {  	[simem:s6], [sflag:s4] =	dma.local [hbm:s3], $0xF7A  }
0x26: {  	[smem:$0x3F93] =	sst s1;
	(tag) =	ssettag s2;
	_ =	strace s9  }
0x27: {  	s1 =	sld [smem:$0x3FA3]  }
0x28: {  	s2 =	sld [smem:$0x3FA4]  }
0x29: {  	s4 =	sld [smem:$0x3FA6]  }
0x2a: {  	p0 =	seq.s32 s5, $0x0;
	s5 =	sld [smem:$0x3FA7]  }
0x2b: {  	s6 =	sld [smem:$0x3FA8]  }
0x2c: {  	s7 =	sld [smem:$0x3FA9]  }
0x2d: {  	s3 =	simm.s32 $0x108;
	s8 =	sld [smem:$0x3FAA]  }
0x2e: {  	s3 =	simm.s32 @!p0 $0x1082;
	s9 =	sld [smem:$0x3FAB]  }
0x2f: {  	lr =	sadd.s32 s0, s3;
	s0 =	sld [smem:$0x3FA2]  }
0x30: {  	s3 =	sld [smem:$0x3FA5]  }
0x31: {  	[smem:$0x3FAE] =	sst s10  }
0x32: {  	s10 =	sld [smem:$0x3FAC];
	_ =	sdelay $0x3  }
0x33: {  	p0 =	seq.s32 s10, $0x1;
	s10 =	sld [smem:$0x3FAE];
	_ =	sdelay $0x3  }
0x34: {  	[smem:$0x3FAE] =	sst s10  }
0x35: {  	s10 =	sld [smem:$0x3FAD];
	_ =	sdelay $0x3  }
0x36: {  	p1 =	seq.s32 s10, $0x1;
	s10 =	sld [smem:$0x3FAE];
	_ =	sdelay $0x3  }
0x37: {  	[smem:$0x3FAE] =	sst s10  }
0x38: {  	s10 =	sld [smem:$0x3FAF]  }
0x39: {  	_ = 	snop;
	(pc) =	sbr.ind lr, $3  }
0x3a: {  	_ = 	snop  }
0x3b: {  	_ = 	snop  }
0x3c: {  	p2 =	seq.s32 s10, $0x1;
	s10 =	sld [smem:$0x3FAE]  }
0x3d: {  	_ =	shalt  }
0x3e: {  	_ =	shalt  }
0x3f: {  	_ =	shalt  }
0x40: {  	_ =	shalt  }
0x41: {  	_ =	shalt  }
0x42: {  	_ =	shalt  }
0x43: {  	_ =	shalt  }
0x44: {  	_ =	shalt  }
0x45: {  	_ =	shalt  }
0x46: {  	_ =	shalt  }
0x47: {  	_ =	shalt  }
0x48: {  	_ =	shalt  }
0x49: {  	_ =	shalt  }
0x4a: {  	_ =	shalt  }
0x4b: {  	_ =	shalt  }
0x4c: {  	_ =	shalt  }
0x4d: {  	_ =	shalt  }
0x4e: {  	_ =	shalt  }
0x4f: {  	_ =	shalt  }
0x50: {  	_ =	shalt  }
0x51: {  	_ =	shalt  }
0x52: {  	_ =	shalt  }
0x53: {  	_ =	shalt  }
0x54: {  	_ =	shalt  }
0x55: {  	_ =	shalt  }
0x56: {  	_ =	shalt  }
0x57: {  	_ =	shalt  }
0x58: {  	_ =	shalt  }
0x59: {  	_ =	shalt  }
0x5a: {  	_ =	shalt  }
0x5b: {  	_ =	shalt  }
0x5c: {  	_ =	shalt  }
0x5d: {  	_ =	shalt  }
0x5e: {  	_ =	shalt  }
0x5f: {  	_ =	shalt  }
0x60: {  	_ =	shalt  }
0x61: {  	_ =	shalt  }
0x62: {  	_ =	shalt  }
0x63: {  	_ =	shalt  }
0x64: {  	_ =	shalt  }
0x65: {  	_ =	shalt  }
0x66: {  	_ =	shalt  }
0x67: {  	_ =	shalt  }
0x68: {  	_ =	shalt  }
0x69: {  	_ =	shalt  }
0x6a: {  	_ =	shalt  }
0x6b: {  	_ =	shalt  }
0x6c: {  	_ =	shalt  }
0x6d: {  	_ =	shalt  }
0x6e: {  	_ =	shalt  }
0x6f: {  	_ =	shalt  }
0x70: {  	_ =	shalt  }
0x71: {  	_ =	shalt  }
0x72: {  	_ =	shalt  }
0x73: {  	_ =	shalt  }
0x74: {  	_ =	shalt  }
0x75: {  	_ =	shalt  }
0x76: {  	_ =	shalt  }
0x77: {  	_ =	shalt  }
0x78: {  	_ =	shalt  }
0x79: {  	_ =	shalt  }
0x7a: {  	_ =	shalt  }
0x7b: {  	_ =	shalt  }
0x7c: {  	_ =	shalt  }
0x7d: {  	_ =	shalt  }
0x7e: {  	_ =	shalt  }
0x7f: {  	_ =	shalt  }
0x80: {  	_ =	shalt  }
0x81: {  	_ =	shalt  }
0x82: {  	_ =	shalt  }
0x83: {  	_ =	shalt  }
0x84: {  	_ =	shalt  }
0x85: {  	_ =	shalt  }
0x86: {  	_ =	shalt  }
0x87: {  	_ =	shalt  }
.Lfunc_end0:
.L_simem_size_0:
called_computation.2_lowered:
.L_overlay_start_0:
0x88: {  	s2 =	sld [smem:$0x3FD9]  }
0x89: {  	s3 =	sld [smem:$0x3FFE];
	_ =	sdelay $0x1  }
0x8a: {  	s1 =	srdreg.scid  }
0x8b: {  	s0 =	sand.u32 $0x1, s1  }
0x8c: {  	s14 =	sshll.u32 s0, $0xA;
	s2 =	sadd.s32 s3, s2  }
0x8d: {  	s2 =	sadd.s32 s2, s14  }
0x8e: {  	[smem:$0x3FBA] =	sst s2  }
0x8f: {  	_ = 	snop  }
0x90: {  	s2 =	sld [smem:$0x3FD0];
	_ =	sdelay $0x2  }
0x91: {  	s15 =	simm.s32 $0xB;
	s4 =	simm.s32 $0x10  }
0x92: {  	[smem:s4], [sflag:s15] =	dma.local [hbm:s2], $0x1  }
0x93: {  	_ =	swait.eq [sflag:s15], $0x1  }
0x94: {  	[sflag:s15] =	ssyncset.done $0x0  }
0x95: {  	s16 =	sld [smem:$0x10];
	[sflag:s15] =	ssyncadd.s32 $0xFFFFFFFF  }
0x96: {  	s17 =	sld [smem:$0x11];
	(tm) =	ssettm $0x1  }
0x97: {  	s18 =	sld [smem:$0x3FFB];
	_ =	sdelay $0x3  }
0x98: {  	_ =	strace s18  }
0x99: {  	s4 =	sld [smem:$0x3FFC];
	_ =	sdelay $0x3  }
0x9a: {  	_ =	strace s4  }
0x9b: {  	s4 =	sld [smem:$0x3FFD];
	_ =	sdelay $0x3  }
0x9c: {  	_ =	strace s4  }
0x9d: {  	_ =	strace $0x8FFFFFFF  }
0x9e: {  	s19 =	sld [smem:$0x3FDB];
	_ =	sdelay $0x1  }
0x9f: {  	s5 =	simm.s32 $_scs_section_size  }
0xa0: {  	s6 =	simm.s32 $_size__tile_overlayer_lowered;
	s7 =	simm.s32 $_tile_overlayer_lowered  }
0xa1: {  	s22 =	simm.s32 $0x1BFF;
	s21 =	sshll.u32 s7, $0x1;
	s4 =	sadd.s32 s5, s19  }
0xa2: {  	s8 =	simm.s32 $0x0;
	s20 =	sshll.u32 s6, $0x1;
	s6 =	sadd.s32 s21, s4  }
0xa3: {  	[timem:s8], [sflag:s22] =	dma.local [hbm:s6], s20  }
0xa4: {  	_ =	swait.ge [sflag:s22], s20  }
0xa5: {  	s5 =	ssub.s32 $0x0, s20;
	[sflag:s22] =	ssyncset.done $0x0  }
0xa6: {  	[sflag:s22] =	ssyncadd.s32 s5;
	_ =	sdelay $0x1  }
0xa7: {  	s23 =	simm.s32 $0x1B8B  }
0xa8: {  	_ =	swait.ge [sflag:s23], $0x1  }
0xa9: {  	[sflag:s23] =	ssyncset.done $0x0  }
0xaa: {  	s25 =	simm.s32 $0x1B8E;
	s24 =	sld [smem:$0x3FFE];
	[sflag:s23] =	ssyncadd.s32 $0xFFFFFFFF  }
0xab: {  	s26 =	simm.s32 $execute0_lowered;
	[smem:$0x3FD2] =	sst s25  }
0xac: {  	s6 =	sshll.u32 s26, $0x1;
	_ =	strace $0x8000004C;
	[dreg:$0x1] =	wrdreg $0xFFFFFFFF  }
0xad: {  	s28 =	simm.s32 $_size_execute0_lowered;
	s4 =	sadd.s32 s4, s6;
	[dreg:$0x0] =	wrdreg $0x0  }
0xae: {  	s6 =	sshll.u32 s28, $0x1;
	[dreg:$0x2] =	wrdreg s4  }
0xaf: {  	[dreg:$0x3] =	wrdreg s6  }
0xb0: {  	[dreg:$0x4] =	wrdreg $0xC0  }
0xb1: {  	_ =	task [dreg:s8], $0x5FFFF  }
0xb2: {  	[dreg:$0x1] =	wrdreg $0xFFFFFFFF  }
0xb3: {  	[dreg:$0x0] =	wrdreg $0x60  }
0xb4: {  	[dreg:$0x2] =	wrdreg s24  }
0xb5: {  	[dreg:$0x3] =	wrdreg s17  }
0xb6: {  	[dreg:$0x4] =	wrdreg s16  }
0xb7: {  	[dreg:$0x5] =	wrdreg $0x90000  }
0xb8: {  	[dreg:$0x6] =	wrdreg $0x9  }
0xb9: {  	_ =	task.clear_ibuf [dreg:s8], $0x7FFFF;
	_ =	strace $0x9000004C  }
0xba: {  	s29 =	simm.s32 $0x9;
	_ =	strace $0x8000004E  }
0xbb: {  	_ =	swait.ge [sflag:s29], $0x1  }
0xbc: {  	[sflag:s29] =	ssyncadd.s32 $0xFFFFFFFF  }
0xbd: {  	_ =	strace $0x9000004E  }
0xbe: {  	_ =	sfence  }
0xbf: {  	s30 =	sld [smem:$0x0];
	_ =	sdelay $0x2  }
0xc0: {  	s31 =	sshll.u32 s1, $0xD;
	s1 =	sshrl.u32 s1, $0x2  }
0xc1: {  	s3 =	sand.u32 $0x4000, s31;
	s1 =	sadd.s32 s1, s30  }
0xc2: {  	s0 =	sor.u32 s3, s0;
	s1 =	sshll.u32 s1, $0x11  }
0xc3: {  	s0 =	sor.u32 s1, s0  }
0xc4: {  	s0 =	sadd.s32 $0x8F2B, s0  }
0xc5: {  	[sflag:s0] =	ssyncadd.remote.s32 $0x1  }
0xc6: {  	_ =	sfence.sel $0xFFFF  }
0xc7: {  	[dreg:$0x0] =	wrdreg $0xFFFFFFFF;
	(pc) =	sbr.abs _section_cstart, $3  }
0xc8: {  	[dreg:$0x1] =	wrdreg $0xFFFFFFFF  }
0xc9: {  	_ =	task.clear_ibuf [dreg:s8], $0x2FFFF;
	_ =	strace $0x9FFFFFFF  }
0xca: {  	(tm) =	ssettm $0x7FFFFFFF  }
0xcb: {  	_ =	shalt  }
tec
execute0_lowered:
.L_overlay_start_1:
0x0: {  	(tag) =	ssettag $0x1  }
0x1: {  	s0 =	rddreg [dreg:$0x0]  }
0x2: {  	s1 =	rddreg [dreg:$0x1]  }
0x3: {  	s5 =	rddreg [dreg:$0x2]  }
0x4: {  	s2 =	rddreg [dreg:$0x3];
	s3 =	simm.s32 $0x0;
	s12 =	stileid.u32  }
0x5: {  	s4 =	srdreg.scid;
	s26 =	simm.s32 $0x100;
	s28 =	simm.s32 $0xD80  }
0x6: {  	s29 =	simm.s32 $0x680;
	s30 =	simm.s32 $0xE00;
	s6 =	smul.u32 $0x14000, s12  }
0x7: {  	s31 =	simm.s32 $0x700;
	[smem:$0x7FF] =	sst s3;
	s16 =	smul.u32 $0x50000, s12  }
0x8: {  	s7 =	sand.u32 $0x1, s4;
	s4 =	sadd.s32 $0x2B600, s0;
	s19 =	smul.u32 $0x500, s12  }
0x9: {  	s22 =	sshll.u32 s12, $0x6;
	_ =	strace $0x8000004D;
	s8 =	smul.u32 $0x140000, s7  }
0xa: {  	s10 =	sshll.u32 s7, $0x4;
	s14 =	ssub.s32 $0x2, s7;
	s7 =	smul.u32 $0x5000, s7  }
0xb: {  	s24 =	sor.u32 $0x1C05, s22;
	[dreg:$0x7] =	wrdreg s26;
	s22 =	simm.s32 $0xB80  }
0xc: {  	s26 =	simm.s32 $0x580;
	s9 =	sshrl.u32 s6, $0x3;
	s13 =	sor.u32 s12, s10  }
0xd: {  	s15 =	sshrl.u32 s14, $0x1;
	s10 =	simm.s32 $0x900;
	[dreg:$0x13] =	wrdreg s22  }
0xe: {  	s12 =	simm.s32 $0x200;
	s22 =	simm.s32 $0x3;
	[dreg:$0x17] =	wrdreg s26  }
0xf: {  	s26 =	simm.s32 $0x600;
	s9 =	sadd.s32 s9, s0;
	s6 =	sadd.s32 s6, s8  }
0x10: {  	s11 =	smul.u32 $0x500, s13;
	s8 =	sshrl.u32 s16, $0x2;
	[dreg:$0xa] =	wrdreg s10  }
0x11: {  	s21 =	sadd.s32 s7, s1;
	[dreg:$0xb] =	wrdreg s12;
	s16 =	simm.s32 $0x280  }
0x12: {  	s7 =	sadd.s32 s7, s5;
	s20 =	sadd.s32 $0x3600, s9;
	[dreg:$0xd] =	wrdreg s16  }
0x13: {  	s13 =	simm.s32 $0x800;
	s23 =	sadd.s32 s19, s21;
	[dreg:$0x1a] =	wrdreg s20  }
0x14: {  	s6 =	sshrl.u32 s6, $0x3;
	s7 =	sadd.s32 s19, s7;
	[dreg:$0x5] =	wrdreg s23  }
0x15: {  	s9 =	smov.u32 s24;
	s19 =	simm.s32 $0xA80;
	[dreg:$0x6] =	wrdreg s7  }
0x16: {  	s16 =	simm.s32 $0x1;
	s21 =	simm.s32 $0xB00;
	[dreg:$0x10] =	wrdreg s19  }
0x17: {  	s24 =	simm.s32 $0x500;
	s0 =	sadd.s32 s6, s0;
	[dreg:$0x12] =	wrdreg s21  }
0x18: {  	s6 =	ssub.s32 s14, s15;
	s17 =	sadd.s32 s1, s11;
	[dreg:$0x15] =	wrdreg s24  }
0x19: {  	s18 =	sadd.s32 s5, s11;
	s14 =	sadd.s32 s8, s2;
	[dreg:$0x18] =	wrdreg s17  }
0x1a: {  	s25 =	sor.u32 $0x80, s11;
	s7 =	simm.s32 $0x880;
	[dreg:$0x19] =	wrdreg s18  }
0x1b: {  	s8 =	simm.s32 $0x180;
	s15 =	simm.s32 $0x980;
	[dreg:$0x8] =	wrdreg s7  }
0x1c: {  	s20 =	simm.s32 $0x380;
	s19 =	simm.s32 $0x80;
	[dreg:$0x9] =	wrdreg s8  }
0x1d: {  	s21 =	simm.s32 $0x5000;
	s23 =	simm.s32 $0x480;
	[dreg:$0xc] =	wrdreg s15  }
0x1e: {  	s24 =	simm.s32 $0x2;
	s1 =	sadd.s32 s1, s25;
	[dreg:$0x11] =	wrdreg s20  }
0x1f: {  	s5 =	sadd.s32 s5, s25;
	s0 =	sadd.s32 $0x52800, s0;
	[dreg:$0x14] =	wrdreg s23  }
0x20: {  	s11 =	smax.u32 s6, $0x1;
	s10 =	sshrl.u32 s14, $0x3;
	[dreg:$0x1b] =	wrdreg s1  }
0x21: {  	s15 =	simm.s32 $0x5;
	s17 =	simm.s32 $0xA00;
	[dreg:$0x1c] =	wrdreg s5  }
0x22: {  	s18 =	simm.s32 $0x300;
	s20 =	simm.s32 $0x1000;
	[dreg:$0x1d] =	wrdreg s0  }
0x23: {  	s23 =	simm.s32 $0x4;
	s25 =	simm.s32 $0xC80;
	[dreg:$0x1e] =	wrdreg s11  }
0x24: {  	s6 =	simm.s32 $0xF80;
	s7 =	simm.s32 $0x0;
	[dreg:$0xe] =	wrdreg s17  }
0x25: {  	s17 =	simm.s32 $0x400;
	[dreg:$0xf] =	wrdreg s18;
	s18 =	simm.s32 $0xC00  }
0x26: {  	[dreg:$0x16] =	wrdreg s25;
	s25 =	simm.s32 $0xD00;
	s0 =	simm.s32 $0xE80  }
0x27: {  	s1 =	simm.s32 $0x780;
	s5 =	simm.s32 $0xF00;
	[dreg:$0x1f] =	wrdreg s10  }
.LBB2_1:
0x28: {  	s8 =	rddreg [dreg:$0x18]  }
0x29: {  	s11 =	rddreg [dreg:$0x19]  }
0x2a: {  	[tilespmem:s3], [sflag:$0x1] =	stream.linear.gather [hbm4b:s8+s3], $0x400, $0x38;
	[tilespmem:$0x1D000] =	vst v63  }
0x2b: {  	s12 =	rddreg [dreg:$0x1a]  }
0x2c: {  	[tilespmem:s13], [sflag:$0x1] =	stream.linear.gather [hbm4b:s11+s3], $0x400, $0x38;
	[tilespmem:$0x1D000] =	vst v63  }
0x2d: {  	[spmem:s10], [sflag:s9] =	dma.local [hbm:s12], $0x2800  }
0x2e: {  	_ =	swait.ge [sflag:s15], $0x2800  }
0x2f: {  	[sflag:s15] =	ssyncset.done $0x0  }
0x30: {  	[sflag:s15] =	ssyncadd.s32 $0xFFFFD800  }
0x31: {  	[bflag:$0x0] =	sbarrier.arrive $0xFFFF  }
0x32: {  	_ =	swait.ge [sflag:s16], $0x400  }
0x33: {  	[sflag:s16] =	ssyncset.done $0x0  }
0x34: {  	[sflag:s16] =	ssyncadd.s32 $0xFFFFFC00  }
0x35: {  	_ =	swait.ge [sflag:s16], $0x400  }
0x36: {  	[sflag:s16] =	ssyncset.done $0x0  }
0x37: {  	s14 =	smov.u32 s9;
	s9 =	rddreg [dreg:$0x1b];
	[sflag:s16] =	ssyncadd.s32 $0xFFFFFC00  }
0x38: {  	[tilespmem:s17], [sflag:$0x2] =	stream.linear.gather [hbm4b:s9+s3], $0x400, $0x38;
	[tilespmem:$0x1D000] =	vst v63  }
0x39: {  	s10 =	rddreg [dreg:$0x1c]  }
0x3a: {  	[tilespmem:s18], [sflag:$0x2] =	stream.linear.gather [hbm4b:s10+s3], $0x400, $0x38;
	[tilespmem:$0x1D000] =	vst v63  }
0x3b: {  	_ = 	snop  }
0x3c: {  	[tilespmem:s20], [sflag:$0x3] =	stream.indirect.gather [hbm4b:s4+s19], $0x80, s3, s19, $0xb8;
	[tilespmem:$0x1D000] =	vst v63  }
0x3d: {  	_ = 	snop  }
0x3e: {  	[tilespmem:s21], [sflag:$0x4] =	stream.indirect.gather [hbm4b:s4+s19], $0x80, s19, s19, $0xb8;
	[tilespmem:$0x1D000] =	vst v63  }
0x3f: {  	_ =	swait.ge [sflag:s22], $0x4000  }
0x40: {  	[sflag:s22] =	ssyncset.done $0x0  }
0x41: {  	[sflag:s22] =	ssyncadd.s32 $0xFFFFC000  }
0x42: {  	[spmem:s2] =	stream.indirect.scatter.add.f32 [tilespmem:s20], [sflag:$0x5], $0x80, s13, s19, $0xb8;
	[tilespmem:$0x1D000] =	vst v63  }
0x43: {  	_ =	swait.ge [sflag:s15], $0x4000  }
0x44: {  	[sflag:s15] =	ssyncset.done $0x0  }
0x45: {  	s11 =	rddreg [dreg:$0x7];
	[sflag:s15] =	ssyncadd.s32 $0xFFFFC000  }
0x46: {  	[tilespmem:s20], [sflag:$0x3] =	stream.indirect.gather [hbm4b:s4+s19], $0x80, s11, s19, $0xb8;
	[tilespmem:$0x1D000] =	vst v63  }
0x47: {  	_ =	swait.ge [sflag:s23], $0x4000  }
0x48: {  	[sflag:s23] =	ssyncset.done $0x0  }
0x49: {  	s12 =	rddreg [dreg:$0x8];
	[sflag:s23] =	ssyncadd.s32 $0xFFFFC000  }
0x4a: {  	[spmem:s2] =	stream.indirect.scatter.add.f32 [tilespmem:s21], [sflag:$0x5], $0x80, s12, s19, $0xb8;
	[tilespmem:$0x1D000] =	vst v63  }
0x4b: {  	_ =	swait.ge [sflag:s15], $0x4000  }
0x4c: {  	[sflag:s15] =	ssyncset.done $0x0  }
0x4d: {  	s8 =	rddreg [dreg:$0x9];
	[sflag:s15] =	ssyncadd.s32 $0xFFFFC000  }
0x4e: {  	[tilespmem:s21], [sflag:$0x4] =	stream.indirect.gather [hbm4b:s4+s19], $0x80, s8, s19, $0xb8;
	[tilespmem:$0x1D000] =	vst v63  }
0x4f: {  	_ =	swait.ge [sflag:s22], $0x4000  }
0x50: {  	[sflag:s22] =	ssyncset.done $0x0  }
0x51: {  	s10 =	rddreg [dreg:$0xa];
	[sflag:s22] =	ssyncadd.s32 $0xFFFFC000  }
0x52: {  	[spmem:s2] =	stream.indirect.scatter.add.f32 [tilespmem:s20], [sflag:$0x5], $0x80, s10, s19, $0xb8;
	[tilespmem:$0x1D000] =	vst v63  }
0x53: {  	_ =	swait.ge [sflag:s15], $0x4000  }
0x54: {  	[sflag:s15] =	ssyncset.done $0x0  }
0x55: {  	s11 =	rddreg [dreg:$0xb];
	[sflag:s15] =	ssyncadd.s32 $0xFFFFC000  }
0x56: {  	[tilespmem:s20], [sflag:$0x3] =	stream.indirect.gather [hbm4b:s4+s19], $0x80, s11, s19, $0xb8;
	[tilespmem:$0x1D000] =	vst v63  }
0x57: {  	_ =	swait.ge [sflag:s23], $0x4000  }
0x58: {  	[sflag:s23] =	ssyncset.done $0x0  }
0x59: {  	s12 =	rddreg [dreg:$0xc];
	[sflag:s23] =	ssyncadd.s32 $0xFFFFC000  }
0x5a: {  	[spmem:s2] =	stream.indirect.scatter.add.f32 [tilespmem:s21], [sflag:$0x5], $0x80, s12, s19, $0xb8;
	[tilespmem:$0x1D000] =	vst v63  }
0x5b: {  	_ =	swait.ge [sflag:s15], $0x4000  }
0x5c: {  	[sflag:s15] =	ssyncset.done $0x0  }
0x5d: {  	s8 =	rddreg [dreg:$0xd];
	[sflag:s15] =	ssyncadd.s32 $0xFFFFC000  }
0x5e: {  	[tilespmem:s21], [sflag:$0x4] =	stream.indirect.gather [hbm4b:s4+s19], $0x80, s8, s19, $0xb8;
	[tilespmem:$0x1D000] =	vst v63  }
0x5f: {  	_ =	swait.ge [sflag:s22], $0x4000  }
0x60: {  	[sflag:s22] =	ssyncset.done $0x0  }
0x61: {  	s10 =	rddreg [dreg:$0xe];
	[sflag:s22] =	ssyncadd.s32 $0xFFFFC000  }
0x62: {  	[spmem:s2] =	stream.indirect.scatter.add.f32 [tilespmem:s20], [sflag:$0x5], $0x80, s10, s19, $0xb8;
	[tilespmem:$0x1D000] =	vst v63  }
0x63: {  	_ =	swait.ge [sflag:s15], $0x4000  }
0x64: {  	[sflag:s15] =	ssyncset.done $0x0  }
0x65: {  	s11 =	rddreg [dreg:$0xf];
	[sflag:s15] =	ssyncadd.s32 $0xFFFFC000  }
0x66: {  	[tilespmem:s20], [sflag:$0x3] =	stream.indirect.gather [hbm4b:s4+s19], $0x80, s11, s19, $0xb8;
	[tilespmem:$0x1D000] =	vst v63  }
0x67: {  	_ =	swait.ge [sflag:s23], $0x4000  }
0x68: {  	[sflag:s23] =	ssyncset.done $0x0  }
0x69: {  	s12 =	rddreg [dreg:$0x10];
	[sflag:s23] =	ssyncadd.s32 $0xFFFFC000  }
0x6a: {  	[spmem:s2] =	stream.indirect.scatter.add.f32 [tilespmem:s21], [sflag:$0x5], $0x80, s12, s19, $0xb8;
	[tilespmem:$0x1D000] =	vst v63  }
0x6b: {  	_ =	swait.ge [sflag:s15], $0x4000  }
0x6c: {  	[sflag:s15] =	ssyncset.done $0x0  }
0x6d: {  	s8 =	rddreg [dreg:$0x11];
	[sflag:s15] =	ssyncadd.s32 $0xFFFFC000  }
0x6e: {  	[tilespmem:s21], [sflag:$0x4] =	stream.indirect.gather [hbm4b:s4+s19], $0x80, s8, s19, $0xb8;
	[tilespmem:$0x1D000] =	vst v63  }
0x6f: {  	_ =	swait.ge [sflag:s22], $0x4000  }
0x70: {  	[sflag:s22] =	ssyncset.done $0x0  }
0x71: {  	s10 =	rddreg [dreg:$0x12];
	[sflag:s22] =	ssyncadd.s32 $0xFFFFC000  }
0x72: {  	[spmem:s2] =	stream.indirect.scatter.add.f32 [tilespmem:s20], [sflag:$0x5], $0x80, s10, s19, $0xb8;
	[tilespmem:$0x1D000] =	vst v63  }
0x73: {  	_ =	swait.ge [sflag:s15], $0x4000  }
0x74: {  	[sflag:s15] =	ssyncset.done $0x0  }
0x75: {  	[sflag:s15] =	ssyncadd.s32 $0xFFFFC000  }
0x76: {  	_ =	swait.ge [sflag:s24], $0x400  }
0x77: {  	[sflag:s24] =	ssyncset.done $0x0  }
0x78: {  	[sflag:s24] =	ssyncadd.s32 $0xFFFFFC00  }
0x79: {  	_ =	swait.ge [sflag:s24], $0x400  }
0x7a: {  	[sflag:s24] =	ssyncset.done $0x0  }
0x7b: {  	[sflag:s24] =	ssyncadd.s32 $0xFFFFFC00  }
0x7c: {  	[tilespmem:s20], [sflag:$0x3] =	stream.indirect.gather [hbm4b:s4+s19], $0x80, s17, s19, $0xb8;
	[tilespmem:$0x1D000] =	vst v63  }
0x7d: {  	_ =	swait.ge [sflag:s23], $0x4000  }
0x7e: {  	s11 =	rddreg [dreg:$0x5]  }
0x7f: {  	s12 =	rddreg [dreg:$0x6];
	[sflag:s23] =	ssyncset.done $0x0;
	s9 =	sadd.s32 $0x0, s11  }
0x80: {  	[sflag:s23] =	ssyncadd.s32 $0xFFFFC000;
	s10 =	sadd.s32 $0x0, s12;
	s11 =	sadd.s32 $0x100, s9  }
0x81: {  	[tilespmem:s3], [sflag:$0x1] =	stream.linear.gather [hbm4b:s11+s3], $0x400, $0x38;
	[tilespmem:$0x1D000] =	vst v63  }
0x82: {  	s12 =	sadd.s32 $0x100, s10  }
0x83: {  	[tilespmem:s13], [sflag:$0x1] =	stream.linear.gather [hbm4b:s12+s3], $0x400, $0x38;
	[tilespmem:$0x1D000] =	vst v63  }
0x84: {  	s8 =	rddreg [dreg:$0x13]  }
0x85: {  	[spmem:s2] =	stream.indirect.scatter.add.f32 [tilespmem:s21], [sflag:$0x5], $0x80, s8, s19, $0xb8;
	[tilespmem:$0x1D000] =	vst v63  }
0x86: {  	_ =	swait.ge [sflag:s15], $0x4000  }
0x87: {  	[sflag:s15] =	ssyncset.done $0x0  }
0x88: {  	s12 =	rddreg [dreg:$0x14];
	[sflag:s15] =	ssyncadd.s32 $0xFFFFC000  }
0x89: {  	[tilespmem:s21], [sflag:$0x4] =	stream.indirect.gather [hbm4b:s4+s19], $0x80, s12, s19, $0xb8;
	[tilespmem:$0x1D000] =	vst v63  }
0x8a: {  	_ =	swait.ge [sflag:s22], $0x4000  }
0x8b: {  	[sflag:s22] =	ssyncset.done $0x0  }
0x8c: {  	[sflag:s22] =	ssyncadd.s32 $0xFFFFC000  }
0x8d: {  	[spmem:s2] =	stream.indirect.scatter.add.f32 [tilespmem:s20], [sflag:$0x5], $0x80, s18, s19, $0xb8;
	[tilespmem:$0x1D000] =	vst v63  }
0x8e: {  	_ =	swait.ge [sflag:s15], $0x4000  }
0x8f: {  	[sflag:s15] =	ssyncset.done $0x0  }
0x90: {  	s8 =	rddreg [dreg:$0x15];
	[sflag:s15] =	ssyncadd.s32 $0xFFFFC000  }
0x91: {  	[tilespmem:s20], [sflag:$0x3] =	stream.indirect.gather [hbm4b:s4+s19], $0x80, s8, s19, $0xb8;
	[tilespmem:$0x1D000] =	vst v63  }
0x92: {  	_ =	swait.ge [sflag:s23], $0x4000  }
0x93: {  	[sflag:s23] =	ssyncset.done $0x0  }
0x94: {  	s12 =	rddreg [dreg:$0x16];
	[sflag:s23] =	ssyncadd.s32 $0xFFFFC000  }
0x95: {  	[spmem:s2] =	stream.indirect.scatter.add.f32 [tilespmem:s21], [sflag:$0x5], $0x80, s12, s19, $0xb8;
	[tilespmem:$0x1D000] =	vst v63  }
0x96: {  	_ =	swait.ge [sflag:s15], $0x4000  }
0x97: {  	[sflag:s15] =	ssyncset.done $0x0  }
0x98: {  	s8 =	rddreg [dreg:$0x17];
	[sflag:s15] =	ssyncadd.s32 $0xFFFFC000  }
0x99: {  	[tilespmem:s21], [sflag:$0x4] =	stream.indirect.gather [hbm4b:s4+s19], $0x80, s8, s19, $0xb8;
	[tilespmem:$0x1D000] =	vst v63  }
0x9a: {  	_ =	swait.ge [sflag:s22], $0x4000  }
0x9b: {  	[sflag:s22] =	ssyncset.done $0x0  }
0x9c: {  	[sflag:s22] =	ssyncadd.s32 $0xFFFFC000  }
0x9d: {  	[spmem:s2] =	stream.indirect.scatter.add.f32 [tilespmem:s20], [sflag:$0x5], $0x80, s25, s19, $0xb8;
	[tilespmem:$0x1D000] =	vst v63  }
0x9e: {  	_ =	swait.ge [sflag:s15], $0x4000  }
0x9f: {  	[sflag:s15] =	ssyncset.done $0x0  }
0xa0: {  	[sflag:s15] =	ssyncadd.s32 $0xFFFFC000  }
0xa1: {  	[tilespmem:s20], [sflag:$0x3] =	stream.indirect.gather [hbm4b:s4+s19], $0x80, s26, s19, $0xb8;
	[tilespmem:$0x1D000] =	vst v63  }
0xa2: {  	_ =	swait.ge [sflag:s23], $0x4000  }
0xa3: {  	[sflag:s23] =	ssyncset.done $0x0  }
0xa4: {  	[sflag:s23] =	ssyncadd.s32 $0xFFFFC000  }
0xa5: {  	[spmem:s2] =	stream.indirect.scatter.add.f32 [tilespmem:s21], [sflag:$0x5], $0x80, s28, s19, $0xb8;
	[tilespmem:$0x1D000] =	vst v63  }
0xa6: {  	_ =	swait.ge [sflag:s15], $0x4000  }
0xa7: {  	[sflag:s15] =	ssyncset.done $0x0  }
0xa8: {  	[sflag:s15] =	ssyncadd.s32 $0xFFFFC000  }
0xa9: {  	[tilespmem:s21], [sflag:$0x4] =	stream.indirect.gather [hbm4b:s4+s19], $0x80, s29, s19, $0xb8;
	[tilespmem:$0x1D000] =	vst v63  }
0xaa: {  	_ =	swait.ge [sflag:s22], $0x4000  }
0xab: {  	[sflag:s22] =	ssyncset.done $0x0  }
0xac: {  	[sflag:s22] =	ssyncadd.s32 $0xFFFFC000  }
0xad: {  	[spmem:s2] =	stream.indirect.scatter.add.f32 [tilespmem:s20], [sflag:$0x5], $0x80, s30, s19, $0xb8;
	[tilespmem:$0x1D000] =	vst v63  }
0xae: {  	_ =	swait.ge [sflag:s15], $0x4000  }
0xaf: {  	[sflag:s15] =	ssyncset.done $0x0  }
0xb0: {  	[sflag:s15] =	ssyncadd.s32 $0xFFFFC000  }
0xb1: {  	[tilespmem:s20], [sflag:$0x3] =	stream.indirect.gather [hbm4b:s4+s19], $0x80, s31, s19, $0xb8;
	[tilespmem:$0x1D000] =	vst v63  }
0xb2: {  	_ =	swait.ge [sflag:s23], $0x4000  }
0xb3: {  	[sflag:s23] =	ssyncset.done $0x0  }
0xb4: {  	[sflag:s23] =	ssyncadd.s32 $0xFFFFC000  }
0xb5: {  	[spmem:s2] =	stream.indirect.scatter.add.f32 [tilespmem:s21], [sflag:$0x5], $0x80, s0, s19, $0xb8;
	[tilespmem:$0x1D000] =	vst v63  }
0xb6: {  	_ =	swait.ge [sflag:s15], $0x4000  }
0xb7: {  	[sflag:s15] =	ssyncset.done $0x0  }
0xb8: {  	[sflag:s15] =	ssyncadd.s32 $0xFFFFC000  }
0xb9: {  	[tilespmem:s21], [sflag:$0x4] =	stream.indirect.gather [hbm4b:s4+s19], $0x80, s1, s19, $0xb8;
	[tilespmem:$0x1D000] =	vst v63  }
0xba: {  	_ =	swait.ge [sflag:s22], $0x4000  }
0xbb: {  	[sflag:s22] =	ssyncset.done $0x0  }
0xbc: {  	[sflag:s22] =	ssyncadd.s32 $0xFFFFC000  }
0xbd: {  	[spmem:s2] =	stream.indirect.scatter.add.f32 [tilespmem:s20], [sflag:$0x5], $0x80, s5, s19, $0xb8;
	[tilespmem:$0x1D000] =	vst v63  }
0xbe: {  	_ =	swait.ge [sflag:s15], $0x4000  }
0xbf: {  	[sflag:s15] =	ssyncset.done $0x0  }
0xc0: {  	[sflag:s15] =	ssyncadd.s32 $0xFFFFC000  }
0xc1: {  	_ =	swait.ge [sflag:s16], $0x400  }
0xc2: {  	[sflag:s16] =	ssyncset.done $0x0  }
0xc3: {  	[sflag:s16] =	ssyncadd.s32 $0xFFFFFC00  }
0xc4: {  	_ =	swait.ge [sflag:s16], $0x400  }
0xc5: {  	[sflag:s16] =	ssyncset.done $0x0  }
0xc6: {  	[sflag:s16] =	ssyncadd.s32 $0xFFFFFC00  }
0xc7: {  	[tilespmem:s20], [sflag:$0x3] =	stream.indirect.gather [hbm4b:s4+s19], $0x80, s3, s19, $0xb8;
	[tilespmem:$0x1D000] =	vst v63  }
0xc8: {  	_ =	swait.ge [sflag:s23], $0x4000  }
0xc9: {  	[sflag:s23] =	ssyncset.done $0x0  }
0xca: {  	s9 =	sadd.s32 $0x180, s9;
	[sflag:s23] =	ssyncadd.s32 $0xFFFFC000  }
0xcb: {  	[tilespmem:s17], [sflag:$0x2] =	stream.linear.gather [hbm4b:s9+s3], $0x400, $0x38;
	[tilespmem:$0x1D000] =	vst v63  }
0xcc: {  	s12 =	sadd.s32 $0x180, s10  }
0xcd: {  	[tilespmem:s18], [sflag:$0x2] =	stream.linear.gather [hbm4b:s12+s3], $0x400, $0x38;
	[tilespmem:$0x1D000] =	vst v63  }
0xce: {  	_ = 	snop  }
0xcf: {  	[spmem:s2] =	stream.indirect.scatter.add.f32 [tilespmem:s21], [sflag:$0x5], $0x80, s6, s19, $0xb8;
	[tilespmem:$0x1D000] =	vst v63  }
0xd0: {  	s9 =	simm.s32 $0x100;
	_ =	swait.ge [sflag:s15], $0x4000  }
.LBB2_2:
0xd1: {  	[sflag:s15] =	ssyncset.done $0x0  }
0xd2: {  	[sflag:s15] =	ssyncadd.s32 $0xFFFFC000  }
0xd3: {  	[tilespmem:s21], [sflag:$0x4] =	stream.indirect.gather [hbm4b:s4+s19], $0x80, s19, s19, $0xb8;
	[tilespmem:$0x1D000] =	vst v63  }
0xd4: {  	_ =	swait.ge [sflag:s22], $0x4000  }
0xd5: {  	[sflag:s22] =	ssyncset.done $0x0  }
0xd6: {  	[sflag:s22] =	ssyncadd.s32 $0xFFFFC000  }
0xd7: {  	[spmem:s2] =	stream.indirect.scatter.add.f32 [tilespmem:s20], [sflag:$0x5], $0x80, s13, s19, $0xb8;
	[tilespmem:$0x1D000] =	vst v63  }
0xd8: {  	_ =	swait.ge [sflag:s15], $0x4000  }
0xd9: {  	[sflag:s15] =	ssyncset.done $0x0  }
0xda: {  	s11 =	rddreg [dreg:$0x7];
	[sflag:s15] =	ssyncadd.s32 $0xFFFFC000  }
0xdb: {  	[tilespmem:s20], [sflag:$0x3] =	stream.indirect.gather [hbm4b:s4+s19], $0x80, s11, s19, $0xb8;
	[tilespmem:$0x1D000] =	vst v63  }
0xdc: {  	_ =	swait.ge [sflag:s23], $0x4000  }
0xdd: {  	[sflag:s23] =	ssyncset.done $0x0  }
0xde: {  	s12 =	rddreg [dreg:$0x8];
	[sflag:s23] =	ssyncadd.s32 $0xFFFFC000  }
0xdf: {  	[spmem:s2] =	stream.indirect.scatter.add.f32 [tilespmem:s21], [sflag:$0x5], $0x80, s12, s19, $0xb8;
	[tilespmem:$0x1D000] =	vst v63  }
0xe0: {  	_ =	swait.ge [sflag:s15], $0x4000  }
0xe1: {  	[sflag:s15] =	ssyncset.done $0x0  }
0xe2: {  	s8 =	rddreg [dreg:$0x9];
	[sflag:s15] =	ssyncadd.s32 $0xFFFFC000  }
0xe3: {  	[tilespmem:s21], [sflag:$0x4] =	stream.indirect.gather [hbm4b:s4+s19], $0x80, s8, s19, $0xb8;
	[tilespmem:$0x1D000] =	vst v63  }
0xe4: {  	_ =	swait.ge [sflag:s22], $0x4000  }
0xe5: {  	[sflag:s22] =	ssyncset.done $0x0  }
0xe6: {  	s12 =	rddreg [dreg:$0xa];
	[sflag:s22] =	ssyncadd.s32 $0xFFFFC000  }
0xe7: {  	[spmem:s2] =	stream.indirect.scatter.add.f32 [tilespmem:s20], [sflag:$0x5], $0x80, s12, s19, $0xb8;
	[tilespmem:$0x1D000] =	vst v63  }
0xe8: {  	_ =	swait.ge [sflag:s15], $0x4000  }
0xe9: {  	[sflag:s15] =	ssyncset.done $0x0  }
0xea: {  	s8 =	rddreg [dreg:$0xb];
	[sflag:s15] =	ssyncadd.s32 $0xFFFFC000  }
0xeb: {  	[tilespmem:s20], [sflag:$0x3] =	stream.indirect.gather [hbm4b:s4+s19], $0x80, s8, s19, $0xb8;
	[tilespmem:$0x1D000] =	vst v63  }
0xec: {  	_ =	swait.ge [sflag:s23], $0x4000  }
0xed: {  	[sflag:s23] =	ssyncset.done $0x0  }
0xee: {  	s12 =	rddreg [dreg:$0xc];
	[sflag:s23] =	ssyncadd.s32 $0xFFFFC000  }
0xef: {  	[spmem:s2] =	stream.indirect.scatter.add.f32 [tilespmem:s21], [sflag:$0x5], $0x80, s12, s19, $0xb8;
	[tilespmem:$0x1D000] =	vst v63  }
0xf0: {  	_ =	swait.ge [sflag:s15], $0x4000  }
0xf1: {  	[sflag:s15] =	ssyncset.done $0x0  }
0xf2: {  	s8 =	rddreg [dreg:$0xd];
	[sflag:s15] =	ssyncadd.s32 $0xFFFFC000  }
0xf3: {  	[tilespmem:s21], [sflag:$0x4] =	stream.indirect.gather [hbm4b:s4+s19], $0x80, s8, s19, $0xb8;
	[tilespmem:$0x1D000] =	vst v63  }
0xf4: {  	_ =	swait.ge [sflag:s22], $0x4000  }
0xf5: {  	[sflag:s22] =	ssyncset.done $0x0  }
0xf6: {  	s12 =	rddreg [dreg:$0xe];
	[sflag:s22] =	ssyncadd.s32 $0xFFFFC000  }
0xf7: {  	[spmem:s2] =	stream.indirect.scatter.add.f32 [tilespmem:s20], [sflag:$0x5], $0x80, s12, s19, $0xb8;
	[tilespmem:$0x1D000] =	vst v63  }
0xf8: {  	_ =	swait.ge [sflag:s15], $0x4000  }
0xf9: {  	[sflag:s15] =	ssyncset.done $0x0  }
0xfa: {  	s8 =	rddreg [dreg:$0xf];
	[sflag:s15] =	ssyncadd.s32 $0xFFFFC000  }
0xfb: {  	[tilespmem:s20], [sflag:$0x3] =	stream.indirect.gather [hbm4b:s4+s19], $0x80, s8, s19, $0xb8;
	[tilespmem:$0x1D000] =	vst v63  }
0xfc: {  	_ =	swait.ge [sflag:s23], $0x4000  }
0xfd: {  	[sflag:s23] =	ssyncset.done $0x0  }
0xfe: {  	s12 =	rddreg [dreg:$0x10];
	[sflag:s23] =	ssyncadd.s32 $0xFFFFC000  }
0xff: {  	[spmem:s2] =	stream.indirect.scatter.add.f32 [tilespmem:s21], [sflag:$0x5], $0x80, s12, s19, $0xb8;
	[tilespmem:$0x1D000] =	vst v63  }
0x100: {  	_ =	swait.ge [sflag:s15], $0x4000  }
0x101: {  	[sflag:s15] =	ssyncset.done $0x0  }
0x102: {  	s8 =	rddreg [dreg:$0x11];
	[sflag:s15] =	ssyncadd.s32 $0xFFFFC000  }
0x103: {  	[tilespmem:s21], [sflag:$0x4] =	stream.indirect.gather [hbm4b:s4+s19], $0x80, s8, s19, $0xb8;
	[tilespmem:$0x1D000] =	vst v63  }
0x104: {  	_ =	swait.ge [sflag:s22], $0x4000  }
0x105: {  	[sflag:s22] =	ssyncset.done $0x0  }
0x106: {  	s12 =	rddreg [dreg:$0x12];
	[sflag:s22] =	ssyncadd.s32 $0xFFFFC000  }
0x107: {  	[spmem:s2] =	stream.indirect.scatter.add.f32 [tilespmem:s20], [sflag:$0x5], $0x80, s12, s19, $0xb8;
	[tilespmem:$0x1D000] =	vst v63  }
0x108: {  	_ =	swait.ge [sflag:s15], $0x4000  }
0x109: {  	[sflag:s15] =	ssyncset.done $0x0  }
0x10a: {  	[sflag:s15] =	ssyncadd.s32 $0xFFFFC000  }
0x10b: {  	_ =	swait.ge [sflag:s24], $0x400  }
0x10c: {  	[sflag:s24] =	ssyncset.done $0x0  }
0x10d: {  	[sflag:s24] =	ssyncadd.s32 $0xFFFFFC00  }
0x10e: {  	_ =	swait.ge [sflag:s24], $0x400  }
0x10f: {  	[sflag:s24] =	ssyncset.done $0x0  }
0x110: {  	[sflag:s24] =	ssyncadd.s32 $0xFFFFFC00  }
0x111: {  	[tilespmem:s20], [sflag:$0x3] =	stream.indirect.gather [hbm4b:s4+s19], $0x80, s17, s19, $0xb8;
	[tilespmem:$0x1D000] =	vst v63  }
0x112: {  	_ =	swait.ge [sflag:s23], $0x4000  }
0x113: {  	s10 =	smov.u32 s9;
	s8 =	rddreg [dreg:$0x5]  }
0x114: {  	s12 =	rddreg [dreg:$0x6];
	[sflag:s23] =	ssyncset.done $0x0;
	s11 =	sadd.s32 s10, s8  }
0x115: {  	[sflag:s23] =	ssyncadd.s32 $0xFFFFC000;
	s10 =	sadd.s32 s10, s12;
	s8 =	sadd.s32 $0x100, s11  }
0x116: {  	[tilespmem:s3], [sflag:$0x1] =	stream.linear.gather [hbm4b:s8+s3], $0x400, $0x38;
	[tilespmem:$0x1D000] =	vst v63  }
0x117: {  	s12 =	sadd.s32 $0x100, s10  }
0x118: {  	[tilespmem:s13], [sflag:$0x1] =	stream.linear.gather [hbm4b:s12+s3], $0x400, $0x38;
	[tilespmem:$0x1D000] =	vst v63  }
0x119: {  	s8 =	rddreg [dreg:$0x13]  }
0x11a: {  	[spmem:s2] =	stream.indirect.scatter.add.f32 [tilespmem:s21], [sflag:$0x5], $0x80, s8, s19, $0xb8;
	[tilespmem:$0x1D000] =	vst v63  }
0x11b: {  	_ =	swait.ge [sflag:s15], $0x4000  }
0x11c: {  	[sflag:s15] =	ssyncset.done $0x0  }
0x11d: {  	s12 =	rddreg [dreg:$0x14];
	[sflag:s15] =	ssyncadd.s32 $0xFFFFC000  }
0x11e: {  	[tilespmem:s21], [sflag:$0x4] =	stream.indirect.gather [hbm4b:s4+s19], $0x80, s12, s19, $0xb8;
	[tilespmem:$0x1D000] =	vst v63  }
0x11f: {  	_ =	swait.ge [sflag:s22], $0x4000  }
0x120: {  	[sflag:s22] =	ssyncset.done $0x0  }
0x121: {  	[sflag:s22] =	ssyncadd.s32 $0xFFFFC000  }
0x122: {  	[spmem:s2] =	stream.indirect.scatter.add.f32 [tilespmem:s20], [sflag:$0x5], $0x80, s18, s19, $0xb8;
	[tilespmem:$0x1D000] =	vst v63  }
0x123: {  	_ =	swait.ge [sflag:s15], $0x4000  }
0x124: {  	[sflag:s15] =	ssyncset.done $0x0  }
0x125: {  	s12 =	rddreg [dreg:$0x15];
	[sflag:s15] =	ssyncadd.s32 $0xFFFFC000  }
0x126: {  	[tilespmem:s20], [sflag:$0x3] =	stream.indirect.gather [hbm4b:s4+s19], $0x80, s12, s19, $0xb8;
	[tilespmem:$0x1D000] =	vst v63  }
0x127: {  	_ =	swait.ge [sflag:s23], $0x4000  }
0x128: {  	[sflag:s23] =	ssyncset.done $0x0  }
0x129: {  	s12 =	rddreg [dreg:$0x16];
	[sflag:s23] =	ssyncadd.s32 $0xFFFFC000  }
0x12a: {  	[spmem:s2] =	stream.indirect.scatter.add.f32 [tilespmem:s21], [sflag:$0x5], $0x80, s12, s19, $0xb8;
	[tilespmem:$0x1D000] =	vst v63  }
0x12b: {  	_ =	swait.ge [sflag:s15], $0x4000  }
0x12c: {  	[sflag:s15] =	ssyncset.done $0x0  }
0x12d: {  	s12 =	rddreg [dreg:$0x17];
	[sflag:s15] =	ssyncadd.s32 $0xFFFFC000  }
0x12e: {  	[tilespmem:s21], [sflag:$0x4] =	stream.indirect.gather [hbm4b:s4+s19], $0x80, s12, s19, $0xb8;
	[tilespmem:$0x1D000] =	vst v63  }
0x12f: {  	_ =	swait.ge [sflag:s22], $0x4000  }
0x130: {  	[sflag:s22] =	ssyncset.done $0x0  }
0x131: {  	[sflag:s22] =	ssyncadd.s32 $0xFFFFC000  }
0x132: {  	[spmem:s2] =	stream.indirect.scatter.add.f32 [tilespmem:s20], [sflag:$0x5], $0x80, s25, s19, $0xb8;
	[tilespmem:$0x1D000] =	vst v63  }
0x133: {  	_ =	swait.ge [sflag:s15], $0x4000  }
0x134: {  	[sflag:s15] =	ssyncset.done $0x0  }
0x135: {  	[sflag:s15] =	ssyncadd.s32 $0xFFFFC000  }
0x136: {  	[tilespmem:s20], [sflag:$0x3] =	stream.indirect.gather [hbm4b:s4+s19], $0x80, s26, s19, $0xb8;
	[tilespmem:$0x1D000] =	vst v63  }
0x137: {  	_ =	swait.ge [sflag:s23], $0x4000  }
0x138: {  	[sflag:s23] =	ssyncset.done $0x0  }
0x139: {  	[sflag:s23] =	ssyncadd.s32 $0xFFFFC000  }
0x13a: {  	[spmem:s2] =	stream.indirect.scatter.add.f32 [tilespmem:s21], [sflag:$0x5], $0x80, s28, s19, $0xb8;
	[tilespmem:$0x1D000] =	vst v63  }
0x13b: {  	_ =	swait.ge [sflag:s15], $0x4000  }
0x13c: {  	[sflag:s15] =	ssyncset.done $0x0  }
0x13d: {  	[sflag:s15] =	ssyncadd.s32 $0xFFFFC000  }
0x13e: {  	[tilespmem:s21], [sflag:$0x4] =	stream.indirect.gather [hbm4b:s4+s19], $0x80, s29, s19, $0xb8;
	[tilespmem:$0x1D000] =	vst v63  }
0x13f: {  	_ =	swait.ge [sflag:s22], $0x4000  }
0x140: {  	[sflag:s22] =	ssyncset.done $0x0  }
0x141: {  	[sflag:s22] =	ssyncadd.s32 $0xFFFFC000  }
0x142: {  	[spmem:s2] =	stream.indirect.scatter.add.f32 [tilespmem:s20], [sflag:$0x5], $0x80, s30, s19, $0xb8;
	[tilespmem:$0x1D000] =	vst v63  }
0x143: {  	_ =	swait.ge [sflag:s15], $0x4000  }
0x144: {  	[sflag:s15] =	ssyncset.done $0x0  }
0x145: {  	[sflag:s15] =	ssyncadd.s32 $0xFFFFC000  }
0x146: {  	[tilespmem:s20], [sflag:$0x3] =	stream.indirect.gather [hbm4b:s4+s19], $0x80, s31, s19, $0xb8;
	[tilespmem:$0x1D000] =	vst v63  }
0x147: {  	_ =	swait.ge [sflag:s23], $0x4000  }
0x148: {  	[sflag:s23] =	ssyncset.done $0x0  }
0x149: {  	[sflag:s23] =	ssyncadd.s32 $0xFFFFC000  }
0x14a: {  	[spmem:s2] =	stream.indirect.scatter.add.f32 [tilespmem:s21], [sflag:$0x5], $0x80, s0, s19, $0xb8;
	[tilespmem:$0x1D000] =	vst v63  }
0x14b: {  	_ =	swait.ge [sflag:s15], $0x4000  }
0x14c: {  	[sflag:s15] =	ssyncset.done $0x0  }
0x14d: {  	[sflag:s15] =	ssyncadd.s32 $0xFFFFC000  }
0x14e: {  	[tilespmem:s21], [sflag:$0x4] =	stream.indirect.gather [hbm4b:s4+s19], $0x80, s1, s19, $0xb8;
	[tilespmem:$0x1D000] =	vst v63  }
0x14f: {  	_ =	swait.ge [sflag:s22], $0x4000  }
0x150: {  	[sflag:s22] =	ssyncset.done $0x0  }
0x151: {  	[sflag:s22] =	ssyncadd.s32 $0xFFFFC000  }
0x152: {  	[spmem:s2] =	stream.indirect.scatter.add.f32 [tilespmem:s20], [sflag:$0x5], $0x80, s5, s19, $0xb8;
	[tilespmem:$0x1D000] =	vst v63  }
0x153: {  	_ =	swait.ge [sflag:s15], $0x4000  }
0x154: {  	[sflag:s15] =	ssyncset.done $0x0  }
0x155: {  	[sflag:s15] =	ssyncadd.s32 $0xFFFFC000  }
0x156: {  	_ =	swait.ge [sflag:s16], $0x400  }
0x157: {  	[sflag:s16] =	ssyncset.done $0x0  }
0x158: {  	[sflag:s16] =	ssyncadd.s32 $0xFFFFFC00  }
0x159: {  	_ =	swait.ge [sflag:s16], $0x400  }
0x15a: {  	[sflag:s16] =	ssyncset.done $0x0  }
0x15b: {  	[sflag:s16] =	ssyncadd.s32 $0xFFFFFC00  }
0x15c: {  	[tilespmem:s20], [sflag:$0x3] =	stream.indirect.gather [hbm4b:s4+s19], $0x80, s3, s19, $0xb8;
	[tilespmem:$0x1D000] =	vst v63  }
0x15d: {  	_ =	swait.ge [sflag:s23], $0x4000  }
0x15e: {  	[sflag:s23] =	ssyncset.done $0x0  }
0x15f: {  	p0 =	sne.s32 s9, $0x400;
	s12 =	sadd.s32 $0x180, s11;
	[sflag:s23] =	ssyncadd.s32 $0xFFFFC000  }
0x160: {  	[tilespmem:s17], [sflag:$0x2] =	stream.linear.gather [hbm4b:s12+s3], $0x400, $0x38;
	[tilespmem:$0x1D000] =	vst v63  }
.Ltmp0:
0x161: {  	s10 =	sadd.s32 $0x180, s10;
	(pc) =	sbr.rel @p0 .LBB2_2-.Ltmp0, $4  }
0x162: {  	[tilespmem:s18], [sflag:$0x2] =	stream.linear.gather [hbm4b:s10+s3], $0x400, $0x38;
	[tilespmem:$0x1D000] =	vst v63  }
0x163: {  	_ = 	snop  }
0x164: {  	[spmem:s2] =	stream.indirect.scatter.add.f32 [tilespmem:s21], [sflag:$0x5], $0x80, s6, s19, $0xb8;
	[tilespmem:$0x1D000] =	vst v63  }
0x165: {  	s9 =	sadd.s32 $0x100, s9;
	_ =	swait.ge [sflag:s15], $0x4000  }
0x166: {  	[sflag:s15] =	ssyncset.done $0x0  }
0x167: {  	[sflag:s15] =	ssyncadd.s32 $0xFFFFC000  }
0x168: {  	_ =	swait.ge [sflag:s22], $0x4000  }
0x169: {  	[sflag:s22] =	ssyncset.done $0x0  }
0x16a: {  	[sflag:s22] =	ssyncadd.s32 $0xFFFFC000  }
0x16b: {  	_ =	swait.ge [sflag:s24], $0x400  }
0x16c: {  	[sflag:s24] =	ssyncset.done $0x0  }
0x16d: {  	[sflag:s24] =	ssyncadd.s32 $0xFFFFFC00  }
0x16e: {  	_ =	swait.ge [sflag:s24], $0x400  }
0x16f: {  	[sflag:s24] =	ssyncset.done $0x0  }
0x170: {  	[sflag:s24] =	ssyncadd.s32 $0xFFFFFC00  }
0x171: {  	[bflag:$0x0] =	sbarrier.arrive $0xFFFF  }
0x172: {  	s8 =	rddreg [dreg:$0x1d]  }
0x173: {  	s10 =	rddreg [dreg:$0x1f]  }
0x174: {  	[hbm:s8], [sflag:s14] =	dma.local [spmem:s10], $0x2800  }
0x175: {  	_ =	swait.ge [sflag:s15], $0x2800  }
0x176: {  	s9 =	smov.u32 s14;
	s7 =	sadd.s32 $0x1, s7;
	s14 =	rddreg [dreg:$0x1e]  }
0x177: {  	p0 =	sne.s32 s7, s14  }
.Ltmp1:
0x178: {  	_ = 	snop;
	(pc) =	sbr.rel @p0 .LBB2_1-.Ltmp1, $3  }
0x179: {  	_ =	sdelay $0x1  }
0x17a: {  	[sflag:s15] =	ssyncset.done $0x0  }
0x17b: {  	[sflag:s15] =	ssyncadd.s32 $0xFFFFD800  }
0x17c: {  	_ =	sfence.sel $0x180000  }
0x17d: {  	[bflag:$0x0] =	sbarrier.arrive $0xFFFF  }
0x17e: {  	_ =	strace $0x9000004D  }
0x17f: {  	s0 =	stileid.u32;
	[bflag:$0x2] =	sbarrier.arrive $0xFFFF  }
0x180: {  	p0 =	sne.s32 s0, $0x0;
	s0 =	rddreg [dreg:$0x4]  }
0x181: {  	s0 =	sadd.s32 @!p0 $0x100000, s0  }
0x182: {  	[sflag:s0] =	ssyncadd.tile.s32 @!p0 $0x1;
	_ =	shalt  }
.Lfunc_end2:
_tile_overlayer_lowered:
.L_overlay_start_2:
0x183: {  	(tag) =	ssettag $0x2  }
0x184: {  	s0 =	rddreg [dreg:$0x0];
	s2 =	stileid.u32  }
0x185: {  	s1 =	rddreg [dreg:$0x1];
	p0 =	sne.s32 s2, $0x0  }
0x186: {  	s3 =	rddreg [dreg:$0x2];
	[bflag:$0x3] =	sbarrier.arrive $0xFFFF;
	s2 =	simm.s32 @!p0 $0x1C05  }
0x187: {  	[timem:s3], [sflag:s2] =	dma.local @!p0 [hbm:s0], s1  }
0x188: {  	s0 =	simm.s32 @!p0 $0x5  }
0x189: {  	_ =	swait.ge @!p0 [sflag:s0], s1  }
0x18a: {  	s1 =	ssub.s32 @!p0 $0x0, s1;
	[sflag:s0] =	ssyncset.done @!p0 $0x0  }
0x18b: {  	[sflag:s0] =	ssyncadd.s32 @!p0 s1  }
0x18c: {  	[bflag:$0x3] =	sbarrier.arrive $0xFFFF  }
0x18d: {  	_ =	shalt  }

// kernel: kernel.19.cloned.1.call-start
scs
__scs_entry_jumppad:
0x0: {  	(pc) =	sbr.rel $0x88, $3  }
0x1: {  	(tag) =	ssettag $0x0;
	lr =	simm.s32 $0x1  }
0x2: {  	[smem:$0x3F93] =	sst lr;
	_ =	strace $0xD0000000  }
0x3: {  	_ = 	snop  }
0x4: {  	_ = 	snop  }
0x5: {  	_ = 	snop  }
0x6: {  	_ = 	snop  }
0x7: {  	_ = 	snop  }
__scs_overlays_trampoline_lowered:
0x8: {  	[smem:$0x3FA2] =	sst s0  }
0x9: {  	[smem:$0x3FA3] =	sst s1  }
0xa: {  	[smem:$0x3FA4] =	sst s2  }
0xb: {  	[smem:$0x3FA5] =	sst s3  }
0xc: {  	[smem:$0x3FA6] =	sst s4  }
0xd: {  	[smem:$0x3FA7] =	sst s5  }
0xe: {  	[smem:$0x3FA8] =	sst s6  }
0xf: {  	[smem:$0x3FA9] =	sst s7  }
0x10: {  	[smem:$0x3FAA] =	sst s8  }
0x11: {  	[smem:$0x3FAB] =	sst s9;
	s0 =	simm.s32 @!p0 $0x0  }
0x12: {  	s1 =	sld [smem:$0x3F91];
	s0 =	simm.s32 @p0 $0x1  }
0x13: {  	[smem:$0x3FAC] =	sst s0;
	s0 =	simm.s32 @!p1 $0x0  }
0x14: {  	s2 =	sld [smem:$0x3F90];
	s0 =	simm.s32 @p1 $0x1  }
0x15: {  	[smem:$0x3FAD] =	sst s0;
	s0 =	simm.s32 @!p2 $0x0  }
0x16: {  	s3 =	sld [smem:$0x3FDB];
	s0 =	simm.s32 @p2 $0x1  }
0x17: {  	s4 =	simm.s32 $0x1BF5;
	[smem:$0x3FAF] =	sst s0  }
0x18: {  	s0 =	sld [smem:$0x3F92];
	_ =	swait.ge [sflag:s4], $0x0  }
0x19: {  	s7 =	sld [smem:$0x3F93]  }
0x1a: {  	s8 =	sadd.s32 $0xFFFFE003, lr  }
0x1b: {  	s9 =	sadd.s32 $0xFFFFFEF7, lr;
	s5 =	simm.s32 $0xFFFFFFFF;
	p2 =	slt.u32 s8, $0xFFFFF086  }
0x1c: {  	p1 =	slt.u32 s9, $0xF7A;
	s5 =	simm.s32 @!p2 $0x0  }
0x1d: {  	s5 =	simm.s32 @p1 $0x1;
	p0 =	seq.s32 s7, s2  }
0x1e: {  	s7 =	smul.u32 @!p0 $0xF7A, s2;
	p2 =	seq.s32 @!p0 s5, $0x0  }
0x1f: {  	s9 =	smul.u32 $0xF7A, s1;
	s8 =	simm.s32 @!p0 $0x1BF5;
	p2 =	por !p2, p0  }
0x20: {  	[sflag:s8] =	ssyncset.s32 @!p0 $0xFFFFF086;
	s6 =	sadd.s32 @!p0 s3, s7;
	s7 =	simm.s32 @!p0 $0x108  }
0x21: {  	s3 =	sadd.s32 s3, s9;
	s6 =	sadd.s32 @!p0 $0x88, s6;
	s7 =	simm.s32 @p2 $0x1082  }
0x22: {  	[simem:s7], [sflag:s8] =	dma.local @!p0 [hbm:s6], $0xF7A  }
0x23: {  	s9 =	sor.u32 $0xD0000000, s2;
	s6 =	simm.s32 $0x108;
	_ =	swait.ge @!p0 [sflag:s8], $0x0  }
0x24: {  	s3 =	sadd.s32 $0x88, s3;
	s6 =	simm.s32 @!p1 $0x1082;
	[sflag:s4] =	ssyncset.s32 $0xFFFFF086  }
0x25: {  	[simem:s6], [sflag:s4] =	dma.local [hbm:s3], $0xF7A  }
0x26: {  	[smem:$0x3F93] =	sst s1;
	(tag) =	ssettag s2;
	_ =	strace s9  }
0x27: {  	s1 =	sld [smem:$0x3FA3]  }
0x28: {  	s2 =	sld [smem:$0x3FA4]  }
0x29: {  	s4 =	sld [smem:$0x3FA6]  }
0x2a: {  	p0 =	seq.s32 s5, $0x0;
	s5 =	sld [smem:$0x3FA7]  }
0x2b: {  	s6 =	sld [smem:$0x3FA8]  }
0x2c: {  	s7 =	sld [smem:$0x3FA9]  }
0x2d: {  	s3 =	simm.s32 $0x108;
	s8 =	sld [smem:$0x3FAA]  }
0x2e: {  	s3 =	simm.s32 @!p0 $0x1082;
	s9 =	sld [smem:$0x3FAB]  }
0x2f: {  	lr =	sadd.s32 s0, s3;
	s0 =	sld [smem:$0x3FA2]  }
0x30: {  	s3 =	sld [smem:$0x3FA5]  }
0x31: {  	[smem:$0x3FAE] =	sst s10  }
0x32: {  	s10 =	sld [smem:$0x3FAC];
	_ =	sdelay $0x3  }
0x33: {  	p0 =	seq.s32 s10, $0x1;
	s10 =	sld [smem:$0x3FAE];
	_ =	sdelay $0x3  }
0x34: {  	[smem:$0x3FAE] =	sst s10  }
0x35: {  	s10 =	sld [smem:$0x3FAD];
	_ =	sdelay $0x3  }
0x36: {  	p1 =	seq.s32 s10, $0x1;
	s10 =	sld [smem:$0x3FAE];
	_ =	sdelay $0x3  }
0x37: {  	[smem:$0x3FAE] =	sst s10  }
0x38: {  	s10 =	sld [smem:$0x3FAF]  }
0x39: {  	_ = 	snop;
	(pc) =	sbr.ind lr, $3  }
0x3a: {  	_ = 	snop  }
0x3b: {  	_ = 	snop  }
0x3c: {  	p2 =	seq.s32 s10, $0x1;
	s10 =	sld [smem:$0x3FAE]  }
0x3d: {  	_ =	shalt  }
0x3e: {  	_ =	shalt  }
0x3f: {  	_ =	shalt  }
0x40: {  	_ =	shalt  }
0x41: {  	_ =	shalt  }
0x42: {  	_ =	shalt  }
0x43: {  	_ =	shalt  }
0x44: {  	_ =	shalt  }
0x45: {  	_ =	shalt  }
0x46: {  	_ =	shalt  }
0x47: {  	_ =	shalt  }
0x48: {  	_ =	shalt  }
0x49: {  	_ =	shalt  }
0x4a: {  	_ =	shalt  }
0x4b: {  	_ =	shalt  }
0x4c: {  	_ =	shalt  }
0x4d: {  	_ =	shalt  }
0x4e: {  	_ =	shalt  }
0x4f: {  	_ =	shalt  }
0x50: {  	_ =	shalt  }
0x51: {  	_ =	shalt  }
0x52: {  	_ =	shalt  }
0x53: {  	_ =	shalt  }
0x54: {  	_ =	shalt  }
0x55: {  	_ =	shalt  }
0x56: {  	_ =	shalt  }
0x57: {  	_ =	shalt  }
0x58: {  	_ =	shalt  }
0x59: {  	_ =	shalt  }
0x5a: {  	_ =	shalt  }
0x5b: {  	_ =	shalt  }
0x5c: {  	_ =	shalt  }
0x5d: {  	_ =	shalt  }
0x5e: {  	_ =	shalt  }
0x5f: {  	_ =	shalt  }
0x60: {  	_ =	shalt  }
0x61: {  	_ =	shalt  }
0x62: {  	_ =	shalt  }
0x63: {  	_ =	shalt  }
0x64: {  	_ =	shalt  }
0x65: {  	_ =	shalt  }
0x66: {  	_ =	shalt  }
0x67: {  	_ =	shalt  }
0x68: {  	_ =	shalt  }
0x69: {  	_ =	shalt  }
0x6a: {  	_ =	shalt  }
0x6b: {  	_ =	shalt  }
0x6c: {  	_ =	shalt  }
0x6d: {  	_ =	shalt  }
0x6e: {  	_ =	shalt  }
0x6f: {  	_ =	shalt  }
0x70: {  	_ =	shalt  }
0x71: {  	_ =	shalt  }
0x72: {  	_ =	shalt  }
0x73: {  	_ =	shalt  }
0x74: {  	_ =	shalt  }
0x75: {  	_ =	shalt  }
0x76: {  	_ =	shalt  }
0x77: {  	_ =	shalt  }
0x78: {  	_ =	shalt  }
0x79: {  	_ =	shalt  }
0x7a: {  	_ =	shalt  }
0x7b: {  	_ =	shalt  }
0x7c: {  	_ =	shalt  }
0x7d: {  	_ =	shalt  }
0x7e: {  	_ =	shalt  }
0x7f: {  	_ =	shalt  }
0x80: {  	_ =	shalt  }
0x81: {  	_ =	shalt  }
0x82: {  	_ =	shalt  }
0x83: {  	_ =	shalt  }
0x84: {  	_ =	shalt  }
0x85: {  	_ =	shalt  }
0x86: {  	_ =	shalt  }
0x87: {  	_ =	shalt  }
.Lfunc_end0:
.L_simem_size_0:
called_computation.3_lowered:
.L_overlay_start_0:
0x88: {  	s2 =	sld [smem:$0x3FD9]  }
0x89: {  	s3 =	sld [smem:$0x3FFE];
	_ =	sdelay $0x1  }
0x8a: {  	s1 =	srdreg.scid  }
0x8b: {  	s0 =	sand.u32 $0x1, s1  }
0x8c: {  	s14 =	sshll.u32 s0, $0xA;
	s2 =	sadd.s32 s3, s2  }
0x8d: {  	s2 =	sadd.s32 s2, s14  }
0x8e: {  	[smem:$0x3FBA] =	sst s2  }
0x8f: {  	_ = 	snop  }
0x90: {  	s2 =	sld [smem:$0x3FD0];
	_ =	sdelay $0x2  }
0x91: {  	s15 =	simm.s32 $0xB;
	s4 =	simm.s32 $0x10  }
0x92: {  	[smem:s4], [sflag:s15] =	dma.local [hbm:s2], $0x1  }
0x93: {  	_ =	swait.eq [sflag:s15], $0x1  }
0x94: {  	[sflag:s15] =	ssyncset.done $0x0  }
0x95: {  	s16 =	sld [smem:$0x10];
	[sflag:s15] =	ssyncadd.s32 $0xFFFFFFFF  }
0x96: {  	s17 =	sld [smem:$0x11];
	(tm) =	ssettm $0x1  }
0x97: {  	s18 =	sld [smem:$0x3FFB];
	_ =	sdelay $0x3  }
0x98: {  	_ =	strace s18  }
0x99: {  	s4 =	sld [smem:$0x3FFC];
	_ =	sdelay $0x3  }
0x9a: {  	_ =	strace s4  }
0x9b: {  	s4 =	sld [smem:$0x3FFD];
	_ =	sdelay $0x3  }
0x9c: {  	_ =	strace s4  }
0x9d: {  	_ =	strace $0x8FFFFFFF  }
0x9e: {  	s19 =	sld [smem:$0x3FDB];
	_ =	sdelay $0x1  }
0x9f: {  	s5 =	simm.s32 $_scs_section_size  }
0xa0: {  	s6 =	simm.s32 $_size__tile_overlayer_lowered;
	s7 =	simm.s32 $_tile_overlayer_lowered  }
0xa1: {  	s22 =	simm.s32 $0x1BFF;
	s21 =	sshll.u32 s7, $0x1;
	s4 =	sadd.s32 s5, s19  }
0xa2: {  	s8 =	simm.s32 $0x0;
	s20 =	sshll.u32 s6, $0x1;
	s6 =	sadd.s32 s21, s4  }
0xa3: {  	[timem:s8], [sflag:s22] =	dma.local [hbm:s6], s20  }
0xa4: {  	_ =	swait.ge [sflag:s22], s20  }
0xa5: {  	s5 =	ssub.s32 $0x0, s20;
	[sflag:s22] =	ssyncset.done $0x0  }
0xa6: {  	[sflag:s22] =	ssyncadd.s32 s5;
	_ =	sdelay $0x1  }
0xa7: {  	s23 =	simm.s32 $0x1B8B  }
0xa8: {  	_ =	swait.ge [sflag:s23], $0x1  }
0xa9: {  	[sflag:s23] =	ssyncset.done $0x0  }
0xaa: {  	s25 =	simm.s32 $0x1B8E;
	s24 =	sld [smem:$0x3FFE];
	[sflag:s23] =	ssyncadd.s32 $0xFFFFFFFF  }
0xab: {  	s26 =	simm.s32 $execute0_lowered;
	[smem:$0x3FD2] =	sst s25  }
0xac: {  	s6 =	sshll.u32 s26, $0x1;
	_ =	strace $0x8000004F;
	[dreg:$0x1] =	wrdreg $0xFFFFFFFF  }
0xad: {  	s28 =	simm.s32 $_size_execute0_lowered;
	s4 =	sadd.s32 s4, s6;
	[dreg:$0x0] =	wrdreg $0x0  }
0xae: {  	s6 =	sshll.u32 s28, $0x1;
	[dreg:$0x2] =	wrdreg s4  }
0xaf: {  	[dreg:$0x3] =	wrdreg s6  }
0xb0: {  	[dreg:$0x4] =	wrdreg $0xC0  }
0xb1: {  	_ =	task [dreg:s8], $0x5FFFF  }
0xb2: {  	[dreg:$0x1] =	wrdreg $0xFFFFFFFF  }
0xb3: {  	[dreg:$0x0] =	wrdreg $0x60  }
0xb4: {  	[dreg:$0x2] =	wrdreg s24  }
0xb5: {  	[dreg:$0x3] =	wrdreg s17  }
0xb6: {  	[dreg:$0x4] =	wrdreg s16  }
0xb7: {  	[dreg:$0x5] =	wrdreg $0x90000  }
0xb8: {  	[dreg:$0x6] =	wrdreg $0x9  }
0xb9: {  	_ =	task.clear_ibuf [dreg:s8], $0x7FFFF;
	_ =	strace $0x9000004F  }
0xba: {  	s29 =	simm.s32 $0x9;
	_ =	strace $0x80000051  }
0xbb: {  	_ =	swait.ge [sflag:s29], $0x1  }
0xbc: {  	[sflag:s29] =	ssyncadd.s32 $0xFFFFFFFF  }
0xbd: {  	_ =	strace $0x90000051  }
0xbe: {  	_ =	sfence  }
0xbf: {  	s30 =	sld [smem:$0x0];
	_ =	sdelay $0x2  }
0xc0: {  	s31 =	sshll.u32 s1, $0xD;
	s1 =	sshrl.u32 s1, $0x2  }
0xc1: {  	s3 =	sand.u32 $0x4000, s31;
	s1 =	sadd.s32 s1, s30  }
0xc2: {  	s0 =	sor.u32 s3, s0;
	s1 =	sshll.u32 s1, $0x11  }
0xc3: {  	s0 =	sor.u32 s1, s0  }
0xc4: {  	s0 =	sadd.s32 $0x8F2B, s0  }
0xc5: {  	[sflag:s0] =	ssyncadd.remote.s32 $0x1  }
0xc6: {  	_ =	sfence.sel $0xFFFF  }
0xc7: {  	[dreg:$0x0] =	wrdreg $0xFFFFFFFF;
	(pc) =	sbr.abs _section_cstart, $3  }
0xc8: {  	[dreg:$0x1] =	wrdreg $0xFFFFFFFF  }
0xc9: {  	_ =	task.clear_ibuf [dreg:s8], $0x2FFFF;
	_ =	strace $0x9FFFFFFF  }
0xca: {  	(tm) =	ssettm $0x7FFFFFFF  }
0xcb: {  	_ =	shalt  }
tec
execute0_lowered:
.L_overlay_start_1:
0x0: {  	(tag) =	ssettag $0x1  }
0x1: {  	s0 =	rddreg [dreg:$0x0]  }
0x2: {  	s1 =	rddreg [dreg:$0x1]  }
0x3: {  	s5 =	rddreg [dreg:$0x2]  }
0x4: {  	s2 =	rddreg [dreg:$0x3];
	s3 =	simm.s32 $0x0;
	s12 =	stileid.u32  }
0x5: {  	s4 =	srdreg.scid;
	s26 =	simm.s32 $0x100;
	s28 =	simm.s32 $0xD80  }
0x6: {  	s29 =	simm.s32 $0x680;
	s30 =	simm.s32 $0xE00;
	s6 =	smul.u32 $0x14000, s12  }
0x7: {  	s31 =	simm.s32 $0x700;
	[smem:$0x7FF] =	sst s3;
	s16 =	smul.u32 $0x50000, s12  }
0x8: {  	s7 =	sand.u32 $0x1, s4;
	s4 =	sadd.s32 $0x2B600, s0;
	s19 =	smul.u32 $0x500, s12  }
0x9: {  	s22 =	sshll.u32 s12, $0x6;
	_ =	strace $0x80000050;
	s8 =	smul.u32 $0x140000, s7  }
0xa: {  	s10 =	sshll.u32 s7, $0x4;
	s14 =	ssub.s32 $0x2, s7;
	s7 =	smul.u32 $0x5000, s7  }
0xb: {  	s24 =	sor.u32 $0x1C05, s22;
	[dreg:$0x7] =	wrdreg s26;
	s22 =	simm.s32 $0xB80  }
0xc: {  	s26 =	simm.s32 $0x580;
	s9 =	sshrl.u32 s6, $0x3;
	s13 =	sor.u32 s12, s10  }
0xd: {  	s15 =	sshrl.u32 s14, $0x1;
	s10 =	simm.s32 $0x900;
	[dreg:$0x13] =	wrdreg s22  }
0xe: {  	s12 =	simm.s32 $0x200;
	s22 =	simm.s32 $0x3;
	[dreg:$0x17] =	wrdreg s26  }
0xf: {  	s26 =	simm.s32 $0x600;
	s9 =	sadd.s32 s9, s0;
	s6 =	sadd.s32 s6, s8  }
0x10: {  	s11 =	smul.u32 $0x500, s13;
	s8 =	sshrl.u32 s16, $0x2;
	[dreg:$0xa] =	wrdreg s10  }
0x11: {  	s21 =	sadd.s32 s7, s1;
	[dreg:$0xb] =	wrdreg s12;
	s16 =	simm.s32 $0x280  }
0x12: {  	s7 =	sadd.s32 s7, s5;
	s20 =	sadd.s32 $0x3600, s9;
	[dreg:$0xd] =	wrdreg s16  }
0x13: {  	s13 =	simm.s32 $0x800;
	s23 =	sadd.s32 s19, s21;
	[dreg:$0x1a] =	wrdreg s20  }
0x14: {  	s6 =	sshrl.u32 s6, $0x3;
	s7 =	sadd.s32 s19, s7;
	[dreg:$0x5] =	wrdreg s23  }
0x15: {  	s9 =	smov.u32 s24;
	s19 =	simm.s32 $0xA80;
	[dreg:$0x6] =	wrdreg s7  }
0x16: {  	s16 =	simm.s32 $0x1;
	s21 =	simm.s32 $0xB00;
	[dreg:$0x10] =	wrdreg s19  }
0x17: {  	s24 =	simm.s32 $0x500;
	s0 =	sadd.s32 s6, s0;
	[dreg:$0x12] =	wrdreg s21  }
0x18: {  	s6 =	ssub.s32 s14, s15;
	s17 =	sadd.s32 s1, s11;
	[dreg:$0x15] =	wrdreg s24  }
0x19: {  	s18 =	sadd.s32 s5, s11;
	s14 =	sadd.s32 s8, s2;
	[dreg:$0x18] =	wrdreg s17  }
0x1a: {  	s25 =	sor.u32 $0x80, s11;
	s7 =	simm.s32 $0x880;
	[dreg:$0x19] =	wrdreg s18  }
0x1b: {  	s8 =	simm.s32 $0x180;
	s15 =	simm.s32 $0x980;
	[dreg:$0x8] =	wrdreg s7  }
0x1c: {  	s20 =	simm.s32 $0x380;
	s19 =	simm.s32 $0x80;
	[dreg:$0x9] =	wrdreg s8  }
0x1d: {  	s21 =	simm.s32 $0x5000;
	s23 =	simm.s32 $0x480;
	[dreg:$0xc] =	wrdreg s15  }
0x1e: {  	s24 =	simm.s32 $0x2;
	s1 =	sadd.s32 s1, s25;
	[dreg:$0x11] =	wrdreg s20  }
0x1f: {  	s5 =	sadd.s32 s5, s25;
	s0 =	sadd.s32 $0x52800, s0;
	[dreg:$0x14] =	wrdreg s23  }
0x20: {  	s11 =	smax.u32 s6, $0x1;
	s10 =	sshrl.u32 s14, $0x3;
	[dreg:$0x1b] =	wrdreg s1  }
0x21: {  	s15 =	simm.s32 $0x5;
	s17 =	simm.s32 $0xA00;
	[dreg:$0x1c] =	wrdreg s5  }
0x22: {  	s18 =	simm.s32 $0x300;
	s20 =	simm.s32 $0x1000;
	[dreg:$0x1d] =	wrdreg s0  }
0x23: {  	s23 =	simm.s32 $0x4;
	s25 =	simm.s32 $0xC80;
	[dreg:$0x1e] =	wrdreg s11  }
0x24: {  	s6 =	simm.s32 $0xF80;
	s7 =	simm.s32 $0x0;
	[dreg:$0xe] =	wrdreg s17  }
0x25: {  	s17 =	simm.s32 $0x400;
	[dreg:$0xf] =	wrdreg s18;
	s18 =	simm.s32 $0xC00  }
0x26: {  	[dreg:$0x16] =	wrdreg s25;
	s25 =	simm.s32 $0xD00;
	s0 =	simm.s32 $0xE80  }
0x27: {  	s1 =	simm.s32 $0x780;
	s5 =	simm.s32 $0xF00;
	[dreg:$0x1f] =	wrdreg s10  }
.LBB2_1:
0x28: {  	s8 =	rddreg [dreg:$0x18]  }
0x29: {  	s11 =	rddreg [dreg:$0x19]  }
0x2a: {  	[tilespmem:s3], [sflag:$0x1] =	stream.linear.gather [hbm4b:s8+s3], $0x400, $0x38;
	[tilespmem:$0x1D000] =	vst v63  }
0x2b: {  	s12 =	rddreg [dreg:$0x1a]  }
0x2c: {  	[tilespmem:s13], [sflag:$0x1] =	stream.linear.gather [hbm4b:s11+s3], $0x400, $0x38;
	[tilespmem:$0x1D000] =	vst v63  }
0x2d: {  	[spmem:s10], [sflag:s9] =	dma.local [hbm:s12], $0x2800  }
0x2e: {  	_ =	swait.ge [sflag:s15], $0x2800  }
0x2f: {  	[sflag:s15] =	ssyncset.done $0x0  }
0x30: {  	[sflag:s15] =	ssyncadd.s32 $0xFFFFD800  }
0x31: {  	[bflag:$0x0] =	sbarrier.arrive $0xFFFF  }
0x32: {  	_ =	swait.ge [sflag:s16], $0x400  }
0x33: {  	[sflag:s16] =	ssyncset.done $0x0  }
0x34: {  	[sflag:s16] =	ssyncadd.s32 $0xFFFFFC00  }
0x35: {  	_ =	swait.ge [sflag:s16], $0x400  }
0x36: {  	[sflag:s16] =	ssyncset.done $0x0  }
0x37: {  	s14 =	smov.u32 s9;
	s9 =	rddreg [dreg:$0x1b];
	[sflag:s16] =	ssyncadd.s32 $0xFFFFFC00  }
0x38: {  	[tilespmem:s17], [sflag:$0x2] =	stream.linear.gather [hbm4b:s9+s3], $0x400, $0x38;
	[tilespmem:$0x1D000] =	vst v63  }
0x39: {  	s10 =	rddreg [dreg:$0x1c]  }
0x3a: {  	[tilespmem:s18], [sflag:$0x2] =	stream.linear.gather [hbm4b:s10+s3], $0x400, $0x38;
	[tilespmem:$0x1D000] =	vst v63  }
0x3b: {  	_ = 	snop  }
0x3c: {  	[tilespmem:s20], [sflag:$0x3] =	stream.indirect.gather [hbm4b:s4+s19], $0x80, s3, s19, $0xb8;
	[tilespmem:$0x1D000] =	vst v63  }
0x3d: {  	_ = 	snop  }
0x3e: {  	[tilespmem:s21], [sflag:$0x4] =	stream.indirect.gather [hbm4b:s4+s19], $0x80, s19, s19, $0xb8;
	[tilespmem:$0x1D000] =	vst v63  }
0x3f: {  	_ =	swait.ge [sflag:s22], $0x4000  }
0x40: {  	[sflag:s22] =	ssyncset.done $0x0  }
0x41: {  	[sflag:s22] =	ssyncadd.s32 $0xFFFFC000  }
0x42: {  	[spmem:s2] =	stream.indirect.scatter.add.f32 [tilespmem:s20], [sflag:$0x5], $0x80, s13, s19, $0xb8;
	[tilespmem:$0x1D000] =	vst v63  }
0x43: {  	_ =	swait.ge [sflag:s15], $0x4000  }
0x44: {  	[sflag:s15] =	ssyncset.done $0x0  }
0x45: {  	s11 =	rddreg [dreg:$0x7];
	[sflag:s15] =	ssyncadd.s32 $0xFFFFC000  }
0x46: {  	[tilespmem:s20], [sflag:$0x3] =	stream.indirect.gather [hbm4b:s4+s19], $0x80, s11, s19, $0xb8;
	[tilespmem:$0x1D000] =	vst v63  }
0x47: {  	_ =	swait.ge [sflag:s23], $0x4000  }
0x48: {  	[sflag:s23] =	ssyncset.done $0x0  }
0x49: {  	s12 =	rddreg [dreg:$0x8];
	[sflag:s23] =	ssyncadd.s32 $0xFFFFC000  }
0x4a: {  	[spmem:s2] =	stream.indirect.scatter.add.f32 [tilespmem:s21], [sflag:$0x5], $0x80, s12, s19, $0xb8;
	[tilespmem:$0x1D000] =	vst v63  }
0x4b: {  	_ =	swait.ge [sflag:s15], $0x4000  }
0x4c: {  	[sflag:s15] =	ssyncset.done $0x0  }
0x4d: {  	s8 =	rddreg [dreg:$0x9];
	[sflag:s15] =	ssyncadd.s32 $0xFFFFC000  }
0x4e: {  	[tilespmem:s21], [sflag:$0x4] =	stream.indirect.gather [hbm4b:s4+s19], $0x80, s8, s19, $0xb8;
	[tilespmem:$0x1D000] =	vst v63  }
0x4f: {  	_ =	swait.ge [sflag:s22], $0x4000  }
0x50: {  	[sflag:s22] =	ssyncset.done $0x0  }
0x51: {  	s10 =	rddreg [dreg:$0xa];
	[sflag:s22] =	ssyncadd.s32 $0xFFFFC000  }
0x52: {  	[spmem:s2] =	stream.indirect.scatter.add.f32 [tilespmem:s20], [sflag:$0x5], $0x80, s10, s19, $0xb8;
	[tilespmem:$0x1D000] =	vst v63  }
0x53: {  	_ =	swait.ge [sflag:s15], $0x4000  }
0x54: {  	[sflag:s15] =	ssyncset.done $0x0  }
0x55: {  	s11 =	rddreg [dreg:$0xb];
	[sflag:s15] =	ssyncadd.s32 $0xFFFFC000  }
0x56: {  	[tilespmem:s20], [sflag:$0x3] =	stream.indirect.gather [hbm4b:s4+s19], $0x80, s11, s19, $0xb8;
	[tilespmem:$0x1D000] =	vst v63  }
0x57: {  	_ =	swait.ge [sflag:s23], $0x4000  }
0x58: {  	[sflag:s23] =	ssyncset.done $0x0  }
0x59: {  	s12 =	rddreg [dreg:$0xc];
	[sflag:s23] =	ssyncadd.s32 $0xFFFFC000  }
0x5a: {  	[spmem:s2] =	stream.indirect.scatter.add.f32 [tilespmem:s21], [sflag:$0x5], $0x80, s12, s19, $0xb8;
	[tilespmem:$0x1D000] =	vst v63  }
0x5b: {  	_ =	swait.ge [sflag:s15], $0x4000  }
0x5c: {  	[sflag:s15] =	ssyncset.done $0x0  }
0x5d: {  	s8 =	rddreg [dreg:$0xd];
	[sflag:s15] =	ssyncadd.s32 $0xFFFFC000  }
0x5e: {  	[tilespmem:s21], [sflag:$0x4] =	stream.indirect.gather [hbm4b:s4+s19], $0x80, s8, s19, $0xb8;
	[tilespmem:$0x1D000] =	vst v63  }
0x5f: {  	_ =	swait.ge [sflag:s22], $0x4000  }
0x60: {  	[sflag:s22] =	ssyncset.done $0x0  }
0x61: {  	s10 =	rddreg [dreg:$0xe];
	[sflag:s22] =	ssyncadd.s32 $0xFFFFC000  }
0x62: {  	[spmem:s2] =	stream.indirect.scatter.add.f32 [tilespmem:s20], [sflag:$0x5], $0x80, s10, s19, $0xb8;
	[tilespmem:$0x1D000] =	vst v63  }
0x63: {  	_ =	swait.ge [sflag:s15], $0x4000  }
0x64: {  	[sflag:s15] =	ssyncset.done $0x0  }
0x65: {  	s11 =	rddreg [dreg:$0xf];
	[sflag:s15] =	ssyncadd.s32 $0xFFFFC000  }
0x66: {  	[tilespmem:s20], [sflag:$0x3] =	stream.indirect.gather [hbm4b:s4+s19], $0x80, s11, s19, $0xb8;
	[tilespmem:$0x1D000] =	vst v63  }
0x67: {  	_ =	swait.ge [sflag:s23], $0x4000  }
0x68: {  	[sflag:s23] =	ssyncset.done $0x0  }
0x69: {  	s12 =	rddreg [dreg:$0x10];
	[sflag:s23] =	ssyncadd.s32 $0xFFFFC000  }
0x6a: {  	[spmem:s2] =	stream.indirect.scatter.add.f32 [tilespmem:s21], [sflag:$0x5], $0x80, s12, s19, $0xb8;
	[tilespmem:$0x1D000] =	vst v63  }
0x6b: {  	_ =	swait.ge [sflag:s15], $0x4000  }
0x6c: {  	[sflag:s15] =	ssyncset.done $0x0  }
0x6d: {  	s8 =	rddreg [dreg:$0x11];
	[sflag:s15] =	ssyncadd.s32 $0xFFFFC000  }
0x6e: {  	[tilespmem:s21], [sflag:$0x4] =	stream.indirect.gather [hbm4b:s4+s19], $0x80, s8, s19, $0xb8;
	[tilespmem:$0x1D000] =	vst v63  }
0x6f: {  	_ =	swait.ge [sflag:s22], $0x4000  }
0x70: {  	[sflag:s22] =	ssyncset.done $0x0  }
0x71: {  	s10 =	rddreg [dreg:$0x12];
	[sflag:s22] =	ssyncadd.s32 $0xFFFFC000  }
0x72: {  	[spmem:s2] =	stream.indirect.scatter.add.f32 [tilespmem:s20], [sflag:$0x5], $0x80, s10, s19, $0xb8;
	[tilespmem:$0x1D000] =	vst v63  }
0x73: {  	_ =	swait.ge [sflag:s15], $0x4000  }
0x74: {  	[sflag:s15] =	ssyncset.done $0x0  }
0x75: {  	[sflag:s15] =	ssyncadd.s32 $0xFFFFC000  }
0x76: {  	_ =	swait.ge [sflag:s24], $0x400  }
0x77: {  	[sflag:s24] =	ssyncset.done $0x0  }
0x78: {  	[sflag:s24] =	ssyncadd.s32 $0xFFFFFC00  }
0x79: {  	_ =	swait.ge [sflag:s24], $0x400  }
0x7a: {  	[sflag:s24] =	ssyncset.done $0x0  }
0x7b: {  	[sflag:s24] =	ssyncadd.s32 $0xFFFFFC00  }
0x7c: {  	[tilespmem:s20], [sflag:$0x3] =	stream.indirect.gather [hbm4b:s4+s19], $0x80, s17, s19, $0xb8;
	[tilespmem:$0x1D000] =	vst v63  }
0x7d: {  	_ =	swait.ge [sflag:s23], $0x4000  }
0x7e: {  	s11 =	rddreg [dreg:$0x5]  }
0x7f: {  	s12 =	rddreg [dreg:$0x6];
	[sflag:s23] =	ssyncset.done $0x0;
	s9 =	sadd.s32 $0x0, s11  }
0x80: {  	[sflag:s23] =	ssyncadd.s32 $0xFFFFC000;
	s10 =	sadd.s32 $0x0, s12;
	s11 =	sadd.s32 $0x100, s9  }
0x81: {  	[tilespmem:s3], [sflag:$0x1] =	stream.linear.gather [hbm4b:s11+s3], $0x400, $0x38;
	[tilespmem:$0x1D000] =	vst v63  }
0x82: {  	s12 =	sadd.s32 $0x100, s10  }
0x83: {  	[tilespmem:s13], [sflag:$0x1] =	stream.linear.gather [hbm4b:s12+s3], $0x400, $0x38;
	[tilespmem:$0x1D000] =	vst v63  }
0x84: {  	s8 =	rddreg [dreg:$0x13]  }
0x85: {  	[spmem:s2] =	stream.indirect.scatter.add.f32 [tilespmem:s21], [sflag:$0x5], $0x80, s8, s19, $0xb8;
	[tilespmem:$0x1D000] =	vst v63  }
0x86: {  	_ =	swait.ge [sflag:s15], $0x4000  }
0x87: {  	[sflag:s15] =	ssyncset.done $0x0  }
0x88: {  	s12 =	rddreg [dreg:$0x14];
	[sflag:s15] =	ssyncadd.s32 $0xFFFFC000  }
0x89: {  	[tilespmem:s21], [sflag:$0x4] =	stream.indirect.gather [hbm4b:s4+s19], $0x80, s12, s19, $0xb8;
	[tilespmem:$0x1D000] =	vst v63  }
0x8a: {  	_ =	swait.ge [sflag:s22], $0x4000  }
0x8b: {  	[sflag:s22] =	ssyncset.done $0x0  }
0x8c: {  	[sflag:s22] =	ssyncadd.s32 $0xFFFFC000  }
0x8d: {  	[spmem:s2] =	stream.indirect.scatter.add.f32 [tilespmem:s20], [sflag:$0x5], $0x80, s18, s19, $0xb8;
	[tilespmem:$0x1D000] =	vst v63  }
0x8e: {  	_ =	swait.ge [sflag:s15], $0x4000  }
0x8f: {  	[sflag:s15] =	ssyncset.done $0x0  }
0x90: {  	s8 =	rddreg [dreg:$0x15];
	[sflag:s15] =	ssyncadd.s32 $0xFFFFC000  }
0x91: {  	[tilespmem:s20], [sflag:$0x3] =	stream.indirect.gather [hbm4b:s4+s19], $0x80, s8, s19, $0xb8;
	[tilespmem:$0x1D000] =	vst v63  }
0x92: {  	_ =	swait.ge [sflag:s23], $0x4000  }
0x93: {  	[sflag:s23] =	ssyncset.done $0x0  }
0x94: {  	s12 =	rddreg [dreg:$0x16];
	[sflag:s23] =	ssyncadd.s32 $0xFFFFC000  }
0x95: {  	[spmem:s2] =	stream.indirect.scatter.add.f32 [tilespmem:s21], [sflag:$0x5], $0x80, s12, s19, $0xb8;
	[tilespmem:$0x1D000] =	vst v63  }
0x96: {  	_ =	swait.ge [sflag:s15], $0x4000  }
0x97: {  	[sflag:s15] =	ssyncset.done $0x0  }
0x98: {  	s8 =	rddreg [dreg:$0x17];
	[sflag:s15] =	ssyncadd.s32 $0xFFFFC000  }
0x99: {  	[tilespmem:s21], [sflag:$0x4] =	stream.indirect.gather [hbm4b:s4+s19], $0x80, s8, s19, $0xb8;
	[tilespmem:$0x1D000] =	vst v63  }
0x9a: {  	_ =	swait.ge [sflag:s22], $0x4000  }
0x9b: {  	[sflag:s22] =	ssyncset.done $0x0  }
0x9c: {  	[sflag:s22] =	ssyncadd.s32 $0xFFFFC000  }
0x9d: {  	[spmem:s2] =	stream.indirect.scatter.add.f32 [tilespmem:s20], [sflag:$0x5], $0x80, s25, s19, $0xb8;
	[tilespmem:$0x1D000] =	vst v63  }
0x9e: {  	_ =	swait.ge [sflag:s15], $0x4000  }
0x9f: {  	[sflag:s15] =	ssyncset.done $0x0  }
0xa0: {  	[sflag:s15] =	ssyncadd.s32 $0xFFFFC000  }
0xa1: {  	[tilespmem:s20], [sflag:$0x3] =	stream.indirect.gather [hbm4b:s4+s19], $0x80, s26, s19, $0xb8;
	[tilespmem:$0x1D000] =	vst v63  }
0xa2: {  	_ =	swait.ge [sflag:s23], $0x4000  }
0xa3: {  	[sflag:s23] =	ssyncset.done $0x0  }
0xa4: {  	[sflag:s23] =	ssyncadd.s32 $0xFFFFC000  }
0xa5: {  	[spmem:s2] =	stream.indirect.scatter.add.f32 [tilespmem:s21], [sflag:$0x5], $0x80, s28, s19, $0xb8;
	[tilespmem:$0x1D000] =	vst v63  }
0xa6: {  	_ =	swait.ge [sflag:s15], $0x4000  }
0xa7: {  	[sflag:s15] =	ssyncset.done $0x0  }
0xa8: {  	[sflag:s15] =	ssyncadd.s32 $0xFFFFC000  }
0xa9: {  	[tilespmem:s21], [sflag:$0x4] =	stream.indirect.gather [hbm4b:s4+s19], $0x80, s29, s19, $0xb8;
	[tilespmem:$0x1D000] =	vst v63  }
0xaa: {  	_ =	swait.ge [sflag:s22], $0x4000  }
0xab: {  	[sflag:s22] =	ssyncset.done $0x0  }
0xac: {  	[sflag:s22] =	ssyncadd.s32 $0xFFFFC000  }
0xad: {  	[spmem:s2] =	stream.indirect.scatter.add.f32 [tilespmem:s20], [sflag:$0x5], $0x80, s30, s19, $0xb8;
	[tilespmem:$0x1D000] =	vst v63  }
0xae: {  	_ =	swait.ge [sflag:s15], $0x4000  }
0xaf: {  	[sflag:s15] =	ssyncset.done $0x0  }
0xb0: {  	[sflag:s15] =	ssyncadd.s32 $0xFFFFC000  }
0xb1: {  	[tilespmem:s20], [sflag:$0x3] =	stream.indirect.gather [hbm4b:s4+s19], $0x80, s31, s19, $0xb8;
	[tilespmem:$0x1D000] =	vst v63  }
0xb2: {  	_ =	swait.ge [sflag:s23], $0x4000  }
0xb3: {  	[sflag:s23] =	ssyncset.done $0x0  }
0xb4: {  	[sflag:s23] =	ssyncadd.s32 $0xFFFFC000  }
0xb5: {  	[spmem:s2] =	stream.indirect.scatter.add.f32 [tilespmem:s21], [sflag:$0x5], $0x80, s0, s19, $0xb8;
	[tilespmem:$0x1D000] =	vst v63  }
0xb6: {  	_ =	swait.ge [sflag:s15], $0x4000  }
0xb7: {  	[sflag:s15] =	ssyncset.done $0x0  }
0xb8: {  	[sflag:s15] =	ssyncadd.s32 $0xFFFFC000  }
0xb9: {  	[tilespmem:s21], [sflag:$0x4] =	stream.indirect.gather [hbm4b:s4+s19], $0x80, s1, s19, $0xb8;
	[tilespmem:$0x1D000] =	vst v63  }
0xba: {  	_ =	swait.ge [sflag:s22], $0x4000  }
0xbb: {  	[sflag:s22] =	ssyncset.done $0x0  }
0xbc: {  	[sflag:s22] =	ssyncadd.s32 $0xFFFFC000  }
0xbd: {  	[spmem:s2] =	stream.indirect.scatter.add.f32 [tilespmem:s20], [sflag:$0x5], $0x80, s5, s19, $0xb8;
	[tilespmem:$0x1D000] =	vst v63  }
0xbe: {  	_ =	swait.ge [sflag:s15], $0x4000  }
0xbf: {  	[sflag:s15] =	ssyncset.done $0x0  }
0xc0: {  	[sflag:s15] =	ssyncadd.s32 $0xFFFFC000  }
0xc1: {  	_ =	swait.ge [sflag:s16], $0x400  }
0xc2: {  	[sflag:s16] =	ssyncset.done $0x0  }
0xc3: {  	[sflag:s16] =	ssyncadd.s32 $0xFFFFFC00  }
0xc4: {  	_ =	swait.ge [sflag:s16], $0x400  }
0xc5: {  	[sflag:s16] =	ssyncset.done $0x0  }
0xc6: {  	[sflag:s16] =	ssyncadd.s32 $0xFFFFFC00  }
0xc7: {  	[tilespmem:s20], [sflag:$0x3] =	stream.indirect.gather [hbm4b:s4+s19], $0x80, s3, s19, $0xb8;
	[tilespmem:$0x1D000] =	vst v63  }
0xc8: {  	_ =	swait.ge [sflag:s23], $0x4000  }
0xc9: {  	[sflag:s23] =	ssyncset.done $0x0  }
0xca: {  	s9 =	sadd.s32 $0x180, s9;
	[sflag:s23] =	ssyncadd.s32 $0xFFFFC000  }
0xcb: {  	[tilespmem:s17], [sflag:$0x2] =	stream.linear.gather [hbm4b:s9+s3], $0x400, $0x38;
	[tilespmem:$0x1D000] =	vst v63  }
0xcc: {  	s12 =	sadd.s32 $0x180, s10  }
0xcd: {  	[tilespmem:s18], [sflag:$0x2] =	stream.linear.gather [hbm4b:s12+s3], $0x400, $0x38;
	[tilespmem:$0x1D000] =	vst v63  }
0xce: {  	_ = 	snop  }
0xcf: {  	[spmem:s2] =	stream.indirect.scatter.add.f32 [tilespmem:s21], [sflag:$0x5], $0x80, s6, s19, $0xb8;
	[tilespmem:$0x1D000] =	vst v63  }
0xd0: {  	s9 =	simm.s32 $0x100;
	_ =	swait.ge [sflag:s15], $0x4000  }
.LBB2_2:
0xd1: {  	[sflag:s15] =	ssyncset.done $0x0  }
0xd2: {  	[sflag:s15] =	ssyncadd.s32 $0xFFFFC000  }
0xd3: {  	[tilespmem:s21], [sflag:$0x4] =	stream.indirect.gather [hbm4b:s4+s19], $0x80, s19, s19, $0xb8;
	[tilespmem:$0x1D000] =	vst v63  }
0xd4: {  	_ =	swait.ge [sflag:s22], $0x4000  }
0xd5: {  	[sflag:s22] =	ssyncset.done $0x0  }
0xd6: {  	[sflag:s22] =	ssyncadd.s32 $0xFFFFC000  }
0xd7: {  	[spmem:s2] =	stream.indirect.scatter.add.f32 [tilespmem:s20], [sflag:$0x5], $0x80, s13, s19, $0xb8;
	[tilespmem:$0x1D000] =	vst v63  }
0xd8: {  	_ =	swait.ge [sflag:s15], $0x4000  }
0xd9: {  	[sflag:s15] =	ssyncset.done $0x0  }
0xda: {  	s11 =	rddreg [dreg:$0x7];
	[sflag:s15] =	ssyncadd.s32 $0xFFFFC000  }
0xdb: {  	[tilespmem:s20], [sflag:$0x3] =	stream.indirect.gather [hbm4b:s4+s19], $0x80, s11, s19, $0xb8;
	[tilespmem:$0x1D000] =	vst v63  }
0xdc: {  	_ =	swait.ge [sflag:s23], $0x4000  }
0xdd: {  	[sflag:s23] =	ssyncset.done $0x0  }
0xde: {  	s12 =	rddreg [dreg:$0x8];
	[sflag:s23] =	ssyncadd.s32 $0xFFFFC000  }
0xdf: {  	[spmem:s2] =	stream.indirect.scatter.add.f32 [tilespmem:s21], [sflag:$0x5], $0x80, s12, s19, $0xb8;
	[tilespmem:$0x1D000] =	vst v63  }
0xe0: {  	_ =	swait.ge [sflag:s15], $0x4000  }
0xe1: {  	[sflag:s15] =	ssyncset.done $0x0  }
0xe2: {  	s8 =	rddreg [dreg:$0x9];
	[sflag:s15] =	ssyncadd.s32 $0xFFFFC000  }
0xe3: {  	[tilespmem:s21], [sflag:$0x4] =	stream.indirect.gather [hbm4b:s4+s19], $0x80, s8, s19, $0xb8;
	[tilespmem:$0x1D000] =	vst v63  }
0xe4: {  	_ =	swait.ge [sflag:s22], $0x4000  }
0xe5: {  	[sflag:s22] =	ssyncset.done $0x0  }
0xe6: {  	s12 =	rddreg [dreg:$0xa];
	[sflag:s22] =	ssyncadd.s32 $0xFFFFC000  }
0xe7: {  	[spmem:s2] =	stream.indirect.scatter.add.f32 [tilespmem:s20], [sflag:$0x5], $0x80, s12, s19, $0xb8;
	[tilespmem:$0x1D000] =	vst v63  }
0xe8: {  	_ =	swait.ge [sflag:s15], $0x4000  }
0xe9: {  	[sflag:s15] =	ssyncset.done $0x0  }
0xea: {  	s8 =	rddreg [dreg:$0xb];
	[sflag:s15] =	ssyncadd.s32 $0xFFFFC000  }
0xeb: {  	[tilespmem:s20], [sflag:$0x3] =	stream.indirect.gather [hbm4b:s4+s19], $0x80, s8, s19, $0xb8;
	[tilespmem:$0x1D000] =	vst v63  }
0xec: {  	_ =	swait.ge [sflag:s23], $0x4000  }
0xed: {  	[sflag:s23] =	ssyncset.done $0x0  }
0xee: {  	s12 =	rddreg [dreg:$0xc];
	[sflag:s23] =	ssyncadd.s32 $0xFFFFC000  }
0xef: {  	[spmem:s2] =	stream.indirect.scatter.add.f32 [tilespmem:s21], [sflag:$0x5], $0x80, s12, s19, $0xb8;
	[tilespmem:$0x1D000] =	vst v63  }
0xf0: {  	_ =	swait.ge [sflag:s15], $0x4000  }
0xf1: {  	[sflag:s15] =	ssyncset.done $0x0  }
0xf2: {  	s8 =	rddreg [dreg:$0xd];
	[sflag:s15] =	ssyncadd.s32 $0xFFFFC000  }
0xf3: {  	[tilespmem:s21], [sflag:$0x4] =	stream.indirect.gather [hbm4b:s4+s19], $0x80, s8, s19, $0xb8;
	[tilespmem:$0x1D000] =	vst v63  }
0xf4: {  	_ =	swait.ge [sflag:s22], $0x4000  }
0xf5: {  	[sflag:s22] =	ssyncset.done $0x0  }
0xf6: {  	s12 =	rddreg [dreg:$0xe];
	[sflag:s22] =	ssyncadd.s32 $0xFFFFC000  }
0xf7: {  	[spmem:s2] =	stream.indirect.scatter.add.f32 [tilespmem:s20], [sflag:$0x5], $0x80, s12, s19, $0xb8;
	[tilespmem:$0x1D000] =	vst v63  }
0xf8: {  	_ =	swait.ge [sflag:s15], $0x4000  }
0xf9: {  	[sflag:s15] =	ssyncset.done $0x0  }
0xfa: {  	s8 =	rddreg [dreg:$0xf];
	[sflag:s15] =	ssyncadd.s32 $0xFFFFC000  }
0xfb: {  	[tilespmem:s20], [sflag:$0x3] =	stream.indirect.gather [hbm4b:s4+s19], $0x80, s8, s19, $0xb8;
	[tilespmem:$0x1D000] =	vst v63  }
0xfc: {  	_ =	swait.ge [sflag:s23], $0x4000  }
0xfd: {  	[sflag:s23] =	ssyncset.done $0x0  }
0xfe: {  	s12 =	rddreg [dreg:$0x10];
	[sflag:s23] =	ssyncadd.s32 $0xFFFFC000  }
0xff: {  	[spmem:s2] =	stream.indirect.scatter.add.f32 [tilespmem:s21], [sflag:$0x5], $0x80, s12, s19, $0xb8;
	[tilespmem:$0x1D000] =	vst v63  }
0x100: {  	_ =	swait.ge [sflag:s15], $0x4000  }
0x101: {  	[sflag:s15] =	ssyncset.done $0x0  }
0x102: {  	s8 =	rddreg [dreg:$0x11];
	[sflag:s15] =	ssyncadd.s32 $0xFFFFC000  }
0x103: {  	[tilespmem:s21], [sflag:$0x4] =	stream.indirect.gather [hbm4b:s4+s19], $0x80, s8, s19, $0xb8;
	[tilespmem:$0x1D000] =	vst v63  }
0x104: {  	_ =	swait.ge [sflag:s22], $0x4000  }
0x105: {  	[sflag:s22] =	ssyncset.done $0x0  }
0x106: {  	s12 =	rddreg [dreg:$0x12];
	[sflag:s22] =	ssyncadd.s32 $0xFFFFC000  }
0x107: {  	[spmem:s2] =	stream.indirect.scatter.add.f32 [tilespmem:s20], [sflag:$0x5], $0x80, s12, s19, $0xb8;
	[tilespmem:$0x1D000] =	vst v63  }
0x108: {  	_ =	swait.ge [sflag:s15], $0x4000  }
0x109: {  	[sflag:s15] =	ssyncset.done $0x0  }
0x10a: {  	[sflag:s15] =	ssyncadd.s32 $0xFFFFC000  }
0x10b: {  	_ =	swait.ge [sflag:s24], $0x400  }
0x10c: {  	[sflag:s24] =	ssyncset.done $0x0  }
0x10d: {  	[sflag:s24] =	ssyncadd.s32 $0xFFFFFC00  }
0x10e: {  	_ =	swait.ge [sflag:s24], $0x400  }
0x10f: {  	[sflag:s24] =	ssyncset.done $0x0  }
0x110: {  	[sflag:s24] =	ssyncadd.s32 $0xFFFFFC00  }
0x111: {  	[tilespmem:s20], [sflag:$0x3] =	stream.indirect.gather [hbm4b:s4+s19], $0x80, s17, s19, $0xb8;
	[tilespmem:$0x1D000] =	vst v63  }
0x112: {  	_ =	swait.ge [sflag:s23], $0x4000  }
0x113: {  	s10 =	smov.u32 s9;
	s8 =	rddreg [dreg:$0x5]  }
0x114: {  	s12 =	rddreg [dreg:$0x6];
	[sflag:s23] =	ssyncset.done $0x0;
	s11 =	sadd.s32 s10, s8  }
0x115: {  	[sflag:s23] =	ssyncadd.s32 $0xFFFFC000;
	s10 =	sadd.s32 s10, s12;
	s8 =	sadd.s32 $0x100, s11  }
0x116: {  	[tilespmem:s3], [sflag:$0x1] =	stream.linear.gather [hbm4b:s8+s3], $0x400, $0x38;
	[tilespmem:$0x1D000] =	vst v63  }
0x117: {  	s12 =	sadd.s32 $0x100, s10  }
0x118: {  	[tilespmem:s13], [sflag:$0x1] =	stream.linear.gather [hbm4b:s12+s3], $0x400, $0x38;
	[tilespmem:$0x1D000] =	vst v63  }
0x119: {  	s8 =	rddreg [dreg:$0x13]  }
0x11a: {  	[spmem:s2] =	stream.indirect.scatter.add.f32 [tilespmem:s21], [sflag:$0x5], $0x80, s8, s19, $0xb8;
	[tilespmem:$0x1D000] =	vst v63  }
0x11b: {  	_ =	swait.ge [sflag:s15], $0x4000  }
0x11c: {  	[sflag:s15] =	ssyncset.done $0x0  }
0x11d: {  	s12 =	rddreg [dreg:$0x14];
	[sflag:s15] =	ssyncadd.s32 $0xFFFFC000  }
0x11e: {  	[tilespmem:s21], [sflag:$0x4] =	stream.indirect.gather [hbm4b:s4+s19], $0x80, s12, s19, $0xb8;
	[tilespmem:$0x1D000] =	vst v63  }
0x11f: {  	_ =	swait.ge [sflag:s22], $0x4000  }
0x120: {  	[sflag:s22] =	ssyncset.done $0x0  }
0x121: {  	[sflag:s22] =	ssyncadd.s32 $0xFFFFC000  }
0x122: {  	[spmem:s2] =	stream.indirect.scatter.add.f32 [tilespmem:s20], [sflag:$0x5], $0x80, s18, s19, $0xb8;
	[tilespmem:$0x1D000] =	vst v63  }
0x123: {  	_ =	swait.ge [sflag:s15], $0x4000  }
0x124: {  	[sflag:s15] =	ssyncset.done $0x0  }
0x125: {  	s12 =	rddreg [dreg:$0x15];
	[sflag:s15] =	ssyncadd.s32 $0xFFFFC000  }
0x126: {  	[tilespmem:s20], [sflag:$0x3] =	stream.indirect.gather [hbm4b:s4+s19], $0x80, s12, s19, $0xb8;
	[tilespmem:$0x1D000] =	vst v63  }
0x127: {  	_ =	swait.ge [sflag:s23], $0x4000  }
0x128: {  	[sflag:s23] =	ssyncset.done $0x0  }
0x129: {  	s12 =	rddreg [dreg:$0x16];
	[sflag:s23] =	ssyncadd.s32 $0xFFFFC000  }
0x12a: {  	[spmem:s2] =	stream.indirect.scatter.add.f32 [tilespmem:s21], [sflag:$0x5], $0x80, s12, s19, $0xb8;
	[tilespmem:$0x1D000] =	vst v63  }
0x12b: {  	_ =	swait.ge [sflag:s15], $0x4000  }
0x12c: {  	[sflag:s15] =	ssyncset.done $0x0  }
0x12d: {  	s12 =	rddreg [dreg:$0x17];
	[sflag:s15] =	ssyncadd.s32 $0xFFFFC000  }
0x12e: {  	[tilespmem:s21], [sflag:$0x4] =	stream.indirect.gather [hbm4b:s4+s19], $0x80, s12, s19, $0xb8;
	[tilespmem:$0x1D000] =	vst v63  }
0x12f: {  	_ =	swait.ge [sflag:s22], $0x4000  }
0x130: {  	[sflag:s22] =	ssyncset.done $0x0  }
0x131: {  	[sflag:s22] =	ssyncadd.s32 $0xFFFFC000  }
0x132: {  	[spmem:s2] =	stream.indirect.scatter.add.f32 [tilespmem:s20], [sflag:$0x5], $0x80, s25, s19, $0xb8;
	[tilespmem:$0x1D000] =	vst v63  }
0x133: {  	_ =	swait.ge [sflag:s15], $0x4000  }
0x134: {  	[sflag:s15] =	ssyncset.done $0x0  }
0x135: {  	[sflag:s15] =	ssyncadd.s32 $0xFFFFC000  }
0x136: {  	[tilespmem:s20], [sflag:$0x3] =	stream.indirect.gather [hbm4b:s4+s19], $0x80, s26, s19, $0xb8;
	[tilespmem:$0x1D000] =	vst v63  }
0x137: {  	_ =	swait.ge [sflag:s23], $0x4000  }
0x138: {  	[sflag:s23] =	ssyncset.done $0x0  }
0x139: {  	[sflag:s23] =	ssyncadd.s32 $0xFFFFC000  }
0x13a: {  	[spmem:s2] =	stream.indirect.scatter.add.f32 [tilespmem:s21], [sflag:$0x5], $0x80, s28, s19, $0xb8;
	[tilespmem:$0x1D000] =	vst v63  }
0x13b: {  	_ =	swait.ge [sflag:s15], $0x4000  }
0x13c: {  	[sflag:s15] =	ssyncset.done $0x0  }
0x13d: {  	[sflag:s15] =	ssyncadd.s32 $0xFFFFC000  }
0x13e: {  	[tilespmem:s21], [sflag:$0x4] =	stream.indirect.gather [hbm4b:s4+s19], $0x80, s29, s19, $0xb8;
	[tilespmem:$0x1D000] =	vst v63  }
0x13f: {  	_ =	swait.ge [sflag:s22], $0x4000  }
0x140: {  	[sflag:s22] =	ssyncset.done $0x0  }
0x141: {  	[sflag:s22] =	ssyncadd.s32 $0xFFFFC000  }
0x142: {  	[spmem:s2] =	stream.indirect.scatter.add.f32 [tilespmem:s20], [sflag:$0x5], $0x80, s30, s19, $0xb8;
	[tilespmem:$0x1D000] =	vst v63  }
0x143: {  	_ =	swait.ge [sflag:s15], $0x4000  }
0x144: {  	[sflag:s15] =	ssyncset.done $0x0  }
0x145: {  	[sflag:s15] =	ssyncadd.s32 $0xFFFFC000  }
0x146: {  	[tilespmem:s20], [sflag:$0x3] =	stream.indirect.gather [hbm4b:s4+s19], $0x80, s31, s19, $0xb8;
	[tilespmem:$0x1D000] =	vst v63  }
0x147: {  	_ =	swait.ge [sflag:s23], $0x4000  }
0x148: {  	[sflag:s23] =	ssyncset.done $0x0  }
0x149: {  	[sflag:s23] =	ssyncadd.s32 $0xFFFFC000  }
0x14a: {  	[spmem:s2] =	stream.indirect.scatter.add.f32 [tilespmem:s21], [sflag:$0x5], $0x80, s0, s19, $0xb8;
	[tilespmem:$0x1D000] =	vst v63  }
0x14b: {  	_ =	swait.ge [sflag:s15], $0x4000  }
0x14c: {  	[sflag:s15] =	ssyncset.done $0x0  }
0x14d: {  	[sflag:s15] =	ssyncadd.s32 $0xFFFFC000  }
0x14e: {  	[tilespmem:s21], [sflag:$0x4] =	stream.indirect.gather [hbm4b:s4+s19], $0x80, s1, s19, $0xb8;
	[tilespmem:$0x1D000] =	vst v63  }
0x14f: {  	_ =	swait.ge [sflag:s22], $0x4000  }
0x150: {  	[sflag:s22] =	ssyncset.done $0x0  }
0x151: {  	[sflag:s22] =	ssyncadd.s32 $0xFFFFC000  }
0x152: {  	[spmem:s2] =	stream.indirect.scatter.add.f32 [tilespmem:s20], [sflag:$0x5], $0x80, s5, s19, $0xb8;
	[tilespmem:$0x1D000] =	vst v63  }
0x153: {  	_ =	swait.ge [sflag:s15], $0x4000  }
0x154: {  	[sflag:s15] =	ssyncset.done $0x0  }
0x155: {  	[sflag:s15] =	ssyncadd.s32 $0xFFFFC000  }
0x156: {  	_ =	swait.ge [sflag:s16], $0x400  }
0x157: {  	[sflag:s16] =	ssyncset.done $0x0  }
0x158: {  	[sflag:s16] =	ssyncadd.s32 $0xFFFFFC00  }
0x159: {  	_ =	swait.ge [sflag:s16], $0x400  }
0x15a: {  	[sflag:s16] =	ssyncset.done $0x0  }
0x15b: {  	[sflag:s16] =	ssyncadd.s32 $0xFFFFFC00  }
0x15c: {  	[tilespmem:s20], [sflag:$0x3] =	stream.indirect.gather [hbm4b:s4+s19], $0x80, s3, s19, $0xb8;
	[tilespmem:$0x1D000] =	vst v63  }
0x15d: {  	_ =	swait.ge [sflag:s23], $0x4000  }
0x15e: {  	[sflag:s23] =	ssyncset.done $0x0  }
0x15f: {  	p0 =	sne.s32 s9, $0x400;
	s12 =	sadd.s32 $0x180, s11;
	[sflag:s23] =	ssyncadd.s32 $0xFFFFC000  }
0x160: {  	[tilespmem:s17], [sflag:$0x2] =	stream.linear.gather [hbm4b:s12+s3], $0x400, $0x38;
	[tilespmem:$0x1D000] =	vst v63  }
.Ltmp0:
0x161: {  	s10 =	sadd.s32 $0x180, s10;
	(pc) =	sbr.rel @p0 .LBB2_2-.Ltmp0, $4  }
0x162: {  	[tilespmem:s18], [sflag:$0x2] =	stream.linear.gather [hbm4b:s10+s3], $0x400, $0x38;
	[tilespmem:$0x1D000] =	vst v63  }
0x163: {  	_ = 	snop  }
0x164: {  	[spmem:s2] =	stream.indirect.scatter.add.f32 [tilespmem:s21], [sflag:$0x5], $0x80, s6, s19, $0xb8;
	[tilespmem:$0x1D000] =	vst v63  }
0x165: {  	s9 =	sadd.s32 $0x100, s9;
	_ =	swait.ge [sflag:s15], $0x4000  }
0x166: {  	[sflag:s15] =	ssyncset.done $0x0  }
0x167: {  	[sflag:s15] =	ssyncadd.s32 $0xFFFFC000  }
0x168: {  	_ =	swait.ge [sflag:s22], $0x4000  }
0x169: {  	[sflag:s22] =	ssyncset.done $0x0  }
0x16a: {  	[sflag:s22] =	ssyncadd.s32 $0xFFFFC000  }
0x16b: {  	_ =	swait.ge [sflag:s24], $0x400  }
0x16c: {  	[sflag:s24] =	ssyncset.done $0x0  }
0x16d: {  	[sflag:s24] =	ssyncadd.s32 $0xFFFFFC00  }
0x16e: {  	_ =	swait.ge [sflag:s24], $0x400  }
0x16f: {  	[sflag:s24] =	ssyncset.done $0x0  }
0x170: {  	[sflag:s24] =	ssyncadd.s32 $0xFFFFFC00  }
0x171: {  	[bflag:$0x0] =	sbarrier.arrive $0xFFFF  }
0x172: {  	s8 =	rddreg [dreg:$0x1d]  }
0x173: {  	s10 =	rddreg [dreg:$0x1f]  }
0x174: {  	[hbm:s8], [sflag:s14] =	dma.local [spmem:s10], $0x2800  }
0x175: {  	_ =	swait.ge [sflag:s15], $0x2800  }
0x176: {  	s9 =	smov.u32 s14;
	s7 =	sadd.s32 $0x1, s7;
	s14 =	rddreg [dreg:$0x1e]  }
0x177: {  	p0 =	sne.s32 s7, s14  }
.Ltmp1:
0x178: {  	_ = 	snop;
	(pc) =	sbr.rel @p0 .LBB2_1-.Ltmp1, $3  }
0x179: {  	_ =	sdelay $0x1  }
0x17a: {  	[sflag:s15] =	ssyncset.done $0x0  }
0x17b: {  	[sflag:s15] =	ssyncadd.s32 $0xFFFFD800  }
0x17c: {  	_ =	sfence.sel $0x180000  }
0x17d: {  	[bflag:$0x0] =	sbarrier.arrive $0xFFFF  }
0x17e: {  	_ =	strace $0x90000050  }
0x17f: {  	s0 =	stileid.u32;
	[bflag:$0x2] =	sbarrier.arrive $0xFFFF  }
0x180: {  	p0 =	sne.s32 s0, $0x0;
	s0 =	rddreg [dreg:$0x4]  }
0x181: {  	s0 =	sadd.s32 @!p0 $0x100000, s0  }
0x182: {  	[sflag:s0] =	ssyncadd.tile.s32 @!p0 $0x1;
	_ =	shalt  }
.Lfunc_end2:
_tile_overlayer_lowered:
.L_overlay_start_2:
0x183: {  	(tag) =	ssettag $0x2  }
0x184: {  	s0 =	rddreg [dreg:$0x0];
	s2 =	stileid.u32  }
0x185: {  	s1 =	rddreg [dreg:$0x1];
	p0 =	sne.s32 s2, $0x0  }
0x186: {  	s3 =	rddreg [dreg:$0x2];
	[bflag:$0x3] =	sbarrier.arrive $0xFFFF;
	s2 =	simm.s32 @!p0 $0x1C05  }
0x187: {  	[timem:s3], [sflag:s2] =	dma.local @!p0 [hbm:s0], s1  }
0x188: {  	s0 =	simm.s32 @!p0 $0x5  }
0x189: {  	_ =	swait.ge @!p0 [sflag:s0], s1  }
0x18a: {  	s1 =	ssub.s32 @!p0 $0x0, s1;
	[sflag:s0] =	ssyncset.done @!p0 $0x0  }
0x18b: {  	[sflag:s0] =	ssyncadd.s32 @!p0 s1  }
0x18c: {  	[bflag:$0x3] =	sbarrier.arrive $0xFFFF  }
0x18d: {  	_ =	shalt  }

</sc_bundles>
